<compile_context>
chip_gen: v7x
topology: tpu7x:2x2x1
jax: 0.10.2.dev20260603
libtpu: 0.0.44.dev20260713+nightly
codegen_flags: <defaults>
</compile_context>

<pallas_src>
import functools

import jax
import jax.numpy as jnp
from jax import lax
from jax.experimental import pallas as pl
from jax.experimental.pallas import tpu as pltpu
from jax.experimental.pallas import tpu_sc as plsc

N_NODES = 100000
D = 128
K = 30
NG = 100
LANES = 16
BLK = 256
CPB = BLK // LANES
NBLK_PAD = 512
NSUP_PAD = 32
SCORE_BUF = 391 * BLK
LAST_BLK = (N_NODES - 1) // BLK
BIG_F = float(2 ** 24)


def _scores_tc(features):

    def body(x_ref, o_ref):
        i = pl.program_id(0)
        o_ref[pl.ds(i * 500, 500), :] = x_ref[:, D - 1].reshape(500, 8)

    out = pl.pallas_call(
        body,
        grid=(25,),
        in_specs=[pl.BlockSpec((4000, D), lambda i: (i, 0))],
        out_specs=pl.BlockSpec((12500, 8), lambda i: (0, 0)),
        out_shape=jax.ShapeDtypeStruct((12500, 8), jnp.float32),
    )(features)
    return out.reshape(N_NODES)


def _build_sc_kernel():
    mesh = plsc.VectorSubcoreMesh(core_axis_name="c", subcore_axis_name="s")

    @functools.partial(
        pl.kernel,
        out_type=jax.ShapeDtypeStruct((NG, K, D), jnp.float32),
        mesh=mesh,
        compiler_params=pltpu.CompilerParams(needs_layout_passes=False),
        scratch_types=[
            pltpu.VMEM((SCORE_BUF,), jnp.float32),
            pltpu.VMEM((NBLK_PAD,), jnp.float32),
            pltpu.VMEM((NBLK_PAD,), jnp.int32),
            pltpu.VMEM((NSUP_PAD,), jnp.float32),
            pltpu.VMEM((NSUP_PAD,), jnp.int32),
            pltpu.VMEM((32, D), jnp.float32),
            pltpu.VMEM((128,), jnp.int32),
            pltpu.VMEM((128,), jnp.int32),
            pltpu.VMEM((LANES,), jnp.int32),
            pltpu.VMEM((LANES,), jnp.float32),
            pltpu.VMEM((NBLK_PAD,), jnp.int32),
            pltpu.VMEM((NBLK_PAD,), jnp.float32),
            pltpu.VMEM_SHARED((NBLK_PAD,), jnp.int32),
            pltpu.VMEM_SHARED((NBLK_PAD,), jnp.float32),
            pltpu.SemaphoreType.DMA,
        ],
    )
    def topk_gather(features, scores, starts, ends, out,
                    scores_v, pbmax, pbidx, smax, sidx, rows,
                    starts_v, ends_v, stage_i, stage_f, glidx, glmax,
                    gsidx, gsmax, sem):
        iota = lax.iota(jnp.int32, LANES)
        neg = jnp.full((LANES,), -jnp.inf, jnp.float32)
        zero_i = jnp.zeros((LANES,), jnp.int32)
        lane0 = iota == 0

        cid = lax.axis_index("c")
        sid = lax.axis_index("s")
        wid = sid * 2 + cid

        pltpu.sync_copy(scores, scores_v.at[pl.ds(0, N_NODES)])
        pltpu.sync_copy(starts, starts_v)
        pltpu.sync_copy(ends, ends_v)

        def run_gpass(first_blk):
            base_idx = (first_blk + iota) * BLK

            def gpass_body(kk, carry):
                gvm, gvj = carry
                for u in range(LANES):
                    idxv = base_idx + (kk * LANES + u)
                    idxc = jnp.minimum(idxv, N_NODES - 1)
                    val = plsc.load_gather(scores_v, [idxc])
                    val = jnp.where(idxv < N_NODES, val, neg)
                    ch = val > gvm
                    gvm = jnp.where(ch, val, gvm)
                    gvj = jnp.where(ch, idxv, gvj)
                return gvm, gvj

            gvm, gvj = lax.fori_loop(0, CPB, gpass_body, (neg, zero_i))
            stage_f[...] = gvm
            stage_i[...] = gvj
            pltpu.sync_copy(stage_f, gsmax.at[pl.ds(first_blk, LANES)])
            pltpu.sync_copy(stage_i, gsidx.at[pl.ds(first_blk, LANES)])

        run_gpass(sid * 32)
        run_gpass(sid * 32 + LANES)
        plsc.subcore_barrier()
        pltpu.sync_copy(gsmax, glmax)
        pltpu.sync_copy(gsidx, glidx)

        def extract_lane(ref, g):
            base = pl.multiple_of((g // LANES) * LANES, LANES)
            chunk = ref[pl.ds(base, LANES)].astype(jnp.float32)
            sel = jnp.where(iota == (g % LANES), chunk,
                            jnp.zeros((LANES,), jnp.float32))
            return jnp.max(sel).astype(jnp.int32)

        def min_index_at(vm, m, vj):
            vjf = vj.astype(jnp.float32)
            return jnp.min(jnp.where(vm == m, vjf, BIG_F)).astype(jnp.int32)

        def scan_block(b, s, e):
            base = pl.multiple_of(b * BLK, LANES)
            vm, vj = neg, zero_i
            for c in range(CPB):
                off = pl.multiple_of(base + c * LANES, LANES)
                chunk = scores_v[pl.ds(off, LANES)]
                idxv = iota + off
                inwin = (idxv >= s) & (idxv < e)
                val = jnp.where(inwin, chunk, neg)
                ch = val > vm
                vm = jnp.where(ch, val, vm)
                vj = jnp.where(ch, idxv, vj)
            m = jnp.max(vm)
            j = min_index_at(vm, m, vj)
            return m, j

        def store_block(b, m, j):
            bb = jnp.full((LANES,), b, jnp.int32)
            plsc.store_scatter(pbmax, [bb],
                               jnp.full((LANES,), m, jnp.float32), mask=lane0)
            plsc.store_scatter(pbidx, [bb],
                               jnp.full((LANES,), j, jnp.int32), mask=lane0)

        def update_super(sb):
            off = pl.multiple_of(sb * LANES, LANES)
            bm = pbmax[pl.ds(off, LANES)]
            bj = pbidx[pl.ds(off, LANES)]
            m = jnp.max(bm)
            j = min_index_at(bm, m, bj)
            sbv = jnp.full((LANES,), sb, jnp.int32)
            plsc.store_scatter(smax, [sbv],
                               jnp.full((LANES,), m, jnp.float32), mask=lane0)
            plsc.store_scatter(sidx, [sbv],
                               jnp.full((LANES,), j, jnp.int32), mask=lane0)

        def process(g):
            s = extract_lane(starts_v, g)
            e = extract_lane(ends_v, g)
            size = e - s

            b0 = s // BLK
            b1 = jnp.where(e > s, (e - 1) // BLK, b0 - 1)

            for r in range(NBLK_PAD // LANES):
                blkidx = iota + r * LANES
                interior = (blkidx > b0) & (blkidx < b1)
                pbmax[pl.ds(r * LANES, LANES)] = jnp.where(
                    interior, glmax[pl.ds(r * LANES, LANES)], neg)
                pbidx[pl.ds(r * LANES, LANES)] = glidx[pl.ds(r * LANES,
                                                             LANES)]

            b0c = jnp.clip(b0, 0, LAST_BLK)
            b1c = jnp.clip(b1, 0, LAST_BLK)
            m, j = scan_block(b0c, s, e)
            store_block(b0c, m, j)
            m, j = scan_block(b1c, s, e)
            store_block(b1c, m, j)

            for c in range(NSUP_PAD // LANES):
                svm, svj = neg, zero_i
                sbase = c * BLK + iota * LANES
                for k in range(LANES):
                    bidx = sbase + k
                    bm = plsc.load_gather(pbmax, [bidx])
                    bj = plsc.load_gather(pbidx, [bidx])
                    ch = bm > svm
                    svm = jnp.where(ch, bm, svm)
                    svj = jnp.where(ch, bj, svj)
                smax[pl.ds(c * LANES, LANES)] = svm
                sidx[pl.ds(c * LANES, LANES)] = svj

            def ext_body(i, carry):
                il, ih, vl, vh = carry
                vm, vj = neg, zero_i
                for c in range(NSUP_PAD // LANES):
                    bm = smax[pl.ds(c * LANES, LANES)]
                    bj = sidx[pl.ds(c * LANES, LANES)]
                    ch = bm > vm
                    vm = jnp.where(ch, bm, vm)
                    vj = jnp.where(ch, bj, vj)
                m = jnp.max(vm)
                j = min_index_at(vm, m, vj)

                jb = jnp.full((LANES,), j, jnp.int32)
                mb = jnp.full((LANES,), m, jnp.float32)
                il = jnp.where(iota == i, jb, il)
                ih = jnp.where(iota == (i - LANES), jb, ih)
                vl = jnp.where(iota == i, mb, vl)
                vh = jnp.where(iota == (i - LANES), mb, vh)

                finite = m > -jnp.inf
                plsc.store_scatter(scores_v, [jb], neg,
                                   mask=lane0 & finite)
                b = j // BLK
                m2, j2 = scan_block(b, s, e)
                store_block(b, m2, j2)
                update_super(b // LANES)
                return il, ih, vl, vh

            il, ih, vl, vh = lax.fori_loop(
                0, K, ext_body, (zero_i, zero_i, neg, neg))

            plsc.store_scatter(scores_v, [il], vl, mask=vl > -jnp.inf)
            plsc.store_scatter(scores_v, [ih], vh, mask=vh > -jnp.inf)

            ilc = jnp.clip(il, 0, N_NODES - 1)
            ihc = jnp.clip(ih, 0, N_NODES - 1)
            cp1 = pltpu.async_copy(features.at[ilc],
                                   rows.at[pl.ds(0, LANES)], sem)
            cp2 = pltpu.async_copy(features.at[ihc],
                                   rows.at[pl.ds(LANES, LANES)], sem)
            cp1.wait()
            cp2.wait()

            zf = jnp.zeros((LANES,), jnp.float32)

            def zero_body(r, _):
                for cc in range(D // LANES):
                    rows[r, pl.ds(cc * LANES, LANES)] = zf
                return 0

            lax.fori_loop(jnp.minimum(size, K), K, zero_body, 0)

            pltpu.sync_copy(rows.at[pl.ds(0, K)], out.at[g])

        def t_body(t, _):
            g = wid + 32 * t

            @pl.when(g < NG)
            def _():
                process(g)

            return 0

        lax.fori_loop(0, 4, t_body, 0)

    return topk_gather


_SC_KERNEL = _build_sc_kernel()


def kernel(features, graph_indexes):
    gi = graph_indexes.astype(jnp.int32)
    starts = jnp.zeros((128,), jnp.int32).at[:NG].set(gi[:, 0])
    ends = jnp.zeros((128,), jnp.int32).at[:NG].set(gi[:, 1])
    scores = _scores_tc(features)
    return _SC_KERNEL(features, scores, starts, ends)

# --- scband reference (transcript-rebuilt; emitter-appended) ---
"""Pipeline reference for scband-sort-pooling-63127429317157 (READ-ONLY COPY).

The authoritative reference and input builder live on the scoring server;
editing this copy changes nothing except your own understanding.
"""

import jax, jax.numpy as jnp
import numpy as np

K = 30

def setup_inputs(seed: int = 0):
    key = jax.random.key(seed)
    k1, k2 = jax.random.split(key)
    features = jax.random.normal(k1, (100000, 128), dtype=jnp.float32)
    graph_indexes = jnp.sort(jax.random.randint(k2, (100, 2), 0, 100000).astype(jnp.int64), axis=-1)
    return {"features": features, "graph_indexes": graph_indexes}

def reference(features, graph_indexes):
    k = K
    D = features.shape[1]
    N = features.shape[0]
    starts = graph_indexes[:, 0]
    ends = graph_indexes[:, 1]
    pos = jnp.arange(N)
    window = (pos[None, :] >= starts[:, None]) & (pos[None, :] < ends[:, None])
    scores = jnp.where(window, features[:, -1][None, :], -jnp.inf)
    _, idx = jax.lax.top_k(scores, k)
    top = jnp.take(features, idx, axis=0)
    sizes = ends - starts
    valid = jnp.arange(k)[None, :] < sizes[:, None]
    return jnp.where(valid[:, :, None], top, jnp.zeros((), dtype=jnp.float32))

if __name__ == "__main__":
    import jax
    _d = setup_inputs()
    print(jax.jit(kernel)(*tuple(_d.values())))

</pallas_src>

<mosaic_0001>
#map = affine_map<(d0, d1) -> (0, 0)>
#map1 = affine_map<(d0, d1) -> (0)>
#map2 = affine_map<(d0, d1) -> (0, 0, 0)>
module attributes {stable_mosaic.version = 14 : i64} {
  func.func @topk_gather(%arg0: i32, %arg1: i32, %arg2: memref<100000x128xf32, #tpu.memory_space<hbm>>, %arg3: memref<100000xf32, #tpu.memory_space<hbm>>, %arg4: memref<128xi32, #tpu.memory_space<hbm>>, %arg5: memref<128xi32, #tpu.memory_space<hbm>>, %arg6: memref<100x30x128xf32, #tpu.memory_space<hbm>>, %arg7: memref<100096xf32, #tpu.memory_space<vmem>>, %arg8: memref<512xf32, #tpu.memory_space<vmem>>, %arg9: memref<512xi32, #tpu.memory_space<vmem>>, %arg10: memref<32xf32, #tpu.memory_space<vmem>>, %arg11: memref<32xi32, #tpu.memory_space<vmem>>, %arg12: memref<32x128xf32, #tpu.memory_space<vmem>>, %arg13: memref<128xi32, #tpu.memory_space<vmem>>, %arg14: memref<128xi32, #tpu.memory_space<vmem>>, %arg15: memref<16xi32, #tpu.memory_space<vmem>>, %arg16: memref<16xf32, #tpu.memory_space<vmem>>, %arg17: memref<512xi32, #tpu.memory_space<vmem>>, %arg18: memref<512xf32, #tpu.memory_space<vmem>>, %arg19: memref<512xi32, #tpu.memory_space<vmem_shared>>, %arg20: memref<512xf32, #tpu.memory_space<vmem_shared>>, %arg21: memref<!tpu.dma_semaphore, #tpu.memory_space<semaphore_mem>>) attributes {dimension_semantics = [#tpu.dimension_semantics<core_parallel>, #tpu.dimension_semantics<subcore_parallel>], iteration_bounds = array<i64: 2, 16>, scalar_prefetch = 0 : i64, scratch_operands = 15 : i64, tpu.core_type = #tpu.core_type<sc_vector_subcore>, window_params = [{transform_indices = #map}, {transform_indices = #map1}, {transform_indices = #map1}, {transform_indices = #map1}, {transform_indices = #map2}]} {
    %iota3A = tpu.iota {dimensions = array<i32: 0>} : vector<16xi32>
    %broadcast_in_dim3A = arith.constant 0xFF800000 : f32
    %broadcast_in_dim3A_0 = vector.broadcast %broadcast_in_dim3A : f32 to vector<16xf32>
    %broadcast_in_dim3A_1 = arith.constant 0 : i32
    %broadcast_in_dim3A_2 = vector.broadcast %broadcast_in_dim3A_1 : i32 to vector<16xi32>
    %eq3A = arith.constant 0 : i32
    %eq3A_3 = vector.broadcast %eq3A : i32 to vector<16xi32>
    %eq3A_4 = arith.cmpi eq, %iota3A, %eq3A_3 : vector<16xi32>
    %mul3A = arith.constant 2 : i32
    %mul3A_5 = arith.muli %arg1, %mul3A : i32
    %add3A = arith.addi %mul3A_5, %arg0 : i32
    "tpu.region"() ({
      %run_scoped3A = tpu.sem_alloc : memref<!tpu.dma_semaphore, #tpu.memory_space<semaphore_mem>>
      %dma_start3A = arith.constant 0 : i32
      %dma_start3A_47 = tpu.memref_slice %arg7[%dma_start3A] : memref<100096xf32, #tpu.memory_space<vmem>> -> memref<100000xf32, #tpu.memory_space<vmem>>
      %dma_start3A_48 = arith.constant 0 : i32
      %dma_start3A_49 = tpu.memref_slice %arg7[%dma_start3A_48] : memref<100096xf32, #tpu.memory_space<vmem>> -> memref<100000xf32, #tpu.memory_space<vmem>>
      tpu.enqueue_dma source(%arg3 : memref<100000xf32, #tpu.memory_space<hbm>>) target(%dma_start3A_49 : memref<100000xf32, #tpu.memory_space<vmem>>) target_semaphore(%run_scoped3A : memref<!tpu.dma_semaphore, #tpu.memory_space<semaphore_mem>>)
      %dma_wait3A = arith.constant 0 : i32
      %dma_wait3A_50 = tpu.memref_slice %arg7[%dma_wait3A] : memref<100096xf32, #tpu.memory_space<vmem>> -> memref<100000xf32, #tpu.memory_space<vmem>>
      %dma_wait3A_51 = arith.constant 0 : i32
      %dma_wait3A_52 = tpu.memref_slice %arg7[%dma_wait3A_51] : memref<100096xf32, #tpu.memory_space<vmem>> -> memref<100000xf32, #tpu.memory_space<vmem>>
      tpu.wait_dma2 semaphore(%run_scoped3A : memref<!tpu.dma_semaphore, #tpu.memory_space<semaphore_mem>>) src(%arg3 : memref<100000xf32, #tpu.memory_space<hbm>>) dst(%dma_wait3A_52 : memref<100000xf32, #tpu.memory_space<vmem>>)
      tpu.yield
    }) : () -> ()
    "tpu.region"() ({
      %run_scoped3A = tpu.sem_alloc : memref<!tpu.dma_semaphore, #tpu.memory_space<semaphore_mem>>
      tpu.enqueue_dma source(%arg4 : memref<128xi32, #tpu.memory_space<hbm>>) target(%arg13 : memref<128xi32, #tpu.memory_space<vmem>>) target_semaphore(%run_scoped3A : memref<!tpu.dma_semaphore, #tpu.memory_space<semaphore_mem>>)
      tpu.wait_dma2 semaphore(%run_scoped3A : memref<!tpu.dma_semaphore, #tpu.memory_space<semaphore_mem>>) src(%arg4 : memref<128xi32, #tpu.memory_space<hbm>>) dst(%arg13 : memref<128xi32, #tpu.memory_space<vmem>>)
      tpu.yield
    }) : () -> ()
    "tpu.region"() ({
      %run_scoped3A = tpu.sem_alloc : memref<!tpu.dma_semaphore, #tpu.memory_space<semaphore_mem>>
      tpu.enqueue_dma source(%arg5 : memref<128xi32, #tpu.memory_space<hbm>>) target(%arg14 : memref<128xi32, #tpu.memory_space<vmem>>) target_semaphore(%run_scoped3A : memref<!tpu.dma_semaphore, #tpu.memory_space<semaphore_mem>>)
      tpu.wait_dma2 semaphore(%run_scoped3A : memref<!tpu.dma_semaphore, #tpu.memory_space<semaphore_mem>>) src(%arg5 : memref<128xi32, #tpu.memory_space<hbm>>) dst(%arg14 : memref<128xi32, #tpu.memory_space<vmem>>)
      tpu.yield
    }) : () -> ()
    %mul3A_6 = arith.constant 32 : i32
    %mul3A_7 = arith.muli %arg1, %mul3A_6 : i32
    %add3A_8 = vector.broadcast %mul3A_7 : i32 to vector<16xi32>
    %add3A_9 = arith.addi %add3A_8, %iota3A : vector<16xi32>
    %mul3A_10 = arith.constant 256 : i32
    %mul3A_11 = vector.broadcast %mul3A_10 : i32 to vector<16xi32>
    %mul3A_12 = arith.muli %add3A_9, %mul3A_11 : vector<16xi32>
    %scan3A = arith.constant 0 : i32
    %scan3A_13 = arith.constant 16 : i32
    %scan3A_14 = arith.addi %scan3A, %scan3A_13 : i32
    %scan3A_15 = arith.constant 1 : i32
    %scan3A_16:2 = scf.for %scan3A_47 = %scan3A to %scan3A_14 step %scan3A_15 iter_args(%scan3A_48 = %broadcast_in_dim3A_0, %scan3A_49 = %broadcast_in_dim3A_2) -> (vector<16xf32>, vector<16xi32>)  : i32 {
      %mul3A_50 = arith.constant 16 : i32
      %mul3A_51 = arith.muli %scan3A_47, %mul3A_50 : i32
      %add3A_52 = arith.constant 0 : i32
      %add3A_53 = arith.addi %mul3A_51, %add3A_52 : i32
      %add3A_54 = vector.broadcast %add3A_53 : i32 to vector<16xi32>
      %add3A_55 = arith.addi %mul3A_12, %add3A_54 : vector<16xi32>
      %min3A = arith.constant 99999 : i32
      %min3A_56 = vector.broadcast %min3A : i32 to vector<16xi32>
      %min3A_57 = arith.minsi %add3A_55, %min3A_56 : vector<16xi32>
      %gather3A = tpu.vector_load_idx %arg7[%min3A_57] : memref<100096xf32, #tpu.memory_space<vmem>>[vector<16xi32>], vector<16xf32>,
      %lt3A = arith.constant 100000 : i32
      %lt3A_58 = vector.broadcast %lt3A : i32 to vector<16xi32>
      %lt3A_59 = arith.cmpi slt, %add3A_55, %lt3A_58 : vector<16xi32>
      %select_n3A = arith.select %lt3A_59, %gather3A, %broadcast_in_dim3A_0 : vector<16xi1>, vector<16xf32>
      %gt3A = arith.cmpf ogt, %select_n3A, %scan3A_48 : vector<16xf32>
      %select_n3A_60 = arith.select %gt3A, %select_n3A, %scan3A_48 : vector<16xi1>, vector<16xf32>
      %select_n3A_61 = arith.select %gt3A, %add3A_55, %scan3A_49 : vector<16xi1>, vector<16xi32>
      %mul3A_62 = arith.constant 16 : i32
      %mul3A_63 = arith.muli %scan3A_47, %mul3A_62 : i32
      %add3A_64 = arith.constant 1 : i32
      %add3A_65 = arith.addi %mul3A_63, %add3A_64 : i32
      %add3A_66 = vector.broadcast %add3A_65 : i32 to vector<16xi32>
      %add3A_67 = arith.addi %mul3A_12, %add3A_66 : vector<16xi32>
      %min3A_68 = arith.constant 99999 : i32
      %min3A_69 = vector.broadcast %min3A_68 : i32 to vector<16xi32>
      %min3A_70 = arith.minsi %add3A_67, %min3A_69 : vector<16xi32>
      %gather3A_71 = tpu.vector_load_idx %arg7[%min3A_70] : memref<100096xf32, #tpu.memory_space<vmem>>[vector<16xi32>], vector<16xf32>,
      %lt3A_72 = arith.constant 100000 : i32
      %lt3A_73 = vector.broadcast %lt3A_72 : i32 to vector<16xi32>
      %lt3A_74 = arith.cmpi slt, %add3A_67, %lt3A_73 : vector<16xi32>
      %select_n3A_75 = arith.select %lt3A_74, %gather3A_71, %broadcast_in_dim3A_0 : vector<16xi1>, vector<16xf32>
      %gt3A_76 = arith.cmpf ogt, %select_n3A_75, %select_n3A_60 : vector<16xf32>
      %select_n3A_77 = arith.select %gt3A_76, %select_n3A_75, %select_n3A_60 : vector<16xi1>, vector<16xf32>
      %select_n3A_78 = arith.select %gt3A_76, %add3A_67, %select_n3A_61 : vector<16xi1>, vector<16xi32>
      %mul3A_79 = arith.constant 16 : i32
      %mul3A_80 = arith.muli %scan3A_47, %mul3A_79 : i32
      %add3A_81 = arith.constant 2 : i32
      %add3A_82 = arith.addi %mul3A_80, %add3A_81 : i32
      %add3A_83 = vector.broadcast %add3A_82 : i32 to vector<16xi32>
      %add3A_84 = arith.addi %mul3A_12, %add3A_83 : vector<16xi32>
      %min3A_85 = arith.constant 99999 : i32
      %min3A_86 = vector.broadcast %min3A_85 : i32 to vector<16xi32>
      %min3A_87 = arith.minsi %add3A_84, %min3A_86 : vector<16xi32>
      %gather3A_88 = tpu.vector_load_idx %arg7[%min3A_87] : memref<100096xf32, #tpu.memory_space<vmem>>[vector<16xi32>], vector<16xf32>,
      %lt3A_89 = arith.constant 100000 : i32
      %lt3A_90 = vector.broadcast %lt3A_89 : i32 to vector<16xi32>
      %lt3A_91 = arith.cmpi slt, %add3A_84, %lt3A_90 : vector<16xi32>
      %select_n3A_92 = arith.select %lt3A_91, %gather3A_88, %broadcast_in_dim3A_0 : vector<16xi1>, vector<16xf32>
      %gt3A_93 = arith.cmpf ogt, %select_n3A_92, %select_n3A_77 : vector<16xf32>
      %select_n3A_94 = arith.select %gt3A_93, %select_n3A_92, %select_n3A_77 : vector<16xi1>, vector<16xf32>
      %select_n3A_95 = arith.select %gt3A_93, %add3A_84, %select_n3A_78 : vector<16xi1>, vector<16xi32>
      %mul3A_96 = arith.constant 16 : i32
      %mul3A_97 = arith.muli %scan3A_47, %mul3A_96 : i32
      %add3A_98 = arith.constant 3 : i32
      %add3A_99 = arith.addi %mul3A_97, %add3A_98 : i32
      %add3A_100 = vector.broadcast %add3A_99 : i32 to vector<16xi32>
      %add3A_101 = arith.addi %mul3A_12, %add3A_100 : vector<16xi32>
      %min3A_102 = arith.constant 99999 : i32
      %min3A_103 = vector.broadcast %min3A_102 : i32 to vector<16xi32>
      %min3A_104 = arith.minsi %add3A_101, %min3A_103 : vector<16xi32>
      %gather3A_105 = tpu.vector_load_idx %arg7[%min3A_104] : memref<100096xf32, #tpu.memory_space<vmem>>[vector<16xi32>], vector<16xf32>,
      %lt3A_106 = arith.constant 100000 : i32
      %lt3A_107 = vector.broadcast %lt3A_106 : i32 to vector<16xi32>
      %lt3A_108 = arith.cmpi slt, %add3A_101, %lt3A_107 : vector<16xi32>
      %select_n3A_109 = arith.select %lt3A_108, %gather3A_105, %broadcast_in_dim3A_0 : vector<16xi1>, vector<16xf32>
      %gt3A_110 = arith.cmpf ogt, %select_n3A_109, %select_n3A_94 : vector<16xf32>
      %select_n3A_111 = arith.select %gt3A_110, %select_n3A_109, %select_n3A_94 : vector<16xi1>, vector<16xf32>
      %select_n3A_112 = arith.select %gt3A_110, %add3A_101, %select_n3A_95 : vector<16xi1>, vector<16xi32>
      %mul3A_113 = arith.constant 16 : i32
      %mul3A_114 = arith.muli %scan3A_47, %mul3A_113 : i32
      %add3A_115 = arith.constant 4 : i32
      %add3A_116 = arith.addi %mul3A_114, %add3A_115 : i32
      %add3A_117 = vector.broadcast %add3A_116 : i32 to vector<16xi32>
      %add3A_118 = arith.addi %mul3A_12, %add3A_117 : vector<16xi32>
      %min3A_119 = arith.constant 99999 : i32
      %min3A_120 = vector.broadcast %min3A_119 : i32 to vector<16xi32>
      %min3A_121 = arith.minsi %add3A_118, %min3A_120 : vector<16xi32>
      %gather3A_122 = tpu.vector_load_idx %arg7[%min3A_121] : memref<100096xf32, #tpu.memory_space<vmem>>[vector<16xi32>], vector<16xf32>,
      %lt3A_123 = arith.constant 100000 : i32
      %lt3A_124 = vector.broadcast %lt3A_123 : i32 to vector<16xi32>
      %lt3A_125 = arith.cmpi slt, %add3A_118, %lt3A_124 : vector<16xi32>
      %select_n3A_126 = arith.select %lt3A_125, %gather3A_122, %broadcast_in_dim3A_0 : vector<16xi1>, vector<16xf32>
      %gt3A_127 = arith.cmpf ogt, %select_n3A_126, %select_n3A_111 : vector<16xf32>
      %select_n3A_128 = arith.select %gt3A_127, %select_n3A_126, %select_n3A_111 : vector<16xi1>, vector<16xf32>
      %select_n3A_129 = arith.select %gt3A_127, %add3A_118, %select_n3A_112 : vector<16xi1>, vector<16xi32>
      %mul3A_130 = arith.constant 16 : i32
      %mul3A_131 = arith.muli %scan3A_47, %mul3A_130 : i32
      %add3A_132 = arith.constant 5 : i32
      %add3A_133 = arith.addi %mul3A_131, %add3A_132 : i32
      %add3A_134 = vector.broadcast %add3A_133 : i32 to vector<16xi32>
      %add3A_135 = arith.addi %mul3A_12, %add3A_134 : vector<16xi32>
      %min3A_136 = arith.constant 99999 : i32
      %min3A_137 = vector.broadcast %min3A_136 : i32 to vector<16xi32>
      %min3A_138 = arith.minsi %add3A_135, %min3A_137 : vector<16xi32>
      %gather3A_139 = tpu.vector_load_idx %arg7[%min3A_138] : memref<100096xf32, #tpu.memory_space<vmem>>[vector<16xi32>], vector<16xf32>,
      %lt3A_140 = arith.constant 100000 : i32
      %lt3A_141 = vector.broadcast %lt3A_140 : i32 to vector<16xi32>
      %lt3A_142 = arith.cmpi slt, %add3A_135, %lt3A_141 : vector<16xi32>
      %select_n3A_143 = arith.select %lt3A_142, %gather3A_139, %broadcast_in_dim3A_0 : vector<16xi1>, vector<16xf32>
      %gt3A_144 = arith.cmpf ogt, %select_n3A_143, %select_n3A_128 : vector<16xf32>
      %select_n3A_145 = arith.select %gt3A_144, %select_n3A_143, %select_n3A_128 : vector<16xi1>, vector<16xf32>
      %select_n3A_146 = arith.select %gt3A_144, %add3A_135, %select_n3A_129 : vector<16xi1>, vector<16xi32>
      %mul3A_147 = arith.constant 16 : i32
      %mul3A_148 = arith.muli %scan3A_47, %mul3A_147 : i32
      %add3A_149 = arith.constant 6 : i32
      %add3A_150 = arith.addi %mul3A_148, %add3A_149 : i32
      %add3A_151 = vector.broadcast %add3A_150 : i32 to vector<16xi32>
      %add3A_152 = arith.addi %mul3A_12, %add3A_151 : vector<16xi32>
      %min3A_153 = arith.constant 99999 : i32
      %min3A_154 = vector.broadcast %min3A_153 : i32 to vector<16xi32>
      %min3A_155 = arith.minsi %add3A_152, %min3A_154 : vector<16xi32>
      %gather3A_156 = tpu.vector_load_idx %arg7[%min3A_155] : memref<100096xf32, #tpu.memory_space<vmem>>[vector<16xi32>], vector<16xf32>,
      %lt3A_157 = arith.constant 100000 : i32
      %lt3A_158 = vector.broadcast %lt3A_157 : i32 to vector<16xi32>
      %lt3A_159 = arith.cmpi slt, %add3A_152, %lt3A_158 : vector<16xi32>
      %select_n3A_160 = arith.select %lt3A_159, %gather3A_156, %broadcast_in_dim3A_0 : vector<16xi1>, vector<16xf32>
      %gt3A_161 = arith.cmpf ogt, %select_n3A_160, %select_n3A_145 : vector<16xf32>
      %select_n3A_162 = arith.select %gt3A_161, %select_n3A_160, %select_n3A_145 : vector<16xi1>, vector<16xf32>
      %select_n3A_163 = arith.select %gt3A_161, %add3A_152, %select_n3A_146 : vector<16xi1>, vector<16xi32>
      %mul3A_164 = arith.constant 16 : i32
      %mul3A_165 = arith.muli %scan3A_47, %mul3A_164 : i32
      %add3A_166 = arith.constant 7 : i32
      %add3A_167 = arith.addi %mul3A_165, %add3A_166 : i32
      %add3A_168 = vector.broadcast %add3A_167 : i32 to vector<16xi32>
      %add3A_169 = arith.addi %mul3A_12, %add3A_168 : vector<16xi32>
      %min3A_170 = arith.constant 99999 : i32
      %min3A_171 = vector.broadcast %min3A_170 : i32 to vector<16xi32>
      %min3A_172 = arith.minsi %add3A_169, %min3A_171 : vector<16xi32>
      %gather3A_173 = tpu.vector_load_idx %arg7[%min3A_172] : memref<100096xf32, #tpu.memory_space<vmem>>[vector<16xi32>], vector<16xf32>,
      %lt3A_174 = arith.constant 100000 : i32
      %lt3A_175 = vector.broadcast %lt3A_174 : i32 to vector<16xi32>
      %lt3A_176 = arith.cmpi slt, %add3A_169, %lt3A_175 : vector<16xi32>
      %select_n3A_177 = arith.select %lt3A_176, %gather3A_173, %broadcast_in_dim3A_0 : vector<16xi1>, vector<16xf32>
      %gt3A_178 = arith.cmpf ogt, %select_n3A_177, %select_n3A_162 : vector<16xf32>
      %select_n3A_179 = arith.select %gt3A_178, %select_n3A_177, %select_n3A_162 : vector<16xi1>, vector<16xf32>
      %select_n3A_180 = arith.select %gt3A_178, %add3A_169, %select_n3A_163 : vector<16xi1>, vector<16xi32>
      %mul3A_181 = arith.constant 16 : i32
      %mul3A_182 = arith.muli %scan3A_47, %mul3A_181 : i32
      %add3A_183 = arith.constant 8 : i32
      %add3A_184 = arith.addi %mul3A_182, %add3A_183 : i32
      %add3A_185 = vector.broadcast %add3A_184 : i32 to vector<16xi32>
      %add3A_186 = arith.addi %mul3A_12, %add3A_185 : vector<16xi32>
      %min3A_187 = arith.constant 99999 : i32
      %min3A_188 = vector.broadcast %min3A_187 : i32 to vector<16xi32>
      %min3A_189 = arith.minsi %add3A_186, %min3A_188 : vector<16xi32>
      %gather3A_190 = tpu.vector_load_idx %arg7[%min3A_189] : memref<100096xf32, #tpu.memory_space<vmem>>[vector<16xi32>], vector<16xf32>,
      %lt3A_191 = arith.constant 100000 : i32
      %lt3A_192 = vector.broadcast %lt3A_191 : i32 to vector<16xi32>
      %lt3A_193 = arith.cmpi slt, %add3A_186, %lt3A_192 : vector<16xi32>
      %select_n3A_194 = arith.select %lt3A_193, %gather3A_190, %broadcast_in_dim3A_0 : vector<16xi1>, vector<16xf32>
      %gt3A_195 = arith.cmpf ogt, %select_n3A_194, %select_n3A_179 : vector<16xf32>
      %select_n3A_196 = arith.select %gt3A_195, %select_n3A_194, %select_n3A_179 : vector<16xi1>, vector<16xf32>
      %select_n3A_197 = arith.select %gt3A_195, %add3A_186, %select_n3A_180 : vector<16xi1>, vector<16xi32>
      %mul3A_198 = arith.constant 16 : i32
      %mul3A_199 = arith.muli %scan3A_47, %mul3A_198 : i32
      %add3A_200 = arith.constant 9 : i32
      %add3A_201 = arith.addi %mul3A_199, %add3A_200 : i32
      %add3A_202 = vector.broadcast %add3A_201 : i32 to vector<16xi32>
      %add3A_203 = arith.addi %mul3A_12, %add3A_202 : vector<16xi32>
      %min3A_204 = arith.constant 99999 : i32
      %min3A_205 = vector.broadcast %min3A_204 : i32 to vector<16xi32>
      %min3A_206 = arith.minsi %add3A_203, %min3A_205 : vector<16xi32>
      %gather3A_207 = tpu.vector_load_idx %arg7[%min3A_206] : memref<100096xf32, #tpu.memory_space<vmem>>[vector<16xi32>], vector<16xf32>,
      %lt3A_208 = arith.constant 100000 : i32
      %lt3A_209 = vector.broadcast %lt3A_208 : i32 to vector<16xi32>
      %lt3A_210 = arith.cmpi slt, %add3A_203, %lt3A_209 : vector<16xi32>
      %select_n3A_211 = arith.select %lt3A_210, %gather3A_207, %broadcast_in_dim3A_0 : vector<16xi1>, vector<16xf32>
      %gt3A_212 = arith.cmpf ogt, %select_n3A_211, %select_n3A_196 : vector<16xf32>
      %select_n3A_213 = arith.select %gt3A_212, %select_n3A_211, %select_n3A_196 : vector<16xi1>, vector<16xf32>
      %select_n3A_214 = arith.select %gt3A_212, %add3A_203, %select_n3A_197 : vector<16xi1>, vector<16xi32>
      %mul3A_215 = arith.constant 16 : i32
      %mul3A_216 = arith.muli %scan3A_47, %mul3A_215 : i32
      %add3A_217 = arith.constant 10 : i32
      %add3A_218 = arith.addi %mul3A_216, %add3A_217 : i32
      %add3A_219 = vector.broadcast %add3A_218 : i32 to vector<16xi32>
      %add3A_220 = arith.addi %mul3A_12, %add3A_219 : vector<16xi32>
      %min3A_221 = arith.constant 99999 : i32
      %min3A_222 = vector.broadcast %min3A_221 : i32 to vector<16xi32>
      %min3A_223 = arith.minsi %add3A_220, %min3A_222 : vector<16xi32>
      %gather3A_224 = tpu.vector_load_idx %arg7[%min3A_223] : memref<100096xf32, #tpu.memory_space<vmem>>[vector<16xi32>], vector<16xf32>,
      %lt3A_225 = arith.constant 100000 : i32
      %lt3A_226 = vector.broadcast %lt3A_225 : i32 to vector<16xi32>
      %lt3A_227 = arith.cmpi slt, %add3A_220, %lt3A_226 : vector<16xi32>
      %select_n3A_228 = arith.select %lt3A_227, %gather3A_224, %broadcast_in_dim3A_0 : vector<16xi1>, vector<16xf32>
      %gt3A_229 = arith.cmpf ogt, %select_n3A_228, %select_n3A_213 : vector<16xf32>
      %select_n3A_230 = arith.select %gt3A_229, %select_n3A_228, %select_n3A_213 : vector<16xi1>, vector<16xf32>
      %select_n3A_231 = arith.select %gt3A_229, %add3A_220, %select_n3A_214 : vector<16xi1>, vector<16xi32>
      %mul3A_232 = arith.constant 16 : i32
      %mul3A_233 = arith.muli %scan3A_47, %mul3A_232 : i32
      %add3A_234 = arith.constant 11 : i32
      %add3A_235 = arith.addi %mul3A_233, %add3A_234 : i32
      %add3A_236 = vector.broadcast %add3A_235 : i32 to vector<16xi32>
      %add3A_237 = arith.addi %mul3A_12, %add3A_236 : vector<16xi32>
      %min3A_238 = arith.constant 99999 : i32
      %min3A_239 = vector.broadcast %min3A_238 : i32 to vector<16xi32>
      %min3A_240 = arith.minsi %add3A_237, %min3A_239 : vector<16xi32>
      %gather3A_241 = tpu.vector_load_idx %arg7[%min3A_240] : memref<100096xf32, #tpu.memory_space<vmem>>[vector<16xi32>], vector<16xf32>,
      %lt3A_242 = arith.constant 100000 : i32
      %lt3A_243 = vector.broadcast %lt3A_242 : i32 to vector<16xi32>
      %lt3A_244 = arith.cmpi slt, %add3A_237, %lt3A_243 : vector<16xi32>
      %select_n3A_245 = arith.select %lt3A_244, %gather3A_241, %broadcast_in_dim3A_0 : vector<16xi1>, vector<16xf32>
      %gt3A_246 = arith.cmpf ogt, %select_n3A_245, %select_n3A_230 : vector<16xf32>
      %select_n3A_247 = arith.select %gt3A_246, %select_n3A_245, %select_n3A_230 : vector<16xi1>, vector<16xf32>
      %select_n3A_248 = arith.select %gt3A_246, %add3A_237, %select_n3A_231 : vector<16xi1>, vector<16xi32>
      %mul3A_249 = arith.constant 16 : i32
      %mul3A_250 = arith.muli %scan3A_47, %mul3A_249 : i32
      %add3A_251 = arith.constant 12 : i32
      %add3A_252 = arith.addi %mul3A_250, %add3A_251 : i32
      %add3A_253 = vector.broadcast %add3A_252 : i32 to vector<16xi32>
      %add3A_254 = arith.addi %mul3A_12, %add3A_253 : vector<16xi32>
      %min3A_255 = arith.constant 99999 : i32
      %min3A_256 = vector.broadcast %min3A_255 : i32 to vector<16xi32>
      %min3A_257 = arith.minsi %add3A_254, %min3A_256 : vector<16xi32>
      %gather3A_258 = tpu.vector_load_idx %arg7[%min3A_257] : memref<100096xf32, #tpu.memory_space<vmem>>[vector<16xi32>], vector<16xf32>,
      %lt3A_259 = arith.constant 100000 : i32
      %lt3A_260 = vector.broadcast %lt3A_259 : i32 to vector<16xi32>
      %lt3A_261 = arith.cmpi slt, %add3A_254, %lt3A_260 : vector<16xi32>
      %select_n3A_262 = arith.select %lt3A_261, %gather3A_258, %broadcast_in_dim3A_0 : vector<16xi1>, vector<16xf32>
      %gt3A_263 = arith.cmpf ogt, %select_n3A_262, %select_n3A_247 : vector<16xf32>
      %select_n3A_264 = arith.select %gt3A_263, %select_n3A_262, %select_n3A_247 : vector<16xi1>, vector<16xf32>
      %select_n3A_265 = arith.select %gt3A_263, %add3A_254, %select_n3A_248 : vector<16xi1>, vector<16xi32>
      %mul3A_266 = arith.constant 16 : i32
      %mul3A_267 = arith.muli %scan3A_47, %mul3A_266 : i32
      %add3A_268 = arith.constant 13 : i32
      %add3A_269 = arith.addi %mul3A_267, %add3A_268 : i32
      %add3A_270 = vector.broadcast %add3A_269 : i32 to vector<16xi32>
      %add3A_271 = arith.addi %mul3A_12, %add3A_270 : vector<16xi32>
      %min3A_272 = arith.constant 99999 : i32
      %min3A_273 = vector.broadcast %min3A_272 : i32 to vector<16xi32>
      %min3A_274 = arith.minsi %add3A_271, %min3A_273 : vector<16xi32>
      %gather3A_275 = tpu.vector_load_idx %arg7[%min3A_274] : memref<100096xf32, #tpu.memory_space<vmem>>[vector<16xi32>], vector<16xf32>,
      %lt3A_276 = arith.constant 100000 : i32
      %lt3A_277 = vector.broadcast %lt3A_276 : i32 to vector<16xi32>
      %lt3A_278 = arith.cmpi slt, %add3A_271, %lt3A_277 : vector<16xi32>
      %select_n3A_279 = arith.select %lt3A_278, %gather3A_275, %broadcast_in_dim3A_0 : vector<16xi1>, vector<16xf32>
      %gt3A_280 = arith.cmpf ogt, %select_n3A_279, %select_n3A_264 : vector<16xf32>
      %select_n3A_281 = arith.select %gt3A_280, %select_n3A_279, %select_n3A_264 : vector<16xi1>, vector<16xf32>
      %select_n3A_282 = arith.select %gt3A_280, %add3A_271, %select_n3A_265 : vector<16xi1>, vector<16xi32>
      %mul3A_283 = arith.constant 16 : i32
      %mul3A_284 = arith.muli %scan3A_47, %mul3A_283 : i32
      %add3A_285 = arith.constant 14 : i32
      %add3A_286 = arith.addi %mul3A_284, %add3A_285 : i32
      %add3A_287 = vector.broadcast %add3A_286 : i32 to vector<16xi32>
      %add3A_288 = arith.addi %mul3A_12, %add3A_287 : vector<16xi32>
      %min3A_289 = arith.constant 99999 : i32
      %min3A_290 = vector.broadcast %min3A_289 : i32 to vector<16xi32>
      %min3A_291 = arith.minsi %add3A_288, %min3A_290 : vector<16xi32>
      %gather3A_292 = tpu.vector_load_idx %arg7[%min3A_291] : memref<100096xf32, #tpu.memory_space<vmem>>[vector<16xi32>], vector<16xf32>,
      %lt3A_293 = arith.constant 100000 : i32
      %lt3A_294 = vector.broadcast %lt3A_293 : i32 to vector<16xi32>
      %lt3A_295 = arith.cmpi slt, %add3A_288, %lt3A_294 : vector<16xi32>
      %select_n3A_296 = arith.select %lt3A_295, %gather3A_292, %broadcast_in_dim3A_0 : vector<16xi1>, vector<16xf32>
      %gt3A_297 = arith.cmpf ogt, %select_n3A_296, %select_n3A_281 : vector<16xf32>
      %select_n3A_298 = arith.select %gt3A_297, %select_n3A_296, %select_n3A_281 : vector<16xi1>, vector<16xf32>
      %select_n3A_299 = arith.select %gt3A_297, %add3A_288, %select_n3A_282 : vector<16xi1>, vector<16xi32>
      %mul3A_300 = arith.constant 16 : i32
      %mul3A_301 = arith.muli %scan3A_47, %mul3A_300 : i32
      %add3A_302 = arith.constant 15 : i32
      %add3A_303 = arith.addi %mul3A_301, %add3A_302 : i32
      %add3A_304 = vector.broadcast %add3A_303 : i32 to vector<16xi32>
      %add3A_305 = arith.addi %mul3A_12, %add3A_304 : vector<16xi32>
      %min3A_306 = arith.constant 99999 : i32
      %min3A_307 = vector.broadcast %min3A_306 : i32 to vector<16xi32>
      %min3A_308 = arith.minsi %add3A_305, %min3A_307 : vector<16xi32>
      %gather3A_309 = tpu.vector_load_idx %arg7[%min3A_308] : memref<100096xf32, #tpu.memory_space<vmem>>[vector<16xi32>], vector<16xf32>,
      %lt3A_310 = arith.constant 100000 : i32
      %lt3A_311 = vector.broadcast %lt3A_310 : i32 to vector<16xi32>
      %lt3A_312 = arith.cmpi slt, %add3A_305, %lt3A_311 : vector<16xi32>
      %select_n3A_313 = arith.select %lt3A_312, %gather3A_309, %broadcast_in_dim3A_0 : vector<16xi1>, vector<16xf32>
      %gt3A_314 = arith.cmpf ogt, %select_n3A_313, %select_n3A_298 : vector<16xf32>
      %select_n3A_315 = arith.select %gt3A_314, %select_n3A_313, %select_n3A_298 : vector<16xi1>, vector<16xf32>
      %select_n3A_316 = arith.select %gt3A_314, %add3A_305, %select_n3A_299 : vector<16xi1>, vector<16xi32>
      scf.yield %select_n3A_315, %select_n3A_316 : vector<16xf32>, vector<16xi32>
    }
    %scan3A_17 = arith.constant 16 : i32
    %swap3A = arith.constant 0 : index
    %swap3A_18 = tpu.vector_load %arg16[%swap3A] {strides = array<i32>} : memref<16xf32, #tpu.memory_space<vmem>>, vector<16xf32>,
    tpu.vector_store %arg16[%swap3A], %scan3A_16#0 {strides = array<i32>} : memref<16xf32, #tpu.memory_space<vmem>>, vector<16xf32>,
    %swap3A_19 = arith.constant 0 : index
    %swap3A_20 = tpu.vector_load %arg15[%swap3A_19] {strides = array<i32>} : memref<16xi32, #tpu.memory_space<vmem>>, vector<16xi32>,
    tpu.vector_store %arg15[%swap3A_19], %scan3A_16#1 {strides = array<i32>} : memref<16xi32, #tpu.memory_space<vmem>>, vector<16xi32>,
    "tpu.region"() ({
      %run_scoped3A = tpu.sem_alloc : memref<!tpu.dma_semaphore, #tpu.memory_space<semaphore_mem>>
      %dma_start3A = tpu.memref_slice %arg20[%mul3A_7] : memref<512xf32, #tpu.memory_space<vmem_shared>> -> memref<16xf32, #tpu.memory_space<vmem_shared>>
      %dma_start3A_47 = tpu.memref_slice %arg20[%mul3A_7] : memref<512xf32, #tpu.memory_space<vmem_shared>> -> memref<16xf32, #tpu.memory_space<vmem_shared>>
      tpu.enqueue_dma source(%arg16 : memref<16xf32, #tpu.memory_space<vmem>>) target(%dma_start3A_47 : memref<16xf32, #tpu.memory_space<vmem_shared>>) target_semaphore(%run_scoped3A : memref<!tpu.dma_semaphore, #tpu.memory_space<semaphore_mem>>)
      %dma_wait3A = tpu.memref_slice %arg20[%mul3A_7] : memref<512xf32, #tpu.memory_space<vmem_shared>> -> memref<16xf32, #tpu.memory_space<vmem_shared>>
      %dma_wait3A_48 = tpu.memref_slice %arg20[%mul3A_7] : memref<512xf32, #tpu.memory_space<vmem_shared>> -> memref<16xf32, #tpu.memory_space<vmem_shared>>
      tpu.wait_dma2 semaphore(%run_scoped3A : memref<!tpu.dma_semaphore, #tpu.memory_space<semaphore_mem>>) src(%arg16 : memref<16xf32, #tpu.memory_space<vmem>>) dst(%dma_wait3A_48 : memref<16xf32, #tpu.memory_space<vmem_shared>>)
      tpu.yield
    }) : () -> ()
    "tpu.region"() ({
      %run_scoped3A = tpu.sem_alloc : memref<!tpu.dma_semaphore, #tpu.memory_space<semaphore_mem>>
      %dma_start3A = tpu.memref_slice %arg19[%mul3A_7] : memref<512xi32, #tpu.memory_space<vmem_shared>> -> memref<16xi32, #tpu.memory_space<vmem_shared>>
      %dma_start3A_47 = tpu.memref_slice %arg19[%mul3A_7] : memref<512xi32, #tpu.memory_space<vmem_shared>> -> memref<16xi32, #tpu.memory_space<vmem_shared>>
      tpu.enqueue_dma source(%arg15 : memref<16xi32, #tpu.memory_space<vmem>>) target(%dma_start3A_47 : memref<16xi32, #tpu.memory_space<vmem_shared>>) target_semaphore(%run_scoped3A : memref<!tpu.dma_semaphore, #tpu.memory_space<semaphore_mem>>)
      %dma_wait3A = tpu.memref_slice %arg19[%mul3A_7] : memref<512xi32, #tpu.memory_space<vmem_shared>> -> memref<16xi32, #tpu.memory_space<vmem_shared>>
      %dma_wait3A_48 = tpu.memref_slice %arg19[%mul3A_7] : memref<512xi32, #tpu.memory_space<vmem_shared>> -> memref<16xi32, #tpu.memory_space<vmem_shared>>
      tpu.wait_dma2 semaphore(%run_scoped3A : memref<!tpu.dma_semaphore, #tpu.memory_space<semaphore_mem>>) src(%arg15 : memref<16xi32, #tpu.memory_space<vmem>>) dst(%dma_wait3A_48 : memref<16xi32, #tpu.memory_space<vmem_shared>>)
      tpu.yield
    }) : () -> ()
    %mul3A_21 = arith.constant 32 : i32
    %mul3A_22 = arith.muli %arg1, %mul3A_21 : i32
    %add3A_23 = arith.constant 16 : i32
    %add3A_24 = arith.addi %mul3A_22, %add3A_23 : i32
    %add3A_25 = vector.broadcast %add3A_24 : i32 to vector<16xi32>
    %add3A_26 = arith.addi %add3A_25, %iota3A : vector<16xi32>
    %mul3A_27 = arith.constant 256 : i32
    %mul3A_28 = vector.broadcast %mul3A_27 : i32 to vector<16xi32>
    %mul3A_29 = arith.muli %add3A_26, %mul3A_28 : vector<16xi32>
    %scan3A_30 = arith.constant 0 : i32
    %scan3A_31 = arith.constant 16 : i32
    %scan3A_32 = arith.addi %scan3A_30, %scan3A_31 : i32
    %scan3A_33 = arith.constant 1 : i32
    %scan3A_34:2 = scf.for %scan3A_47 = %scan3A_30 to %scan3A_32 step %scan3A_33 iter_args(%scan3A_48 = %broadcast_in_dim3A_0, %scan3A_49 = %broadcast_in_dim3A_2) -> (vector<16xf32>, vector<16xi32>)  : i32 {
      %mul3A_50 = arith.constant 16 : i32
      %mul3A_51 = arith.muli %scan3A_47, %mul3A_50 : i32
      %add3A_52 = arith.constant 0 : i32
      %add3A_53 = arith.addi %mul3A_51, %add3A_52 : i32
      %add3A_54 = vector.broadcast %add3A_53 : i32 to vector<16xi32>
      %add3A_55 = arith.addi %mul3A_29, %add3A_54 : vector<16xi32>
      %min3A = arith.constant 99999 : i32
      %min3A_56 = vector.broadcast %min3A : i32 to vector<16xi32>
      %min3A_57 = arith.minsi %add3A_55, %min3A_56 : vector<16xi32>
      %gather3A = tpu.vector_load_idx %arg7[%min3A_57] : memref<100096xf32, #tpu.memory_space<vmem>>[vector<16xi32>], vector<16xf32>,
      %lt3A = arith.constant 100000 : i32
      %lt3A_58 = vector.broadcast %lt3A : i32 to vector<16xi32>
      %lt3A_59 = arith.cmpi slt, %add3A_55, %lt3A_58 : vector<16xi32>
      %select_n3A = arith.select %lt3A_59, %gather3A, %broadcast_in_dim3A_0 : vector<16xi1>, vector<16xf32>
      %gt3A = arith.cmpf ogt, %select_n3A, %scan3A_48 : vector<16xf32>
      %select_n3A_60 = arith.select %gt3A, %select_n3A, %scan3A_48 : vector<16xi1>, vector<16xf32>
      %select_n3A_61 = arith.select %gt3A, %add3A_55, %scan3A_49 : vector<16xi1>, vector<16xi32>
      %mul3A_62 = arith.constant 16 : i32
      %mul3A_63 = arith.muli %scan3A_47, %mul3A_62 : i32
      %add3A_64 = arith.constant 1 : i32
      %add3A_65 = arith.addi %mul3A_63, %add3A_64 : i32
      %add3A_66 = vector.broadcast %add3A_65 : i32 to vector<16xi32>
      %add3A_67 = arith.addi %mul3A_29, %add3A_66 : vector<16xi32>
      %min3A_68 = arith.constant 99999 : i32
      %min3A_69 = vector.broadcast %min3A_68 : i32 to vector<16xi32>
      %min3A_70 = arith.minsi %add3A_67, %min3A_69 : vector<16xi32>
      %gather3A_71 = tpu.vector_load_idx %arg7[%min3A_70] : memref<100096xf32, #tpu.memory_space<vmem>>[vector<16xi32>], vector<16xf32>,
      %lt3A_72 = arith.constant 100000 : i32
      %lt3A_73 = vector.broadcast %lt3A_72 : i32 to vector<16xi32>
      %lt3A_74 = arith.cmpi slt, %add3A_67, %lt3A_73 : vector<16xi32>
      %select_n3A_75 = arith.select %lt3A_74, %gather3A_71, %broadcast_in_dim3A_0 : vector<16xi1>, vector<16xf32>
      %gt3A_76 = arith.cmpf ogt, %select_n3A_75, %select_n3A_60 : vector<16xf32>
      %select_n3A_77 = arith.select %gt3A_76, %select_n3A_75, %select_n3A_60 : vector<16xi1>, vector<16xf32>
      %select_n3A_78 = arith.select %gt3A_76, %add3A_67, %select_n3A_61 : vector<16xi1>, vector<16xi32>
      %mul3A_79 = arith.constant 16 : i32
      %mul3A_80 = arith.muli %scan3A_47, %mul3A_79 : i32
      %add3A_81 = arith.constant 2 : i32
      %add3A_82 = arith.addi %mul3A_80, %add3A_81 : i32
      %add3A_83 = vector.broadcast %add3A_82 : i32 to vector<16xi32>
      %add3A_84 = arith.addi %mul3A_29, %add3A_83 : vector<16xi32>
      %min3A_85 = arith.constant 99999 : i32
      %min3A_86 = vector.broadcast %min3A_85 : i32 to vector<16xi32>
      %min3A_87 = arith.minsi %add3A_84, %min3A_86 : vector<16xi32>
      %gather3A_88 = tpu.vector_load_idx %arg7[%min3A_87] : memref<100096xf32, #tpu.memory_space<vmem>>[vector<16xi32>], vector<16xf32>,
      %lt3A_89 = arith.constant 100000 : i32
      %lt3A_90 = vector.broadcast %lt3A_89 : i32 to vector<16xi32>
      %lt3A_91 = arith.cmpi slt, %add3A_84, %lt3A_90 : vector<16xi32>
      %select_n3A_92 = arith.select %lt3A_91, %gather3A_88, %broadcast_in_dim3A_0 : vector<16xi1>, vector<16xf32>
      %gt3A_93 = arith.cmpf ogt, %select_n3A_92, %select_n3A_77 : vector<16xf32>
      %select_n3A_94 = arith.select %gt3A_93, %select_n3A_92, %select_n3A_77 : vector<16xi1>, vector<16xf32>
      %select_n3A_95 = arith.select %gt3A_93, %add3A_84, %select_n3A_78 : vector<16xi1>, vector<16xi32>
      %mul3A_96 = arith.constant 16 : i32
      %mul3A_97 = arith.muli %scan3A_47, %mul3A_96 : i32
      %add3A_98 = arith.constant 3 : i32
      %add3A_99 = arith.addi %mul3A_97, %add3A_98 : i32
      %add3A_100 = vector.broadcast %add3A_99 : i32 to vector<16xi32>
      %add3A_101 = arith.addi %mul3A_29, %add3A_100 : vector<16xi32>
      %min3A_102 = arith.constant 99999 : i32
      %min3A_103 = vector.broadcast %min3A_102 : i32 to vector<16xi32>
      %min3A_104 = arith.minsi %add3A_101, %min3A_103 : vector<16xi32>
      %gather3A_105 = tpu.vector_load_idx %arg7[%min3A_104] : memref<100096xf32, #tpu.memory_space<vmem>>[vector<16xi32>], vector<16xf32>,
      %lt3A_106 = arith.constant 100000 : i32
      %lt3A_107 = vector.broadcast %lt3A_106 : i32 to vector<16xi32>
      %lt3A_108 = arith.cmpi slt, %add3A_101, %lt3A_107 : vector<16xi32>
      %select_n3A_109 = arith.select %lt3A_108, %gather3A_105, %broadcast_in_dim3A_0 : vector<16xi1>, vector<16xf32>
      %gt3A_110 = arith.cmpf ogt, %select_n3A_109, %select_n3A_94 : vector<16xf32>
      %select_n3A_111 = arith.select %gt3A_110, %select_n3A_109, %select_n3A_94 : vector<16xi1>, vector<16xf32>
      %select_n3A_112 = arith.select %gt3A_110, %add3A_101, %select_n3A_95 : vector<16xi1>, vector<16xi32>
      %mul3A_113 = arith.constant 16 : i32
      %mul3A_114 = arith.muli %scan3A_47, %mul3A_113 : i32
      %add3A_115 = arith.constant 4 : i32
      %add3A_116 = arith.addi %mul3A_114, %add3A_115 : i32
      %add3A_117 = vector.broadcast %add3A_116 : i32 to vector<16xi32>
      %add3A_118 = arith.addi %mul3A_29, %add3A_117 : vector<16xi32>
      %min3A_119 = arith.constant 99999 : i32
      %min3A_120 = vector.broadcast %min3A_119 : i32 to vector<16xi32>
      %min3A_121 = arith.minsi %add3A_118, %min3A_120 : vector<16xi32>
      %gather3A_122 = tpu.vector_load_idx %arg7[%min3A_121] : memref<100096xf32, #tpu.memory_space<vmem>>[vector<16xi32>], vector<16xf32>,
      %lt3A_123 = arith.constant 100000 : i32
      %lt3A_124 = vector.broadcast %lt3A_123 : i32 to vector<16xi32>
      %lt3A_125 = arith.cmpi slt, %add3A_118, %lt3A_124 : vector<16xi32>
      %select_n3A_126 = arith.select %lt3A_125, %gather3A_122, %broadcast_in_dim3A_0 : vector<16xi1>, vector<16xf32>
      %gt3A_127 = arith.cmpf ogt, %select_n3A_126, %select_n3A_111 : vector<16xf32>
      %select_n3A_128 = arith.select %gt3A_127, %select_n3A_126, %select_n3A_111 : vector<16xi1>, vector<16xf32>
      %select_n3A_129 = arith.select %gt3A_127, %add3A_118, %select_n3A_112 : vector<16xi1>, vector<16xi32>
      %mul3A_130 = arith.constant 16 : i32
      %mul3A_131 = arith.muli %scan3A_47, %mul3A_130 : i32
      %add3A_132 = arith.constant 5 : i32
      %add3A_133 = arith.addi %mul3A_131, %add3A_132 : i32
      %add3A_134 = vector.broadcast %add3A_133 : i32 to vector<16xi32>
      %add3A_135 = arith.addi %mul3A_29, %add3A_134 : vector<16xi32>
      %min3A_136 = arith.constant 99999 : i32
      %min3A_137 = vector.broadcast %min3A_136 : i32 to vector<16xi32>
      %min3A_138 = arith.minsi %add3A_135, %min3A_137 : vector<16xi32>
      %gather3A_139 = tpu.vector_load_idx %arg7[%min3A_138] : memref<100096xf32, #tpu.memory_space<vmem>>[vector<16xi32>], vector<16xf32>,
      %lt3A_140 = arith.constant 100000 : i32
      %lt3A_141 = vector.broadcast %lt3A_140 : i32 to vector<16xi32>
      %lt3A_142 = arith.cmpi slt, %add3A_135, %lt3A_141 : vector<16xi32>
      %select_n3A_143 = arith.select %lt3A_142, %gather3A_139, %broadcast_in_dim3A_0 : vector<16xi1>, vector<16xf32>
      %gt3A_144 = arith.cmpf ogt, %select_n3A_143, %select_n3A_128 : vector<16xf32>
      %select_n3A_145 = arith.select %gt3A_144, %select_n3A_143, %select_n3A_128 : vector<16xi1>, vector<16xf32>
      %select_n3A_146 = arith.select %gt3A_144, %add3A_135, %select_n3A_129 : vector<16xi1>, vector<16xi32>
      %mul3A_147 = arith.constant 16 : i32
      %mul3A_148 = arith.muli %scan3A_47, %mul3A_147 : i32
      %add3A_149 = arith.constant 6 : i32
      %add3A_150 = arith.addi %mul3A_148, %add3A_149 : i32
      %add3A_151 = vector.broadcast %add3A_150 : i32 to vector<16xi32>
      %add3A_152 = arith.addi %mul3A_29, %add3A_151 : vector<16xi32>
      %min3A_153 = arith.constant 99999 : i32
      %min3A_154 = vector.broadcast %min3A_153 : i32 to vector<16xi32>
      %min3A_155 = arith.minsi %add3A_152, %min3A_154 : vector<16xi32>
      %gather3A_156 = tpu.vector_load_idx %arg7[%min3A_155] : memref<100096xf32, #tpu.memory_space<vmem>>[vector<16xi32>], vector<16xf32>,
      %lt3A_157 = arith.constant 100000 : i32
      %lt3A_158 = vector.broadcast %lt3A_157 : i32 to vector<16xi32>
      %lt3A_159 = arith.cmpi slt, %add3A_152, %lt3A_158 : vector<16xi32>
      %select_n3A_160 = arith.select %lt3A_159, %gather3A_156, %broadcast_in_dim3A_0 : vector<16xi1>, vector<16xf32>
      %gt3A_161 = arith.cmpf ogt, %select_n3A_160, %select_n3A_145 : vector<16xf32>
      %select_n3A_162 = arith.select %gt3A_161, %select_n3A_160, %select_n3A_145 : vector<16xi1>, vector<16xf32>
      %select_n3A_163 = arith.select %gt3A_161, %add3A_152, %select_n3A_146 : vector<16xi1>, vector<16xi32>
      %mul3A_164 = arith.constant 16 : i32
      %mul3A_165 = arith.muli %scan3A_47, %mul3A_164 : i32
      %add3A_166 = arith.constant 7 : i32
      %add3A_167 = arith.addi %mul3A_165, %add3A_166 : i32
      %add3A_168 = vector.broadcast %add3A_167 : i32 to vector<16xi32>
      %add3A_169 = arith.addi %mul3A_29, %add3A_168 : vector<16xi32>
      %min3A_170 = arith.constant 99999 : i32
      %min3A_171 = vector.broadcast %min3A_170 : i32 to vector<16xi32>
      %min3A_172 = arith.minsi %add3A_169, %min3A_171 : vector<16xi32>
      %gather3A_173 = tpu.vector_load_idx %arg7[%min3A_172] : memref<100096xf32, #tpu.memory_space<vmem>>[vector<16xi32>], vector<16xf32>,
      %lt3A_174 = arith.constant 100000 : i32
      %lt3A_175 = vector.broadcast %lt3A_174 : i32 to vector<16xi32>
      %lt3A_176 = arith.cmpi slt, %add3A_169, %lt3A_175 : vector<16xi32>
      %select_n3A_177 = arith.select %lt3A_176, %gather3A_173, %broadcast_in_dim3A_0 : vector<16xi1>, vector<16xf32>
      %gt3A_178 = arith.cmpf ogt, %select_n3A_177, %select_n3A_162 : vector<16xf32>
      %select_n3A_179 = arith.select %gt3A_178, %select_n3A_177, %select_n3A_162 : vector<16xi1>, vector<16xf32>
      %select_n3A_180 = arith.select %gt3A_178, %add3A_169, %select_n3A_163 : vector<16xi1>, vector<16xi32>
      %mul3A_181 = arith.constant 16 : i32
      %mul3A_182 = arith.muli %scan3A_47, %mul3A_181 : i32
      %add3A_183 = arith.constant 8 : i32
      %add3A_184 = arith.addi %mul3A_182, %add3A_183 : i32
      %add3A_185 = vector.broadcast %add3A_184 : i32 to vector<16xi32>
      %add3A_186 = arith.addi %mul3A_29, %add3A_185 : vector<16xi32>
      %min3A_187 = arith.constant 99999 : i32
      %min3A_188 = vector.broadcast %min3A_187 : i32 to vector<16xi32>
      %min3A_189 = arith.minsi %add3A_186, %min3A_188 : vector<16xi32>
      %gather3A_190 = tpu.vector_load_idx %arg7[%min3A_189] : memref<100096xf32, #tpu.memory_space<vmem>>[vector<16xi32>], vector<16xf32>,
      %lt3A_191 = arith.constant 100000 : i32
      %lt3A_192 = vector.broadcast %lt3A_191 : i32 to vector<16xi32>
      %lt3A_193 = arith.cmpi slt, %add3A_186, %lt3A_192 : vector<16xi32>
      %select_n3A_194 = arith.select %lt3A_193, %gather3A_190, %broadcast_in_dim3A_0 : vector<16xi1>, vector<16xf32>
      %gt3A_195 = arith.cmpf ogt, %select_n3A_194, %select_n3A_179 : vector<16xf32>
      %select_n3A_196 = arith.select %gt3A_195, %select_n3A_194, %select_n3A_179 : vector<16xi1>, vector<16xf32>
      %select_n3A_197 = arith.select %gt3A_195, %add3A_186, %select_n3A_180 : vector<16xi1>, vector<16xi32>
      %mul3A_198 = arith.constant 16 : i32
      %mul3A_199 = arith.muli %scan3A_47, %mul3A_198 : i32
      %add3A_200 = arith.constant 9 : i32
      %add3A_201 = arith.addi %mul3A_199, %add3A_200 : i32
      %add3A_202 = vector.broadcast %add3A_201 : i32 to vector<16xi32>
      %add3A_203 = arith.addi %mul3A_29, %add3A_202 : vector<16xi32>
      %min3A_204 = arith.constant 99999 : i32
      %min3A_205 = vector.broadcast %min3A_204 : i32 to vector<16xi32>
      %min3A_206 = arith.minsi %add3A_203, %min3A_205 : vector<16xi32>
      %gather3A_207 = tpu.vector_load_idx %arg7[%min3A_206] : memref<100096xf32, #tpu.memory_space<vmem>>[vector<16xi32>], vector<16xf32>,
      %lt3A_208 = arith.constant 100000 : i32
      %lt3A_209 = vector.broadcast %lt3A_208 : i32 to vector<16xi32>
      %lt3A_210 = arith.cmpi slt, %add3A_203, %lt3A_209 : vector<16xi32>
      %select_n3A_211 = arith.select %lt3A_210, %gather3A_207, %broadcast_in_dim3A_0 : vector<16xi1>, vector<16xf32>
      %gt3A_212 = arith.cmpf ogt, %select_n3A_211, %select_n3A_196 : vector<16xf32>
      %select_n3A_213 = arith.select %gt3A_212, %select_n3A_211, %select_n3A_196 : vector<16xi1>, vector<16xf32>
      %select_n3A_214 = arith.select %gt3A_212, %add3A_203, %select_n3A_197 : vector<16xi1>, vector<16xi32>
      %mul3A_215 = arith.constant 16 : i32
      %mul3A_216 = arith.muli %scan3A_47, %mul3A_215 : i32
      %add3A_217 = arith.constant 10 : i32
      %add3A_218 = arith.addi %mul3A_216, %add3A_217 : i32
      %add3A_219 = vector.broadcast %add3A_218 : i32 to vector<16xi32>
      %add3A_220 = arith.addi %mul3A_29, %add3A_219 : vector<16xi32>
      %min3A_221 = arith.constant 99999 : i32
      %min3A_222 = vector.broadcast %min3A_221 : i32 to vector<16xi32>
      %min3A_223 = arith.minsi %add3A_220, %min3A_222 : vector<16xi32>
      %gather3A_224 = tpu.vector_load_idx %arg7[%min3A_223] : memref<100096xf32, #tpu.memory_space<vmem>>[vector<16xi32>], vector<16xf32>,
      %lt3A_225 = arith.constant 100000 : i32
      %lt3A_226 = vector.broadcast %lt3A_225 : i32 to vector<16xi32>
      %lt3A_227 = arith.cmpi slt, %add3A_220, %lt3A_226 : vector<16xi32>
      %select_n3A_228 = arith.select %lt3A_227, %gather3A_224, %broadcast_in_dim3A_0 : vector<16xi1>, vector<16xf32>
      %gt3A_229 = arith.cmpf ogt, %select_n3A_228, %select_n3A_213 : vector<16xf32>
      %select_n3A_230 = arith.select %gt3A_229, %select_n3A_228, %select_n3A_213 : vector<16xi1>, vector<16xf32>
      %select_n3A_231 = arith.select %gt3A_229, %add3A_220, %select_n3A_214 : vector<16xi1>, vector<16xi32>
      %mul3A_232 = arith.constant 16 : i32
      %mul3A_233 = arith.muli %scan3A_47, %mul3A_232 : i32
      %add3A_234 = arith.constant 11 : i32
      %add3A_235 = arith.addi %mul3A_233, %add3A_234 : i32
      %add3A_236 = vector.broadcast %add3A_235 : i32 to vector<16xi32>
      %add3A_237 = arith.addi %mul3A_29, %add3A_236 : vector<16xi32>
      %min3A_238 = arith.constant 99999 : i32
      %min3A_239 = vector.broadcast %min3A_238 : i32 to vector<16xi32>
      %min3A_240 = arith.minsi %add3A_237, %min3A_239 : vector<16xi32>
      %gather3A_241 = tpu.vector_load_idx %arg7[%min3A_240] : memref<100096xf32, #tpu.memory_space<vmem>>[vector<16xi32>], vector<16xf32>,
      %lt3A_242 = arith.constant 100000 : i32
      %lt3A_243 = vector.broadcast %lt3A_242 : i32 to vector<16xi32>
      %lt3A_244 = arith.cmpi slt, %add3A_237, %lt3A_243 : vector<16xi32>
      %select_n3A_245 = arith.select %lt3A_244, %gather3A_241, %broadcast_in_dim3A_0 : vector<16xi1>, vector<16xf32>
      %gt3A_246 = arith.cmpf ogt, %select_n3A_245, %select_n3A_230 : vector<16xf32>
      %select_n3A_247 = arith.select %gt3A_246, %select_n3A_245, %select_n3A_230 : vector<16xi1>, vector<16xf32>
      %select_n3A_248 = arith.select %gt3A_246, %add3A_237, %select_n3A_231 : vector<16xi1>, vector<16xi32>
      %mul3A_249 = arith.constant 16 : i32
      %mul3A_250 = arith.muli %scan3A_47, %mul3A_249 : i32
      %add3A_251 = arith.constant 12 : i32
      %add3A_252 = arith.addi %mul3A_250, %add3A_251 : i32
      %add3A_253 = vector.broadcast %add3A_252 : i32 to vector<16xi32>
      %add3A_254 = arith.addi %mul3A_29, %add3A_253 : vector<16xi32>
      %min3A_255 = arith.constant 99999 : i32
      %min3A_256 = vector.broadcast %min3A_255 : i32 to vector<16xi32>
      %min3A_257 = arith.minsi %add3A_254, %min3A_256 : vector<16xi32>
      %gather3A_258 = tpu.vector_load_idx %arg7[%min3A_257] : memref<100096xf32, #tpu.memory_space<vmem>>[vector<16xi32>], vector<16xf32>,
      %lt3A_259 = arith.constant 100000 : i32
      %lt3A_260 = vector.broadcast %lt3A_259 : i32 to vector<16xi32>
      %lt3A_261 = arith.cmpi slt, %add3A_254, %lt3A_260 : vector<16xi32>
      %select_n3A_262 = arith.select %lt3A_261, %gather3A_258, %broadcast_in_dim3A_0 : vector<16xi1>, vector<16xf32>
      %gt3A_263 = arith.cmpf ogt, %select_n3A_262, %select_n3A_247 : vector<16xf32>
      %select_n3A_264 = arith.select %gt3A_263, %select_n3A_262, %select_n3A_247 : vector<16xi1>, vector<16xf32>
      %select_n3A_265 = arith.select %gt3A_263, %add3A_254, %select_n3A_248 : vector<16xi1>, vector<16xi32>
      %mul3A_266 = arith.constant 16 : i32
      %mul3A_267 = arith.muli %scan3A_47, %mul3A_266 : i32
      %add3A_268 = arith.constant 13 : i32
      %add3A_269 = arith.addi %mul3A_267, %add3A_268 : i32
      %add3A_270 = vector.broadcast %add3A_269 : i32 to vector<16xi32>
      %add3A_271 = arith.addi %mul3A_29, %add3A_270 : vector<16xi32>
      %min3A_272 = arith.constant 99999 : i32
      %min3A_273 = vector.broadcast %min3A_272 : i32 to vector<16xi32>
      %min3A_274 = arith.minsi %add3A_271, %min3A_273 : vector<16xi32>
      %gather3A_275 = tpu.vector_load_idx %arg7[%min3A_274] : memref<100096xf32, #tpu.memory_space<vmem>>[vector<16xi32>], vector<16xf32>,
      %lt3A_276 = arith.constant 100000 : i32
      %lt3A_277 = vector.broadcast %lt3A_276 : i32 to vector<16xi32>
      %lt3A_278 = arith.cmpi slt, %add3A_271, %lt3A_277 : vector<16xi32>
      %select_n3A_279 = arith.select %lt3A_278, %gather3A_275, %broadcast_in_dim3A_0 : vector<16xi1>, vector<16xf32>
      %gt3A_280 = arith.cmpf ogt, %select_n3A_279, %select_n3A_264 : vector<16xf32>
      %select_n3A_281 = arith.select %gt3A_280, %select_n3A_279, %select_n3A_264 : vector<16xi1>, vector<16xf32>
      %select_n3A_282 = arith.select %gt3A_280, %add3A_271, %select_n3A_265 : vector<16xi1>, vector<16xi32>
      %mul3A_283 = arith.constant 16 : i32
      %mul3A_284 = arith.muli %scan3A_47, %mul3A_283 : i32
      %add3A_285 = arith.constant 14 : i32
      %add3A_286 = arith.addi %mul3A_284, %add3A_285 : i32
      %add3A_287 = vector.broadcast %add3A_286 : i32 to vector<16xi32>
      %add3A_288 = arith.addi %mul3A_29, %add3A_287 : vector<16xi32>
      %min3A_289 = arith.constant 99999 : i32
      %min3A_290 = vector.broadcast %min3A_289 : i32 to vector<16xi32>
      %min3A_291 = arith.minsi %add3A_288, %min3A_290 : vector<16xi32>
      %gather3A_292 = tpu.vector_load_idx %arg7[%min3A_291] : memref<100096xf32, #tpu.memory_space<vmem>>[vector<16xi32>], vector<16xf32>,
      %lt3A_293 = arith.constant 100000 : i32
      %lt3A_294 = vector.broadcast %lt3A_293 : i32 to vector<16xi32>
      %lt3A_295 = arith.cmpi slt, %add3A_288, %lt3A_294 : vector<16xi32>
      %select_n3A_296 = arith.select %lt3A_295, %gather3A_292, %broadcast_in_dim3A_0 : vector<16xi1>, vector<16xf32>
      %gt3A_297 = arith.cmpf ogt, %select_n3A_296, %select_n3A_281 : vector<16xf32>
      %select_n3A_298 = arith.select %gt3A_297, %select_n3A_296, %select_n3A_281 : vector<16xi1>, vector<16xf32>
      %select_n3A_299 = arith.select %gt3A_297, %add3A_288, %select_n3A_282 : vector<16xi1>, vector<16xi32>
      %mul3A_300 = arith.constant 16 : i32
      %mul3A_301 = arith.muli %scan3A_47, %mul3A_300 : i32
      %add3A_302 = arith.constant 15 : i32
      %add3A_303 = arith.addi %mul3A_301, %add3A_302 : i32
      %add3A_304 = vector.broadcast %add3A_303 : i32 to vector<16xi32>
      %add3A_305 = arith.addi %mul3A_29, %add3A_304 : vector<16xi32>
      %min3A_306 = arith.constant 99999 : i32
      %min3A_307 = vector.broadcast %min3A_306 : i32 to vector<16xi32>
      %min3A_308 = arith.minsi %add3A_305, %min3A_307 : vector<16xi32>
      %gather3A_309 = tpu.vector_load_idx %arg7[%min3A_308] : memref<100096xf32, #tpu.memory_space<vmem>>[vector<16xi32>], vector<16xf32>,
      %lt3A_310 = arith.constant 100000 : i32
      %lt3A_311 = vector.broadcast %lt3A_310 : i32 to vector<16xi32>
      %lt3A_312 = arith.cmpi slt, %add3A_305, %lt3A_311 : vector<16xi32>
      %select_n3A_313 = arith.select %lt3A_312, %gather3A_309, %broadcast_in_dim3A_0 : vector<16xi1>, vector<16xf32>
      %gt3A_314 = arith.cmpf ogt, %select_n3A_313, %select_n3A_298 : vector<16xf32>
      %select_n3A_315 = arith.select %gt3A_314, %select_n3A_313, %select_n3A_298 : vector<16xi1>, vector<16xf32>
      %select_n3A_316 = arith.select %gt3A_314, %add3A_305, %select_n3A_299 : vector<16xi1>, vector<16xi32>
      scf.yield %select_n3A_315, %select_n3A_316 : vector<16xf32>, vector<16xi32>
    }
    %scan3A_35 = arith.constant 16 : i32
    %swap3A_36 = arith.constant 0 : index
    %swap3A_37 = tpu.vector_load %arg16[%swap3A_36] {strides = array<i32>} : memref<16xf32, #tpu.memory_space<vmem>>, vector<16xf32>,
    tpu.vector_store %arg16[%swap3A_36], %scan3A_34#0 {strides = array<i32>} : memref<16xf32, #tpu.memory_space<vmem>>, vector<16xf32>,
    %swap3A_38 = arith.constant 0 : index
    %swap3A_39 = tpu.vector_load %arg15[%swap3A_38] {strides = array<i32>} : memref<16xi32, #tpu.memory_space<vmem>>, vector<16xi32>,
    tpu.vector_store %arg15[%swap3A_38], %scan3A_34#1 {strides = array<i32>} : memref<16xi32, #tpu.memory_space<vmem>>, vector<16xi32>,
    "tpu.region"() ({
      %run_scoped3A = tpu.sem_alloc : memref<!tpu.dma_semaphore, #tpu.memory_space<semaphore_mem>>
      %dma_start3A = tpu.memref_slice %arg20[%add3A_24] : memref<512xf32, #tpu.memory_space<vmem_shared>> -> memref<16xf32, #tpu.memory_space<vmem_shared>>
      %dma_start3A_47 = tpu.memref_slice %arg20[%add3A_24] : memref<512xf32, #tpu.memory_space<vmem_shared>> -> memref<16xf32, #tpu.memory_space<vmem_shared>>
      tpu.enqueue_dma source(%arg16 : memref<16xf32, #tpu.memory_space<vmem>>) target(%dma_start3A_47 : memref<16xf32, #tpu.memory_space<vmem_shared>>) target_semaphore(%run_scoped3A : memref<!tpu.dma_semaphore, #tpu.memory_space<semaphore_mem>>)
      %dma_wait3A = tpu.memref_slice %arg20[%add3A_24] : memref<512xf32, #tpu.memory_space<vmem_shared>> -> memref<16xf32, #tpu.memory_space<vmem_shared>>
      %dma_wait3A_48 = tpu.memref_slice %arg20[%add3A_24] : memref<512xf32, #tpu.memory_space<vmem_shared>> -> memref<16xf32, #tpu.memory_space<vmem_shared>>
      tpu.wait_dma2 semaphore(%run_scoped3A : memref<!tpu.dma_semaphore, #tpu.memory_space<semaphore_mem>>) src(%arg16 : memref<16xf32, #tpu.memory_space<vmem>>) dst(%dma_wait3A_48 : memref<16xf32, #tpu.memory_space<vmem_shared>>)
      tpu.yield
    }) : () -> ()
    "tpu.region"() ({
      %run_scoped3A = tpu.sem_alloc : memref<!tpu.dma_semaphore, #tpu.memory_space<semaphore_mem>>
      %dma_start3A = tpu.memref_slice %arg19[%add3A_24] : memref<512xi32, #tpu.memory_space<vmem_shared>> -> memref<16xi32, #tpu.memory_space<vmem_shared>>
      %dma_start3A_47 = tpu.memref_slice %arg19[%add3A_24] : memref<512xi32, #tpu.memory_space<vmem_shared>> -> memref<16xi32, #tpu.memory_space<vmem_shared>>
      tpu.enqueue_dma source(%arg15 : memref<16xi32, #tpu.memory_space<vmem>>) target(%dma_start3A_47 : memref<16xi32, #tpu.memory_space<vmem_shared>>) target_semaphore(%run_scoped3A : memref<!tpu.dma_semaphore, #tpu.memory_space<semaphore_mem>>)
      %dma_wait3A = tpu.memref_slice %arg19[%add3A_24] : memref<512xi32, #tpu.memory_space<vmem_shared>> -> memref<16xi32, #tpu.memory_space<vmem_shared>>
      %dma_wait3A_48 = tpu.memref_slice %arg19[%add3A_24] : memref<512xi32, #tpu.memory_space<vmem_shared>> -> memref<16xi32, #tpu.memory_space<vmem_shared>>
      tpu.wait_dma2 semaphore(%run_scoped3A : memref<!tpu.dma_semaphore, #tpu.memory_space<semaphore_mem>>) src(%arg15 : memref<16xi32, #tpu.memory_space<vmem>>) dst(%dma_wait3A_48 : memref<16xi32, #tpu.memory_space<vmem_shared>>)
      tpu.yield
    }) : () -> ()
    %barrier3A = arith.constant 0 : index
    tpu.barrier barrier_id(%barrier3A)
    "tpu.region"() ({
      %run_scoped3A = tpu.sem_alloc : memref<!tpu.dma_semaphore, #tpu.memory_space<semaphore_mem>>
      tpu.enqueue_dma source(%arg20 : memref<512xf32, #tpu.memory_space<vmem_shared>>) target(%arg18 : memref<512xf32, #tpu.memory_space<vmem>>) target_semaphore(%run_scoped3A : memref<!tpu.dma_semaphore, #tpu.memory_space<semaphore_mem>>)
      tpu.wait_dma2 semaphore(%run_scoped3A : memref<!tpu.dma_semaphore, #tpu.memory_space<semaphore_mem>>) src(%arg20 : memref<512xf32, #tpu.memory_space<vmem_shared>>) dst(%arg18 : memref<512xf32, #tpu.memory_space<vmem>>)
      tpu.yield
    }) : () -> ()
    "tpu.region"() ({
      %run_scoped3A = tpu.sem_alloc : memref<!tpu.dma_semaphore, #tpu.memory_space<semaphore_mem>>
      tpu.enqueue_dma source(%arg19 : memref<512xi32, #tpu.memory_space<vmem_shared>>) target(%arg17 : memref<512xi32, #tpu.memory_space<vmem>>) target_semaphore(%run_scoped3A : memref<!tpu.dma_semaphore, #tpu.memory_space<semaphore_mem>>)
      tpu.wait_dma2 semaphore(%run_scoped3A : memref<!tpu.dma_semaphore, #tpu.memory_space<semaphore_mem>>) src(%arg19 : memref<512xi32, #tpu.memory_space<vmem_shared>>) dst(%arg17 : memref<512xi32, #tpu.memory_space<vmem>>)
      tpu.yield
    }) : () -> ()
    %scan3A_40 = arith.constant 0 : i32
    %scan3A_41 = arith.constant 0 : i32
    %scan3A_42 = arith.constant 4 : i32
    %scan3A_43 = arith.addi %scan3A_41, %scan3A_42 : i32
    %scan3A_44 = arith.constant 1 : i32
    %scan3A_45 = scf.for %scan3A_47 = %scan3A_41 to %scan3A_43 step %scan3A_44 iter_args(%scan3A_48 = %scan3A_40) -> (i32)  : i32 {
      %mul3A_49 = arith.constant 32 : i32
      %mul3A_50 = arith.muli %mul3A_49, %scan3A_47 : i32
      %add3A_51 = arith.addi %add3A, %mul3A_50 : i32
      %lt3A = arith.constant 100 : i32
      %lt3A_52 = arith.cmpi slt, %add3A_51, %lt3A : i32
      %convert_element_type3A = arith.extui %lt3A_52 : i1 to i32
      %cond3A = arith.constant 0 : i32
      %cond3A_53 = arith.cmpi ne, %convert_element_type3A, %cond3A : i32
      scf.if %cond3A_53 {
        %jit3A = arith.constant 16 : i32
        %div3A = arith.divsi %add3A_51, %jit3A : i32
        %sign3A = arith.constant 0 : i32
        %sign3A_55 = arith.cmpi sgt, %add3A_51, %sign3A : i32
        %sign3A_56 = arith.extui %sign3A_55 : i1 to i32
        %sign3A_57 = arith.constant 0 : i32
        %sign3A_58 = arith.cmpi slt, %add3A_51, %sign3A_57 : i32
        %sign3A_59 = arith.extui %sign3A_58 : i1 to i32
        %sign3A_60 = arith.subi %sign3A_56, %sign3A_59 : i32
        %sign3A_61 = arith.constant 0 : i32
        %sign3A_62 = arith.cmpi sgt, %jit3A, %sign3A_61 : i32
        %sign3A_63 = arith.extui %sign3A_62 : i1 to i32
        %sign3A_64 = arith.constant 0 : i32
        %sign3A_65 = arith.cmpi slt, %jit3A, %sign3A_64 : i32
        %sign3A_66 = arith.extui %sign3A_65 : i1 to i32
        %sign3A_67 = arith.subi %sign3A_63, %sign3A_66 : i32
        %ne3A = arith.cmpi ne, %sign3A_60, %sign3A_67 : i32
        %rem3A = arith.remsi %add3A_51, %jit3A : i32
        %ne3A_68 = arith.constant 0 : i32
        %ne3A_69 = arith.cmpi ne, %rem3A, %ne3A_68 : i32
        %and3A = arith.andi %ne3A, %ne3A_69 : i1
        %sub3A = arith.constant 1 : i32
        %sub3A_70 = arith.subi %div3A, %sub3A : i32
        %select_n3A = arith.select %and3A, %sub3A_70, %div3A : i32
        %mul3A_71 = arith.constant 16 : i32
        %mul3A_72 = arith.muli %select_n3A, %mul3A_71 : i32
        %multiple_of3A = tpu.assume_multiple %mul3A_72, 16 : i32
        %get3A = arith.index_cast %multiple_of3A : i32 to index
        %get3A_73 = tpu.vector_load %arg13[%get3A] {strides = array<i32>} : memref<128xi32, #tpu.memory_space<vmem>>, vector<16xi32>,
        %convert_element_type3A_74 = arith.sitofp %get3A_73 : vector<16xi32> to vector<16xf32>
        %jit3A_75 = arith.constant 16 : i32
        %eq3A_76 = arith.constant 0 : i32
        %eq3A_77 = arith.cmpi eq, %jit3A_75, %eq3A_76 : i32
        %jit3A_78 = arith.constant 1 : i32
        %select_n3A_79 = arith.select %eq3A_77, %jit3A_78, %jit3A_75 : i32
        %rem3A_80 = arith.remsi %add3A_51, %select_n3A_79 : i32
        %ne3A_81 = arith.constant 0 : i32
        %ne3A_82 = arith.cmpi ne, %rem3A_80, %ne3A_81 : i32
        %lt3A_83 = arith.constant 0 : i32
        %lt3A_84 = arith.cmpi slt, %rem3A_80, %lt3A_83 : i32
        %lt3A_85 = arith.constant 0 : i32
        %lt3A_86 = arith.cmpi slt, %select_n3A_79, %lt3A_85 : i32
        %ne3A_87 = arith.xori %lt3A_84, %lt3A_86 : i1
        %and3A_88 = arith.andi %ne3A_87, %ne3A_82 : i1
        %add3A_89 = arith.addi %rem3A_80, %select_n3A_79 : i32
        %select_n3A_90 = arith.select %and3A_88, %add3A_89, %rem3A_80 : i32
        %eq3A_91 = vector.broadcast %select_n3A_90 : i32 to vector<16xi32>
        %eq3A_92 = arith.cmpi eq, %iota3A, %eq3A_91 : vector<16xi32>
        %broadcast_in_dim3A_93 = arith.constant 0.000000e+00 : f32
        %broadcast_in_dim3A_94 = vector.broadcast %broadcast_in_dim3A_93 : f32 to vector<16xf32>
        %select_n3A_95 = arith.select %eq3A_92, %convert_element_type3A_74, %broadcast_in_dim3A_94 : vector<16xi1>, vector<16xf32>
        %reduce_max3A = arith.constant true
        %reduce_max3A_96 = vector.broadcast %reduce_max3A : i1 to vector<16xi1>
        %reduce_max3A_97 = tpu.scan <max>, %select_n3A_95 masked %reduce_max3A_96 : vector<16xf32>, vector<16xi1> -> vector<16xf32>
        %reduce_max3A_98 = vector.extract %reduce_max3A_97[15] : f32 from vector<16xf32>
        %convert_element_type3A_99 = arith.fptosi %reduce_max3A_98 : f32 to i32
        %jit3A_100 = arith.constant 16 : i32
        %div3A_101 = arith.divsi %add3A_51, %jit3A_100 : i32
        %sign3A_102 = arith.constant 0 : i32
        %sign3A_103 = arith.cmpi sgt, %add3A_51, %sign3A_102 : i32
        %sign3A_104 = arith.extui %sign3A_103 : i1 to i32
        %sign3A_105 = arith.constant 0 : i32
        %sign3A_106 = arith.cmpi slt, %add3A_51, %sign3A_105 : i32
        %sign3A_107 = arith.extui %sign3A_106 : i1 to i32
        %sign3A_108 = arith.subi %sign3A_104, %sign3A_107 : i32
        %sign3A_109 = arith.constant 0 : i32
        %sign3A_110 = arith.cmpi sgt, %jit3A_100, %sign3A_109 : i32
        %sign3A_111 = arith.extui %sign3A_110 : i1 to i32
        %sign3A_112 = arith.constant 0 : i32
        %sign3A_113 = arith.cmpi slt, %jit3A_100, %sign3A_112 : i32
        %sign3A_114 = arith.extui %sign3A_113 : i1 to i32
        %sign3A_115 = arith.subi %sign3A_111, %sign3A_114 : i32
        %ne3A_116 = arith.cmpi ne, %sign3A_108, %sign3A_115 : i32
        %rem3A_117 = arith.remsi %add3A_51, %jit3A_100 : i32
        %ne3A_118 = arith.constant 0 : i32
        %ne3A_119 = arith.cmpi ne, %rem3A_117, %ne3A_118 : i32
        %and3A_120 = arith.andi %ne3A_116, %ne3A_119 : i1
        %sub3A_121 = arith.constant 1 : i32
        %sub3A_122 = arith.subi %div3A_101, %sub3A_121 : i32
        %select_n3A_123 = arith.select %and3A_120, %sub3A_122, %div3A_101 : i32
        %mul3A_124 = arith.constant 16 : i32
        %mul3A_125 = arith.muli %select_n3A_123, %mul3A_124 : i32
        %multiple_of3A_126 = tpu.assume_multiple %mul3A_125, 16 : i32
        %get3A_127 = arith.index_cast %multiple_of3A_126 : i32 to index
        %get3A_128 = tpu.vector_load %arg14[%get3A_127] {strides = array<i32>} : memref<128xi32, #tpu.memory_space<vmem>>, vector<16xi32>,
        %convert_element_type3A_129 = arith.sitofp %get3A_128 : vector<16xi32> to vector<16xf32>
        %jit3A_130 = arith.constant 16 : i32
        %eq3A_131 = arith.constant 0 : i32
        %eq3A_132 = arith.cmpi eq, %jit3A_130, %eq3A_131 : i32
        %jit3A_133 = arith.constant 1 : i32
        %select_n3A_134 = arith.select %eq3A_132, %jit3A_133, %jit3A_130 : i32
        %rem3A_135 = arith.remsi %add3A_51, %select_n3A_134 : i32
        %ne3A_136 = arith.constant 0 : i32
        %ne3A_137 = arith.cmpi ne, %rem3A_135, %ne3A_136 : i32
        %lt3A_138 = arith.constant 0 : i32
        %lt3A_139 = arith.cmpi slt, %rem3A_135, %lt3A_138 : i32
        %lt3A_140 = arith.constant 0 : i32
        %lt3A_141 = arith.cmpi slt, %select_n3A_134, %lt3A_140 : i32
        %ne3A_142 = arith.xori %lt3A_139, %lt3A_141 : i1
        %and3A_143 = arith.andi %ne3A_142, %ne3A_137 : i1
        %add3A_144 = arith.addi %rem3A_135, %select_n3A_134 : i32
        %select_n3A_145 = arith.select %and3A_143, %add3A_144, %rem3A_135 : i32
        %eq3A_146 = vector.broadcast %select_n3A_145 : i32 to vector<16xi32>
        %eq3A_147 = arith.cmpi eq, %iota3A, %eq3A_146 : vector<16xi32>
        %broadcast_in_dim3A_148 = arith.constant 0.000000e+00 : f32
        %broadcast_in_dim3A_149 = vector.broadcast %broadcast_in_dim3A_148 : f32 to vector<16xf32>
        %select_n3A_150 = arith.select %eq3A_147, %convert_element_type3A_129, %broadcast_in_dim3A_149 : vector<16xi1>, vector<16xf32>
        %reduce_max3A_151 = arith.constant true
        %reduce_max3A_152 = vector.broadcast %reduce_max3A_151 : i1 to vector<16xi1>
        %reduce_max3A_153 = tpu.scan <max>, %select_n3A_150 masked %reduce_max3A_152 : vector<16xf32>, vector<16xi1> -> vector<16xf32>
        %reduce_max3A_154 = vector.extract %reduce_max3A_153[15] : f32 from vector<16xf32>
        %convert_element_type3A_155 = arith.fptosi %reduce_max3A_154 : f32 to i32
        %sub3A_156 = arith.subi %convert_element_type3A_155, %convert_element_type3A_99 : i32
        %jit3A_157 = arith.constant 256 : i32
        %div3A_158 = arith.divsi %convert_element_type3A_99, %jit3A_157 : i32
        %sign3A_159 = arith.constant 0 : i32
        %sign3A_160 = arith.cmpi sgt, %convert_element_type3A_99, %sign3A_159 : i32
        %sign3A_161 = arith.extui %sign3A_160 : i1 to i32
        %sign3A_162 = arith.constant 0 : i32
        %sign3A_163 = arith.cmpi slt, %convert_element_type3A_99, %sign3A_162 : i32
        %sign3A_164 = arith.extui %sign3A_163 : i1 to i32
        %sign3A_165 = arith.subi %sign3A_161, %sign3A_164 : i32
        %sign3A_166 = arith.constant 0 : i32
        %sign3A_167 = arith.cmpi sgt, %jit3A_157, %sign3A_166 : i32
        %sign3A_168 = arith.extui %sign3A_167 : i1 to i32
        %sign3A_169 = arith.constant 0 : i32
        %sign3A_170 = arith.cmpi slt, %jit3A_157, %sign3A_169 : i32
        %sign3A_171 = arith.extui %sign3A_170 : i1 to i32
        %sign3A_172 = arith.subi %sign3A_168, %sign3A_171 : i32
        %ne3A_173 = arith.cmpi ne, %sign3A_165, %sign3A_172 : i32
        %rem3A_174 = arith.remsi %convert_element_type3A_99, %jit3A_157 : i32
        %ne3A_175 = arith.constant 0 : i32
        %ne3A_176 = arith.cmpi ne, %rem3A_174, %ne3A_175 : i32
        %and3A_177 = arith.andi %ne3A_173, %ne3A_176 : i1
        %sub3A_178 = arith.constant 1 : i32
        %sub3A_179 = arith.subi %div3A_158, %sub3A_178 : i32
        %select_n3A_180 = arith.select %and3A_177, %sub3A_179, %div3A_158 : i32
        %gt3A = arith.cmpi sgt, %convert_element_type3A_155, %convert_element_type3A_99 : i32
        %sub3A_181 = arith.constant 1 : i32
        %sub3A_182 = arith.subi %convert_element_type3A_155, %sub3A_181 : i32
        %jit3A_183 = arith.constant 256 : i32
        %div3A_184 = arith.divsi %sub3A_182, %jit3A_183 : i32
        %sign3A_185 = arith.constant 0 : i32
        %sign3A_186 = arith.cmpi sgt, %sub3A_182, %sign3A_185 : i32
        %sign3A_187 = arith.extui %sign3A_186 : i1 to i32
        %sign3A_188 = arith.constant 0 : i32
        %sign3A_189 = arith.cmpi slt, %sub3A_182, %sign3A_188 : i32
        %sign3A_190 = arith.extui %sign3A_189 : i1 to i32
        %sign3A_191 = arith.subi %sign3A_187, %sign3A_190 : i32
        %sign3A_192 = arith.constant 0 : i32
        %sign3A_193 = arith.cmpi sgt, %jit3A_183, %sign3A_192 : i32
        %sign3A_194 = arith.extui %sign3A_193 : i1 to i32
        %sign3A_195 = arith.constant 0 : i32
        %sign3A_196 = arith.cmpi slt, %jit3A_183, %sign3A_195 : i32
        %sign3A_197 = arith.extui %sign3A_196 : i1 to i32
        %sign3A_198 = arith.subi %sign3A_194, %sign3A_197 : i32
        %ne3A_199 = arith.cmpi ne, %sign3A_191, %sign3A_198 : i32
        %rem3A_200 = arith.remsi %sub3A_182, %jit3A_183 : i32
        %ne3A_201 = arith.constant 0 : i32
        %ne3A_202 = arith.cmpi ne, %rem3A_200, %ne3A_201 : i32
        %and3A_203 = arith.andi %ne3A_199, %ne3A_202 : i1
        %sub3A_204 = arith.constant 1 : i32
        %sub3A_205 = arith.subi %div3A_184, %sub3A_204 : i32
        %select_n3A_206 = arith.select %and3A_203, %sub3A_205, %div3A_184 : i32
        %sub3A_207 = arith.constant 1 : i32
        %sub3A_208 = arith.subi %select_n3A_180, %sub3A_207 : i32
        %select_n3A_209 = arith.select %gt3A, %select_n3A_206, %sub3A_208 : i32
        %add3A_210 = arith.constant 0 : i32
        %add3A_211 = vector.broadcast %add3A_210 : i32 to vector<16xi32>
        %add3A_212 = arith.addi %iota3A, %add3A_211 : vector<16xi32>
        %gt3A_213 = vector.broadcast %select_n3A_180 : i32 to vector<16xi32>
        %gt3A_214 = arith.cmpi sgt, %add3A_212, %gt3A_213 : vector<16xi32>
        %lt3A_215 = vector.broadcast %select_n3A_209 : i32 to vector<16xi32>
        %lt3A_216 = arith.cmpi slt, %add3A_212, %lt3A_215 : vector<16xi32>
        %and3A_217 = arith.andi %gt3A_214, %lt3A_216 : vector<16xi1>
        %get3A_218 = arith.constant 0 : index
        %get3A_219 = tpu.vector_load %arg18[%get3A_218] {strides = array<i32>} : memref<512xf32, #tpu.memory_space<vmem>>, vector<16xf32>,
        %select_n3A_220 = arith.select %and3A_217, %get3A_219, %broadcast_in_dim3A_0 : vector<16xi1>, vector<16xf32>
        %swap3A_221 = arith.constant 0 : index
        %swap3A_222 = tpu.vector_load %arg8[%swap3A_221] {strides = array<i32>} : memref<512xf32, #tpu.memory_space<vmem>>, vector<16xf32>,
        tpu.vector_store %arg8[%swap3A_221], %select_n3A_220 {strides = array<i32>} : memref<512xf32, #tpu.memory_space<vmem>>, vector<16xf32>,
        %get3A_223 = arith.constant 0 : index
        %get3A_224 = tpu.vector_load %arg17[%get3A_223] {strides = array<i32>} : memref<512xi32, #tpu.memory_space<vmem>>, vector<16xi32>,
        %swap3A_225 = arith.constant 0 : index
        %swap3A_226 = tpu.vector_load %arg9[%swap3A_225] {strides = array<i32>} : memref<512xi32, #tpu.memory_space<vmem>>, vector<16xi32>,
        tpu.vector_store %arg9[%swap3A_225], %get3A_224 {strides = array<i32>} : memref<512xi32, #tpu.memory_space<vmem>>, vector<16xi32>,
        %add3A_227 = arith.constant 16 : i32
        %add3A_228 = vector.broadcast %add3A_227 : i32 to vector<16xi32>
        %add3A_229 = arith.addi %iota3A, %add3A_228 : vector<16xi32>
        %gt3A_230 = vector.broadcast %select_n3A_180 : i32 to vector<16xi32>
        %gt3A_231 = arith.cmpi sgt, %add3A_229, %gt3A_230 : vector<16xi32>
        %lt3A_232 = vector.broadcast %select_n3A_209 : i32 to vector<16xi32>
        %lt3A_233 = arith.cmpi slt, %add3A_229, %lt3A_232 : vector<16xi32>
        %and3A_234 = arith.andi %gt3A_231, %lt3A_233 : vector<16xi1>
        %get3A_235 = arith.constant 16 : index
        %get3A_236 = tpu.vector_load %arg18[%get3A_235] {strides = array<i32>} : memref<512xf32, #tpu.memory_space<vmem>>, vector<16xf32>,
        %select_n3A_237 = arith.select %and3A_234, %get3A_236, %broadcast_in_dim3A_0 : vector<16xi1>, vector<16xf32>
        %swap3A_238 = arith.constant 16 : index
        %swap3A_239 = tpu.vector_load %arg8[%swap3A_238] {strides = array<i32>} : memref<512xf32, #tpu.memory_space<vmem>>, vector<16xf32>,
        tpu.vector_store %arg8[%swap3A_238], %select_n3A_237 {strides = array<i32>} : memref<512xf32, #tpu.memory_space<vmem>>, vector<16xf32>,
        %get3A_240 = arith.constant 16 : index
        %get3A_241 = tpu.vector_load %arg17[%get3A_240] {strides = array<i32>} : memref<512xi32, #tpu.memory_space<vmem>>, vector<16xi32>,
        %swap3A_242 = arith.constant 16 : index
        %swap3A_243 = tpu.vector_load %arg9[%swap3A_242] {strides = array<i32>} : memref<512xi32, #tpu.memory_space<vmem>>, vector<16xi32>,
        tpu.vector_store %arg9[%swap3A_242], %get3A_241 {strides = array<i32>} : memref<512xi32, #tpu.memory_space<vmem>>, vector<16xi32>,
        %add3A_244 = arith.constant 32 : i32
        %add3A_245 = vector.broadcast %add3A_244 : i32 to vector<16xi32>
        %add3A_246 = arith.addi %iota3A, %add3A_245 : vector<16xi32>
        %gt3A_247 = vector.broadcast %select_n3A_180 : i32 to vector<16xi32>
        %gt3A_248 = arith.cmpi sgt, %add3A_246, %gt3A_247 : vector<16xi32>
        %lt3A_249 = vector.broadcast %select_n3A_209 : i32 to vector<16xi32>
        %lt3A_250 = arith.cmpi slt, %add3A_246, %lt3A_249 : vector<16xi32>
        %and3A_251 = arith.andi %gt3A_248, %lt3A_250 : vector<16xi1>
        %get3A_252 = arith.constant 32 : index
        %get3A_253 = tpu.vector_load %arg18[%get3A_252] {strides = array<i32>} : memref<512xf32, #tpu.memory_space<vmem>>, vector<16xf32>,
        %select_n3A_254 = arith.select %and3A_251, %get3A_253, %broadcast_in_dim3A_0 : vector<16xi1>, vector<16xf32>
        %swap3A_255 = arith.constant 32 : index
        %swap3A_256 = tpu.vector_load %arg8[%swap3A_255] {strides = array<i32>} : memref<512xf32, #tpu.memory_space<vmem>>, vector<16xf32>,
        tpu.vector_store %arg8[%swap3A_255], %select_n3A_254 {strides = array<i32>} : memref<512xf32, #tpu.memory_space<vmem>>, vector<16xf32>,
        %get3A_257 = arith.constant 32 : index
        %get3A_258 = tpu.vector_load %arg17[%get3A_257] {strides = array<i32>} : memref<512xi32, #tpu.memory_space<vmem>>, vector<16xi32>,
        %swap3A_259 = arith.constant 32 : index
        %swap3A_260 = tpu.vector_load %arg9[%swap3A_259] {strides = array<i32>} : memref<512xi32, #tpu.memory_space<vmem>>, vector<16xi32>,
        tpu.vector_store %arg9[%swap3A_259], %get3A_258 {strides = array<i32>} : memref<512xi32, #tpu.memory_space<vmem>>, vector<16xi32>,
        %add3A_261 = arith.constant 48 : i32
        %add3A_262 = vector.broadcast %add3A_261 : i32 to vector<16xi32>
        %add3A_263 = arith.addi %iota3A, %add3A_262 : vector<16xi32>
        %gt3A_264 = vector.broadcast %select_n3A_180 : i32 to vector<16xi32>
        %gt3A_265 = arith.cmpi sgt, %add3A_263, %gt3A_264 : vector<16xi32>
        %lt3A_266 = vector.broadcast %select_n3A_209 : i32 to vector<16xi32>
        %lt3A_267 = arith.cmpi slt, %add3A_263, %lt3A_266 : vector<16xi32>
        %and3A_268 = arith.andi %gt3A_265, %lt3A_267 : vector<16xi1>
        %get3A_269 = arith.constant 48 : index
        %get3A_270 = tpu.vector_load %arg18[%get3A_269] {strides = array<i32>} : memref<512xf32, #tpu.memory_space<vmem>>, vector<16xf32>,
        %select_n3A_271 = arith.select %and3A_268, %get3A_270, %broadcast_in_dim3A_0 : vector<16xi1>, vector<16xf32>
        %swap3A_272 = arith.constant 48 : index
        %swap3A_273 = tpu.vector_load %arg8[%swap3A_272] {strides = array<i32>} : memref<512xf32, #tpu.memory_space<vmem>>, vector<16xf32>,
        tpu.vector_store %arg8[%swap3A_272], %select_n3A_271 {strides = array<i32>} : memref<512xf32, #tpu.memory_space<vmem>>, vector<16xf32>,
        %get3A_274 = arith.constant 48 : index
        %get3A_275 = tpu.vector_load %arg17[%get3A_274] {strides = array<i32>} : memref<512xi32, #tpu.memory_space<vmem>>, vector<16xi32>,
        %swap3A_276 = arith.constant 48 : index
        %swap3A_277 = tpu.vector_load %arg9[%swap3A_276] {strides = array<i32>} : memref<512xi32, #tpu.memory_space<vmem>>, vector<16xi32>,
        tpu.vector_store %arg9[%swap3A_276], %get3A_275 {strides = array<i32>} : memref<512xi32, #tpu.memory_space<vmem>>, vector<16xi32>,
        %add3A_278 = arith.constant 64 : i32
        %add3A_279 = vector.broadcast %add3A_278 : i32 to vector<16xi32>
        %add3A_280 = arith.addi %iota3A, %add3A_279 : vector<16xi32>
        %gt3A_281 = vector.broadcast %select_n3A_180 : i32 to vector<16xi32>
        %gt3A_282 = arith.cmpi sgt, %add3A_280, %gt3A_281 : vector<16xi32>
        %lt3A_283 = vector.broadcast %select_n3A_209 : i32 to vector<16xi32>
        %lt3A_284 = arith.cmpi slt, %add3A_280, %lt3A_283 : vector<16xi32>
        %and3A_285 = arith.andi %gt3A_282, %lt3A_284 : vector<16xi1>
        %get3A_286 = arith.constant 64 : index
        %get3A_287 = tpu.vector_load %arg18[%get3A_286] {strides = array<i32>} : memref<512xf32, #tpu.memory_space<vmem>>, vector<16xf32>,
        %select_n3A_288 = arith.select %and3A_285, %get3A_287, %broadcast_in_dim3A_0 : vector<16xi1>, vector<16xf32>
        %swap3A_289 = arith.constant 64 : index
        %swap3A_290 = tpu.vector_load %arg8[%swap3A_289] {strides = array<i32>} : memref<512xf32, #tpu.memory_space<vmem>>, vector<16xf32>,
        tpu.vector_store %arg8[%swap3A_289], %select_n3A_288 {strides = array<i32>} : memref<512xf32, #tpu.memory_space<vmem>>, vector<16xf32>,
        %get3A_291 = arith.constant 64 : index
        %get3A_292 = tpu.vector_load %arg17[%get3A_291] {strides = array<i32>} : memref<512xi32, #tpu.memory_space<vmem>>, vector<16xi32>,
        %swap3A_293 = arith.constant 64 : index
        %swap3A_294 = tpu.vector_load %arg9[%swap3A_293] {strides = array<i32>} : memref<512xi32, #tpu.memory_space<vmem>>, vector<16xi32>,
        tpu.vector_store %arg9[%swap3A_293], %get3A_292 {strides = array<i32>} : memref<512xi32, #tpu.memory_space<vmem>>, vector<16xi32>,
        %add3A_295 = arith.constant 80 : i32
        %add3A_296 = vector.broadcast %add3A_295 : i32 to vector<16xi32>
        %add3A_297 = arith.addi %iota3A, %add3A_296 : vector<16xi32>
        %gt3A_298 = vector.broadcast %select_n3A_180 : i32 to vector<16xi32>
        %gt3A_299 = arith.cmpi sgt, %add3A_297, %gt3A_298 : vector<16xi32>
        %lt3A_300 = vector.broadcast %select_n3A_209 : i32 to vector<16xi32>
        %lt3A_301 = arith.cmpi slt, %add3A_297, %lt3A_300 : vector<16xi32>
        %and3A_302 = arith.andi %gt3A_299, %lt3A_301 : vector<16xi1>
        %get3A_303 = arith.constant 80 : index
        %get3A_304 = tpu.vector_load %arg18[%get3A_303] {strides = array<i32>} : memref<512xf32, #tpu.memory_space<vmem>>, vector<16xf32>,
        %select_n3A_305 = arith.select %and3A_302, %get3A_304, %broadcast_in_dim3A_0 : vector<16xi1>, vector<16xf32>
        %swap3A_306 = arith.constant 80 : index
        %swap3A_307 = tpu.vector_load %arg8[%swap3A_306] {strides = array<i32>} : memref<512xf32, #tpu.memory_space<vmem>>, vector<16xf32>,
        tpu.vector_store %arg8[%swap3A_306], %select_n3A_305 {strides = array<i32>} : memref<512xf32, #tpu.memory_space<vmem>>, vector<16xf32>,
        %get3A_308 = arith.constant 80 : index
        %get3A_309 = tpu.vector_load %arg17[%get3A_308] {strides = array<i32>} : memref<512xi32, #tpu.memory_space<vmem>>, vector<16xi32>,
        %swap3A_310 = arith.constant 80 : index
        %swap3A_311 = tpu.vector_load %arg9[%swap3A_310] {strides = array<i32>} : memref<512xi32, #tpu.memory_space<vmem>>, vector<16xi32>,
        tpu.vector_store %arg9[%swap3A_310], %get3A_309 {strides = array<i32>} : memref<512xi32, #tpu.memory_space<vmem>>, vector<16xi32>,
        %add3A_312 = arith.constant 96 : i32
        %add3A_313 = vector.broadcast %add3A_312 : i32 to vector<16xi32>
        %add3A_314 = arith.addi %iota3A, %add3A_313 : vector<16xi32>
        %gt3A_315 = vector.broadcast %select_n3A_180 : i32 to vector<16xi32>
        %gt3A_316 = arith.cmpi sgt, %add3A_314, %gt3A_315 : vector<16xi32>
        %lt3A_317 = vector.broadcast %select_n3A_209 : i32 to vector<16xi32>
        %lt3A_318 = arith.cmpi slt, %add3A_314, %lt3A_317 : vector<16xi32>
        %and3A_319 = arith.andi %gt3A_316, %lt3A_318 : vector<16xi1>
        %get3A_320 = arith.constant 96 : index
        %get3A_321 = tpu.vector_load %arg18[%get3A_320] {strides = array<i32>} : memref<512xf32, #tpu.memory_space<vmem>>, vector<16xf32>,
        %select_n3A_322 = arith.select %and3A_319, %get3A_321, %broadcast_in_dim3A_0 : vector<16xi1>, vector<16xf32>
        %swap3A_323 = arith.constant 96 : index
        %swap3A_324 = tpu.vector_load %arg8[%swap3A_323] {strides = array<i32>} : memref<512xf32, #tpu.memory_space<vmem>>, vector<16xf32>,
        tpu.vector_store %arg8[%swap3A_323], %select_n3A_322 {strides = array<i32>} : memref<512xf32, #tpu.memory_space<vmem>>, vector<16xf32>,
        %get3A_325 = arith.constant 96 : index
        %get3A_326 = tpu.vector_load %arg17[%get3A_325] {strides = array<i32>} : memref<512xi32, #tpu.memory_space<vmem>>, vector<16xi32>,
        %swap3A_327 = arith.constant 96 : index
        %swap3A_328 = tpu.vector_load %arg9[%swap3A_327] {strides = array<i32>} : memref<512xi32, #tpu.memory_space<vmem>>, vector<16xi32>,
        tpu.vector_store %arg9[%swap3A_327], %get3A_326 {strides = array<i32>} : memref<512xi32, #tpu.memory_space<vmem>>, vector<16xi32>,
        %add3A_329 = arith.constant 112 : i32
        %add3A_330 = vector.broadcast %add3A_329 : i32 to vector<16xi32>
        %add3A_331 = arith.addi %iota3A, %add3A_330 : vector<16xi32>
        %gt3A_332 = vector.broadcast %select_n3A_180 : i32 to vector<16xi32>
        %gt3A_333 = arith.cmpi sgt, %add3A_331, %gt3A_332 : vector<16xi32>
        %lt3A_334 = vector.broadcast %select_n3A_209 : i32 to vector<16xi32>
        %lt3A_335 = arith.cmpi slt, %add3A_331, %lt3A_334 : vector<16xi32>
        %and3A_336 = arith.andi %gt3A_333, %lt3A_335 : vector<16xi1>
        %get3A_337 = arith.constant 112 : index
        %get3A_338 = tpu.vector_load %arg18[%get3A_337] {strides = array<i32>} : memref<512xf32, #tpu.memory_space<vmem>>, vector<16xf32>,
        %select_n3A_339 = arith.select %and3A_336, %get3A_338, %broadcast_in_dim3A_0 : vector<16xi1>, vector<16xf32>
        %swap3A_340 = arith.constant 112 : index
        %swap3A_341 = tpu.vector_load %arg8[%swap3A_340] {strides = array<i32>} : memref<512xf32, #tpu.memory_space<vmem>>, vector<16xf32>,
        tpu.vector_store %arg8[%swap3A_340], %select_n3A_339 {strides = array<i32>} : memref<512xf32, #tpu.memory_space<vmem>>, vector<16xf32>,
        %get3A_342 = arith.constant 112 : index
        %get3A_343 = tpu.vector_load %arg17[%get3A_342] {strides = array<i32>} : memref<512xi32, #tpu.memory_space<vmem>>, vector<16xi32>,
        %swap3A_344 = arith.constant 112 : index
        %swap3A_345 = tpu.vector_load %arg9[%swap3A_344] {strides = array<i32>} : memref<512xi32, #tpu.memory_space<vmem>>, vector<16xi32>,
        tpu.vector_store %arg9[%swap3A_344], %get3A_343 {strides = array<i32>} : memref<512xi32, #tpu.memory_space<vmem>>, vector<16xi32>,
        %add3A_346 = arith.constant 128 : i32
        %add3A_347 = vector.broadcast %add3A_346 : i32 to vector<16xi32>
        %add3A_348 = arith.addi %iota3A, %add3A_347 : vector<16xi32>
        %gt3A_349 = vector.broadcast %select_n3A_180 : i32 to vector<16xi32>
        %gt3A_350 = arith.cmpi sgt, %add3A_348, %gt3A_349 : vector<16xi32>
        %lt3A_351 = vector.broadcast %select_n3A_209 : i32 to vector<16xi32>
        %lt3A_352 = arith.cmpi slt, %add3A_348, %lt3A_351 : vector<16xi32>
        %and3A_353 = arith.andi %gt3A_350, %lt3A_352 : vector<16xi1>
        %get3A_354 = arith.constant 128 : index
        %get3A_355 = tpu.vector_load %arg18[%get3A_354] {strides = array<i32>} : memref<512xf32, #tpu.memory_space<vmem>>, vector<16xf32>,
        %select_n3A_356 = arith.select %and3A_353, %get3A_355, %broadcast_in_dim3A_0 : vector<16xi1>, vector<16xf32>
        %swap3A_357 = arith.constant 128 : index
        %swap3A_358 = tpu.vector_load %arg8[%swap3A_357] {strides = array<i32>} : memref<512xf32, #tpu.memory_space<vmem>>, vector<16xf32>,
        tpu.vector_store %arg8[%swap3A_357], %select_n3A_356 {strides = array<i32>} : memref<512xf32, #tpu.memory_space<vmem>>, vector<16xf32>,
        %get3A_359 = arith.constant 128 : index
        %get3A_360 = tpu.vector_load %arg17[%get3A_359] {strides = array<i32>} : memref<512xi32, #tpu.memory_space<vmem>>, vector<16xi32>,
        %swap3A_361 = arith.constant 128 : index
        %swap3A_362 = tpu.vector_load %arg9[%swap3A_361] {strides = array<i32>} : memref<512xi32, #tpu.memory_space<vmem>>, vector<16xi32>,
        tpu.vector_store %arg9[%swap3A_361], %get3A_360 {strides = array<i32>} : memref<512xi32, #tpu.memory_space<vmem>>, vector<16xi32>,
        %add3A_363 = arith.constant 144 : i32
        %add3A_364 = vector.broadcast %add3A_363 : i32 to vector<16xi32>
        %add3A_365 = arith.addi %iota3A, %add3A_364 : vector<16xi32>
        %gt3A_366 = vector.broadcast %select_n3A_180 : i32 to vector<16xi32>
        %gt3A_367 = arith.cmpi sgt, %add3A_365, %gt3A_366 : vector<16xi32>
        %lt3A_368 = vector.broadcast %select_n3A_209 : i32 to vector<16xi32>
        %lt3A_369 = arith.cmpi slt, %add3A_365, %lt3A_368 : vector<16xi32>
        %and3A_370 = arith.andi %gt3A_367, %lt3A_369 : vector<16xi1>
        %get3A_371 = arith.constant 144 : index
        %get3A_372 = tpu.vector_load %arg18[%get3A_371] {strides = array<i32>} : memref<512xf32, #tpu.memory_space<vmem>>, vector<16xf32>,
        %select_n3A_373 = arith.select %and3A_370, %get3A_372, %broadcast_in_dim3A_0 : vector<16xi1>, vector<16xf32>
        %swap3A_374 = arith.constant 144 : index
        %swap3A_375 = tpu.vector_load %arg8[%swap3A_374] {strides = array<i32>} : memref<512xf32, #tpu.memory_space<vmem>>, vector<16xf32>,
        tpu.vector_store %arg8[%swap3A_374], %select_n3A_373 {strides = array<i32>} : memref<512xf32, #tpu.memory_space<vmem>>, vector<16xf32>,
        %get3A_376 = arith.constant 144 : index
        %get3A_377 = tpu.vector_load %arg17[%get3A_376] {strides = array<i32>} : memref<512xi32, #tpu.memory_space<vmem>>, vector<16xi32>,
        %swap3A_378 = arith.constant 144 : index
        %swap3A_379 = tpu.vector_load %arg9[%swap3A_378] {strides = array<i32>} : memref<512xi32, #tpu.memory_space<vmem>>, vector<16xi32>,
        tpu.vector_store %arg9[%swap3A_378], %get3A_377 {strides = array<i32>} : memref<512xi32, #tpu.memory_space<vmem>>, vector<16xi32>,
        %add3A_380 = arith.constant 160 : i32
        %add3A_381 = vector.broadcast %add3A_380 : i32 to vector<16xi32>
        %add3A_382 = arith.addi %iota3A, %add3A_381 : vector<16xi32>
        %gt3A_383 = vector.broadcast %select_n3A_180 : i32 to vector<16xi32>
        %gt3A_384 = arith.cmpi sgt, %add3A_382, %gt3A_383 : vector<16xi32>
        %lt3A_385 = vector.broadcast %select_n3A_209 : i32 to vector<16xi32>
        %lt3A_386 = arith.cmpi slt, %add3A_382, %lt3A_385 : vector<16xi32>
        %and3A_387 = arith.andi %gt3A_384, %lt3A_386 : vector<16xi1>
        %get3A_388 = arith.constant 160 : index
        %get3A_389 = tpu.vector_load %arg18[%get3A_388] {strides = array<i32>} : memref<512xf32, #tpu.memory_space<vmem>>, vector<16xf32>,
        %select_n3A_390 = arith.select %and3A_387, %get3A_389, %broadcast_in_dim3A_0 : vector<16xi1>, vector<16xf32>
        %swap3A_391 = arith.constant 160 : index
        %swap3A_392 = tpu.vector_load %arg8[%swap3A_391] {strides = array<i32>} : memref<512xf32, #tpu.memory_space<vmem>>, vector<16xf32>,
        tpu.vector_store %arg8[%swap3A_391], %select_n3A_390 {strides = array<i32>} : memref<512xf32, #tpu.memory_space<vmem>>, vector<16xf32>,
        %get3A_393 = arith.constant 160 : index
        %get3A_394 = tpu.vector_load %arg17[%get3A_393] {strides = array<i32>} : memref<512xi32, #tpu.memory_space<vmem>>, vector<16xi32>,
        %swap3A_395 = arith.constant 160 : index
        %swap3A_396 = tpu.vector_load %arg9[%swap3A_395] {strides = array<i32>} : memref<512xi32, #tpu.memory_space<vmem>>, vector<16xi32>,
        tpu.vector_store %arg9[%swap3A_395], %get3A_394 {strides = array<i32>} : memref<512xi32, #tpu.memory_space<vmem>>, vector<16xi32>,
        %add3A_397 = arith.constant 176 : i32
        %add3A_398 = vector.broadcast %add3A_397 : i32 to vector<16xi32>
        %add3A_399 = arith.addi %iota3A, %add3A_398 : vector<16xi32>
        %gt3A_400 = vector.broadcast %select_n3A_180 : i32 to vector<16xi32>
        %gt3A_401 = arith.cmpi sgt, %add3A_399, %gt3A_400 : vector<16xi32>
        %lt3A_402 = vector.broadcast %select_n3A_209 : i32 to vector<16xi32>
        %lt3A_403 = arith.cmpi slt, %add3A_399, %lt3A_402 : vector<16xi32>
        %and3A_404 = arith.andi %gt3A_401, %lt3A_403 : vector<16xi1>
        %get3A_405 = arith.constant 176 : index
        %get3A_406 = tpu.vector_load %arg18[%get3A_405] {strides = array<i32>} : memref<512xf32, #tpu.memory_space<vmem>>, vector<16xf32>,
        %select_n3A_407 = arith.select %and3A_404, %get3A_406, %broadcast_in_dim3A_0 : vector<16xi1>, vector<16xf32>
        %swap3A_408 = arith.constant 176 : index
        %swap3A_409 = tpu.vector_load %arg8[%swap3A_408] {strides = array<i32>} : memref<512xf32, #tpu.memory_space<vmem>>, vector<16xf32>,
        tpu.vector_store %arg8[%swap3A_408], %select_n3A_407 {strides = array<i32>} : memref<512xf32, #tpu.memory_space<vmem>>, vector<16xf32>,
        %get3A_410 = arith.constant 176 : index
        %get3A_411 = tpu.vector_load %arg17[%get3A_410] {strides = array<i32>} : memref<512xi32, #tpu.memory_space<vmem>>, vector<16xi32>,
        %swap3A_412 = arith.constant 176 : index
        %swap3A_413 = tpu.vector_load %arg9[%swap3A_412] {strides = array<i32>} : memref<512xi32, #tpu.memory_space<vmem>>, vector<16xi32>,
        tpu.vector_store %arg9[%swap3A_412], %get3A_411 {strides = array<i32>} : memref<512xi32, #tpu.memory_space<vmem>>, vector<16xi32>,
        %add3A_414 = arith.constant 192 : i32
        %add3A_415 = vector.broadcast %add3A_414 : i32 to vector<16xi32>
        %add3A_416 = arith.addi %iota3A, %add3A_415 : vector<16xi32>
        %gt3A_417 = vector.broadcast %select_n3A_180 : i32 to vector<16xi32>
        %gt3A_418 = arith.cmpi sgt, %add3A_416, %gt3A_417 : vector<16xi32>
        %lt3A_419 = vector.broadcast %select_n3A_209 : i32 to vector<16xi32>
        %lt3A_420 = arith.cmpi slt, %add3A_416, %lt3A_419 : vector<16xi32>
        %and3A_421 = arith.andi %gt3A_418, %lt3A_420 : vector<16xi1>
        %get3A_422 = arith.constant 192 : index
        %get3A_423 = tpu.vector_load %arg18[%get3A_422] {strides = array<i32>} : memref<512xf32, #tpu.memory_space<vmem>>, vector<16xf32>,
        %select_n3A_424 = arith.select %and3A_421, %get3A_423, %broadcast_in_dim3A_0 : vector<16xi1>, vector<16xf32>
        %swap3A_425 = arith.constant 192 : index
        %swap3A_426 = tpu.vector_load %arg8[%swap3A_425] {strides = array<i32>} : memref<512xf32, #tpu.memory_space<vmem>>, vector<16xf32>,
        tpu.vector_store %arg8[%swap3A_425], %select_n3A_424 {strides = array<i32>} : memref<512xf32, #tpu.memory_space<vmem>>, vector<16xf32>,
        %get3A_427 = arith.constant 192 : index
        %get3A_428 = tpu.vector_load %arg17[%get3A_427] {strides = array<i32>} : memref<512xi32, #tpu.memory_space<vmem>>, vector<16xi32>,
        %swap3A_429 = arith.constant 192 : index
        %swap3A_430 = tpu.vector_load %arg9[%swap3A_429] {strides = array<i32>} : memref<512xi32, #tpu.memory_space<vmem>>, vector<16xi32>,
        tpu.vector_store %arg9[%swap3A_429], %get3A_428 {strides = array<i32>} : memref<512xi32, #tpu.memory_space<vmem>>, vector<16xi32>,
        %add3A_431 = arith.constant 208 : i32
        %add3A_432 = vector.broadcast %add3A_431 : i32 to vector<16xi32>
        %add3A_433 = arith.addi %iota3A, %add3A_432 : vector<16xi32>
        %gt3A_434 = vector.broadcast %select_n3A_180 : i32 to vector<16xi32>
        %gt3A_435 = arith.cmpi sgt, %add3A_433, %gt3A_434 : vector<16xi32>
        %lt3A_436 = vector.broadcast %select_n3A_209 : i32 to vector<16xi32>
        %lt3A_437 = arith.cmpi slt, %add3A_433, %lt3A_436 : vector<16xi32>
        %and3A_438 = arith.andi %gt3A_435, %lt3A_437 : vector<16xi1>
        %get3A_439 = arith.constant 208 : index
        %get3A_440 = tpu.vector_load %arg18[%get3A_439] {strides = array<i32>} : memref<512xf32, #tpu.memory_space<vmem>>, vector<16xf32>,
        %select_n3A_441 = arith.select %and3A_438, %get3A_440, %broadcast_in_dim3A_0 : vector<16xi1>, vector<16xf32>
        %swap3A_442 = arith.constant 208 : index
        %swap3A_443 = tpu.vector_load %arg8[%swap3A_442] {strides = array<i32>} : memref<512xf32, #tpu.memory_space<vmem>>, vector<16xf32>,
        tpu.vector_store %arg8[%swap3A_442], %select_n3A_441 {strides = array<i32>} : memref<512xf32, #tpu.memory_space<vmem>>, vector<16xf32>,
        %get3A_444 = arith.constant 208 : index
        %get3A_445 = tpu.vector_load %arg17[%get3A_444] {strides = array<i32>} : memref<512xi32, #tpu.memory_space<vmem>>, vector<16xi32>,
        %swap3A_446 = arith.constant 208 : index
        %swap3A_447 = tpu.vector_load %arg9[%swap3A_446] {strides = array<i32>} : memref<512xi32, #tpu.memory_space<vmem>>, vector<16xi32>,
        tpu.vector_store %arg9[%swap3A_446], %get3A_445 {strides = array<i32>} : memref<512xi32, #tpu.memory_space<vmem>>, vector<16xi32>,
        %add3A_448 = arith.constant 224 : i32
        %add3A_449 = vector.broadcast %add3A_448 : i32 to vector<16xi32>
        %add3A_450 = arith.addi %iota3A, %add3A_449 : vector<16xi32>
        %gt3A_451 = vector.broadcast %select_n3A_180 : i32 to vector<16xi32>
        %gt3A_452 = arith.cmpi sgt, %add3A_450, %gt3A_451 : vector<16xi32>
        %lt3A_453 = vector.broadcast %select_n3A_209 : i32 to vector<16xi32>
        %lt3A_454 = arith.cmpi slt, %add3A_450, %lt3A_453 : vector<16xi32>
        %and3A_455 = arith.andi %gt3A_452, %lt3A_454 : vector<16xi1>
        %get3A_456 = arith.constant 224 : index
        %get3A_457 = tpu.vector_load %arg18[%get3A_456] {strides = array<i32>} : memref<512xf32, #tpu.memory_space<vmem>>, vector<16xf32>,
        %select_n3A_458 = arith.select %and3A_455, %get3A_457, %broadcast_in_dim3A_0 : vector<16xi1>, vector<16xf32>
        %swap3A_459 = arith.constant 224 : index
        %swap3A_460 = tpu.vector_load %arg8[%swap3A_459] {strides = array<i32>} : memref<512xf32, #tpu.memory_space<vmem>>, vector<16xf32>,
        tpu.vector_store %arg8[%swap3A_459], %select_n3A_458 {strides = array<i32>} : memref<512xf32, #tpu.memory_space<vmem>>, vector<16xf32>,
        %get3A_461 = arith.constant 224 : index
        %get3A_462 = tpu.vector_load %arg17[%get3A_461] {strides = array<i32>} : memref<512xi32, #tpu.memory_space<vmem>>, vector<16xi32>,
        %swap3A_463 = arith.constant 224 : index
        %swap3A_464 = tpu.vector_load %arg9[%swap3A_463] {strides = array<i32>} : memref<512xi32, #tpu.memory_space<vmem>>, vector<16xi32>,
        tpu.vector_store %arg9[%swap3A_463], %get3A_462 {strides = array<i32>} : memref<512xi32, #tpu.memory_space<vmem>>, vector<16xi32>,
        %add3A_465 = arith.constant 240 : i32
        %add3A_466 = vector.broadcast %add3A_465 : i32 to vector<16xi32>
        %add3A_467 = arith.addi %iota3A, %add3A_466 : vector<16xi32>
        %gt3A_468 = vector.broadcast %select_n3A_180 : i32 to vector<16xi32>
        %gt3A_469 = arith.cmpi sgt, %add3A_467, %gt3A_468 : vector<16xi32>
        %lt3A_470 = vector.broadcast %select_n3A_209 : i32 to vector<16xi32>
        %lt3A_471 = arith.cmpi slt, %add3A_467, %lt3A_470 : vector<16xi32>
        %and3A_472 = arith.andi %gt3A_469, %lt3A_471 : vector<16xi1>
        %get3A_473 = arith.constant 240 : index
        %get3A_474 = tpu.vector_load %arg18[%get3A_473] {strides = array<i32>} : memref<512xf32, #tpu.memory_space<vmem>>, vector<16xf32>,
        %select_n3A_475 = arith.select %and3A_472, %get3A_474, %broadcast_in_dim3A_0 : vector<16xi1>, vector<16xf32>
        %swap3A_476 = arith.constant 240 : index
        %swap3A_477 = tpu.vector_load %arg8[%swap3A_476] {strides = array<i32>} : memref<512xf32, #tpu.memory_space<vmem>>, vector<16xf32>,
        tpu.vector_store %arg8[%swap3A_476], %select_n3A_475 {strides = array<i32>} : memref<512xf32, #tpu.memory_space<vmem>>, vector<16xf32>,
        %get3A_478 = arith.constant 240 : index
        %get3A_479 = tpu.vector_load %arg17[%get3A_478] {strides = array<i32>} : memref<512xi32, #tpu.memory_space<vmem>>, vector<16xi32>,
        %swap3A_480 = arith.constant 240 : index
        %swap3A_481 = tpu.vector_load %arg9[%swap3A_480] {strides = array<i32>} : memref<512xi32, #tpu.memory_space<vmem>>, vector<16xi32>,
        tpu.vector_store %arg9[%swap3A_480], %get3A_479 {strides = array<i32>} : memref<512xi32, #tpu.memory_space<vmem>>, vector<16xi32>,
        %add3A_482 = arith.constant 256 : i32
        %add3A_483 = vector.broadcast %add3A_482 : i32 to vector<16xi32>
        %add3A_484 = arith.addi %iota3A, %add3A_483 : vector<16xi32>
        %gt3A_485 = vector.broadcast %select_n3A_180 : i32 to vector<16xi32>
        %gt3A_486 = arith.cmpi sgt, %add3A_484, %gt3A_485 : vector<16xi32>
        %lt3A_487 = vector.broadcast %select_n3A_209 : i32 to vector<16xi32>
        %lt3A_488 = arith.cmpi slt, %add3A_484, %lt3A_487 : vector<16xi32>
        %and3A_489 = arith.andi %gt3A_486, %lt3A_488 : vector<16xi1>
        %get3A_490 = arith.constant 256 : index
        %get3A_491 = tpu.vector_load %arg18[%get3A_490] {strides = array<i32>} : memref<512xf32, #tpu.memory_space<vmem>>, vector<16xf32>,
        %select_n3A_492 = arith.select %and3A_489, %get3A_491, %broadcast_in_dim3A_0 : vector<16xi1>, vector<16xf32>
        %swap3A_493 = arith.constant 256 : index
        %swap3A_494 = tpu.vector_load %arg8[%swap3A_493] {strides = array<i32>} : memref<512xf32, #tpu.memory_space<vmem>>, vector<16xf32>,
        tpu.vector_store %arg8[%swap3A_493], %select_n3A_492 {strides = array<i32>} : memref<512xf32, #tpu.memory_space<vmem>>, vector<16xf32>,
        %get3A_495 = arith.constant 256 : index
        %get3A_496 = tpu.vector_load %arg17[%get3A_495] {strides = array<i32>} : memref<512xi32, #tpu.memory_space<vmem>>, vector<16xi32>,
        %swap3A_497 = arith.constant 256 : index
        %swap3A_498 = tpu.vector_load %arg9[%swap3A_497] {strides = array<i32>} : memref<512xi32, #tpu.memory_space<vmem>>, vector<16xi32>,
        tpu.vector_store %arg9[%swap3A_497], %get3A_496 {strides = array<i32>} : memref<512xi32, #tpu.memory_space<vmem>>, vector<16xi32>,
        %add3A_499 = arith.constant 272 : i32
        %add3A_500 = vector.broadcast %add3A_499 : i32 to vector<16xi32>
        %add3A_501 = arith.addi %iota3A, %add3A_500 : vector<16xi32>
        %gt3A_502 = vector.broadcast %select_n3A_180 : i32 to vector<16xi32>
        %gt3A_503 = arith.cmpi sgt, %add3A_501, %gt3A_502 : vector<16xi32>
        %lt3A_504 = vector.broadcast %select_n3A_209 : i32 to vector<16xi32>
        %lt3A_505 = arith.cmpi slt, %add3A_501, %lt3A_504 : vector<16xi32>
        %and3A_506 = arith.andi %gt3A_503, %lt3A_505 : vector<16xi1>
        %get3A_507 = arith.constant 272 : index
        %get3A_508 = tpu.vector_load %arg18[%get3A_507] {strides = array<i32>} : memref<512xf32, #tpu.memory_space<vmem>>, vector<16xf32>,
        %select_n3A_509 = arith.select %and3A_506, %get3A_508, %broadcast_in_dim3A_0 : vector<16xi1>, vector<16xf32>
        %swap3A_510 = arith.constant 272 : index
        %swap3A_511 = tpu.vector_load %arg8[%swap3A_510] {strides = array<i32>} : memref<512xf32, #tpu.memory_space<vmem>>, vector<16xf32>,
        tpu.vector_store %arg8[%swap3A_510], %select_n3A_509 {strides = array<i32>} : memref<512xf32, #tpu.memory_space<vmem>>, vector<16xf32>,
        %get3A_512 = arith.constant 272 : index
        %get3A_513 = tpu.vector_load %arg17[%get3A_512] {strides = array<i32>} : memref<512xi32, #tpu.memory_space<vmem>>, vector<16xi32>,
        %swap3A_514 = arith.constant 272 : index
        %swap3A_515 = tpu.vector_load %arg9[%swap3A_514] {strides = array<i32>} : memref<512xi32, #tpu.memory_space<vmem>>, vector<16xi32>,
        tpu.vector_store %arg9[%swap3A_514], %get3A_513 {strides = array<i32>} : memref<512xi32, #tpu.memory_space<vmem>>, vector<16xi32>,
        %add3A_516 = arith.constant 288 : i32
        %add3A_517 = vector.broadcast %add3A_516 : i32 to vector<16xi32>
        %add3A_518 = arith.addi %iota3A, %add3A_517 : vector<16xi32>
        %gt3A_519 = vector.broadcast %select_n3A_180 : i32 to vector<16xi32>
        %gt3A_520 = arith.cmpi sgt, %add3A_518, %gt3A_519 : vector<16xi32>
        %lt3A_521 = vector.broadcast %select_n3A_209 : i32 to vector<16xi32>
        %lt3A_522 = arith.cmpi slt, %add3A_518, %lt3A_521 : vector<16xi32>
        %and3A_523 = arith.andi %gt3A_520, %lt3A_522 : vector<16xi1>
        %get3A_524 = arith.constant 288 : index
        %get3A_525 = tpu.vector_load %arg18[%get3A_524] {strides = array<i32>} : memref<512xf32, #tpu.memory_space<vmem>>, vector<16xf32>,
        %select_n3A_526 = arith.select %and3A_523, %get3A_525, %broadcast_in_dim3A_0 : vector<16xi1>, vector<16xf32>
        %swap3A_527 = arith.constant 288 : index
        %swap3A_528 = tpu.vector_load %arg8[%swap3A_527] {strides = array<i32>} : memref<512xf32, #tpu.memory_space<vmem>>, vector<16xf32>,
        tpu.vector_store %arg8[%swap3A_527], %select_n3A_526 {strides = array<i32>} : memref<512xf32, #tpu.memory_space<vmem>>, vector<16xf32>,
        %get3A_529 = arith.constant 288 : index
        %get3A_530 = tpu.vector_load %arg17[%get3A_529] {strides = array<i32>} : memref<512xi32, #tpu.memory_space<vmem>>, vector<16xi32>,
        %swap3A_531 = arith.constant 288 : index
        %swap3A_532 = tpu.vector_load %arg9[%swap3A_531] {strides = array<i32>} : memref<512xi32, #tpu.memory_space<vmem>>, vector<16xi32>,
        tpu.vector_store %arg9[%swap3A_531], %get3A_530 {strides = array<i32>} : memref<512xi32, #tpu.memory_space<vmem>>, vector<16xi32>,
        %add3A_533 = arith.constant 304 : i32
        %add3A_534 = vector.broadcast %add3A_533 : i32 to vector<16xi32>
        %add3A_535 = arith.addi %iota3A, %add3A_534 : vector<16xi32>
        %gt3A_536 = vector.broadcast %select_n3A_180 : i32 to vector<16xi32>
        %gt3A_537 = arith.cmpi sgt, %add3A_535, %gt3A_536 : vector<16xi32>
        %lt3A_538 = vector.broadcast %select_n3A_209 : i32 to vector<16xi32>
        %lt3A_539 = arith.cmpi slt, %add3A_535, %lt3A_538 : vector<16xi32>
        %and3A_540 = arith.andi %gt3A_537, %lt3A_539 : vector<16xi1>
        %get3A_541 = arith.constant 304 : index
        %get3A_542 = tpu.vector_load %arg18[%get3A_541] {strides = array<i32>} : memref<512xf32, #tpu.memory_space<vmem>>, vector<16xf32>,
        %select_n3A_543 = arith.select %and3A_540, %get3A_542, %broadcast_in_dim3A_0 : vector<16xi1>, vector<16xf32>
        %swap3A_544 = arith.constant 304 : index
        %swap3A_545 = tpu.vector_load %arg8[%swap3A_544] {strides = array<i32>} : memref<512xf32, #tpu.memory_space<vmem>>, vector<16xf32>,
        tpu.vector_store %arg8[%swap3A_544], %select_n3A_543 {strides = array<i32>} : memref<512xf32, #tpu.memory_space<vmem>>, vector<16xf32>,
        %get3A_546 = arith.constant 304 : index
        %get3A_547 = tpu.vector_load %arg17[%get3A_546] {strides = array<i32>} : memref<512xi32, #tpu.memory_space<vmem>>, vector<16xi32>,
        %swap3A_548 = arith.constant 304 : index
        %swap3A_549 = tpu.vector_load %arg9[%swap3A_548] {strides = array<i32>} : memref<512xi32, #tpu.memory_space<vmem>>, vector<16xi32>,
        tpu.vector_store %arg9[%swap3A_548], %get3A_547 {strides = array<i32>} : memref<512xi32, #tpu.memory_space<vmem>>, vector<16xi32>,
        %add3A_550 = arith.constant 320 : i32
        %add3A_551 = vector.broadcast %add3A_550 : i32 to vector<16xi32>
        %add3A_552 = arith.addi %iota3A, %add3A_551 : vector<16xi32>
        %gt3A_553 = vector.broadcast %select_n3A_180 : i32 to vector<16xi32>
        %gt3A_554 = arith.cmpi sgt, %add3A_552, %gt3A_553 : vector<16xi32>
        %lt3A_555 = vector.broadcast %select_n3A_209 : i32 to vector<16xi32>
        %lt3A_556 = arith.cmpi slt, %add3A_552, %lt3A_555 : vector<16xi32>
        %and3A_557 = arith.andi %gt3A_554, %lt3A_556 : vector<16xi1>
        %get3A_558 = arith.constant 320 : index
        %get3A_559 = tpu.vector_load %arg18[%get3A_558] {strides = array<i32>} : memref<512xf32, #tpu.memory_space<vmem>>, vector<16xf32>,
        %select_n3A_560 = arith.select %and3A_557, %get3A_559, %broadcast_in_dim3A_0 : vector<16xi1>, vector<16xf32>
        %swap3A_561 = arith.constant 320 : index
        %swap3A_562 = tpu.vector_load %arg8[%swap3A_561] {strides = array<i32>} : memref<512xf32, #tpu.memory_space<vmem>>, vector<16xf32>,
        tpu.vector_store %arg8[%swap3A_561], %select_n3A_560 {strides = array<i32>} : memref<512xf32, #tpu.memory_space<vmem>>, vector<16xf32>,
        %get3A_563 = arith.constant 320 : index
        %get3A_564 = tpu.vector_load %arg17[%get3A_563] {strides = array<i32>} : memref<512xi32, #tpu.memory_space<vmem>>, vector<16xi32>,
        %swap3A_565 = arith.constant 320 : index
        %swap3A_566 = tpu.vector_load %arg9[%swap3A_565] {strides = array<i32>} : memref<512xi32, #tpu.memory_space<vmem>>, vector<16xi32>,
        tpu.vector_store %arg9[%swap3A_565], %get3A_564 {strides = array<i32>} : memref<512xi32, #tpu.memory_space<vmem>>, vector<16xi32>,
        %add3A_567 = arith.constant 336 : i32
        %add3A_568 = vector.broadcast %add3A_567 : i32 to vector<16xi32>
        %add3A_569 = arith.addi %iota3A, %add3A_568 : vector<16xi32>
        %gt3A_570 = vector.broadcast %select_n3A_180 : i32 to vector<16xi32>
        %gt3A_571 = arith.cmpi sgt, %add3A_569, %gt3A_570 : vector<16xi32>
        %lt3A_572 = vector.broadcast %select_n3A_209 : i32 to vector<16xi32>
        %lt3A_573 = arith.cmpi slt, %add3A_569, %lt3A_572 : vector<16xi32>
        %and3A_574 = arith.andi %gt3A_571, %lt3A_573 : vector<16xi1>
        %get3A_575 = arith.constant 336 : index
        %get3A_576 = tpu.vector_load %arg18[%get3A_575] {strides = array<i32>} : memref<512xf32, #tpu.memory_space<vmem>>, vector<16xf32>,
        %select_n3A_577 = arith.select %and3A_574, %get3A_576, %broadcast_in_dim3A_0 : vector<16xi1>, vector<16xf32>
        %swap3A_578 = arith.constant 336 : index
        %swap3A_579 = tpu.vector_load %arg8[%swap3A_578] {strides = array<i32>} : memref<512xf32, #tpu.memory_space<vmem>>, vector<16xf32>,
        tpu.vector_store %arg8[%swap3A_578], %select_n3A_577 {strides = array<i32>} : memref<512xf32, #tpu.memory_space<vmem>>, vector<16xf32>,
        %get3A_580 = arith.constant 336 : index
        %get3A_581 = tpu.vector_load %arg17[%get3A_580] {strides = array<i32>} : memref<512xi32, #tpu.memory_space<vmem>>, vector<16xi32>,
        %swap3A_582 = arith.constant 336 : index
        %swap3A_583 = tpu.vector_load %arg9[%swap3A_582] {strides = array<i32>} : memref<512xi32, #tpu.memory_space<vmem>>, vector<16xi32>,
        tpu.vector_store %arg9[%swap3A_582], %get3A_581 {strides = array<i32>} : memref<512xi32, #tpu.memory_space<vmem>>, vector<16xi32>,
        %add3A_584 = arith.constant 352 : i32
        %add3A_585 = vector.broadcast %add3A_584 : i32 to vector<16xi32>
        %add3A_586 = arith.addi %iota3A, %add3A_585 : vector<16xi32>
        %gt3A_587 = vector.broadcast %select_n3A_180 : i32 to vector<16xi32>
        %gt3A_588 = arith.cmpi sgt, %add3A_586, %gt3A_587 : vector<16xi32>
        %lt3A_589 = vector.broadcast %select_n3A_209 : i32 to vector<16xi32>
        %lt3A_590 = arith.cmpi slt, %add3A_586, %lt3A_589 : vector<16xi32>
        %and3A_591 = arith.andi %gt3A_588, %lt3A_590 : vector<16xi1>
        %get3A_592 = arith.constant 352 : index
        %get3A_593 = tpu.vector_load %arg18[%get3A_592] {strides = array<i32>} : memref<512xf32, #tpu.memory_space<vmem>>, vector<16xf32>,
        %select_n3A_594 = arith.select %and3A_591, %get3A_593, %broadcast_in_dim3A_0 : vector<16xi1>, vector<16xf32>
        %swap3A_595 = arith.constant 352 : index
        %swap3A_596 = tpu.vector_load %arg8[%swap3A_595] {strides = array<i32>} : memref<512xf32, #tpu.memory_space<vmem>>, vector<16xf32>,
        tpu.vector_store %arg8[%swap3A_595], %select_n3A_594 {strides = array<i32>} : memref<512xf32, #tpu.memory_space<vmem>>, vector<16xf32>,
        %get3A_597 = arith.constant 352 : index
        %get3A_598 = tpu.vector_load %arg17[%get3A_597] {strides = array<i32>} : memref<512xi32, #tpu.memory_space<vmem>>, vector<16xi32>,
        %swap3A_599 = arith.constant 352 : index
        %swap3A_600 = tpu.vector_load %arg9[%swap3A_599] {strides = array<i32>} : memref<512xi32, #tpu.memory_space<vmem>>, vector<16xi32>,
        tpu.vector_store %arg9[%swap3A_599], %get3A_598 {strides = array<i32>} : memref<512xi32, #tpu.memory_space<vmem>>, vector<16xi32>,
        %add3A_601 = arith.constant 368 : i32
        %add3A_602 = vector.broadcast %add3A_601 : i32 to vector<16xi32>
        %add3A_603 = arith.addi %iota3A, %add3A_602 : vector<16xi32>
        %gt3A_604 = vector.broadcast %select_n3A_180 : i32 to vector<16xi32>
        %gt3A_605 = arith.cmpi sgt, %add3A_603, %gt3A_604 : vector<16xi32>
        %lt3A_606 = vector.broadcast %select_n3A_209 : i32 to vector<16xi32>
        %lt3A_607 = arith.cmpi slt, %add3A_603, %lt3A_606 : vector<16xi32>
        %and3A_608 = arith.andi %gt3A_605, %lt3A_607 : vector<16xi1>
        %get3A_609 = arith.constant 368 : index
        %get3A_610 = tpu.vector_load %arg18[%get3A_609] {strides = array<i32>} : memref<512xf32, #tpu.memory_space<vmem>>, vector<16xf32>,
        %select_n3A_611 = arith.select %and3A_608, %get3A_610, %broadcast_in_dim3A_0 : vector<16xi1>, vector<16xf32>
        %swap3A_612 = arith.constant 368 : index
        %swap3A_613 = tpu.vector_load %arg8[%swap3A_612] {strides = array<i32>} : memref<512xf32, #tpu.memory_space<vmem>>, vector<16xf32>,
        tpu.vector_store %arg8[%swap3A_612], %select_n3A_611 {strides = array<i32>} : memref<512xf32, #tpu.memory_space<vmem>>, vector<16xf32>,
        %get3A_614 = arith.constant 368 : index
        %get3A_615 = tpu.vector_load %arg17[%get3A_614] {strides = array<i32>} : memref<512xi32, #tpu.memory_space<vmem>>, vector<16xi32>,
        %swap3A_616 = arith.constant 368 : index
        %swap3A_617 = tpu.vector_load %arg9[%swap3A_616] {strides = array<i32>} : memref<512xi32, #tpu.memory_space<vmem>>, vector<16xi32>,
        tpu.vector_store %arg9[%swap3A_616], %get3A_615 {strides = array<i32>} : memref<512xi32, #tpu.memory_space<vmem>>, vector<16xi32>,
        %add3A_618 = arith.constant 384 : i32
        %add3A_619 = vector.broadcast %add3A_618 : i32 to vector<16xi32>
        %add3A_620 = arith.addi %iota3A, %add3A_619 : vector<16xi32>
        %gt3A_621 = vector.broadcast %select_n3A_180 : i32 to vector<16xi32>
        %gt3A_622 = arith.cmpi sgt, %add3A_620, %gt3A_621 : vector<16xi32>
        %lt3A_623 = vector.broadcast %select_n3A_209 : i32 to vector<16xi32>
        %lt3A_624 = arith.cmpi slt, %add3A_620, %lt3A_623 : vector<16xi32>
        %and3A_625 = arith.andi %gt3A_622, %lt3A_624 : vector<16xi1>
        %get3A_626 = arith.constant 384 : index
        %get3A_627 = tpu.vector_load %arg18[%get3A_626] {strides = array<i32>} : memref<512xf32, #tpu.memory_space<vmem>>, vector<16xf32>,
        %select_n3A_628 = arith.select %and3A_625, %get3A_627, %broadcast_in_dim3A_0 : vector<16xi1>, vector<16xf32>
        %swap3A_629 = arith.constant 384 : index
        %swap3A_630 = tpu.vector_load %arg8[%swap3A_629] {strides = array<i32>} : memref<512xf32, #tpu.memory_space<vmem>>, vector<16xf32>,
        tpu.vector_store %arg8[%swap3A_629], %select_n3A_628 {strides = array<i32>} : memref<512xf32, #tpu.memory_space<vmem>>, vector<16xf32>,
        %get3A_631 = arith.constant 384 : index
        %get3A_632 = tpu.vector_load %arg17[%get3A_631] {strides = array<i32>} : memref<512xi32, #tpu.memory_space<vmem>>, vector<16xi32>,
        %swap3A_633 = arith.constant 384 : index
        %swap3A_634 = tpu.vector_load %arg9[%swap3A_633] {strides = array<i32>} : memref<512xi32, #tpu.memory_space<vmem>>, vector<16xi32>,
        tpu.vector_store %arg9[%swap3A_633], %get3A_632 {strides = array<i32>} : memref<512xi32, #tpu.memory_space<vmem>>, vector<16xi32>,
        %add3A_635 = arith.constant 400 : i32
        %add3A_636 = vector.broadcast %add3A_635 : i32 to vector<16xi32>
        %add3A_637 = arith.addi %iota3A, %add3A_636 : vector<16xi32>
        %gt3A_638 = vector.broadcast %select_n3A_180 : i32 to vector<16xi32>
        %gt3A_639 = arith.cmpi sgt, %add3A_637, %gt3A_638 : vector<16xi32>
        %lt3A_640 = vector.broadcast %select_n3A_209 : i32 to vector<16xi32>
        %lt3A_641 = arith.cmpi slt, %add3A_637, %lt3A_640 : vector<16xi32>
        %and3A_642 = arith.andi %gt3A_639, %lt3A_641 : vector<16xi1>
        %get3A_643 = arith.constant 400 : index
        %get3A_644 = tpu.vector_load %arg18[%get3A_643] {strides = array<i32>} : memref<512xf32, #tpu.memory_space<vmem>>, vector<16xf32>,
        %select_n3A_645 = arith.select %and3A_642, %get3A_644, %broadcast_in_dim3A_0 : vector<16xi1>, vector<16xf32>
        %swap3A_646 = arith.constant 400 : index
        %swap3A_647 = tpu.vector_load %arg8[%swap3A_646] {strides = array<i32>} : memref<512xf32, #tpu.memory_space<vmem>>, vector<16xf32>,
        tpu.vector_store %arg8[%swap3A_646], %select_n3A_645 {strides = array<i32>} : memref<512xf32, #tpu.memory_space<vmem>>, vector<16xf32>,
        %get3A_648 = arith.constant 400 : index
        %get3A_649 = tpu.vector_load %arg17[%get3A_648] {strides = array<i32>} : memref<512xi32, #tpu.memory_space<vmem>>, vector<16xi32>,
        %swap3A_650 = arith.constant 400 : index
        %swap3A_651 = tpu.vector_load %arg9[%swap3A_650] {strides = array<i32>} : memref<512xi32, #tpu.memory_space<vmem>>, vector<16xi32>,
        tpu.vector_store %arg9[%swap3A_650], %get3A_649 {strides = array<i32>} : memref<512xi32, #tpu.memory_space<vmem>>, vector<16xi32>,
        %add3A_652 = arith.constant 416 : i32
        %add3A_653 = vector.broadcast %add3A_652 : i32 to vector<16xi32>
        %add3A_654 = arith.addi %iota3A, %add3A_653 : vector<16xi32>
        %gt3A_655 = vector.broadcast %select_n3A_180 : i32 to vector<16xi32>
        %gt3A_656 = arith.cmpi sgt, %add3A_654, %gt3A_655 : vector<16xi32>
        %lt3A_657 = vector.broadcast %select_n3A_209 : i32 to vector<16xi32>
        %lt3A_658 = arith.cmpi slt, %add3A_654, %lt3A_657 : vector<16xi32>
        %and3A_659 = arith.andi %gt3A_656, %lt3A_658 : vector<16xi1>
        %get3A_660 = arith.constant 416 : index
        %get3A_661 = tpu.vector_load %arg18[%get3A_660] {strides = array<i32>} : memref<512xf32, #tpu.memory_space<vmem>>, vector<16xf32>,
        %select_n3A_662 = arith.select %and3A_659, %get3A_661, %broadcast_in_dim3A_0 : vector<16xi1>, vector<16xf32>
        %swap3A_663 = arith.constant 416 : index
        %swap3A_664 = tpu.vector_load %arg8[%swap3A_663] {strides = array<i32>} : memref<512xf32, #tpu.memory_space<vmem>>, vector<16xf32>,
        tpu.vector_store %arg8[%swap3A_663], %select_n3A_662 {strides = array<i32>} : memref<512xf32, #tpu.memory_space<vmem>>, vector<16xf32>,
        %get3A_665 = arith.constant 416 : index
        %get3A_666 = tpu.vector_load %arg17[%get3A_665] {strides = array<i32>} : memref<512xi32, #tpu.memory_space<vmem>>, vector<16xi32>,
        %swap3A_667 = arith.constant 416 : index
        %swap3A_668 = tpu.vector_load %arg9[%swap3A_667] {strides = array<i32>} : memref<512xi32, #tpu.memory_space<vmem>>, vector<16xi32>,
        tpu.vector_store %arg9[%swap3A_667], %get3A_666 {strides = array<i32>} : memref<512xi32, #tpu.memory_space<vmem>>, vector<16xi32>,
        %add3A_669 = arith.constant 432 : i32
        %add3A_670 = vector.broadcast %add3A_669 : i32 to vector<16xi32>
        %add3A_671 = arith.addi %iota3A, %add3A_670 : vector<16xi32>
        %gt3A_672 = vector.broadcast %select_n3A_180 : i32 to vector<16xi32>
        %gt3A_673 = arith.cmpi sgt, %add3A_671, %gt3A_672 : vector<16xi32>
        %lt3A_674 = vector.broadcast %select_n3A_209 : i32 to vector<16xi32>
        %lt3A_675 = arith.cmpi slt, %add3A_671, %lt3A_674 : vector<16xi32>
        %and3A_676 = arith.andi %gt3A_673, %lt3A_675 : vector<16xi1>
        %get3A_677 = arith.constant 432 : index
        %get3A_678 = tpu.vector_load %arg18[%get3A_677] {strides = array<i32>} : memref<512xf32, #tpu.memory_space<vmem>>, vector<16xf32>,
        %select_n3A_679 = arith.select %and3A_676, %get3A_678, %broadcast_in_dim3A_0 : vector<16xi1>, vector<16xf32>
        %swap3A_680 = arith.constant 432 : index
        %swap3A_681 = tpu.vector_load %arg8[%swap3A_680] {strides = array<i32>} : memref<512xf32, #tpu.memory_space<vmem>>, vector<16xf32>,
        tpu.vector_store %arg8[%swap3A_680], %select_n3A_679 {strides = array<i32>} : memref<512xf32, #tpu.memory_space<vmem>>, vector<16xf32>,
        %get3A_682 = arith.constant 432 : index
        %get3A_683 = tpu.vector_load %arg17[%get3A_682] {strides = array<i32>} : memref<512xi32, #tpu.memory_space<vmem>>, vector<16xi32>,
        %swap3A_684 = arith.constant 432 : index
        %swap3A_685 = tpu.vector_load %arg9[%swap3A_684] {strides = array<i32>} : memref<512xi32, #tpu.memory_space<vmem>>, vector<16xi32>,
        tpu.vector_store %arg9[%swap3A_684], %get3A_683 {strides = array<i32>} : memref<512xi32, #tpu.memory_space<vmem>>, vector<16xi32>,
        %add3A_686 = arith.constant 448 : i32
        %add3A_687 = vector.broadcast %add3A_686 : i32 to vector<16xi32>
        %add3A_688 = arith.addi %iota3A, %add3A_687 : vector<16xi32>
        %gt3A_689 = vector.broadcast %select_n3A_180 : i32 to vector<16xi32>
        %gt3A_690 = arith.cmpi sgt, %add3A_688, %gt3A_689 : vector<16xi32>
        %lt3A_691 = vector.broadcast %select_n3A_209 : i32 to vector<16xi32>
        %lt3A_692 = arith.cmpi slt, %add3A_688, %lt3A_691 : vector<16xi32>
        %and3A_693 = arith.andi %gt3A_690, %lt3A_692 : vector<16xi1>
        %get3A_694 = arith.constant 448 : index
        %get3A_695 = tpu.vector_load %arg18[%get3A_694] {strides = array<i32>} : memref<512xf32, #tpu.memory_space<vmem>>, vector<16xf32>,
        %select_n3A_696 = arith.select %and3A_693, %get3A_695, %broadcast_in_dim3A_0 : vector<16xi1>, vector<16xf32>
        %swap3A_697 = arith.constant 448 : index
        %swap3A_698 = tpu.vector_load %arg8[%swap3A_697] {strides = array<i32>} : memref<512xf32, #tpu.memory_space<vmem>>, vector<16xf32>,
        tpu.vector_store %arg8[%swap3A_697], %select_n3A_696 {strides = array<i32>} : memref<512xf32, #tpu.memory_space<vmem>>, vector<16xf32>,
        %get3A_699 = arith.constant 448 : index
        %get3A_700 = tpu.vector_load %arg17[%get3A_699] {strides = array<i32>} : memref<512xi32, #tpu.memory_space<vmem>>, vector<16xi32>,
        %swap3A_701 = arith.constant 448 : index
        %swap3A_702 = tpu.vector_load %arg9[%swap3A_701] {strides = array<i32>} : memref<512xi32, #tpu.memory_space<vmem>>, vector<16xi32>,
        tpu.vector_store %arg9[%swap3A_701], %get3A_700 {strides = array<i32>} : memref<512xi32, #tpu.memory_space<vmem>>, vector<16xi32>,
        %add3A_703 = arith.constant 464 : i32
        %add3A_704 = vector.broadcast %add3A_703 : i32 to vector<16xi32>
        %add3A_705 = arith.addi %iota3A, %add3A_704 : vector<16xi32>
        %gt3A_706 = vector.broadcast %select_n3A_180 : i32 to vector<16xi32>
        %gt3A_707 = arith.cmpi sgt, %add3A_705, %gt3A_706 : vector<16xi32>
        %lt3A_708 = vector.broadcast %select_n3A_209 : i32 to vector<16xi32>
        %lt3A_709 = arith.cmpi slt, %add3A_705, %lt3A_708 : vector<16xi32>
        %and3A_710 = arith.andi %gt3A_707, %lt3A_709 : vector<16xi1>
        %get3A_711 = arith.constant 464 : index
        %get3A_712 = tpu.vector_load %arg18[%get3A_711] {strides = array<i32>} : memref<512xf32, #tpu.memory_space<vmem>>, vector<16xf32>,
        %select_n3A_713 = arith.select %and3A_710, %get3A_712, %broadcast_in_dim3A_0 : vector<16xi1>, vector<16xf32>
        %swap3A_714 = arith.constant 464 : index
        %swap3A_715 = tpu.vector_load %arg8[%swap3A_714] {strides = array<i32>} : memref<512xf32, #tpu.memory_space<vmem>>, vector<16xf32>,
        tpu.vector_store %arg8[%swap3A_714], %select_n3A_713 {strides = array<i32>} : memref<512xf32, #tpu.memory_space<vmem>>, vector<16xf32>,
        %get3A_716 = arith.constant 464 : index
        %get3A_717 = tpu.vector_load %arg17[%get3A_716] {strides = array<i32>} : memref<512xi32, #tpu.memory_space<vmem>>, vector<16xi32>,
        %swap3A_718 = arith.constant 464 : index
        %swap3A_719 = tpu.vector_load %arg9[%swap3A_718] {strides = array<i32>} : memref<512xi32, #tpu.memory_space<vmem>>, vector<16xi32>,
        tpu.vector_store %arg9[%swap3A_718], %get3A_717 {strides = array<i32>} : memref<512xi32, #tpu.memory_space<vmem>>, vector<16xi32>,
        %add3A_720 = arith.constant 480 : i32
        %add3A_721 = vector.broadcast %add3A_720 : i32 to vector<16xi32>
        %add3A_722 = arith.addi %iota3A, %add3A_721 : vector<16xi32>
        %gt3A_723 = vector.broadcast %select_n3A_180 : i32 to vector<16xi32>
        %gt3A_724 = arith.cmpi sgt, %add3A_722, %gt3A_723 : vector<16xi32>
        %lt3A_725 = vector.broadcast %select_n3A_209 : i32 to vector<16xi32>
        %lt3A_726 = arith.cmpi slt, %add3A_722, %lt3A_725 : vector<16xi32>
        %and3A_727 = arith.andi %gt3A_724, %lt3A_726 : vector<16xi1>
        %get3A_728 = arith.constant 480 : index
        %get3A_729 = tpu.vector_load %arg18[%get3A_728] {strides = array<i32>} : memref<512xf32, #tpu.memory_space<vmem>>, vector<16xf32>,
        %select_n3A_730 = arith.select %and3A_727, %get3A_729, %broadcast_in_dim3A_0 : vector<16xi1>, vector<16xf32>
        %swap3A_731 = arith.constant 480 : index
        %swap3A_732 = tpu.vector_load %arg8[%swap3A_731] {strides = array<i32>} : memref<512xf32, #tpu.memory_space<vmem>>, vector<16xf32>,
        tpu.vector_store %arg8[%swap3A_731], %select_n3A_730 {strides = array<i32>} : memref<512xf32, #tpu.memory_space<vmem>>, vector<16xf32>,
        %get3A_733 = arith.constant 480 : index
        %get3A_734 = tpu.vector_load %arg17[%get3A_733] {strides = array<i32>} : memref<512xi32, #tpu.memory_space<vmem>>, vector<16xi32>,
        %swap3A_735 = arith.constant 480 : index
        %swap3A_736 = tpu.vector_load %arg9[%swap3A_735] {strides = array<i32>} : memref<512xi32, #tpu.memory_space<vmem>>, vector<16xi32>,
        tpu.vector_store %arg9[%swap3A_735], %get3A_734 {strides = array<i32>} : memref<512xi32, #tpu.memory_space<vmem>>, vector<16xi32>,
        %add3A_737 = arith.constant 496 : i32
        %add3A_738 = vector.broadcast %add3A_737 : i32 to vector<16xi32>
        %add3A_739 = arith.addi %iota3A, %add3A_738 : vector<16xi32>
        %gt3A_740 = vector.broadcast %select_n3A_180 : i32 to vector<16xi32>
        %gt3A_741 = arith.cmpi sgt, %add3A_739, %gt3A_740 : vector<16xi32>
        %lt3A_742 = vector.broadcast %select_n3A_209 : i32 to vector<16xi32>
        %lt3A_743 = arith.cmpi slt, %add3A_739, %lt3A_742 : vector<16xi32>
        %and3A_744 = arith.andi %gt3A_741, %lt3A_743 : vector<16xi1>
        %get3A_745 = arith.constant 496 : index
        %get3A_746 = tpu.vector_load %arg18[%get3A_745] {strides = array<i32>} : memref<512xf32, #tpu.memory_space<vmem>>, vector<16xf32>,
        %select_n3A_747 = arith.select %and3A_744, %get3A_746, %broadcast_in_dim3A_0 : vector<16xi1>, vector<16xf32>
        %swap3A_748 = arith.constant 496 : index
        %swap3A_749 = tpu.vector_load %arg8[%swap3A_748] {strides = array<i32>} : memref<512xf32, #tpu.memory_space<vmem>>, vector<16xf32>,
        tpu.vector_store %arg8[%swap3A_748], %select_n3A_747 {strides = array<i32>} : memref<512xf32, #tpu.memory_space<vmem>>, vector<16xf32>,
        %get3A_750 = arith.constant 496 : index
        %get3A_751 = tpu.vector_load %arg17[%get3A_750] {strides = array<i32>} : memref<512xi32, #tpu.memory_space<vmem>>, vector<16xi32>,
        %swap3A_752 = arith.constant 496 : index
        %swap3A_753 = tpu.vector_load %arg9[%swap3A_752] {strides = array<i32>} : memref<512xi32, #tpu.memory_space<vmem>>, vector<16xi32>,
        tpu.vector_store %arg9[%swap3A_752], %get3A_751 {strides = array<i32>} : memref<512xi32, #tpu.memory_space<vmem>>, vector<16xi32>,
        %jit3A_754 = arith.constant 0 : i32
        %jit3A_755 = arith.constant 390 : i32
        %max3A = arith.maxsi %jit3A_754, %select_n3A_180 : i32
        %min3A = arith.minsi %jit3A_755, %max3A : i32
        %jit3A_756 = arith.constant 0 : i32
        %jit3A_757 = arith.constant 390 : i32
        %max3A_758 = arith.maxsi %jit3A_756, %select_n3A_209 : i32
        %min3A_759 = arith.minsi %jit3A_757, %max3A_758 : i32
        %mul3A_760 = arith.constant 256 : i32
        %mul3A_761 = arith.muli %min3A, %mul3A_760 : i32
        %multiple_of3A_762 = tpu.assume_multiple %mul3A_761, 16 : i32
        %add3A_763 = arith.constant 0 : i32
        %add3A_764 = arith.addi %multiple_of3A_762, %add3A_763 : i32
        %multiple_of3A_765 = tpu.assume_multiple %add3A_764, 16 : i32
        %get3A_766 = arith.index_cast %multiple_of3A_765 : i32 to index
        %get3A_767 = tpu.vector_load %arg7[%get3A_766] {strides = array<i32>} : memref<100096xf32, #tpu.memory_space<vmem>>, vector<16xf32>,
        %add3A_768 = vector.broadcast %multiple_of3A_765 : i32 to vector<16xi32>
        %add3A_769 = arith.addi %iota3A, %add3A_768 : vector<16xi32>
        %ge3A = vector.broadcast %convert_element_type3A_99 : i32 to vector<16xi32>
        %ge3A_770 = arith.cmpi sge, %add3A_769, %ge3A : vector<16xi32>
        %lt3A_771 = vector.broadcast %convert_element_type3A_155 : i32 to vector<16xi32>
        %lt3A_772 = arith.cmpi slt, %add3A_769, %lt3A_771 : vector<16xi32>
        %and3A_773 = arith.andi %ge3A_770, %lt3A_772 : vector<16xi1>
        %select_n3A_774 = arith.select %and3A_773, %get3A_767, %broadcast_in_dim3A_0 : vector<16xi1>, vector<16xf32>
        %gt3A_775 = arith.cmpf ogt, %select_n3A_774, %broadcast_in_dim3A_0 : vector<16xf32>
        %select_n3A_776 = arith.select %gt3A_775, %select_n3A_774, %broadcast_in_dim3A_0 : vector<16xi1>, vector<16xf32>
        %select_n3A_777 = arith.select %gt3A_775, %add3A_769, %broadcast_in_dim3A_2 : vector<16xi1>, vector<16xi32>
        %add3A_778 = arith.constant 16 : i32
        %add3A_779 = arith.addi %multiple_of3A_762, %add3A_778 : i32
        %multiple_of3A_780 = tpu.assume_multiple %add3A_779, 16 : i32
        %get3A_781 = arith.index_cast %multiple_of3A_780 : i32 to index
        %get3A_782 = tpu.vector_load %arg7[%get3A_781] {strides = array<i32>} : memref<100096xf32, #tpu.memory_space<vmem>>, vector<16xf32>,
        %add3A_783 = vector.broadcast %multiple_of3A_780 : i32 to vector<16xi32>
        %add3A_784 = arith.addi %iota3A, %add3A_783 : vector<16xi32>
        %ge3A_785 = vector.broadcast %convert_element_type3A_99 : i32 to vector<16xi32>
        %ge3A_786 = arith.cmpi sge, %add3A_784, %ge3A_785 : vector<16xi32>
        %lt3A_787 = vector.broadcast %convert_element_type3A_155 : i32 to vector<16xi32>
        %lt3A_788 = arith.cmpi slt, %add3A_784, %lt3A_787 : vector<16xi32>
        %and3A_789 = arith.andi %ge3A_786, %lt3A_788 : vector<16xi1>
        %select_n3A_790 = arith.select %and3A_789, %get3A_782, %broadcast_in_dim3A_0 : vector<16xi1>, vector<16xf32>
        %gt3A_791 = arith.cmpf ogt, %select_n3A_790, %select_n3A_776 : vector<16xf32>
        %select_n3A_792 = arith.select %gt3A_791, %select_n3A_790, %select_n3A_776 : vector<16xi1>, vector<16xf32>
        %select_n3A_793 = arith.select %gt3A_791, %add3A_784, %select_n3A_777 : vector<16xi1>, vector<16xi32>
        %add3A_794 = arith.constant 32 : i32
        %add3A_795 = arith.addi %multiple_of3A_762, %add3A_794 : i32
        %multiple_of3A_796 = tpu.assume_multiple %add3A_795, 16 : i32
        %get3A_797 = arith.index_cast %multiple_of3A_796 : i32 to index
        %get3A_798 = tpu.vector_load %arg7[%get3A_797] {strides = array<i32>} : memref<100096xf32, #tpu.memory_space<vmem>>, vector<16xf32>,
        %add3A_799 = vector.broadcast %multiple_of3A_796 : i32 to vector<16xi32>
        %add3A_800 = arith.addi %iota3A, %add3A_799 : vector<16xi32>
        %ge3A_801 = vector.broadcast %convert_element_type3A_99 : i32 to vector<16xi32>
        %ge3A_802 = arith.cmpi sge, %add3A_800, %ge3A_801 : vector<16xi32>
        %lt3A_803 = vector.broadcast %convert_element_type3A_155 : i32 to vector<16xi32>
        %lt3A_804 = arith.cmpi slt, %add3A_800, %lt3A_803 : vector<16xi32>
        %and3A_805 = arith.andi %ge3A_802, %lt3A_804 : vector<16xi1>
        %select_n3A_806 = arith.select %and3A_805, %get3A_798, %broadcast_in_dim3A_0 : vector<16xi1>, vector<16xf32>
        %gt3A_807 = arith.cmpf ogt, %select_n3A_806, %select_n3A_792 : vector<16xf32>
        %select_n3A_808 = arith.select %gt3A_807, %select_n3A_806, %select_n3A_792 : vector<16xi1>, vector<16xf32>
        %select_n3A_809 = arith.select %gt3A_807, %add3A_800, %select_n3A_793 : vector<16xi1>, vector<16xi32>
        %add3A_810 = arith.constant 48 : i32
        %add3A_811 = arith.addi %multiple_of3A_762, %add3A_810 : i32
        %multiple_of3A_812 = tpu.assume_multiple %add3A_811, 16 : i32
        %get3A_813 = arith.index_cast %multiple_of3A_812 : i32 to index
        %get3A_814 = tpu.vector_load %arg7[%get3A_813] {strides = array<i32>} : memref<100096xf32, #tpu.memory_space<vmem>>, vector<16xf32>,
        %add3A_815 = vector.broadcast %multiple_of3A_812 : i32 to vector<16xi32>
        %add3A_816 = arith.addi %iota3A, %add3A_815 : vector<16xi32>
        %ge3A_817 = vector.broadcast %convert_element_type3A_99 : i32 to vector<16xi32>
        %ge3A_818 = arith.cmpi sge, %add3A_816, %ge3A_817 : vector<16xi32>
        %lt3A_819 = vector.broadcast %convert_element_type3A_155 : i32 to vector<16xi32>
        %lt3A_820 = arith.cmpi slt, %add3A_816, %lt3A_819 : vector<16xi32>
        %and3A_821 = arith.andi %ge3A_818, %lt3A_820 : vector<16xi1>
        %select_n3A_822 = arith.select %and3A_821, %get3A_814, %broadcast_in_dim3A_0 : vector<16xi1>, vector<16xf32>
        %gt3A_823 = arith.cmpf ogt, %select_n3A_822, %select_n3A_808 : vector<16xf32>
        %select_n3A_824 = arith.select %gt3A_823, %select_n3A_822, %select_n3A_808 : vector<16xi1>, vector<16xf32>
        %select_n3A_825 = arith.select %gt3A_823, %add3A_816, %select_n3A_809 : vector<16xi1>, vector<16xi32>
        %add3A_826 = arith.constant 64 : i32
        %add3A_827 = arith.addi %multiple_of3A_762, %add3A_826 : i32
        %multiple_of3A_828 = tpu.assume_multiple %add3A_827, 16 : i32
        %get3A_829 = arith.index_cast %multiple_of3A_828 : i32 to index
        %get3A_830 = tpu.vector_load %arg7[%get3A_829] {strides = array<i32>} : memref<100096xf32, #tpu.memory_space<vmem>>, vector<16xf32>,
        %add3A_831 = vector.broadcast %multiple_of3A_828 : i32 to vector<16xi32>
        %add3A_832 = arith.addi %iota3A, %add3A_831 : vector<16xi32>
        %ge3A_833 = vector.broadcast %convert_element_type3A_99 : i32 to vector<16xi32>
        %ge3A_834 = arith.cmpi sge, %add3A_832, %ge3A_833 : vector<16xi32>
        %lt3A_835 = vector.broadcast %convert_element_type3A_155 : i32 to vector<16xi32>
        %lt3A_836 = arith.cmpi slt, %add3A_832, %lt3A_835 : vector<16xi32>
        %and3A_837 = arith.andi %ge3A_834, %lt3A_836 : vector<16xi1>
        %select_n3A_838 = arith.select %and3A_837, %get3A_830, %broadcast_in_dim3A_0 : vector<16xi1>, vector<16xf32>
        %gt3A_839 = arith.cmpf ogt, %select_n3A_838, %select_n3A_824 : vector<16xf32>
        %select_n3A_840 = arith.select %gt3A_839, %select_n3A_838, %select_n3A_824 : vector<16xi1>, vector<16xf32>
        %select_n3A_841 = arith.select %gt3A_839, %add3A_832, %select_n3A_825 : vector<16xi1>, vector<16xi32>
        %add3A_842 = arith.constant 80 : i32
        %add3A_843 = arith.addi %multiple_of3A_762, %add3A_842 : i32
        %multiple_of3A_844 = tpu.assume_multiple %add3A_843, 16 : i32
        %get3A_845 = arith.index_cast %multiple_of3A_844 : i32 to index
        %get3A_846 = tpu.vector_load %arg7[%get3A_845] {strides = array<i32>} : memref<100096xf32, #tpu.memory_space<vmem>>, vector<16xf32>,
        %add3A_847 = vector.broadcast %multiple_of3A_844 : i32 to vector<16xi32>
        %add3A_848 = arith.addi %iota3A, %add3A_847 : vector<16xi32>
        %ge3A_849 = vector.broadcast %convert_element_type3A_99 : i32 to vector<16xi32>
        %ge3A_850 = arith.cmpi sge, %add3A_848, %ge3A_849 : vector<16xi32>
        %lt3A_851 = vector.broadcast %convert_element_type3A_155 : i32 to vector<16xi32>
        %lt3A_852 = arith.cmpi slt, %add3A_848, %lt3A_851 : vector<16xi32>
        %and3A_853 = arith.andi %ge3A_850, %lt3A_852 : vector<16xi1>
        %select_n3A_854 = arith.select %and3A_853, %get3A_846, %broadcast_in_dim3A_0 : vector<16xi1>, vector<16xf32>
        %gt3A_855 = arith.cmpf ogt, %select_n3A_854, %select_n3A_840 : vector<16xf32>
        %select_n3A_856 = arith.select %gt3A_855, %select_n3A_854, %select_n3A_840 : vector<16xi1>, vector<16xf32>
        %select_n3A_857 = arith.select %gt3A_855, %add3A_848, %select_n3A_841 : vector<16xi1>, vector<16xi32>
        %add3A_858 = arith.constant 96 : i32
        %add3A_859 = arith.addi %multiple_of3A_762, %add3A_858 : i32
        %multiple_of3A_860 = tpu.assume_multiple %add3A_859, 16 : i32
        %get3A_861 = arith.index_cast %multiple_of3A_860 : i32 to index
        %get3A_862 = tpu.vector_load %arg7[%get3A_861] {strides = array<i32>} : memref<100096xf32, #tpu.memory_space<vmem>>, vector<16xf32>,
        %add3A_863 = vector.broadcast %multiple_of3A_860 : i32 to vector<16xi32>
        %add3A_864 = arith.addi %iota3A, %add3A_863 : vector<16xi32>
        %ge3A_865 = vector.broadcast %convert_element_type3A_99 : i32 to vector<16xi32>
        %ge3A_866 = arith.cmpi sge, %add3A_864, %ge3A_865 : vector<16xi32>
        %lt3A_867 = vector.broadcast %convert_element_type3A_155 : i32 to vector<16xi32>
        %lt3A_868 = arith.cmpi slt, %add3A_864, %lt3A_867 : vector<16xi32>
        %and3A_869 = arith.andi %ge3A_866, %lt3A_868 : vector<16xi1>
        %select_n3A_870 = arith.select %and3A_869, %get3A_862, %broadcast_in_dim3A_0 : vector<16xi1>, vector<16xf32>
        %gt3A_871 = arith.cmpf ogt, %select_n3A_870, %select_n3A_856 : vector<16xf32>
        %select_n3A_872 = arith.select %gt3A_871, %select_n3A_870, %select_n3A_856 : vector<16xi1>, vector<16xf32>
        %select_n3A_873 = arith.select %gt3A_871, %add3A_864, %select_n3A_857 : vector<16xi1>, vector<16xi32>
        %add3A_874 = arith.constant 112 : i32
        %add3A_875 = arith.addi %multiple_of3A_762, %add3A_874 : i32
        %multiple_of3A_876 = tpu.assume_multiple %add3A_875, 16 : i32
        %get3A_877 = arith.index_cast %multiple_of3A_876 : i32 to index
        %get3A_878 = tpu.vector_load %arg7[%get3A_877] {strides = array<i32>} : memref<100096xf32, #tpu.memory_space<vmem>>, vector<16xf32>,
        %add3A_879 = vector.broadcast %multiple_of3A_876 : i32 to vector<16xi32>
        %add3A_880 = arith.addi %iota3A, %add3A_879 : vector<16xi32>
        %ge3A_881 = vector.broadcast %convert_element_type3A_99 : i32 to vector<16xi32>
        %ge3A_882 = arith.cmpi sge, %add3A_880, %ge3A_881 : vector<16xi32>
        %lt3A_883 = vector.broadcast %convert_element_type3A_155 : i32 to vector<16xi32>
        %lt3A_884 = arith.cmpi slt, %add3A_880, %lt3A_883 : vector<16xi32>
        %and3A_885 = arith.andi %ge3A_882, %lt3A_884 : vector<16xi1>
        %select_n3A_886 = arith.select %and3A_885, %get3A_878, %broadcast_in_dim3A_0 : vector<16xi1>, vector<16xf32>
        %gt3A_887 = arith.cmpf ogt, %select_n3A_886, %select_n3A_872 : vector<16xf32>
        %select_n3A_888 = arith.select %gt3A_887, %select_n3A_886, %select_n3A_872 : vector<16xi1>, vector<16xf32>
        %select_n3A_889 = arith.select %gt3A_887, %add3A_880, %select_n3A_873 : vector<16xi1>, vector<16xi32>
        %add3A_890 = arith.constant 128 : i32
        %add3A_891 = arith.addi %multiple_of3A_762, %add3A_890 : i32
        %multiple_of3A_892 = tpu.assume_multiple %add3A_891, 16 : i32
        %get3A_893 = arith.index_cast %multiple_of3A_892 : i32 to index
        %get3A_894 = tpu.vector_load %arg7[%get3A_893] {strides = array<i32>} : memref<100096xf32, #tpu.memory_space<vmem>>, vector<16xf32>,
        %add3A_895 = vector.broadcast %multiple_of3A_892 : i32 to vector<16xi32>
        %add3A_896 = arith.addi %iota3A, %add3A_895 : vector<16xi32>
        %ge3A_897 = vector.broadcast %convert_element_type3A_99 : i32 to vector<16xi32>
        %ge3A_898 = arith.cmpi sge, %add3A_896, %ge3A_897 : vector<16xi32>
        %lt3A_899 = vector.broadcast %convert_element_type3A_155 : i32 to vector<16xi32>
        %lt3A_900 = arith.cmpi slt, %add3A_896, %lt3A_899 : vector<16xi32>
        %and3A_901 = arith.andi %ge3A_898, %lt3A_900 : vector<16xi1>
        %select_n3A_902 = arith.select %and3A_901, %get3A_894, %broadcast_in_dim3A_0 : vector<16xi1>, vector<16xf32>
        %gt3A_903 = arith.cmpf ogt, %select_n3A_902, %select_n3A_888 : vector<16xf32>
        %select_n3A_904 = arith.select %gt3A_903, %select_n3A_902, %select_n3A_888 : vector<16xi1>, vector<16xf32>
        %select_n3A_905 = arith.select %gt3A_903, %add3A_896, %select_n3A_889 : vector<16xi1>, vector<16xi32>
        %add3A_906 = arith.constant 144 : i32
        %add3A_907 = arith.addi %multiple_of3A_762, %add3A_906 : i32
        %multiple_of3A_908 = tpu.assume_multiple %add3A_907, 16 : i32
        %get3A_909 = arith.index_cast %multiple_of3A_908 : i32 to index
        %get3A_910 = tpu.vector_load %arg7[%get3A_909] {strides = array<i32>} : memref<100096xf32, #tpu.memory_space<vmem>>, vector<16xf32>,
        %add3A_911 = vector.broadcast %multiple_of3A_908 : i32 to vector<16xi32>
        %add3A_912 = arith.addi %iota3A, %add3A_911 : vector<16xi32>
        %ge3A_913 = vector.broadcast %convert_element_type3A_99 : i32 to vector<16xi32>
        %ge3A_914 = arith.cmpi sge, %add3A_912, %ge3A_913 : vector<16xi32>
        %lt3A_915 = vector.broadcast %convert_element_type3A_155 : i32 to vector<16xi32>
        %lt3A_916 = arith.cmpi slt, %add3A_912, %lt3A_915 : vector<16xi32>
        %and3A_917 = arith.andi %ge3A_914, %lt3A_916 : vector<16xi1>
        %select_n3A_918 = arith.select %and3A_917, %get3A_910, %broadcast_in_dim3A_0 : vector<16xi1>, vector<16xf32>
        %gt3A_919 = arith.cmpf ogt, %select_n3A_918, %select_n3A_904 : vector<16xf32>
        %select_n3A_920 = arith.select %gt3A_919, %select_n3A_918, %select_n3A_904 : vector<16xi1>, vector<16xf32>
        %select_n3A_921 = arith.select %gt3A_919, %add3A_912, %select_n3A_905 : vector<16xi1>, vector<16xi32>
        %add3A_922 = arith.constant 160 : i32
        %add3A_923 = arith.addi %multiple_of3A_762, %add3A_922 : i32
        %multiple_of3A_924 = tpu.assume_multiple %add3A_923, 16 : i32
        %get3A_925 = arith.index_cast %multiple_of3A_924 : i32 to index
        %get3A_926 = tpu.vector_load %arg7[%get3A_925] {strides = array<i32>} : memref<100096xf32, #tpu.memory_space<vmem>>, vector<16xf32>,
        %add3A_927 = vector.broadcast %multiple_of3A_924 : i32 to vector<16xi32>
        %add3A_928 = arith.addi %iota3A, %add3A_927 : vector<16xi32>
        %ge3A_929 = vector.broadcast %convert_element_type3A_99 : i32 to vector<16xi32>
        %ge3A_930 = arith.cmpi sge, %add3A_928, %ge3A_929 : vector<16xi32>
        %lt3A_931 = vector.broadcast %convert_element_type3A_155 : i32 to vector<16xi32>
        %lt3A_932 = arith.cmpi slt, %add3A_928, %lt3A_931 : vector<16xi32>
        %and3A_933 = arith.andi %ge3A_930, %lt3A_932 : vector<16xi1>
        %select_n3A_934 = arith.select %and3A_933, %get3A_926, %broadcast_in_dim3A_0 : vector<16xi1>, vector<16xf32>
        %gt3A_935 = arith.cmpf ogt, %select_n3A_934, %select_n3A_920 : vector<16xf32>
        %select_n3A_936 = arith.select %gt3A_935, %select_n3A_934, %select_n3A_920 : vector<16xi1>, vector<16xf32>
        %select_n3A_937 = arith.select %gt3A_935, %add3A_928, %select_n3A_921 : vector<16xi1>, vector<16xi32>
        %add3A_938 = arith.constant 176 : i32
        %add3A_939 = arith.addi %multiple_of3A_762, %add3A_938 : i32
        %multiple_of3A_940 = tpu.assume_multiple %add3A_939, 16 : i32
        %get3A_941 = arith.index_cast %multiple_of3A_940 : i32 to index
        %get3A_942 = tpu.vector_load %arg7[%get3A_941] {strides = array<i32>} : memref<100096xf32, #tpu.memory_space<vmem>>, vector<16xf32>,
        %add3A_943 = vector.broadcast %multiple_of3A_940 : i32 to vector<16xi32>
        %add3A_944 = arith.addi %iota3A, %add3A_943 : vector<16xi32>
        %ge3A_945 = vector.broadcast %convert_element_type3A_99 : i32 to vector<16xi32>
        %ge3A_946 = arith.cmpi sge, %add3A_944, %ge3A_945 : vector<16xi32>
        %lt3A_947 = vector.broadcast %convert_element_type3A_155 : i32 to vector<16xi32>
        %lt3A_948 = arith.cmpi slt, %add3A_944, %lt3A_947 : vector<16xi32>
        %and3A_949 = arith.andi %ge3A_946, %lt3A_948 : vector<16xi1>
        %select_n3A_950 = arith.select %and3A_949, %get3A_942, %broadcast_in_dim3A_0 : vector<16xi1>, vector<16xf32>
        %gt3A_951 = arith.cmpf ogt, %select_n3A_950, %select_n3A_936 : vector<16xf32>
        %select_n3A_952 = arith.select %gt3A_951, %select_n3A_950, %select_n3A_936 : vector<16xi1>, vector<16xf32>
        %select_n3A_953 = arith.select %gt3A_951, %add3A_944, %select_n3A_937 : vector<16xi1>, vector<16xi32>
        %add3A_954 = arith.constant 192 : i32
        %add3A_955 = arith.addi %multiple_of3A_762, %add3A_954 : i32
        %multiple_of3A_956 = tpu.assume_multiple %add3A_955, 16 : i32
        %get3A_957 = arith.index_cast %multiple_of3A_956 : i32 to index
        %get3A_958 = tpu.vector_load %arg7[%get3A_957] {strides = array<i32>} : memref<100096xf32, #tpu.memory_space<vmem>>, vector<16xf32>,
        %add3A_959 = vector.broadcast %multiple_of3A_956 : i32 to vector<16xi32>
        %add3A_960 = arith.addi %iota3A, %add3A_959 : vector<16xi32>
        %ge3A_961 = vector.broadcast %convert_element_type3A_99 : i32 to vector<16xi32>
        %ge3A_962 = arith.cmpi sge, %add3A_960, %ge3A_961 : vector<16xi32>
        %lt3A_963 = vector.broadcast %convert_element_type3A_155 : i32 to vector<16xi32>
        %lt3A_964 = arith.cmpi slt, %add3A_960, %lt3A_963 : vector<16xi32>
        %and3A_965 = arith.andi %ge3A_962, %lt3A_964 : vector<16xi1>
        %select_n3A_966 = arith.select %and3A_965, %get3A_958, %broadcast_in_dim3A_0 : vector<16xi1>, vector<16xf32>
        %gt3A_967 = arith.cmpf ogt, %select_n3A_966, %select_n3A_952 : vector<16xf32>
        %select_n3A_968 = arith.select %gt3A_967, %select_n3A_966, %select_n3A_952 : vector<16xi1>, vector<16xf32>
        %select_n3A_969 = arith.select %gt3A_967, %add3A_960, %select_n3A_953 : vector<16xi1>, vector<16xi32>
        %add3A_970 = arith.constant 208 : i32
        %add3A_971 = arith.addi %multiple_of3A_762, %add3A_970 : i32
        %multiple_of3A_972 = tpu.assume_multiple %add3A_971, 16 : i32
        %get3A_973 = arith.index_cast %multiple_of3A_972 : i32 to index
        %get3A_974 = tpu.vector_load %arg7[%get3A_973] {strides = array<i32>} : memref<100096xf32, #tpu.memory_space<vmem>>, vector<16xf32>,
        %add3A_975 = vector.broadcast %multiple_of3A_972 : i32 to vector<16xi32>
        %add3A_976 = arith.addi %iota3A, %add3A_975 : vector<16xi32>
        %ge3A_977 = vector.broadcast %convert_element_type3A_99 : i32 to vector<16xi32>
        %ge3A_978 = arith.cmpi sge, %add3A_976, %ge3A_977 : vector<16xi32>
        %lt3A_979 = vector.broadcast %convert_element_type3A_155 : i32 to vector<16xi32>
        %lt3A_980 = arith.cmpi slt, %add3A_976, %lt3A_979 : vector<16xi32>
        %and3A_981 = arith.andi %ge3A_978, %lt3A_980 : vector<16xi1>
        %select_n3A_982 = arith.select %and3A_981, %get3A_974, %broadcast_in_dim3A_0 : vector<16xi1>, vector<16xf32>
        %gt3A_983 = arith.cmpf ogt, %select_n3A_982, %select_n3A_968 : vector<16xf32>
        %select_n3A_984 = arith.select %gt3A_983, %select_n3A_982, %select_n3A_968 : vector<16xi1>, vector<16xf32>
        %select_n3A_985 = arith.select %gt3A_983, %add3A_976, %select_n3A_969 : vector<16xi1>, vector<16xi32>
        %add3A_986 = arith.constant 224 : i32
        %add3A_987 = arith.addi %multiple_of3A_762, %add3A_986 : i32
        %multiple_of3A_988 = tpu.assume_multiple %add3A_987, 16 : i32
        %get3A_989 = arith.index_cast %multiple_of3A_988 : i32 to index
        %get3A_990 = tpu.vector_load %arg7[%get3A_989] {strides = array<i32>} : memref<100096xf32, #tpu.memory_space<vmem>>, vector<16xf32>,
        %add3A_991 = vector.broadcast %multiple_of3A_988 : i32 to vector<16xi32>
        %add3A_992 = arith.addi %iota3A, %add3A_991 : vector<16xi32>
        %ge3A_993 = vector.broadcast %convert_element_type3A_99 : i32 to vector<16xi32>
        %ge3A_994 = arith.cmpi sge, %add3A_992, %ge3A_993 : vector<16xi32>
        %lt3A_995 = vector.broadcast %convert_element_type3A_155 : i32 to vector<16xi32>
        %lt3A_996 = arith.cmpi slt, %add3A_992, %lt3A_995 : vector<16xi32>
        %and3A_997 = arith.andi %ge3A_994, %lt3A_996 : vector<16xi1>
        %select_n3A_998 = arith.select %and3A_997, %get3A_990, %broadcast_in_dim3A_0 : vector<16xi1>, vector<16xf32>
        %gt3A_999 = arith.cmpf ogt, %select_n3A_998, %select_n3A_984 : vector<16xf32>
        %select_n3A_1000 = arith.select %gt3A_999, %select_n3A_998, %select_n3A_984 : vector<16xi1>, vector<16xf32>
        %select_n3A_1001 = arith.select %gt3A_999, %add3A_992, %select_n3A_985 : vector<16xi1>, vector<16xi32>
        %add3A_1002 = arith.constant 240 : i32
        %add3A_1003 = arith.addi %multiple_of3A_762, %add3A_1002 : i32
        %multiple_of3A_1004 = tpu.assume_multiple %add3A_1003, 16 : i32
        %get3A_1005 = arith.index_cast %multiple_of3A_1004 : i32 to index
        %get3A_1006 = tpu.vector_load %arg7[%get3A_1005] {strides = array<i32>} : memref<100096xf32, #tpu.memory_space<vmem>>, vector<16xf32>,
        %add3A_1007 = vector.broadcast %multiple_of3A_1004 : i32 to vector<16xi32>
        %add3A_1008 = arith.addi %iota3A, %add3A_1007 : vector<16xi32>
        %ge3A_1009 = vector.broadcast %convert_element_type3A_99 : i32 to vector<16xi32>
        %ge3A_1010 = arith.cmpi sge, %add3A_1008, %ge3A_1009 : vector<16xi32>
        %lt3A_1011 = vector.broadcast %convert_element_type3A_155 : i32 to vector<16xi32>
        %lt3A_1012 = arith.cmpi slt, %add3A_1008, %lt3A_1011 : vector<16xi32>
        %and3A_1013 = arith.andi %ge3A_1010, %lt3A_1012 : vector<16xi1>
        %select_n3A_1014 = arith.select %and3A_1013, %get3A_1006, %broadcast_in_dim3A_0 : vector<16xi1>, vector<16xf32>
        %gt3A_1015 = arith.cmpf ogt, %select_n3A_1014, %select_n3A_1000 : vector<16xf32>
        %select_n3A_1016 = arith.select %gt3A_1015, %select_n3A_1014, %select_n3A_1000 : vector<16xi1>, vector<16xf32>
        %select_n3A_1017 = arith.select %gt3A_1015, %add3A_1008, %select_n3A_1001 : vector<16xi1>, vector<16xi32>
        %reduce_max3A_1018 = arith.constant true
        %reduce_max3A_1019 = vector.broadcast %reduce_max3A_1018 : i1 to vector<16xi1>
        %reduce_max3A_1020 = tpu.scan <max>, %select_n3A_1016 masked %reduce_max3A_1019 : vector<16xf32>, vector<16xi1> -> vector<16xf32>
        %reduce_max3A_1021 = vector.extract %reduce_max3A_1020[15] : f32 from vector<16xf32>
        %convert_element_type3A_1022 = arith.sitofp %select_n3A_1017 : vector<16xi32> to vector<16xf32>
        %eq3A_1023 = vector.broadcast %reduce_max3A_1021 : f32 to vector<16xf32>
        %eq3A_1024 = arith.cmpf oeq, %select_n3A_1016, %eq3A_1023 : vector<16xf32>
        %jit3A_1025 = arith.constant 0x4B800000 : f32
        %broadcast_in_dim3A_1026 = vector.broadcast %jit3A_1025 : f32 to vector<16xf32>
        %select_n3A_1027 = arith.select %eq3A_1024, %convert_element_type3A_1022, %broadcast_in_dim3A_1026 : vector<16xi1>, vector<16xf32>
        %reduce_min3A = arith.constant true
        %reduce_min3A_1028 = vector.broadcast %reduce_min3A : i1 to vector<16xi1>
        %reduce_min3A_1029 = tpu.scan <min>, %select_n3A_1027 masked %reduce_min3A_1028 : vector<16xf32>, vector<16xi1> -> vector<16xf32>
        %reduce_min3A_1030 = vector.extract %reduce_min3A_1029[15] : f32 from vector<16xf32>
        %convert_element_type3A_1031 = arith.fptosi %reduce_min3A_1030 : f32 to i32
        %broadcast_in_dim3A_1032 = vector.broadcast %min3A : i32 to vector<16xi32>
        %broadcast_in_dim3A_1033 = vector.broadcast %reduce_max3A_1021 : f32 to vector<16xf32>
        tpu.vector_store_idx %arg8[%broadcast_in_dim3A_1032], %broadcast_in_dim3A_1033 masked %eq3A_4 : memref<512xf32, #tpu.memory_space<vmem>>[vector<16xi32>], vector<16xf32>, vector<16xi1>
        %broadcast_in_dim3A_1034 = vector.broadcast %convert_element_type3A_1031 : i32 to vector<16xi32>
        tpu.vector_store_idx %arg9[%broadcast_in_dim3A_1032], %broadcast_in_dim3A_1034 masked %eq3A_4 : memref<512xi32, #tpu.memory_space<vmem>>[vector<16xi32>], vector<16xi32>, vector<16xi1>
        %mul3A_1035 = arith.constant 256 : i32
        %mul3A_1036 = arith.muli %min3A_759, %mul3A_1035 : i32
        %multiple_of3A_1037 = tpu.assume_multiple %mul3A_1036, 16 : i32
        %add3A_1038 = arith.constant 0 : i32
        %add3A_1039 = arith.addi %multiple_of3A_1037, %add3A_1038 : i32
        %multiple_of3A_1040 = tpu.assume_multiple %add3A_1039, 16 : i32
        %get3A_1041 = arith.index_cast %multiple_of3A_1040 : i32 to index
        %get3A_1042 = tpu.vector_load %arg7[%get3A_1041] {strides = array<i32>} : memref<100096xf32, #tpu.memory_space<vmem>>, vector<16xf32>,
        %add3A_1043 = vector.broadcast %multiple_of3A_1040 : i32 to vector<16xi32>
        %add3A_1044 = arith.addi %iota3A, %add3A_1043 : vector<16xi32>
        %ge3A_1045 = vector.broadcast %convert_element_type3A_99 : i32 to vector<16xi32>
        %ge3A_1046 = arith.cmpi sge, %add3A_1044, %ge3A_1045 : vector<16xi32>
        %lt3A_1047 = vector.broadcast %convert_element_type3A_155 : i32 to vector<16xi32>
        %lt3A_1048 = arith.cmpi slt, %add3A_1044, %lt3A_1047 : vector<16xi32>
        %and3A_1049 = arith.andi %ge3A_1046, %lt3A_1048 : vector<16xi1>
        %select_n3A_1050 = arith.select %and3A_1049, %get3A_1042, %broadcast_in_dim3A_0 : vector<16xi1>, vector<16xf32>
        %gt3A_1051 = arith.cmpf ogt, %select_n3A_1050, %broadcast_in_dim3A_0 : vector<16xf32>
        %select_n3A_1052 = arith.select %gt3A_1051, %select_n3A_1050, %broadcast_in_dim3A_0 : vector<16xi1>, vector<16xf32>
        %select_n3A_1053 = arith.select %gt3A_1051, %add3A_1044, %broadcast_in_dim3A_2 : vector<16xi1>, vector<16xi32>
        %add3A_1054 = arith.constant 16 : i32
        %add3A_1055 = arith.addi %multiple_of3A_1037, %add3A_1054 : i32
        %multiple_of3A_1056 = tpu.assume_multiple %add3A_1055, 16 : i32
        %get3A_1057 = arith.index_cast %multiple_of3A_1056 : i32 to index
        %get3A_1058 = tpu.vector_load %arg7[%get3A_1057] {strides = array<i32>} : memref<100096xf32, #tpu.memory_space<vmem>>, vector<16xf32>,
        %add3A_1059 = vector.broadcast %multiple_of3A_1056 : i32 to vector<16xi32>
        %add3A_1060 = arith.addi %iota3A, %add3A_1059 : vector<16xi32>
        %ge3A_1061 = vector.broadcast %convert_element_type3A_99 : i32 to vector<16xi32>
        %ge3A_1062 = arith.cmpi sge, %add3A_1060, %ge3A_1061 : vector<16xi32>
        %lt3A_1063 = vector.broadcast %convert_element_type3A_155 : i32 to vector<16xi32>
        %lt3A_1064 = arith.cmpi slt, %add3A_1060, %lt3A_1063 : vector<16xi32>
        %and3A_1065 = arith.andi %ge3A_1062, %lt3A_1064 : vector<16xi1>
        %select_n3A_1066 = arith.select %and3A_1065, %get3A_1058, %broadcast_in_dim3A_0 : vector<16xi1>, vector<16xf32>
        %gt3A_1067 = arith.cmpf ogt, %select_n3A_1066, %select_n3A_1052 : vector<16xf32>
        %select_n3A_1068 = arith.select %gt3A_1067, %select_n3A_1066, %select_n3A_1052 : vector<16xi1>, vector<16xf32>
        %select_n3A_1069 = arith.select %gt3A_1067, %add3A_1060, %select_n3A_1053 : vector<16xi1>, vector<16xi32>
        %add3A_1070 = arith.constant 32 : i32
        %add3A_1071 = arith.addi %multiple_of3A_1037, %add3A_1070 : i32
        %multiple_of3A_1072 = tpu.assume_multiple %add3A_1071, 16 : i32
        %get3A_1073 = arith.index_cast %multiple_of3A_1072 : i32 to index
        %get3A_1074 = tpu.vector_load %arg7[%get3A_1073] {strides = array<i32>} : memref<100096xf32, #tpu.memory_space<vmem>>, vector<16xf32>,
        %add3A_1075 = vector.broadcast %multiple_of3A_1072 : i32 to vector<16xi32>
        %add3A_1076 = arith.addi %iota3A, %add3A_1075 : vector<16xi32>
        %ge3A_1077 = vector.broadcast %convert_element_type3A_99 : i32 to vector<16xi32>
        %ge3A_1078 = arith.cmpi sge, %add3A_1076, %ge3A_1077 : vector<16xi32>
        %lt3A_1079 = vector.broadcast %convert_element_type3A_155 : i32 to vector<16xi32>
        %lt3A_1080 = arith.cmpi slt, %add3A_1076, %lt3A_1079 : vector<16xi32>
        %and3A_1081 = arith.andi %ge3A_1078, %lt3A_1080 : vector<16xi1>
        %select_n3A_1082 = arith.select %and3A_1081, %get3A_1074, %broadcast_in_dim3A_0 : vector<16xi1>, vector<16xf32>
        %gt3A_1083 = arith.cmpf ogt, %select_n3A_1082, %select_n3A_1068 : vector<16xf32>
        %select_n3A_1084 = arith.select %gt3A_1083, %select_n3A_1082, %select_n3A_1068 : vector<16xi1>, vector<16xf32>
        %select_n3A_1085 = arith.select %gt3A_1083, %add3A_1076, %select_n3A_1069 : vector<16xi1>, vector<16xi32>
        %add3A_1086 = arith.constant 48 : i32
        %add3A_1087 = arith.addi %multiple_of3A_1037, %add3A_1086 : i32
        %multiple_of3A_1088 = tpu.assume_multiple %add3A_1087, 16 : i32
        %get3A_1089 = arith.index_cast %multiple_of3A_1088 : i32 to index
        %get3A_1090 = tpu.vector_load %arg7[%get3A_1089] {strides = array<i32>} : memref<100096xf32, #tpu.memory_space<vmem>>, vector<16xf32>,
        %add3A_1091 = vector.broadcast %multiple_of3A_1088 : i32 to vector<16xi32>
        %add3A_1092 = arith.addi %iota3A, %add3A_1091 : vector<16xi32>
        %ge3A_1093 = vector.broadcast %convert_element_type3A_99 : i32 to vector<16xi32>
        %ge3A_1094 = arith.cmpi sge, %add3A_1092, %ge3A_1093 : vector<16xi32>
        %lt3A_1095 = vector.broadcast %convert_element_type3A_155 : i32 to vector<16xi32>
        %lt3A_1096 = arith.cmpi slt, %add3A_1092, %lt3A_1095 : vector<16xi32>
        %and3A_1097 = arith.andi %ge3A_1094, %lt3A_1096 : vector<16xi1>
        %select_n3A_1098 = arith.select %and3A_1097, %get3A_1090, %broadcast_in_dim3A_0 : vector<16xi1>, vector<16xf32>
        %gt3A_1099 = arith.cmpf ogt, %select_n3A_1098, %select_n3A_1084 : vector<16xf32>
        %select_n3A_1100 = arith.select %gt3A_1099, %select_n3A_1098, %select_n3A_1084 : vector<16xi1>, vector<16xf32>
        %select_n3A_1101 = arith.select %gt3A_1099, %add3A_1092, %select_n3A_1085 : vector<16xi1>, vector<16xi32>
        %add3A_1102 = arith.constant 64 : i32
        %add3A_1103 = arith.addi %multiple_of3A_1037, %add3A_1102 : i32
        %multiple_of3A_1104 = tpu.assume_multiple %add3A_1103, 16 : i32
        %get3A_1105 = arith.index_cast %multiple_of3A_1104 : i32 to index
        %get3A_1106 = tpu.vector_load %arg7[%get3A_1105] {strides = array<i32>} : memref<100096xf32, #tpu.memory_space<vmem>>, vector<16xf32>,
        %add3A_1107 = vector.broadcast %multiple_of3A_1104 : i32 to vector<16xi32>
        %add3A_1108 = arith.addi %iota3A, %add3A_1107 : vector<16xi32>
        %ge3A_1109 = vector.broadcast %convert_element_type3A_99 : i32 to vector<16xi32>
        %ge3A_1110 = arith.cmpi sge, %add3A_1108, %ge3A_1109 : vector<16xi32>
        %lt3A_1111 = vector.broadcast %convert_element_type3A_155 : i32 to vector<16xi32>
        %lt3A_1112 = arith.cmpi slt, %add3A_1108, %lt3A_1111 : vector<16xi32>
        %and3A_1113 = arith.andi %ge3A_1110, %lt3A_1112 : vector<16xi1>
        %select_n3A_1114 = arith.select %and3A_1113, %get3A_1106, %broadcast_in_dim3A_0 : vector<16xi1>, vector<16xf32>
        %gt3A_1115 = arith.cmpf ogt, %select_n3A_1114, %select_n3A_1100 : vector<16xf32>
        %select_n3A_1116 = arith.select %gt3A_1115, %select_n3A_1114, %select_n3A_1100 : vector<16xi1>, vector<16xf32>
        %select_n3A_1117 = arith.select %gt3A_1115, %add3A_1108, %select_n3A_1101 : vector<16xi1>, vector<16xi32>
        %add3A_1118 = arith.constant 80 : i32
        %add3A_1119 = arith.addi %multiple_of3A_1037, %add3A_1118 : i32
        %multiple_of3A_1120 = tpu.assume_multiple %add3A_1119, 16 : i32
        %get3A_1121 = arith.index_cast %multiple_of3A_1120 : i32 to index
        %get3A_1122 = tpu.vector_load %arg7[%get3A_1121] {strides = array<i32>} : memref<100096xf32, #tpu.memory_space<vmem>>, vector<16xf32>,
        %add3A_1123 = vector.broadcast %multiple_of3A_1120 : i32 to vector<16xi32>
        %add3A_1124 = arith.addi %iota3A, %add3A_1123 : vector<16xi32>
        %ge3A_1125 = vector.broadcast %convert_element_type3A_99 : i32 to vector<16xi32>
        %ge3A_1126 = arith.cmpi sge, %add3A_1124, %ge3A_1125 : vector<16xi32>
        %lt3A_1127 = vector.broadcast %convert_element_type3A_155 : i32 to vector<16xi32>
        %lt3A_1128 = arith.cmpi slt, %add3A_1124, %lt3A_1127 : vector<16xi32>
        %and3A_1129 = arith.andi %ge3A_1126, %lt3A_1128 : vector<16xi1>
        %select_n3A_1130 = arith.select %and3A_1129, %get3A_1122, %broadcast_in_dim3A_0 : vector<16xi1>, vector<16xf32>
        %gt3A_1131 = arith.cmpf ogt, %select_n3A_1130, %select_n3A_1116 : vector<16xf32>
        %select_n3A_1132 = arith.select %gt3A_1131, %select_n3A_1130, %select_n3A_1116 : vector<16xi1>, vector<16xf32>
        %select_n3A_1133 = arith.select %gt3A_1131, %add3A_1124, %select_n3A_1117 : vector<16xi1>, vector<16xi32>
        %add3A_1134 = arith.constant 96 : i32
        %add3A_1135 = arith.addi %multiple_of3A_1037, %add3A_1134 : i32
        %multiple_of3A_1136 = tpu.assume_multiple %add3A_1135, 16 : i32
        %get3A_1137 = arith.index_cast %multiple_of3A_1136 : i32 to index
        %get3A_1138 = tpu.vector_load %arg7[%get3A_1137] {strides = array<i32>} : memref<100096xf32, #tpu.memory_space<vmem>>, vector<16xf32>,
        %add3A_1139 = vector.broadcast %multiple_of3A_1136 : i32 to vector<16xi32>
        %add3A_1140 = arith.addi %iota3A, %add3A_1139 : vector<16xi32>
        %ge3A_1141 = vector.broadcast %convert_element_type3A_99 : i32 to vector<16xi32>
        %ge3A_1142 = arith.cmpi sge, %add3A_1140, %ge3A_1141 : vector<16xi32>
        %lt3A_1143 = vector.broadcast %convert_element_type3A_155 : i32 to vector<16xi32>
        %lt3A_1144 = arith.cmpi slt, %add3A_1140, %lt3A_1143 : vector<16xi32>
        %and3A_1145 = arith.andi %ge3A_1142, %lt3A_1144 : vector<16xi1>
        %select_n3A_1146 = arith.select %and3A_1145, %get3A_1138, %broadcast_in_dim3A_0 : vector<16xi1>, vector<16xf32>
        %gt3A_1147 = arith.cmpf ogt, %select_n3A_1146, %select_n3A_1132 : vector<16xf32>
        %select_n3A_1148 = arith.select %gt3A_1147, %select_n3A_1146, %select_n3A_1132 : vector<16xi1>, vector<16xf32>
        %select_n3A_1149 = arith.select %gt3A_1147, %add3A_1140, %select_n3A_1133 : vector<16xi1>, vector<16xi32>
        %add3A_1150 = arith.constant 112 : i32
        %add3A_1151 = arith.addi %multiple_of3A_1037, %add3A_1150 : i32
        %multiple_of3A_1152 = tpu.assume_multiple %add3A_1151, 16 : i32
        %get3A_1153 = arith.index_cast %multiple_of3A_1152 : i32 to index
        %get3A_1154 = tpu.vector_load %arg7[%get3A_1153] {strides = array<i32>} : memref<100096xf32, #tpu.memory_space<vmem>>, vector<16xf32>,
        %add3A_1155 = vector.broadcast %multiple_of3A_1152 : i32 to vector<16xi32>
        %add3A_1156 = arith.addi %iota3A, %add3A_1155 : vector<16xi32>
        %ge3A_1157 = vector.broadcast %convert_element_type3A_99 : i32 to vector<16xi32>
        %ge3A_1158 = arith.cmpi sge, %add3A_1156, %ge3A_1157 : vector<16xi32>
        %lt3A_1159 = vector.broadcast %convert_element_type3A_155 : i32 to vector<16xi32>
        %lt3A_1160 = arith.cmpi slt, %add3A_1156, %lt3A_1159 : vector<16xi32>
        %and3A_1161 = arith.andi %ge3A_1158, %lt3A_1160 : vector<16xi1>
        %select_n3A_1162 = arith.select %and3A_1161, %get3A_1154, %broadcast_in_dim3A_0 : vector<16xi1>, vector<16xf32>
        %gt3A_1163 = arith.cmpf ogt, %select_n3A_1162, %select_n3A_1148 : vector<16xf32>
        %select_n3A_1164 = arith.select %gt3A_1163, %select_n3A_1162, %select_n3A_1148 : vector<16xi1>, vector<16xf32>
        %select_n3A_1165 = arith.select %gt3A_1163, %add3A_1156, %select_n3A_1149 : vector<16xi1>, vector<16xi32>
        %add3A_1166 = arith.constant 128 : i32
        %add3A_1167 = arith.addi %multiple_of3A_1037, %add3A_1166 : i32
        %multiple_of3A_1168 = tpu.assume_multiple %add3A_1167, 16 : i32
        %get3A_1169 = arith.index_cast %multiple_of3A_1168 : i32 to index
        %get3A_1170 = tpu.vector_load %arg7[%get3A_1169] {strides = array<i32>} : memref<100096xf32, #tpu.memory_space<vmem>>, vector<16xf32>,
        %add3A_1171 = vector.broadcast %multiple_of3A_1168 : i32 to vector<16xi32>
        %add3A_1172 = arith.addi %iota3A, %add3A_1171 : vector<16xi32>
        %ge3A_1173 = vector.broadcast %convert_element_type3A_99 : i32 to vector<16xi32>
        %ge3A_1174 = arith.cmpi sge, %add3A_1172, %ge3A_1173 : vector<16xi32>
        %lt3A_1175 = vector.broadcast %convert_element_type3A_155 : i32 to vector<16xi32>
        %lt3A_1176 = arith.cmpi slt, %add3A_1172, %lt3A_1175 : vector<16xi32>
        %and3A_1177 = arith.andi %ge3A_1174, %lt3A_1176 : vector<16xi1>
        %select_n3A_1178 = arith.select %and3A_1177, %get3A_1170, %broadcast_in_dim3A_0 : vector<16xi1>, vector<16xf32>
        %gt3A_1179 = arith.cmpf ogt, %select_n3A_1178, %select_n3A_1164 : vector<16xf32>
        %select_n3A_1180 = arith.select %gt3A_1179, %select_n3A_1178, %select_n3A_1164 : vector<16xi1>, vector<16xf32>
        %select_n3A_1181 = arith.select %gt3A_1179, %add3A_1172, %select_n3A_1165 : vector<16xi1>, vector<16xi32>
        %add3A_1182 = arith.constant 144 : i32
        %add3A_1183 = arith.addi %multiple_of3A_1037, %add3A_1182 : i32
        %multiple_of3A_1184 = tpu.assume_multiple %add3A_1183, 16 : i32
        %get3A_1185 = arith.index_cast %multiple_of3A_1184 : i32 to index
        %get3A_1186 = tpu.vector_load %arg7[%get3A_1185] {strides = array<i32>} : memref<100096xf32, #tpu.memory_space<vmem>>, vector<16xf32>,
        %add3A_1187 = vector.broadcast %multiple_of3A_1184 : i32 to vector<16xi32>
        %add3A_1188 = arith.addi %iota3A, %add3A_1187 : vector<16xi32>
        %ge3A_1189 = vector.broadcast %convert_element_type3A_99 : i32 to vector<16xi32>
        %ge3A_1190 = arith.cmpi sge, %add3A_1188, %ge3A_1189 : vector<16xi32>
        %lt3A_1191 = vector.broadcast %convert_element_type3A_155 : i32 to vector<16xi32>
        %lt3A_1192 = arith.cmpi slt, %add3A_1188, %lt3A_1191 : vector<16xi32>
        %and3A_1193 = arith.andi %ge3A_1190, %lt3A_1192 : vector<16xi1>
        %select_n3A_1194 = arith.select %and3A_1193, %get3A_1186, %broadcast_in_dim3A_0 : vector<16xi1>, vector<16xf32>
        %gt3A_1195 = arith.cmpf ogt, %select_n3A_1194, %select_n3A_1180 : vector<16xf32>
        %select_n3A_1196 = arith.select %gt3A_1195, %select_n3A_1194, %select_n3A_1180 : vector<16xi1>, vector<16xf32>
        %select_n3A_1197 = arith.select %gt3A_1195, %add3A_1188, %select_n3A_1181 : vector<16xi1>, vector<16xi32>
        %add3A_1198 = arith.constant 160 : i32
        %add3A_1199 = arith.addi %multiple_of3A_1037, %add3A_1198 : i32
        %multiple_of3A_1200 = tpu.assume_multiple %add3A_1199, 16 : i32
        %get3A_1201 = arith.index_cast %multiple_of3A_1200 : i32 to index
        %get3A_1202 = tpu.vector_load %arg7[%get3A_1201] {strides = array<i32>} : memref<100096xf32, #tpu.memory_space<vmem>>, vector<16xf32>,
        %add3A_1203 = vector.broadcast %multiple_of3A_1200 : i32 to vector<16xi32>
        %add3A_1204 = arith.addi %iota3A, %add3A_1203 : vector<16xi32>
        %ge3A_1205 = vector.broadcast %convert_element_type3A_99 : i32 to vector<16xi32>
        %ge3A_1206 = arith.cmpi sge, %add3A_1204, %ge3A_1205 : vector<16xi32>
        %lt3A_1207 = vector.broadcast %convert_element_type3A_155 : i32 to vector<16xi32>
        %lt3A_1208 = arith.cmpi slt, %add3A_1204, %lt3A_1207 : vector<16xi32>
        %and3A_1209 = arith.andi %ge3A_1206, %lt3A_1208 : vector<16xi1>
        %select_n3A_1210 = arith.select %and3A_1209, %get3A_1202, %broadcast_in_dim3A_0 : vector<16xi1>, vector<16xf32>
        %gt3A_1211 = arith.cmpf ogt, %select_n3A_1210, %select_n3A_1196 : vector<16xf32>
        %select_n3A_1212 = arith.select %gt3A_1211, %select_n3A_1210, %select_n3A_1196 : vector<16xi1>, vector<16xf32>
        %select_n3A_1213 = arith.select %gt3A_1211, %add3A_1204, %select_n3A_1197 : vector<16xi1>, vector<16xi32>
        %add3A_1214 = arith.constant 176 : i32
        %add3A_1215 = arith.addi %multiple_of3A_1037, %add3A_1214 : i32
        %multiple_of3A_1216 = tpu.assume_multiple %add3A_1215, 16 : i32
        %get3A_1217 = arith.index_cast %multiple_of3A_1216 : i32 to index
        %get3A_1218 = tpu.vector_load %arg7[%get3A_1217] {strides = array<i32>} : memref<100096xf32, #tpu.memory_space<vmem>>, vector<16xf32>,
        %add3A_1219 = vector.broadcast %multiple_of3A_1216 : i32 to vector<16xi32>
        %add3A_1220 = arith.addi %iota3A, %add3A_1219 : vector<16xi32>
        %ge3A_1221 = vector.broadcast %convert_element_type3A_99 : i32 to vector<16xi32>
        %ge3A_1222 = arith.cmpi sge, %add3A_1220, %ge3A_1221 : vector<16xi32>
        %lt3A_1223 = vector.broadcast %convert_element_type3A_155 : i32 to vector<16xi32>
        %lt3A_1224 = arith.cmpi slt, %add3A_1220, %lt3A_1223 : vector<16xi32>
        %and3A_1225 = arith.andi %ge3A_1222, %lt3A_1224 : vector<16xi1>
        %select_n3A_1226 = arith.select %and3A_1225, %get3A_1218, %broadcast_in_dim3A_0 : vector<16xi1>, vector<16xf32>
        %gt3A_1227 = arith.cmpf ogt, %select_n3A_1226, %select_n3A_1212 : vector<16xf32>
        %select_n3A_1228 = arith.select %gt3A_1227, %select_n3A_1226, %select_n3A_1212 : vector<16xi1>, vector<16xf32>
        %select_n3A_1229 = arith.select %gt3A_1227, %add3A_1220, %select_n3A_1213 : vector<16xi1>, vector<16xi32>
        %add3A_1230 = arith.constant 192 : i32
        %add3A_1231 = arith.addi %multiple_of3A_1037, %add3A_1230 : i32
        %multiple_of3A_1232 = tpu.assume_multiple %add3A_1231, 16 : i32
        %get3A_1233 = arith.index_cast %multiple_of3A_1232 : i32 to index
        %get3A_1234 = tpu.vector_load %arg7[%get3A_1233] {strides = array<i32>} : memref<100096xf32, #tpu.memory_space<vmem>>, vector<16xf32>,
        %add3A_1235 = vector.broadcast %multiple_of3A_1232 : i32 to vector<16xi32>
        %add3A_1236 = arith.addi %iota3A, %add3A_1235 : vector<16xi32>
        %ge3A_1237 = vector.broadcast %convert_element_type3A_99 : i32 to vector<16xi32>
        %ge3A_1238 = arith.cmpi sge, %add3A_1236, %ge3A_1237 : vector<16xi32>
        %lt3A_1239 = vector.broadcast %convert_element_type3A_155 : i32 to vector<16xi32>
        %lt3A_1240 = arith.cmpi slt, %add3A_1236, %lt3A_1239 : vector<16xi32>
        %and3A_1241 = arith.andi %ge3A_1238, %lt3A_1240 : vector<16xi1>
        %select_n3A_1242 = arith.select %and3A_1241, %get3A_1234, %broadcast_in_dim3A_0 : vector<16xi1>, vector<16xf32>
        %gt3A_1243 = arith.cmpf ogt, %select_n3A_1242, %select_n3A_1228 : vector<16xf32>
        %select_n3A_1244 = arith.select %gt3A_1243, %select_n3A_1242, %select_n3A_1228 : vector<16xi1>, vector<16xf32>
        %select_n3A_1245 = arith.select %gt3A_1243, %add3A_1236, %select_n3A_1229 : vector<16xi1>, vector<16xi32>
        %add3A_1246 = arith.constant 208 : i32
        %add3A_1247 = arith.addi %multiple_of3A_1037, %add3A_1246 : i32
        %multiple_of3A_1248 = tpu.assume_multiple %add3A_1247, 16 : i32
        %get3A_1249 = arith.index_cast %multiple_of3A_1248 : i32 to index
        %get3A_1250 = tpu.vector_load %arg7[%get3A_1249] {strides = array<i32>} : memref<100096xf32, #tpu.memory_space<vmem>>, vector<16xf32>,
        %add3A_1251 = vector.broadcast %multiple_of3A_1248 : i32 to vector<16xi32>
        %add3A_1252 = arith.addi %iota3A, %add3A_1251 : vector<16xi32>
        %ge3A_1253 = vector.broadcast %convert_element_type3A_99 : i32 to vector<16xi32>
        %ge3A_1254 = arith.cmpi sge, %add3A_1252, %ge3A_1253 : vector<16xi32>
        %lt3A_1255 = vector.broadcast %convert_element_type3A_155 : i32 to vector<16xi32>
        %lt3A_1256 = arith.cmpi slt, %add3A_1252, %lt3A_1255 : vector<16xi32>
        %and3A_1257 = arith.andi %ge3A_1254, %lt3A_1256 : vector<16xi1>
        %select_n3A_1258 = arith.select %and3A_1257, %get3A_1250, %broadcast_in_dim3A_0 : vector<16xi1>, vector<16xf32>
        %gt3A_1259 = arith.cmpf ogt, %select_n3A_1258, %select_n3A_1244 : vector<16xf32>
        %select_n3A_1260 = arith.select %gt3A_1259, %select_n3A_1258, %select_n3A_1244 : vector<16xi1>, vector<16xf32>
        %select_n3A_1261 = arith.select %gt3A_1259, %add3A_1252, %select_n3A_1245 : vector<16xi1>, vector<16xi32>
        %add3A_1262 = arith.constant 224 : i32
        %add3A_1263 = arith.addi %multiple_of3A_1037, %add3A_1262 : i32
        %multiple_of3A_1264 = tpu.assume_multiple %add3A_1263, 16 : i32
        %get3A_1265 = arith.index_cast %multiple_of3A_1264 : i32 to index
        %get3A_1266 = tpu.vector_load %arg7[%get3A_1265] {strides = array<i32>} : memref<100096xf32, #tpu.memory_space<vmem>>, vector<16xf32>,
        %add3A_1267 = vector.broadcast %multiple_of3A_1264 : i32 to vector<16xi32>
        %add3A_1268 = arith.addi %iota3A, %add3A_1267 : vector<16xi32>
        %ge3A_1269 = vector.broadcast %convert_element_type3A_99 : i32 to vector<16xi32>
        %ge3A_1270 = arith.cmpi sge, %add3A_1268, %ge3A_1269 : vector<16xi32>
        %lt3A_1271 = vector.broadcast %convert_element_type3A_155 : i32 to vector<16xi32>
        %lt3A_1272 = arith.cmpi slt, %add3A_1268, %lt3A_1271 : vector<16xi32>
        %and3A_1273 = arith.andi %ge3A_1270, %lt3A_1272 : vector<16xi1>
        %select_n3A_1274 = arith.select %and3A_1273, %get3A_1266, %broadcast_in_dim3A_0 : vector<16xi1>, vector<16xf32>
        %gt3A_1275 = arith.cmpf ogt, %select_n3A_1274, %select_n3A_1260 : vector<16xf32>
        %select_n3A_1276 = arith.select %gt3A_1275, %select_n3A_1274, %select_n3A_1260 : vector<16xi1>, vector<16xf32>
        %select_n3A_1277 = arith.select %gt3A_1275, %add3A_1268, %select_n3A_1261 : vector<16xi1>, vector<16xi32>
        %add3A_1278 = arith.constant 240 : i32
        %add3A_1279 = arith.addi %multiple_of3A_1037, %add3A_1278 : i32
        %multiple_of3A_1280 = tpu.assume_multiple %add3A_1279, 16 : i32
        %get3A_1281 = arith.index_cast %multiple_of3A_1280 : i32 to index
        %get3A_1282 = tpu.vector_load %arg7[%get3A_1281] {strides = array<i32>} : memref<100096xf32, #tpu.memory_space<vmem>>, vector<16xf32>,
        %add3A_1283 = vector.broadcast %multiple_of3A_1280 : i32 to vector<16xi32>
        %add3A_1284 = arith.addi %iota3A, %add3A_1283 : vector<16xi32>
        %ge3A_1285 = vector.broadcast %convert_element_type3A_99 : i32 to vector<16xi32>
        %ge3A_1286 = arith.cmpi sge, %add3A_1284, %ge3A_1285 : vector<16xi32>
        %lt3A_1287 = vector.broadcast %convert_element_type3A_155 : i32 to vector<16xi32>
        %lt3A_1288 = arith.cmpi slt, %add3A_1284, %lt3A_1287 : vector<16xi32>
        %and3A_1289 = arith.andi %ge3A_1286, %lt3A_1288 : vector<16xi1>
        %select_n3A_1290 = arith.select %and3A_1289, %get3A_1282, %broadcast_in_dim3A_0 : vector<16xi1>, vector<16xf32>
        %gt3A_1291 = arith.cmpf ogt, %select_n3A_1290, %select_n3A_1276 : vector<16xf32>
        %select_n3A_1292 = arith.select %gt3A_1291, %select_n3A_1290, %select_n3A_1276 : vector<16xi1>, vector<16xf32>
        %select_n3A_1293 = arith.select %gt3A_1291, %add3A_1284, %select_n3A_1277 : vector<16xi1>, vector<16xi32>
        %reduce_max3A_1294 = arith.constant true
        %reduce_max3A_1295 = vector.broadcast %reduce_max3A_1294 : i1 to vector<16xi1>
        %reduce_max3A_1296 = tpu.scan <max>, %select_n3A_1292 masked %reduce_max3A_1295 : vector<16xf32>, vector<16xi1> -> vector<16xf32>
        %reduce_max3A_1297 = vector.extract %reduce_max3A_1296[15] : f32 from vector<16xf32>
        %convert_element_type3A_1298 = arith.sitofp %select_n3A_1293 : vector<16xi32> to vector<16xf32>
        %eq3A_1299 = vector.broadcast %reduce_max3A_1297 : f32 to vector<16xf32>
        %eq3A_1300 = arith.cmpf oeq, %select_n3A_1292, %eq3A_1299 : vector<16xf32>
        %jit3A_1301 = arith.constant 0x4B800000 : f32
        %broadcast_in_dim3A_1302 = vector.broadcast %jit3A_1301 : f32 to vector<16xf32>
        %select_n3A_1303 = arith.select %eq3A_1300, %convert_element_type3A_1298, %broadcast_in_dim3A_1302 : vector<16xi1>, vector<16xf32>
        %reduce_min3A_1304 = arith.constant true
        %reduce_min3A_1305 = vector.broadcast %reduce_min3A_1304 : i1 to vector<16xi1>
        %reduce_min3A_1306 = tpu.scan <min>, %select_n3A_1303 masked %reduce_min3A_1305 : vector<16xf32>, vector<16xi1> -> vector<16xf32>
        %reduce_min3A_1307 = vector.extract %reduce_min3A_1306[15] : f32 from vector<16xf32>
        %convert_element_type3A_1308 = arith.fptosi %reduce_min3A_1307 : f32 to i32
        %broadcast_in_dim3A_1309 = vector.broadcast %min3A_759 : i32 to vector<16xi32>
        %broadcast_in_dim3A_1310 = vector.broadcast %reduce_max3A_1297 : f32 to vector<16xf32>
        tpu.vector_store_idx %arg8[%broadcast_in_dim3A_1309], %broadcast_in_dim3A_1310 masked %eq3A_4 : memref<512xf32, #tpu.memory_space<vmem>>[vector<16xi32>], vector<16xf32>, vector<16xi1>
        %broadcast_in_dim3A_1311 = vector.broadcast %convert_element_type3A_1308 : i32 to vector<16xi32>
        tpu.vector_store_idx %arg9[%broadcast_in_dim3A_1309], %broadcast_in_dim3A_1311 masked %eq3A_4 : memref<512xi32, #tpu.memory_space<vmem>>[vector<16xi32>], vector<16xi32>, vector<16xi1>
        %mul3A_1312 = arith.constant 16 : i32
        %mul3A_1313 = vector.broadcast %mul3A_1312 : i32 to vector<16xi32>
        %mul3A_1314 = arith.muli %iota3A, %mul3A_1313 : vector<16xi32>
        %add3A_1315 = arith.constant 0 : i32
        %add3A_1316 = vector.broadcast %add3A_1315 : i32 to vector<16xi32>
        %add3A_1317 = arith.addi %add3A_1316, %mul3A_1314 : vector<16xi32>
        %add3A_1318 = arith.constant 0 : i32
        %add3A_1319 = vector.broadcast %add3A_1318 : i32 to vector<16xi32>
        %add3A_1320 = arith.addi %add3A_1317, %add3A_1319 : vector<16xi32>
        %gather3A = tpu.vector_load_idx %arg8[%add3A_1320] : memref<512xf32, #tpu.memory_space<vmem>>[vector<16xi32>], vector<16xf32>,
        %gather3A_1321 = tpu.vector_load_idx %arg9[%add3A_1320] : memref<512xi32, #tpu.memory_space<vmem>>[vector<16xi32>], vector<16xi32>,
        %gt3A_1322 = arith.cmpf ogt, %gather3A, %broadcast_in_dim3A_0 : vector<16xf32>
        %select_n3A_1323 = arith.select %gt3A_1322, %gather3A, %broadcast_in_dim3A_0 : vector<16xi1>, vector<16xf32>
        %select_n3A_1324 = arith.select %gt3A_1322, %gather3A_1321, %broadcast_in_dim3A_2 : vector<16xi1>, vector<16xi32>
        %add3A_1325 = arith.constant 1 : i32
        %add3A_1326 = vector.broadcast %add3A_1325 : i32 to vector<16xi32>
        %add3A_1327 = arith.addi %add3A_1317, %add3A_1326 : vector<16xi32>
        %gather3A_1328 = tpu.vector_load_idx %arg8[%add3A_1327] : memref<512xf32, #tpu.memory_space<vmem>>[vector<16xi32>], vector<16xf32>,
        %gather3A_1329 = tpu.vector_load_idx %arg9[%add3A_1327] : memref<512xi32, #tpu.memory_space<vmem>>[vector<16xi32>], vector<16xi32>,
        %gt3A_1330 = arith.cmpf ogt, %gather3A_1328, %select_n3A_1323 : vector<16xf32>
        %select_n3A_1331 = arith.select %gt3A_1330, %gather3A_1328, %select_n3A_1323 : vector<16xi1>, vector<16xf32>
        %select_n3A_1332 = arith.select %gt3A_1330, %gather3A_1329, %select_n3A_1324 : vector<16xi1>, vector<16xi32>
        %add3A_1333 = arith.constant 2 : i32
        %add3A_1334 = vector.broadcast %add3A_1333 : i32 to vector<16xi32>
        %add3A_1335 = arith.addi %add3A_1317, %add3A_1334 : vector<16xi32>
        %gather3A_1336 = tpu.vector_load_idx %arg8[%add3A_1335] : memref<512xf32, #tpu.memory_space<vmem>>[vector<16xi32>], vector<16xf32>,
        %gather3A_1337 = tpu.vector_load_idx %arg9[%add3A_1335] : memref<512xi32, #tpu.memory_space<vmem>>[vector<16xi32>], vector<16xi32>,
        %gt3A_1338 = arith.cmpf ogt, %gather3A_1336, %select_n3A_1331 : vector<16xf32>
        %select_n3A_1339 = arith.select %gt3A_1338, %gather3A_1336, %select_n3A_1331 : vector<16xi1>, vector<16xf32>
        %select_n3A_1340 = arith.select %gt3A_1338, %gather3A_1337, %select_n3A_1332 : vector<16xi1>, vector<16xi32>
        %add3A_1341 = arith.constant 3 : i32
        %add3A_1342 = vector.broadcast %add3A_1341 : i32 to vector<16xi32>
        %add3A_1343 = arith.addi %add3A_1317, %add3A_1342 : vector<16xi32>
        %gather3A_1344 = tpu.vector_load_idx %arg8[%add3A_1343] : memref<512xf32, #tpu.memory_space<vmem>>[vector<16xi32>], vector<16xf32>,
        %gather3A_1345 = tpu.vector_load_idx %arg9[%add3A_1343] : memref<512xi32, #tpu.memory_space<vmem>>[vector<16xi32>], vector<16xi32>,
        %gt3A_1346 = arith.cmpf ogt, %gather3A_1344, %select_n3A_1339 : vector<16xf32>
        %select_n3A_1347 = arith.select %gt3A_1346, %gather3A_1344, %select_n3A_1339 : vector<16xi1>, vector<16xf32>
        %select_n3A_1348 = arith.select %gt3A_1346, %gather3A_1345, %select_n3A_1340 : vector<16xi1>, vector<16xi32>
        %add3A_1349 = arith.constant 4 : i32
        %add3A_1350 = vector.broadcast %add3A_1349 : i32 to vector<16xi32>
        %add3A_1351 = arith.addi %add3A_1317, %add3A_1350 : vector<16xi32>
        %gather3A_1352 = tpu.vector_load_idx %arg8[%add3A_1351] : memref<512xf32, #tpu.memory_space<vmem>>[vector<16xi32>], vector<16xf32>,
        %gather3A_1353 = tpu.vector_load_idx %arg9[%add3A_1351] : memref<512xi32, #tpu.memory_space<vmem>>[vector<16xi32>], vector<16xi32>,
        %gt3A_1354 = arith.cmpf ogt, %gather3A_1352, %select_n3A_1347 : vector<16xf32>
        %select_n3A_1355 = arith.select %gt3A_1354, %gather3A_1352, %select_n3A_1347 : vector<16xi1>, vector<16xf32>
        %select_n3A_1356 = arith.select %gt3A_1354, %gather3A_1353, %select_n3A_1348 : vector<16xi1>, vector<16xi32>
        %add3A_1357 = arith.constant 5 : i32
        %add3A_1358 = vector.broadcast %add3A_1357 : i32 to vector<16xi32>
        %add3A_1359 = arith.addi %add3A_1317, %add3A_1358 : vector<16xi32>
        %gather3A_1360 = tpu.vector_load_idx %arg8[%add3A_1359] : memref<512xf32, #tpu.memory_space<vmem>>[vector<16xi32>], vector<16xf32>,
        %gather3A_1361 = tpu.vector_load_idx %arg9[%add3A_1359] : memref<512xi32, #tpu.memory_space<vmem>>[vector<16xi32>], vector<16xi32>,
        %gt3A_1362 = arith.cmpf ogt, %gather3A_1360, %select_n3A_1355 : vector<16xf32>
        %select_n3A_1363 = arith.select %gt3A_1362, %gather3A_1360, %select_n3A_1355 : vector<16xi1>, vector<16xf32>
        %select_n3A_1364 = arith.select %gt3A_1362, %gather3A_1361, %select_n3A_1356 : vector<16xi1>, vector<16xi32>
        %add3A_1365 = arith.constant 6 : i32
        %add3A_1366 = vector.broadcast %add3A_1365 : i32 to vector<16xi32>
        %add3A_1367 = arith.addi %add3A_1317, %add3A_1366 : vector<16xi32>
        %gather3A_1368 = tpu.vector_load_idx %arg8[%add3A_1367] : memref<512xf32, #tpu.memory_space<vmem>>[vector<16xi32>], vector<16xf32>,
        %gather3A_1369 = tpu.vector_load_idx %arg9[%add3A_1367] : memref<512xi32, #tpu.memory_space<vmem>>[vector<16xi32>], vector<16xi32>,
        %gt3A_1370 = arith.cmpf ogt, %gather3A_1368, %select_n3A_1363 : vector<16xf32>
        %select_n3A_1371 = arith.select %gt3A_1370, %gather3A_1368, %select_n3A_1363 : vector<16xi1>, vector<16xf32>
        %select_n3A_1372 = arith.select %gt3A_1370, %gather3A_1369, %select_n3A_1364 : vector<16xi1>, vector<16xi32>
        %add3A_1373 = arith.constant 7 : i32
        %add3A_1374 = vector.broadcast %add3A_1373 : i32 to vector<16xi32>
        %add3A_1375 = arith.addi %add3A_1317, %add3A_1374 : vector<16xi32>
        %gather3A_1376 = tpu.vector_load_idx %arg8[%add3A_1375] : memref<512xf32, #tpu.memory_space<vmem>>[vector<16xi32>], vector<16xf32>,
        %gather3A_1377 = tpu.vector_load_idx %arg9[%add3A_1375] : memref<512xi32, #tpu.memory_space<vmem>>[vector<16xi32>], vector<16xi32>,
        %gt3A_1378 = arith.cmpf ogt, %gather3A_1376, %select_n3A_1371 : vector<16xf32>
        %select_n3A_1379 = arith.select %gt3A_1378, %gather3A_1376, %select_n3A_1371 : vector<16xi1>, vector<16xf32>
        %select_n3A_1380 = arith.select %gt3A_1378, %gather3A_1377, %select_n3A_1372 : vector<16xi1>, vector<16xi32>
        %add3A_1381 = arith.constant 8 : i32
        %add3A_1382 = vector.broadcast %add3A_1381 : i32 to vector<16xi32>
        %add3A_1383 = arith.addi %add3A_1317, %add3A_1382 : vector<16xi32>
        %gather3A_1384 = tpu.vector_load_idx %arg8[%add3A_1383] : memref<512xf32, #tpu.memory_space<vmem>>[vector<16xi32>], vector<16xf32>,
        %gather3A_1385 = tpu.vector_load_idx %arg9[%add3A_1383] : memref<512xi32, #tpu.memory_space<vmem>>[vector<16xi32>], vector<16xi32>,
        %gt3A_1386 = arith.cmpf ogt, %gather3A_1384, %select_n3A_1379 : vector<16xf32>
        %select_n3A_1387 = arith.select %gt3A_1386, %gather3A_1384, %select_n3A_1379 : vector<16xi1>, vector<16xf32>
        %select_n3A_1388 = arith.select %gt3A_1386, %gather3A_1385, %select_n3A_1380 : vector<16xi1>, vector<16xi32>
        %add3A_1389 = arith.constant 9 : i32
        %add3A_1390 = vector.broadcast %add3A_1389 : i32 to vector<16xi32>
        %add3A_1391 = arith.addi %add3A_1317, %add3A_1390 : vector<16xi32>
        %gather3A_1392 = tpu.vector_load_idx %arg8[%add3A_1391] : memref<512xf32, #tpu.memory_space<vmem>>[vector<16xi32>], vector<16xf32>,
        %gather3A_1393 = tpu.vector_load_idx %arg9[%add3A_1391] : memref<512xi32, #tpu.memory_space<vmem>>[vector<16xi32>], vector<16xi32>,
        %gt3A_1394 = arith.cmpf ogt, %gather3A_1392, %select_n3A_1387 : vector<16xf32>
        %select_n3A_1395 = arith.select %gt3A_1394, %gather3A_1392, %select_n3A_1387 : vector<16xi1>, vector<16xf32>
        %select_n3A_1396 = arith.select %gt3A_1394, %gather3A_1393, %select_n3A_1388 : vector<16xi1>, vector<16xi32>
        %add3A_1397 = arith.constant 10 : i32
        %add3A_1398 = vector.broadcast %add3A_1397 : i32 to vector<16xi32>
        %add3A_1399 = arith.addi %add3A_1317, %add3A_1398 : vector<16xi32>
        %gather3A_1400 = tpu.vector_load_idx %arg8[%add3A_1399] : memref<512xf32, #tpu.memory_space<vmem>>[vector<16xi32>], vector<16xf32>,
        %gather3A_1401 = tpu.vector_load_idx %arg9[%add3A_1399] : memref<512xi32, #tpu.memory_space<vmem>>[vector<16xi32>], vector<16xi32>,
        %gt3A_1402 = arith.cmpf ogt, %gather3A_1400, %select_n3A_1395 : vector<16xf32>
        %select_n3A_1403 = arith.select %gt3A_1402, %gather3A_1400, %select_n3A_1395 : vector<16xi1>, vector<16xf32>
        %select_n3A_1404 = arith.select %gt3A_1402, %gather3A_1401, %select_n3A_1396 : vector<16xi1>, vector<16xi32>
        %add3A_1405 = arith.constant 11 : i32
        %add3A_1406 = vector.broadcast %add3A_1405 : i32 to vector<16xi32>
        %add3A_1407 = arith.addi %add3A_1317, %add3A_1406 : vector<16xi32>
        %gather3A_1408 = tpu.vector_load_idx %arg8[%add3A_1407] : memref<512xf32, #tpu.memory_space<vmem>>[vector<16xi32>], vector<16xf32>,
        %gather3A_1409 = tpu.vector_load_idx %arg9[%add3A_1407] : memref<512xi32, #tpu.memory_space<vmem>>[vector<16xi32>], vector<16xi32>,
        %gt3A_1410 = arith.cmpf ogt, %gather3A_1408, %select_n3A_1403 : vector<16xf32>
        %select_n3A_1411 = arith.select %gt3A_1410, %gather3A_1408, %select_n3A_1403 : vector<16xi1>, vector<16xf32>
        %select_n3A_1412 = arith.select %gt3A_1410, %gather3A_1409, %select_n3A_1404 : vector<16xi1>, vector<16xi32>
        %add3A_1413 = arith.constant 12 : i32
        %add3A_1414 = vector.broadcast %add3A_1413 : i32 to vector<16xi32>
        %add3A_1415 = arith.addi %add3A_1317, %add3A_1414 : vector<16xi32>
        %gather3A_1416 = tpu.vector_load_idx %arg8[%add3A_1415] : memref<512xf32, #tpu.memory_space<vmem>>[vector<16xi32>], vector<16xf32>,
        %gather3A_1417 = tpu.vector_load_idx %arg9[%add3A_1415] : memref<512xi32, #tpu.memory_space<vmem>>[vector<16xi32>], vector<16xi32>,
        %gt3A_1418 = arith.cmpf ogt, %gather3A_1416, %select_n3A_1411 : vector<16xf32>
        %select_n3A_1419 = arith.select %gt3A_1418, %gather3A_1416, %select_n3A_1411 : vector<16xi1>, vector<16xf32>
        %select_n3A_1420 = arith.select %gt3A_1418, %gather3A_1417, %select_n3A_1412 : vector<16xi1>, vector<16xi32>
        %add3A_1421 = arith.constant 13 : i32
        %add3A_1422 = vector.broadcast %add3A_1421 : i32 to vector<16xi32>
        %add3A_1423 = arith.addi %add3A_1317, %add3A_1422 : vector<16xi32>
        %gather3A_1424 = tpu.vector_load_idx %arg8[%add3A_1423] : memref<512xf32, #tpu.memory_space<vmem>>[vector<16xi32>], vector<16xf32>,
        %gather3A_1425 = tpu.vector_load_idx %arg9[%add3A_1423] : memref<512xi32, #tpu.memory_space<vmem>>[vector<16xi32>], vector<16xi32>,
        %gt3A_1426 = arith.cmpf ogt, %gather3A_1424, %select_n3A_1419 : vector<16xf32>
        %select_n3A_1427 = arith.select %gt3A_1426, %gather3A_1424, %select_n3A_1419 : vector<16xi1>, vector<16xf32>
        %select_n3A_1428 = arith.select %gt3A_1426, %gather3A_1425, %select_n3A_1420 : vector<16xi1>, vector<16xi32>
        %add3A_1429 = arith.constant 14 : i32
        %add3A_1430 = vector.broadcast %add3A_1429 : i32 to vector<16xi32>
        %add3A_1431 = arith.addi %add3A_1317, %add3A_1430 : vector<16xi32>
        %gather3A_1432 = tpu.vector_load_idx %arg8[%add3A_1431] : memref<512xf32, #tpu.memory_space<vmem>>[vector<16xi32>], vector<16xf32>,
        %gather3A_1433 = tpu.vector_load_idx %arg9[%add3A_1431] : memref<512xi32, #tpu.memory_space<vmem>>[vector<16xi32>], vector<16xi32>,
        %gt3A_1434 = arith.cmpf ogt, %gather3A_1432, %select_n3A_1427 : vector<16xf32>
        %select_n3A_1435 = arith.select %gt3A_1434, %gather3A_1432, %select_n3A_1427 : vector<16xi1>, vector<16xf32>
        %select_n3A_1436 = arith.select %gt3A_1434, %gather3A_1433, %select_n3A_1428 : vector<16xi1>, vector<16xi32>
        %add3A_1437 = arith.constant 15 : i32
        %add3A_1438 = vector.broadcast %add3A_1437 : i32 to vector<16xi32>
        %add3A_1439 = arith.addi %add3A_1317, %add3A_1438 : vector<16xi32>
        %gather3A_1440 = tpu.vector_load_idx %arg8[%add3A_1439] : memref<512xf32, #tpu.memory_space<vmem>>[vector<16xi32>], vector<16xf32>,
        %gather3A_1441 = tpu.vector_load_idx %arg9[%add3A_1439] : memref<512xi32, #tpu.memory_space<vmem>>[vector<16xi32>], vector<16xi32>,
        %gt3A_1442 = arith.cmpf ogt, %gather3A_1440, %select_n3A_1435 : vector<16xf32>
        %select_n3A_1443 = arith.select %gt3A_1442, %gather3A_1440, %select_n3A_1435 : vector<16xi1>, vector<16xf32>
        %select_n3A_1444 = arith.select %gt3A_1442, %gather3A_1441, %select_n3A_1436 : vector<16xi1>, vector<16xi32>
        %swap3A_1445 = arith.constant 0 : index
        %swap3A_1446 = tpu.vector_load %arg10[%swap3A_1445] {strides = array<i32>} : memref<32xf32, #tpu.memory_space<vmem>>, vector<16xf32>,
        tpu.vector_store %arg10[%swap3A_1445], %select_n3A_1443 {strides = array<i32>} : memref<32xf32, #tpu.memory_space<vmem>>, vector<16xf32>,
        %swap3A_1447 = arith.constant 0 : index
        %swap3A_1448 = tpu.vector_load %arg11[%swap3A_1447] {strides = array<i32>} : memref<32xi32, #tpu.memory_space<vmem>>, vector<16xi32>,
        tpu.vector_store %arg11[%swap3A_1447], %select_n3A_1444 {strides = array<i32>} : memref<32xi32, #tpu.memory_space<vmem>>, vector<16xi32>,
        %mul3A_1449 = arith.constant 16 : i32
        %mul3A_1450 = vector.broadcast %mul3A_1449 : i32 to vector<16xi32>
        %mul3A_1451 = arith.muli %iota3A, %mul3A_1450 : vector<16xi32>
        %add3A_1452 = arith.constant 256 : i32
        %add3A_1453 = vector.broadcast %add3A_1452 : i32 to vector<16xi32>
        %add3A_1454 = arith.addi %add3A_1453, %mul3A_1451 : vector<16xi32>
        %add3A_1455 = arith.constant 0 : i32
        %add3A_1456 = vector.broadcast %add3A_1455 : i32 to vector<16xi32>
        %add3A_1457 = arith.addi %add3A_1454, %add3A_1456 : vector<16xi32>
        %gather3A_1458 = tpu.vector_load_idx %arg8[%add3A_1457] : memref<512xf32, #tpu.memory_space<vmem>>[vector<16xi32>], vector<16xf32>,
        %gather3A_1459 = tpu.vector_load_idx %arg9[%add3A_1457] : memref<512xi32, #tpu.memory_space<vmem>>[vector<16xi32>], vector<16xi32>,
        %gt3A_1460 = arith.cmpf ogt, %gather3A_1458, %broadcast_in_dim3A_0 : vector<16xf32>
        %select_n3A_1461 = arith.select %gt3A_1460, %gather3A_1458, %broadcast_in_dim3A_0 : vector<16xi1>, vector<16xf32>
        %select_n3A_1462 = arith.select %gt3A_1460, %gather3A_1459, %broadcast_in_dim3A_2 : vector<16xi1>, vector<16xi32>
        %add3A_1463 = arith.constant 1 : i32
        %add3A_1464 = vector.broadcast %add3A_1463 : i32 to vector<16xi32>
        %add3A_1465 = arith.addi %add3A_1454, %add3A_1464 : vector<16xi32>
        %gather3A_1466 = tpu.vector_load_idx %arg8[%add3A_1465] : memref<512xf32, #tpu.memory_space<vmem>>[vector<16xi32>], vector<16xf32>,
        %gather3A_1467 = tpu.vector_load_idx %arg9[%add3A_1465] : memref<512xi32, #tpu.memory_space<vmem>>[vector<16xi32>], vector<16xi32>,
        %gt3A_1468 = arith.cmpf ogt, %gather3A_1466, %select_n3A_1461 : vector<16xf32>
        %select_n3A_1469 = arith.select %gt3A_1468, %gather3A_1466, %select_n3A_1461 : vector<16xi1>, vector<16xf32>
        %select_n3A_1470 = arith.select %gt3A_1468, %gather3A_1467, %select_n3A_1462 : vector<16xi1>, vector<16xi32>
        %add3A_1471 = arith.constant 2 : i32
        %add3A_1472 = vector.broadcast %add3A_1471 : i32 to vector<16xi32>
        %add3A_1473 = arith.addi %add3A_1454, %add3A_1472 : vector<16xi32>
        %gather3A_1474 = tpu.vector_load_idx %arg8[%add3A_1473] : memref<512xf32, #tpu.memory_space<vmem>>[vector<16xi32>], vector<16xf32>,
        %gather3A_1475 = tpu.vector_load_idx %arg9[%add3A_1473] : memref<512xi32, #tpu.memory_space<vmem>>[vector<16xi32>], vector<16xi32>,
        %gt3A_1476 = arith.cmpf ogt, %gather3A_1474, %select_n3A_1469 : vector<16xf32>
        %select_n3A_1477 = arith.select %gt3A_1476, %gather3A_1474, %select_n3A_1469 : vector<16xi1>, vector<16xf32>
        %select_n3A_1478 = arith.select %gt3A_1476, %gather3A_1475, %select_n3A_1470 : vector<16xi1>, vector<16xi32>
        %add3A_1479 = arith.constant 3 : i32
        %add3A_1480 = vector.broadcast %add3A_1479 : i32 to vector<16xi32>
        %add3A_1481 = arith.addi %add3A_1454, %add3A_1480 : vector<16xi32>
        %gather3A_1482 = tpu.vector_load_idx %arg8[%add3A_1481] : memref<512xf32, #tpu.memory_space<vmem>>[vector<16xi32>], vector<16xf32>,
        %gather3A_1483 = tpu.vector_load_idx %arg9[%add3A_1481] : memref<512xi32, #tpu.memory_space<vmem>>[vector<16xi32>], vector<16xi32>,
        %gt3A_1484 = arith.cmpf ogt, %gather3A_1482, %select_n3A_1477 : vector<16xf32>
        %select_n3A_1485 = arith.select %gt3A_1484, %gather3A_1482, %select_n3A_1477 : vector<16xi1>, vector<16xf32>
        %select_n3A_1486 = arith.select %gt3A_1484, %gather3A_1483, %select_n3A_1478 : vector<16xi1>, vector<16xi32>
        %add3A_1487 = arith.constant 4 : i32
        %add3A_1488 = vector.broadcast %add3A_1487 : i32 to vector<16xi32>
        %add3A_1489 = arith.addi %add3A_1454, %add3A_1488 : vector<16xi32>
        %gather3A_1490 = tpu.vector_load_idx %arg8[%add3A_1489] : memref<512xf32, #tpu.memory_space<vmem>>[vector<16xi32>], vector<16xf32>,
        %gather3A_1491 = tpu.vector_load_idx %arg9[%add3A_1489] : memref<512xi32, #tpu.memory_space<vmem>>[vector<16xi32>], vector<16xi32>,
        %gt3A_1492 = arith.cmpf ogt, %gather3A_1490, %select_n3A_1485 : vector<16xf32>
        %select_n3A_1493 = arith.select %gt3A_1492, %gather3A_1490, %select_n3A_1485 : vector<16xi1>, vector<16xf32>
        %select_n3A_1494 = arith.select %gt3A_1492, %gather3A_1491, %select_n3A_1486 : vector<16xi1>, vector<16xi32>
        %add3A_1495 = arith.constant 5 : i32
        %add3A_1496 = vector.broadcast %add3A_1495 : i32 to vector<16xi32>
        %add3A_1497 = arith.addi %add3A_1454, %add3A_1496 : vector<16xi32>
        %gather3A_1498 = tpu.vector_load_idx %arg8[%add3A_1497] : memref<512xf32, #tpu.memory_space<vmem>>[vector<16xi32>], vector<16xf32>,
        %gather3A_1499 = tpu.vector_load_idx %arg9[%add3A_1497] : memref<512xi32, #tpu.memory_space<vmem>>[vector<16xi32>], vector<16xi32>,
        %gt3A_1500 = arith.cmpf ogt, %gather3A_1498, %select_n3A_1493 : vector<16xf32>
        %select_n3A_1501 = arith.select %gt3A_1500, %gather3A_1498, %select_n3A_1493 : vector<16xi1>, vector<16xf32>
        %select_n3A_1502 = arith.select %gt3A_1500, %gather3A_1499, %select_n3A_1494 : vector<16xi1>, vector<16xi32>
        %add3A_1503 = arith.constant 6 : i32
        %add3A_1504 = vector.broadcast %add3A_1503 : i32 to vector<16xi32>
        %add3A_1505 = arith.addi %add3A_1454, %add3A_1504 : vector<16xi32>
        %gather3A_1506 = tpu.vector_load_idx %arg8[%add3A_1505] : memref<512xf32, #tpu.memory_space<vmem>>[vector<16xi32>], vector<16xf32>,
        %gather3A_1507 = tpu.vector_load_idx %arg9[%add3A_1505] : memref<512xi32, #tpu.memory_space<vmem>>[vector<16xi32>], vector<16xi32>,
        %gt3A_1508 = arith.cmpf ogt, %gather3A_1506, %select_n3A_1501 : vector<16xf32>
        %select_n3A_1509 = arith.select %gt3A_1508, %gather3A_1506, %select_n3A_1501 : vector<16xi1>, vector<16xf32>
        %select_n3A_1510 = arith.select %gt3A_1508, %gather3A_1507, %select_n3A_1502 : vector<16xi1>, vector<16xi32>
        %add3A_1511 = arith.constant 7 : i32
        %add3A_1512 = vector.broadcast %add3A_1511 : i32 to vector<16xi32>
        %add3A_1513 = arith.addi %add3A_1454, %add3A_1512 : vector<16xi32>
        %gather3A_1514 = tpu.vector_load_idx %arg8[%add3A_1513] : memref<512xf32, #tpu.memory_space<vmem>>[vector<16xi32>], vector<16xf32>,
        %gather3A_1515 = tpu.vector_load_idx %arg9[%add3A_1513] : memref<512xi32, #tpu.memory_space<vmem>>[vector<16xi32>], vector<16xi32>,
        %gt3A_1516 = arith.cmpf ogt, %gather3A_1514, %select_n3A_1509 : vector<16xf32>
        %select_n3A_1517 = arith.select %gt3A_1516, %gather3A_1514, %select_n3A_1509 : vector<16xi1>, vector<16xf32>
        %select_n3A_1518 = arith.select %gt3A_1516, %gather3A_1515, %select_n3A_1510 : vector<16xi1>, vector<16xi32>
        %add3A_1519 = arith.constant 8 : i32
        %add3A_1520 = vector.broadcast %add3A_1519 : i32 to vector<16xi32>
        %add3A_1521 = arith.addi %add3A_1454, %add3A_1520 : vector<16xi32>
        %gather3A_1522 = tpu.vector_load_idx %arg8[%add3A_1521] : memref<512xf32, #tpu.memory_space<vmem>>[vector<16xi32>], vector<16xf32>,
        %gather3A_1523 = tpu.vector_load_idx %arg9[%add3A_1521] : memref<512xi32, #tpu.memory_space<vmem>>[vector<16xi32>], vector<16xi32>,
        %gt3A_1524 = arith.cmpf ogt, %gather3A_1522, %select_n3A_1517 : vector<16xf32>
        %select_n3A_1525 = arith.select %gt3A_1524, %gather3A_1522, %select_n3A_1517 : vector<16xi1>, vector<16xf32>
        %select_n3A_1526 = arith.select %gt3A_1524, %gather3A_1523, %select_n3A_1518 : vector<16xi1>, vector<16xi32>
        %add3A_1527 = arith.constant 9 : i32
        %add3A_1528 = vector.broadcast %add3A_1527 : i32 to vector<16xi32>
        %add3A_1529 = arith.addi %add3A_1454, %add3A_1528 : vector<16xi32>
        %gather3A_1530 = tpu.vector_load_idx %arg8[%add3A_1529] : memref<512xf32, #tpu.memory_space<vmem>>[vector<16xi32>], vector<16xf32>,
        %gather3A_1531 = tpu.vector_load_idx %arg9[%add3A_1529] : memref<512xi32, #tpu.memory_space<vmem>>[vector<16xi32>], vector<16xi32>,
        %gt3A_1532 = arith.cmpf ogt, %gather3A_1530, %select_n3A_1525 : vector<16xf32>
        %select_n3A_1533 = arith.select %gt3A_1532, %gather3A_1530, %select_n3A_1525 : vector<16xi1>, vector<16xf32>
        %select_n3A_1534 = arith.select %gt3A_1532, %gather3A_1531, %select_n3A_1526 : vector<16xi1>, vector<16xi32>
        %add3A_1535 = arith.constant 10 : i32
        %add3A_1536 = vector.broadcast %add3A_1535 : i32 to vector<16xi32>
        %add3A_1537 = arith.addi %add3A_1454, %add3A_1536 : vector<16xi32>
        %gather3A_1538 = tpu.vector_load_idx %arg8[%add3A_1537] : memref<512xf32, #tpu.memory_space<vmem>>[vector<16xi32>], vector<16xf32>,
        %gather3A_1539 = tpu.vector_load_idx %arg9[%add3A_1537] : memref<512xi32, #tpu.memory_space<vmem>>[vector<16xi32>], vector<16xi32>,
        %gt3A_1540 = arith.cmpf ogt, %gather3A_1538, %select_n3A_1533 : vector<16xf32>
        %select_n3A_1541 = arith.select %gt3A_1540, %gather3A_1538, %select_n3A_1533 : vector<16xi1>, vector<16xf32>
        %select_n3A_1542 = arith.select %gt3A_1540, %gather3A_1539, %select_n3A_1534 : vector<16xi1>, vector<16xi32>
        %add3A_1543 = arith.constant 11 : i32
        %add3A_1544 = vector.broadcast %add3A_1543 : i32 to vector<16xi32>
        %add3A_1545 = arith.addi %add3A_1454, %add3A_1544 : vector<16xi32>
        %gather3A_1546 = tpu.vector_load_idx %arg8[%add3A_1545] : memref<512xf32, #tpu.memory_space<vmem>>[vector<16xi32>], vector<16xf32>,
        %gather3A_1547 = tpu.vector_load_idx %arg9[%add3A_1545] : memref<512xi32, #tpu.memory_space<vmem>>[vector<16xi32>], vector<16xi32>,
        %gt3A_1548 = arith.cmpf ogt, %gather3A_1546, %select_n3A_1541 : vector<16xf32>
        %select_n3A_1549 = arith.select %gt3A_1548, %gather3A_1546, %select_n3A_1541 : vector<16xi1>, vector<16xf32>
        %select_n3A_1550 = arith.select %gt3A_1548, %gather3A_1547, %select_n3A_1542 : vector<16xi1>, vector<16xi32>
        %add3A_1551 = arith.constant 12 : i32
        %add3A_1552 = vector.broadcast %add3A_1551 : i32 to vector<16xi32>
        %add3A_1553 = arith.addi %add3A_1454, %add3A_1552 : vector<16xi32>
        %gather3A_1554 = tpu.vector_load_idx %arg8[%add3A_1553] : memref<512xf32, #tpu.memory_space<vmem>>[vector<16xi32>], vector<16xf32>,
        %gather3A_1555 = tpu.vector_load_idx %arg9[%add3A_1553] : memref<512xi32, #tpu.memory_space<vmem>>[vector<16xi32>], vector<16xi32>,
        %gt3A_1556 = arith.cmpf ogt, %gather3A_1554, %select_n3A_1549 : vector<16xf32>
        %select_n3A_1557 = arith.select %gt3A_1556, %gather3A_1554, %select_n3A_1549 : vector<16xi1>, vector<16xf32>
        %select_n3A_1558 = arith.select %gt3A_1556, %gather3A_1555, %select_n3A_1550 : vector<16xi1>, vector<16xi32>
        %add3A_1559 = arith.constant 13 : i32
        %add3A_1560 = vector.broadcast %add3A_1559 : i32 to vector<16xi32>
        %add3A_1561 = arith.addi %add3A_1454, %add3A_1560 : vector<16xi32>
        %gather3A_1562 = tpu.vector_load_idx %arg8[%add3A_1561] : memref<512xf32, #tpu.memory_space<vmem>>[vector<16xi32>], vector<16xf32>,
        %gather3A_1563 = tpu.vector_load_idx %arg9[%add3A_1561] : memref<512xi32, #tpu.memory_space<vmem>>[vector<16xi32>], vector<16xi32>,
        %gt3A_1564 = arith.cmpf ogt, %gather3A_1562, %select_n3A_1557 : vector<16xf32>
        %select_n3A_1565 = arith.select %gt3A_1564, %gather3A_1562, %select_n3A_1557 : vector<16xi1>, vector<16xf32>
        %select_n3A_1566 = arith.select %gt3A_1564, %gather3A_1563, %select_n3A_1558 : vector<16xi1>, vector<16xi32>
        %add3A_1567 = arith.constant 14 : i32
        %add3A_1568 = vector.broadcast %add3A_1567 : i32 to vector<16xi32>
        %add3A_1569 = arith.addi %add3A_1454, %add3A_1568 : vector<16xi32>
        %gather3A_1570 = tpu.vector_load_idx %arg8[%add3A_1569] : memref<512xf32, #tpu.memory_space<vmem>>[vector<16xi32>], vector<16xf32>,
        %gather3A_1571 = tpu.vector_load_idx %arg9[%add3A_1569] : memref<512xi32, #tpu.memory_space<vmem>>[vector<16xi32>], vector<16xi32>,
        %gt3A_1572 = arith.cmpf ogt, %gather3A_1570, %select_n3A_1565 : vector<16xf32>
        %select_n3A_1573 = arith.select %gt3A_1572, %gather3A_1570, %select_n3A_1565 : vector<16xi1>, vector<16xf32>
        %select_n3A_1574 = arith.select %gt3A_1572, %gather3A_1571, %select_n3A_1566 : vector<16xi1>, vector<16xi32>
        %add3A_1575 = arith.constant 15 : i32
        %add3A_1576 = vector.broadcast %add3A_1575 : i32 to vector<16xi32>
        %add3A_1577 = arith.addi %add3A_1454, %add3A_1576 : vector<16xi32>
        %gather3A_1578 = tpu.vector_load_idx %arg8[%add3A_1577] : memref<512xf32, #tpu.memory_space<vmem>>[vector<16xi32>], vector<16xf32>,
        %gather3A_1579 = tpu.vector_load_idx %arg9[%add3A_1577] : memref<512xi32, #tpu.memory_space<vmem>>[vector<16xi32>], vector<16xi32>,
        %gt3A_1580 = arith.cmpf ogt, %gather3A_1578, %select_n3A_1573 : vector<16xf32>
        %select_n3A_1581 = arith.select %gt3A_1580, %gather3A_1578, %select_n3A_1573 : vector<16xi1>, vector<16xf32>
        %select_n3A_1582 = arith.select %gt3A_1580, %gather3A_1579, %select_n3A_1574 : vector<16xi1>, vector<16xi32>
        %swap3A_1583 = arith.constant 16 : index
        %swap3A_1584 = tpu.vector_load %arg10[%swap3A_1583] {strides = array<i32>} : memref<32xf32, #tpu.memory_space<vmem>>, vector<16xf32>,
        tpu.vector_store %arg10[%swap3A_1583], %select_n3A_1581 {strides = array<i32>} : memref<32xf32, #tpu.memory_space<vmem>>, vector<16xf32>,
        %swap3A_1585 = arith.constant 16 : index
        %swap3A_1586 = tpu.vector_load %arg11[%swap3A_1585] {strides = array<i32>} : memref<32xi32, #tpu.memory_space<vmem>>, vector<16xi32>,
        tpu.vector_store %arg11[%swap3A_1585], %select_n3A_1582 {strides = array<i32>} : memref<32xi32, #tpu.memory_space<vmem>>, vector<16xi32>,
        %scan3A_1587 = arith.constant 0 : i32
        %scan3A_1588 = arith.constant 30 : i32
        %scan3A_1589 = arith.addi %scan3A_1587, %scan3A_1588 : i32
        %scan3A_1590 = arith.constant 1 : i32
        %scan3A_1591:4 = scf.for %scan3A_1648 = %scan3A_1587 to %scan3A_1589 step %scan3A_1590 iter_args(%scan3A_1649 = %broadcast_in_dim3A_2, %scan3A_1650 = %broadcast_in_dim3A_2, %scan3A_1651 = %broadcast_in_dim3A_0, %scan3A_1652 = %broadcast_in_dim3A_0) -> (vector<16xi32>, vector<16xi32>, vector<16xf32>, vector<16xf32>)  : i32 {
          %get3A_1653 = arith.constant 0 : index
          %get3A_1654 = tpu.vector_load %arg10[%get3A_1653] {strides = array<i32>} : memref<32xf32, #tpu.memory_space<vmem>>, vector<16xf32>,
          %get3A_1655 = arith.constant 0 : index
          %get3A_1656 = tpu.vector_load %arg11[%get3A_1655] {strides = array<i32>} : memref<32xi32, #tpu.memory_space<vmem>>, vector<16xi32>,
          %gt3A_1657 = arith.cmpf ogt, %get3A_1654, %broadcast_in_dim3A_0 : vector<16xf32>
          %select_n3A_1658 = arith.select %gt3A_1657, %get3A_1654, %broadcast_in_dim3A_0 : vector<16xi1>, vector<16xf32>
          %select_n3A_1659 = arith.select %gt3A_1657, %get3A_1656, %broadcast_in_dim3A_2 : vector<16xi1>, vector<16xi32>
          %get3A_1660 = arith.constant 16 : index
          %get3A_1661 = tpu.vector_load %arg10[%get3A_1660] {strides = array<i32>} : memref<32xf32, #tpu.memory_space<vmem>>, vector<16xf32>,
          %get3A_1662 = arith.constant 16 : index
          %get3A_1663 = tpu.vector_load %arg11[%get3A_1662] {strides = array<i32>} : memref<32xi32, #tpu.memory_space<vmem>>, vector<16xi32>,
          %gt3A_1664 = arith.cmpf ogt, %get3A_1661, %select_n3A_1658 : vector<16xf32>
          %select_n3A_1665 = arith.select %gt3A_1664, %get3A_1661, %select_n3A_1658 : vector<16xi1>, vector<16xf32>
          %select_n3A_1666 = arith.select %gt3A_1664, %get3A_1663, %select_n3A_1659 : vector<16xi1>, vector<16xi32>
          %reduce_max3A_1667 = arith.constant true
          %reduce_max3A_1668 = vector.broadcast %reduce_max3A_1667 : i1 to vector<16xi1>
          %reduce_max3A_1669 = tpu.scan <max>, %select_n3A_1665 masked %reduce_max3A_1668 : vector<16xf32>, vector<16xi1> -> vector<16xf32>
          %reduce_max3A_1670 = vector.extract %reduce_max3A_1669[15] : f32 from vector<16xf32>
          %convert_element_type3A_1671 = arith.sitofp %select_n3A_1666 : vector<16xi32> to vector<16xf32>
          %eq3A_1672 = vector.broadcast %reduce_max3A_1670 : f32 to vector<16xf32>
          %eq3A_1673 = arith.cmpf oeq, %select_n3A_1665, %eq3A_1672 : vector<16xf32>
          %jit3A_1674 = arith.constant 0x4B800000 : f32
          %broadcast_in_dim3A_1675 = vector.broadcast %jit3A_1674 : f32 to vector<16xf32>
          %select_n3A_1676 = arith.select %eq3A_1673, %convert_element_type3A_1671, %broadcast_in_dim3A_1675 : vector<16xi1>, vector<16xf32>
          %reduce_min3A_1677 = arith.constant true
          %reduce_min3A_1678 = vector.broadcast %reduce_min3A_1677 : i1 to vector<16xi1>
          %reduce_min3A_1679 = tpu.scan <min>, %select_n3A_1676 masked %reduce_min3A_1678 : vector<16xf32>, vector<16xi1> -> vector<16xf32>
          %reduce_min3A_1680 = vector.extract %reduce_min3A_1679[15] : f32 from vector<16xf32>
          %convert_element_type3A_1681 = arith.fptosi %reduce_min3A_1680 : f32 to i32
          %broadcast_in_dim3A_1682 = vector.broadcast %convert_element_type3A_1681 : i32 to vector<16xi32>
          %broadcast_in_dim3A_1683 = vector.broadcast %reduce_max3A_1670 : f32 to vector<16xf32>
          %eq3A_1684 = vector.broadcast %scan3A_1648 : i32 to vector<16xi32>
          %eq3A_1685 = arith.cmpi eq, %iota3A, %eq3A_1684 : vector<16xi32>
          %select_n3A_1686 = arith.select %eq3A_1685, %broadcast_in_dim3A_1682, %scan3A_1649 : vector<16xi1>, vector<16xi32>
          %sub3A_1687 = arith.constant 16 : i32
          %sub3A_1688 = arith.subi %scan3A_1648, %sub3A_1687 : i32
          %eq3A_1689 = vector.broadcast %sub3A_1688 : i32 to vector<16xi32>
          %eq3A_1690 = arith.cmpi eq, %iota3A, %eq3A_1689 : vector<16xi32>
          %select_n3A_1691 = arith.select %eq3A_1690, %broadcast_in_dim3A_1682, %scan3A_1650 : vector<16xi1>, vector<16xi32>
          %eq3A_1692 = vector.broadcast %scan3A_1648 : i32 to vector<16xi32>
          %eq3A_1693 = arith.cmpi eq, %iota3A, %eq3A_1692 : vector<16xi32>
          %select_n3A_1694 = arith.select %eq3A_1693, %broadcast_in_dim3A_1683, %scan3A_1651 : vector<16xi1>, vector<16xf32>
          %sub3A_1695 = arith.constant 16 : i32
          %sub3A_1696 = arith.subi %scan3A_1648, %sub3A_1695 : i32
          %eq3A_1697 = vector.broadcast %sub3A_1696 : i32 to vector<16xi32>
          %eq3A_1698 = arith.cmpi eq, %iota3A, %eq3A_1697 : vector<16xi32>
          %select_n3A_1699 = arith.select %eq3A_1698, %broadcast_in_dim3A_1683, %scan3A_1652 : vector<16xi1>, vector<16xf32>
          %gt3A_1700 = arith.constant 0xFF800000 : f32
          %gt3A_1701 = arith.cmpf ogt, %reduce_max3A_1670, %gt3A_1700 : f32
          %and3A_1702 = vector.broadcast %gt3A_1701 : i1 to vector<16xi1>
          %and3A_1703 = arith.andi %eq3A_4, %and3A_1702 : vector<16xi1>
          tpu.vector_store_idx %arg7[%broadcast_in_dim3A_1682], %broadcast_in_dim3A_0 masked %and3A_1703 : memref<100096xf32, #tpu.memory_space<vmem>>[vector<16xi32>], vector<16xf32>, vector<16xi1>
          %jit3A_1704 = arith.constant 256 : i32
          %div3A_1705 = arith.divsi %convert_element_type3A_1681, %jit3A_1704 : i32
          %sign3A_1706 = arith.constant 0 : i32
          %sign3A_1707 = arith.cmpi sgt, %convert_element_type3A_1681, %sign3A_1706 : i32
          %sign3A_1708 = arith.extui %sign3A_1707 : i1 to i32
          %sign3A_1709 = arith.constant 0 : i32
          %sign3A_1710 = arith.cmpi slt, %convert_element_type3A_1681, %sign3A_1709 : i32
          %sign3A_1711 = arith.extui %sign3A_1710 : i1 to i32
          %sign3A_1712 = arith.subi %sign3A_1708, %sign3A_1711 : i32
          %sign3A_1713 = arith.constant 0 : i32
          %sign3A_1714 = arith.cmpi sgt, %jit3A_1704, %sign3A_1713 : i32
          %sign3A_1715 = arith.extui %sign3A_1714 : i1 to i32
          %sign3A_1716 = arith.constant 0 : i32
          %sign3A_1717 = arith.cmpi slt, %jit3A_1704, %sign3A_1716 : i32
          %sign3A_1718 = arith.extui %sign3A_1717 : i1 to i32
          %sign3A_1719 = arith.subi %sign3A_1715, %sign3A_1718 : i32
          %ne3A_1720 = arith.cmpi ne, %sign3A_1712, %sign3A_1719 : i32
          %rem3A_1721 = arith.remsi %convert_element_type3A_1681, %jit3A_1704 : i32
          %ne3A_1722 = arith.constant 0 : i32
          %ne3A_1723 = arith.cmpi ne, %rem3A_1721, %ne3A_1722 : i32
          %and3A_1724 = arith.andi %ne3A_1720, %ne3A_1723 : i1
          %sub3A_1725 = arith.constant 1 : i32
          %sub3A_1726 = arith.subi %div3A_1705, %sub3A_1725 : i32
          %select_n3A_1727 = arith.select %and3A_1724, %sub3A_1726, %div3A_1705 : i32
          %mul3A_1728 = arith.constant 256 : i32
          %mul3A_1729 = arith.muli %select_n3A_1727, %mul3A_1728 : i32
          %multiple_of3A_1730 = tpu.assume_multiple %mul3A_1729, 16 : i32
          %add3A_1731 = arith.constant 0 : i32
          %add3A_1732 = arith.addi %multiple_of3A_1730, %add3A_1731 : i32
          %multiple_of3A_1733 = tpu.assume_multiple %add3A_1732, 16 : i32
          %get3A_1734 = arith.index_cast %multiple_of3A_1733 : i32 to index
          %get3A_1735 = tpu.vector_load %arg7[%get3A_1734] {strides = array<i32>} : memref<100096xf32, #tpu.memory_space<vmem>>, vector<16xf32>,
          %add3A_1736 = vector.broadcast %multiple_of3A_1733 : i32 to vector<16xi32>
          %add3A_1737 = arith.addi %iota3A, %add3A_1736 : vector<16xi32>
          %ge3A_1738 = vector.broadcast %convert_element_type3A_99 : i32 to vector<16xi32>
          %ge3A_1739 = arith.cmpi sge, %add3A_1737, %ge3A_1738 : vector<16xi32>
          %lt3A_1740 = vector.broadcast %convert_element_type3A_155 : i32 to vector<16xi32>
          %lt3A_1741 = arith.cmpi slt, %add3A_1737, %lt3A_1740 : vector<16xi32>
          %and3A_1742 = arith.andi %ge3A_1739, %lt3A_1741 : vector<16xi1>
          %select_n3A_1743 = arith.select %and3A_1742, %get3A_1735, %broadcast_in_dim3A_0 : vector<16xi1>, vector<16xf32>
          %gt3A_1744 = arith.cmpf ogt, %select_n3A_1743, %broadcast_in_dim3A_0 : vector<16xf32>
          %select_n3A_1745 = arith.select %gt3A_1744, %select_n3A_1743, %broadcast_in_dim3A_0 : vector<16xi1>, vector<16xf32>
          %select_n3A_1746 = arith.select %gt3A_1744, %add3A_1737, %broadcast_in_dim3A_2 : vector<16xi1>, vector<16xi32>
          %add3A_1747 = arith.constant 16 : i32
          %add3A_1748 = arith.addi %multiple_of3A_1730, %add3A_1747 : i32
          %multiple_of3A_1749 = tpu.assume_multiple %add3A_1748, 16 : i32
          %get3A_1750 = arith.index_cast %multiple_of3A_1749 : i32 to index
          %get3A_1751 = tpu.vector_load %arg7[%get3A_1750] {strides = array<i32>} : memref<100096xf32, #tpu.memory_space<vmem>>, vector<16xf32>,
          %add3A_1752 = vector.broadcast %multiple_of3A_1749 : i32 to vector<16xi32>
          %add3A_1753 = arith.addi %iota3A, %add3A_1752 : vector<16xi32>
          %ge3A_1754 = vector.broadcast %convert_element_type3A_99 : i32 to vector<16xi32>
          %ge3A_1755 = arith.cmpi sge, %add3A_1753, %ge3A_1754 : vector<16xi32>
          %lt3A_1756 = vector.broadcast %convert_element_type3A_155 : i32 to vector<16xi32>
          %lt3A_1757 = arith.cmpi slt, %add3A_1753, %lt3A_1756 : vector<16xi32>
          %and3A_1758 = arith.andi %ge3A_1755, %lt3A_1757 : vector<16xi1>
          %select_n3A_1759 = arith.select %and3A_1758, %get3A_1751, %broadcast_in_dim3A_0 : vector<16xi1>, vector<16xf32>
          %gt3A_1760 = arith.cmpf ogt, %select_n3A_1759, %select_n3A_1745 : vector<16xf32>
          %select_n3A_1761 = arith.select %gt3A_1760, %select_n3A_1759, %select_n3A_1745 : vector<16xi1>, vector<16xf32>
          %select_n3A_1762 = arith.select %gt3A_1760, %add3A_1753, %select_n3A_1746 : vector<16xi1>, vector<16xi32>
          %add3A_1763 = arith.constant 32 : i32
          %add3A_1764 = arith.addi %multiple_of3A_1730, %add3A_1763 : i32
          %multiple_of3A_1765 = tpu.assume_multiple %add3A_1764, 16 : i32
          %get3A_1766 = arith.index_cast %multiple_of3A_1765 : i32 to index
          %get3A_1767 = tpu.vector_load %arg7[%get3A_1766] {strides = array<i32>} : memref<100096xf32, #tpu.memory_space<vmem>>, vector<16xf32>,
          %add3A_1768 = vector.broadcast %multiple_of3A_1765 : i32 to vector<16xi32>
          %add3A_1769 = arith.addi %iota3A, %add3A_1768 : vector<16xi32>
          %ge3A_1770 = vector.broadcast %convert_element_type3A_99 : i32 to vector<16xi32>
          %ge3A_1771 = arith.cmpi sge, %add3A_1769, %ge3A_1770 : vector<16xi32>
          %lt3A_1772 = vector.broadcast %convert_element_type3A_155 : i32 to vector<16xi32>
          %lt3A_1773 = arith.cmpi slt, %add3A_1769, %lt3A_1772 : vector<16xi32>
          %and3A_1774 = arith.andi %ge3A_1771, %lt3A_1773 : vector<16xi1>
          %select_n3A_1775 = arith.select %and3A_1774, %get3A_1767, %broadcast_in_dim3A_0 : vector<16xi1>, vector<16xf32>
          %gt3A_1776 = arith.cmpf ogt, %select_n3A_1775, %select_n3A_1761 : vector<16xf32>
          %select_n3A_1777 = arith.select %gt3A_1776, %select_n3A_1775, %select_n3A_1761 : vector<16xi1>, vector<16xf32>
          %select_n3A_1778 = arith.select %gt3A_1776, %add3A_1769, %select_n3A_1762 : vector<16xi1>, vector<16xi32>
          %add3A_1779 = arith.constant 48 : i32
          %add3A_1780 = arith.addi %multiple_of3A_1730, %add3A_1779 : i32
          %multiple_of3A_1781 = tpu.assume_multiple %add3A_1780, 16 : i32
          %get3A_1782 = arith.index_cast %multiple_of3A_1781 : i32 to index
          %get3A_1783 = tpu.vector_load %arg7[%get3A_1782] {strides = array<i32>} : memref<100096xf32, #tpu.memory_space<vmem>>, vector<16xf32>,
          %add3A_1784 = vector.broadcast %multiple_of3A_1781 : i32 to vector<16xi32>
          %add3A_1785 = arith.addi %iota3A, %add3A_1784 : vector<16xi32>
          %ge3A_1786 = vector.broadcast %convert_element_type3A_99 : i32 to vector<16xi32>
          %ge3A_1787 = arith.cmpi sge, %add3A_1785, %ge3A_1786 : vector<16xi32>
          %lt3A_1788 = vector.broadcast %convert_element_type3A_155 : i32 to vector<16xi32>
          %lt3A_1789 = arith.cmpi slt, %add3A_1785, %lt3A_1788 : vector<16xi32>
          %and3A_1790 = arith.andi %ge3A_1787, %lt3A_1789 : vector<16xi1>
          %select_n3A_1791 = arith.select %and3A_1790, %get3A_1783, %broadcast_in_dim3A_0 : vector<16xi1>, vector<16xf32>
          %gt3A_1792 = arith.cmpf ogt, %select_n3A_1791, %select_n3A_1777 : vector<16xf32>
          %select_n3A_1793 = arith.select %gt3A_1792, %select_n3A_1791, %select_n3A_1777 : vector<16xi1>, vector<16xf32>
          %select_n3A_1794 = arith.select %gt3A_1792, %add3A_1785, %select_n3A_1778 : vector<16xi1>, vector<16xi32>
          %add3A_1795 = arith.constant 64 : i32
          %add3A_1796 = arith.addi %multiple_of3A_1730, %add3A_1795 : i32
          %multiple_of3A_1797 = tpu.assume_multiple %add3A_1796, 16 : i32
          %get3A_1798 = arith.index_cast %multiple_of3A_1797 : i32 to index
          %get3A_1799 = tpu.vector_load %arg7[%get3A_1798] {strides = array<i32>} : memref<100096xf32, #tpu.memory_space<vmem>>, vector<16xf32>,
          %add3A_1800 = vector.broadcast %multiple_of3A_1797 : i32 to vector<16xi32>
          %add3A_1801 = arith.addi %iota3A, %add3A_1800 : vector<16xi32>
          %ge3A_1802 = vector.broadcast %convert_element_type3A_99 : i32 to vector<16xi32>
          %ge3A_1803 = arith.cmpi sge, %add3A_1801, %ge3A_1802 : vector<16xi32>
          %lt3A_1804 = vector.broadcast %convert_element_type3A_155 : i32 to vector<16xi32>
          %lt3A_1805 = arith.cmpi slt, %add3A_1801, %lt3A_1804 : vector<16xi32>
          %and3A_1806 = arith.andi %ge3A_1803, %lt3A_1805 : vector<16xi1>
          %select_n3A_1807 = arith.select %and3A_1806, %get3A_1799, %broadcast_in_dim3A_0 : vector<16xi1>, vector<16xf32>
          %gt3A_1808 = arith.cmpf ogt, %select_n3A_1807, %select_n3A_1793 : vector<16xf32>
          %select_n3A_1809 = arith.select %gt3A_1808, %select_n3A_1807, %select_n3A_1793 : vector<16xi1>, vector<16xf32>
          %select_n3A_1810 = arith.select %gt3A_1808, %add3A_1801, %select_n3A_1794 : vector<16xi1>, vector<16xi32>
          %add3A_1811 = arith.constant 80 : i32
          %add3A_1812 = arith.addi %multiple_of3A_1730, %add3A_1811 : i32
          %multiple_of3A_1813 = tpu.assume_multiple %add3A_1812, 16 : i32
          %get3A_1814 = arith.index_cast %multiple_of3A_1813 : i32 to index
          %get3A_1815 = tpu.vector_load %arg7[%get3A_1814] {strides = array<i32>} : memref<100096xf32, #tpu.memory_space<vmem>>, vector<16xf32>,
          %add3A_1816 = vector.broadcast %multiple_of3A_1813 : i32 to vector<16xi32>
          %add3A_1817 = arith.addi %iota3A, %add3A_1816 : vector<16xi32>
          %ge3A_1818 = vector.broadcast %convert_element_type3A_99 : i32 to vector<16xi32>
          %ge3A_1819 = arith.cmpi sge, %add3A_1817, %ge3A_1818 : vector<16xi32>
          %lt3A_1820 = vector.broadcast %convert_element_type3A_155 : i32 to vector<16xi32>
          %lt3A_1821 = arith.cmpi slt, %add3A_1817, %lt3A_1820 : vector<16xi32>
          %and3A_1822 = arith.andi %ge3A_1819, %lt3A_1821 : vector<16xi1>
          %select_n3A_1823 = arith.select %and3A_1822, %get3A_1815, %broadcast_in_dim3A_0 : vector<16xi1>, vector<16xf32>
          %gt3A_1824 = arith.cmpf ogt, %select_n3A_1823, %select_n3A_1809 : vector<16xf32>
          %select_n3A_1825 = arith.select %gt3A_1824, %select_n3A_1823, %select_n3A_1809 : vector<16xi1>, vector<16xf32>
          %select_n3A_1826 = arith.select %gt3A_1824, %add3A_1817, %select_n3A_1810 : vector<16xi1>, vector<16xi32>
          %add3A_1827 = arith.constant 96 : i32
          %add3A_1828 = arith.addi %multiple_of3A_1730, %add3A_1827 : i32
          %multiple_of3A_1829 = tpu.assume_multiple %add3A_1828, 16 : i32
          %get3A_1830 = arith.index_cast %multiple_of3A_1829 : i32 to index
          %get3A_1831 = tpu.vector_load %arg7[%get3A_1830] {strides = array<i32>} : memref<100096xf32, #tpu.memory_space<vmem>>, vector<16xf32>,
          %add3A_1832 = vector.broadcast %multiple_of3A_1829 : i32 to vector<16xi32>
          %add3A_1833 = arith.addi %iota3A, %add3A_1832 : vector<16xi32>
          %ge3A_1834 = vector.broadcast %convert_element_type3A_99 : i32 to vector<16xi32>
          %ge3A_1835 = arith.cmpi sge, %add3A_1833, %ge3A_1834 : vector<16xi32>
          %lt3A_1836 = vector.broadcast %convert_element_type3A_155 : i32 to vector<16xi32>
          %lt3A_1837 = arith.cmpi slt, %add3A_1833, %lt3A_1836 : vector<16xi32>
          %and3A_1838 = arith.andi %ge3A_1835, %lt3A_1837 : vector<16xi1>
          %select_n3A_1839 = arith.select %and3A_1838, %get3A_1831, %broadcast_in_dim3A_0 : vector<16xi1>, vector<16xf32>
          %gt3A_1840 = arith.cmpf ogt, %select_n3A_1839, %select_n3A_1825 : vector<16xf32>
          %select_n3A_1841 = arith.select %gt3A_1840, %select_n3A_1839, %select_n3A_1825 : vector<16xi1>, vector<16xf32>
          %select_n3A_1842 = arith.select %gt3A_1840, %add3A_1833, %select_n3A_1826 : vector<16xi1>, vector<16xi32>
          %add3A_1843 = arith.constant 112 : i32
          %add3A_1844 = arith.addi %multiple_of3A_1730, %add3A_1843 : i32
          %multiple_of3A_1845 = tpu.assume_multiple %add3A_1844, 16 : i32
          %get3A_1846 = arith.index_cast %multiple_of3A_1845 : i32 to index
          %get3A_1847 = tpu.vector_load %arg7[%get3A_1846] {strides = array<i32>} : memref<100096xf32, #tpu.memory_space<vmem>>, vector<16xf32>,
          %add3A_1848 = vector.broadcast %multiple_of3A_1845 : i32 to vector<16xi32>
          %add3A_1849 = arith.addi %iota3A, %add3A_1848 : vector<16xi32>
          %ge3A_1850 = vector.broadcast %convert_element_type3A_99 : i32 to vector<16xi32>
          %ge3A_1851 = arith.cmpi sge, %add3A_1849, %ge3A_1850 : vector<16xi32>
          %lt3A_1852 = vector.broadcast %convert_element_type3A_155 : i32 to vector<16xi32>
          %lt3A_1853 = arith.cmpi slt, %add3A_1849, %lt3A_1852 : vector<16xi32>
          %and3A_1854 = arith.andi %ge3A_1851, %lt3A_1853 : vector<16xi1>
          %select_n3A_1855 = arith.select %and3A_1854, %get3A_1847, %broadcast_in_dim3A_0 : vector<16xi1>, vector<16xf32>
          %gt3A_1856 = arith.cmpf ogt, %select_n3A_1855, %select_n3A_1841 : vector<16xf32>
          %select_n3A_1857 = arith.select %gt3A_1856, %select_n3A_1855, %select_n3A_1841 : vector<16xi1>, vector<16xf32>
          %select_n3A_1858 = arith.select %gt3A_1856, %add3A_1849, %select_n3A_1842 : vector<16xi1>, vector<16xi32>
          %add3A_1859 = arith.constant 128 : i32
          %add3A_1860 = arith.addi %multiple_of3A_1730, %add3A_1859 : i32
          %multiple_of3A_1861 = tpu.assume_multiple %add3A_1860, 16 : i32
          %get3A_1862 = arith.index_cast %multiple_of3A_1861 : i32 to index
          %get3A_1863 = tpu.vector_load %arg7[%get3A_1862] {strides = array<i32>} : memref<100096xf32, #tpu.memory_space<vmem>>, vector<16xf32>,
          %add3A_1864 = vector.broadcast %multiple_of3A_1861 : i32 to vector<16xi32>
          %add3A_1865 = arith.addi %iota3A, %add3A_1864 : vector<16xi32>
          %ge3A_1866 = vector.broadcast %convert_element_type3A_99 : i32 to vector<16xi32>
          %ge3A_1867 = arith.cmpi sge, %add3A_1865, %ge3A_1866 : vector<16xi32>
          %lt3A_1868 = vector.broadcast %convert_element_type3A_155 : i32 to vector<16xi32>
          %lt3A_1869 = arith.cmpi slt, %add3A_1865, %lt3A_1868 : vector<16xi32>
          %and3A_1870 = arith.andi %ge3A_1867, %lt3A_1869 : vector<16xi1>
          %select_n3A_1871 = arith.select %and3A_1870, %get3A_1863, %broadcast_in_dim3A_0 : vector<16xi1>, vector<16xf32>
          %gt3A_1872 = arith.cmpf ogt, %select_n3A_1871, %select_n3A_1857 : vector<16xf32>
          %select_n3A_1873 = arith.select %gt3A_1872, %select_n3A_1871, %select_n3A_1857 : vector<16xi1>, vector<16xf32>
          %select_n3A_1874 = arith.select %gt3A_1872, %add3A_1865, %select_n3A_1858 : vector<16xi1>, vector<16xi32>
          %add3A_1875 = arith.constant 144 : i32
          %add3A_1876 = arith.addi %multiple_of3A_1730, %add3A_1875 : i32
          %multiple_of3A_1877 = tpu.assume_multiple %add3A_1876, 16 : i32
          %get3A_1878 = arith.index_cast %multiple_of3A_1877 : i32 to index
          %get3A_1879 = tpu.vector_load %arg7[%get3A_1878] {strides = array<i32>} : memref<100096xf32, #tpu.memory_space<vmem>>, vector<16xf32>,
          %add3A_1880 = vector.broadcast %multiple_of3A_1877 : i32 to vector<16xi32>
          %add3A_1881 = arith.addi %iota3A, %add3A_1880 : vector<16xi32>
          %ge3A_1882 = vector.broadcast %convert_element_type3A_99 : i32 to vector<16xi32>
          %ge3A_1883 = arith.cmpi sge, %add3A_1881, %ge3A_1882 : vector<16xi32>
          %lt3A_1884 = vector.broadcast %convert_element_type3A_155 : i32 to vector<16xi32>
          %lt3A_1885 = arith.cmpi slt, %add3A_1881, %lt3A_1884 : vector<16xi32>
          %and3A_1886 = arith.andi %ge3A_1883, %lt3A_1885 : vector<16xi1>
          %select_n3A_1887 = arith.select %and3A_1886, %get3A_1879, %broadcast_in_dim3A_0 : vector<16xi1>, vector<16xf32>
          %gt3A_1888 = arith.cmpf ogt, %select_n3A_1887, %select_n3A_1873 : vector<16xf32>
          %select_n3A_1889 = arith.select %gt3A_1888, %select_n3A_1887, %select_n3A_1873 : vector<16xi1>, vector<16xf32>
          %select_n3A_1890 = arith.select %gt3A_1888, %add3A_1881, %select_n3A_1874 : vector<16xi1>, vector<16xi32>
          %add3A_1891 = arith.constant 160 : i32
          %add3A_1892 = arith.addi %multiple_of3A_1730, %add3A_1891 : i32
          %multiple_of3A_1893 = tpu.assume_multiple %add3A_1892, 16 : i32
          %get3A_1894 = arith.index_cast %multiple_of3A_1893 : i32 to index
          %get3A_1895 = tpu.vector_load %arg7[%get3A_1894] {strides = array<i32>} : memref<100096xf32, #tpu.memory_space<vmem>>, vector<16xf32>,
          %add3A_1896 = vector.broadcast %multiple_of3A_1893 : i32 to vector<16xi32>
          %add3A_1897 = arith.addi %iota3A, %add3A_1896 : vector<16xi32>
          %ge3A_1898 = vector.broadcast %convert_element_type3A_99 : i32 to vector<16xi32>
          %ge3A_1899 = arith.cmpi sge, %add3A_1897, %ge3A_1898 : vector<16xi32>
          %lt3A_1900 = vector.broadcast %convert_element_type3A_155 : i32 to vector<16xi32>
          %lt3A_1901 = arith.cmpi slt, %add3A_1897, %lt3A_1900 : vector<16xi32>
          %and3A_1902 = arith.andi %ge3A_1899, %lt3A_1901 : vector<16xi1>
          %select_n3A_1903 = arith.select %and3A_1902, %get3A_1895, %broadcast_in_dim3A_0 : vector<16xi1>, vector<16xf32>
          %gt3A_1904 = arith.cmpf ogt, %select_n3A_1903, %select_n3A_1889 : vector<16xf32>
          %select_n3A_1905 = arith.select %gt3A_1904, %select_n3A_1903, %select_n3A_1889 : vector<16xi1>, vector<16xf32>
          %select_n3A_1906 = arith.select %gt3A_1904, %add3A_1897, %select_n3A_1890 : vector<16xi1>, vector<16xi32>
          %add3A_1907 = arith.constant 176 : i32
          %add3A_1908 = arith.addi %multiple_of3A_1730, %add3A_1907 : i32
          %multiple_of3A_1909 = tpu.assume_multiple %add3A_1908, 16 : i32
          %get3A_1910 = arith.index_cast %multiple_of3A_1909 : i32 to index
          %get3A_1911 = tpu.vector_load %arg7[%get3A_1910] {strides = array<i32>} : memref<100096xf32, #tpu.memory_space<vmem>>, vector<16xf32>,
          %add3A_1912 = vector.broadcast %multiple_of3A_1909 : i32 to vector<16xi32>
          %add3A_1913 = arith.addi %iota3A, %add3A_1912 : vector<16xi32>
          %ge3A_1914 = vector.broadcast %convert_element_type3A_99 : i32 to vector<16xi32>
          %ge3A_1915 = arith.cmpi sge, %add3A_1913, %ge3A_1914 : vector<16xi32>
          %lt3A_1916 = vector.broadcast %convert_element_type3A_155 : i32 to vector<16xi32>
          %lt3A_1917 = arith.cmpi slt, %add3A_1913, %lt3A_1916 : vector<16xi32>
          %and3A_1918 = arith.andi %ge3A_1915, %lt3A_1917 : vector<16xi1>
          %select_n3A_1919 = arith.select %and3A_1918, %get3A_1911, %broadcast_in_dim3A_0 : vector<16xi1>, vector<16xf32>
          %gt3A_1920 = arith.cmpf ogt, %select_n3A_1919, %select_n3A_1905 : vector<16xf32>
          %select_n3A_1921 = arith.select %gt3A_1920, %select_n3A_1919, %select_n3A_1905 : vector<16xi1>, vector<16xf32>
          %select_n3A_1922 = arith.select %gt3A_1920, %add3A_1913, %select_n3A_1906 : vector<16xi1>, vector<16xi32>
          %add3A_1923 = arith.constant 192 : i32
          %add3A_1924 = arith.addi %multiple_of3A_1730, %add3A_1923 : i32
          %multiple_of3A_1925 = tpu.assume_multiple %add3A_1924, 16 : i32
          %get3A_1926 = arith.index_cast %multiple_of3A_1925 : i32 to index
          %get3A_1927 = tpu.vector_load %arg7[%get3A_1926] {strides = array<i32>} : memref<100096xf32, #tpu.memory_space<vmem>>, vector<16xf32>,
          %add3A_1928 = vector.broadcast %multiple_of3A_1925 : i32 to vector<16xi32>
          %add3A_1929 = arith.addi %iota3A, %add3A_1928 : vector<16xi32>
          %ge3A_1930 = vector.broadcast %convert_element_type3A_99 : i32 to vector<16xi32>
          %ge3A_1931 = arith.cmpi sge, %add3A_1929, %ge3A_1930 : vector<16xi32>
          %lt3A_1932 = vector.broadcast %convert_element_type3A_155 : i32 to vector<16xi32>
          %lt3A_1933 = arith.cmpi slt, %add3A_1929, %lt3A_1932 : vector<16xi32>
          %and3A_1934 = arith.andi %ge3A_1931, %lt3A_1933 : vector<16xi1>
          %select_n3A_1935 = arith.select %and3A_1934, %get3A_1927, %broadcast_in_dim3A_0 : vector<16xi1>, vector<16xf32>
          %gt3A_1936 = arith.cmpf ogt, %select_n3A_1935, %select_n3A_1921 : vector<16xf32>
          %select_n3A_1937 = arith.select %gt3A_1936, %select_n3A_1935, %select_n3A_1921 : vector<16xi1>, vector<16xf32>
          %select_n3A_1938 = arith.select %gt3A_1936, %add3A_1929, %select_n3A_1922 : vector<16xi1>, vector<16xi32>
          %add3A_1939 = arith.constant 208 : i32
          %add3A_1940 = arith.addi %multiple_of3A_1730, %add3A_1939 : i32
          %multiple_of3A_1941 = tpu.assume_multiple %add3A_1940, 16 : i32
          %get3A_1942 = arith.index_cast %multiple_of3A_1941 : i32 to index
          %get3A_1943 = tpu.vector_load %arg7[%get3A_1942] {strides = array<i32>} : memref<100096xf32, #tpu.memory_space<vmem>>, vector<16xf32>,
          %add3A_1944 = vector.broadcast %multiple_of3A_1941 : i32 to vector<16xi32>
          %add3A_1945 = arith.addi %iota3A, %add3A_1944 : vector<16xi32>
          %ge3A_1946 = vector.broadcast %convert_element_type3A_99 : i32 to vector<16xi32>
          %ge3A_1947 = arith.cmpi sge, %add3A_1945, %ge3A_1946 : vector<16xi32>
          %lt3A_1948 = vector.broadcast %convert_element_type3A_155 : i32 to vector<16xi32>
          %lt3A_1949 = arith.cmpi slt, %add3A_1945, %lt3A_1948 : vector<16xi32>
          %and3A_1950 = arith.andi %ge3A_1947, %lt3A_1949 : vector<16xi1>
          %select_n3A_1951 = arith.select %and3A_1950, %get3A_1943, %broadcast_in_dim3A_0 : vector<16xi1>, vector<16xf32>
          %gt3A_1952 = arith.cmpf ogt, %select_n3A_1951, %select_n3A_1937 : vector<16xf32>
          %select_n3A_1953 = arith.select %gt3A_1952, %select_n3A_1951, %select_n3A_1937 : vector<16xi1>, vector<16xf32>
          %select_n3A_1954 = arith.select %gt3A_1952, %add3A_1945, %select_n3A_1938 : vector<16xi1>, vector<16xi32>
          %add3A_1955 = arith.constant 224 : i32
          %add3A_1956 = arith.addi %multiple_of3A_1730, %add3A_1955 : i32
          %multiple_of3A_1957 = tpu.assume_multiple %add3A_1956, 16 : i32
          %get3A_1958 = arith.index_cast %multiple_of3A_1957 : i32 to index
          %get3A_1959 = tpu.vector_load %arg7[%get3A_1958] {strides = array<i32>} : memref<100096xf32, #tpu.memory_space<vmem>>, vector<16xf32>,
          %add3A_1960 = vector.broadcast %multiple_of3A_1957 : i32 to vector<16xi32>
          %add3A_1961 = arith.addi %iota3A, %add3A_1960 : vector<16xi32>
          %ge3A_1962 = vector.broadcast %convert_element_type3A_99 : i32 to vector<16xi32>
          %ge3A_1963 = arith.cmpi sge, %add3A_1961, %ge3A_1962 : vector<16xi32>
          %lt3A_1964 = vector.broadcast %convert_element_type3A_155 : i32 to vector<16xi32>
          %lt3A_1965 = arith.cmpi slt, %add3A_1961, %lt3A_1964 : vector<16xi32>
          %and3A_1966 = arith.andi %ge3A_1963, %lt3A_1965 : vector<16xi1>
          %select_n3A_1967 = arith.select %and3A_1966, %get3A_1959, %broadcast_in_dim3A_0 : vector<16xi1>, vector<16xf32>
          %gt3A_1968 = arith.cmpf ogt, %select_n3A_1967, %select_n3A_1953 : vector<16xf32>
          %select_n3A_1969 = arith.select %gt3A_1968, %select_n3A_1967, %select_n3A_1953 : vector<16xi1>, vector<16xf32>
          %select_n3A_1970 = arith.select %gt3A_1968, %add3A_1961, %select_n3A_1954 : vector<16xi1>, vector<16xi32>
          %add3A_1971 = arith.constant 240 : i32
          %add3A_1972 = arith.addi %multiple_of3A_1730, %add3A_1971 : i32
          %multiple_of3A_1973 = tpu.assume_multiple %add3A_1972, 16 : i32
          %get3A_1974 = arith.index_cast %multiple_of3A_1973 : i32 to index
          %get3A_1975 = tpu.vector_load %arg7[%get3A_1974] {strides = array<i32>} : memref<100096xf32, #tpu.memory_space<vmem>>, vector<16xf32>,
          %add3A_1976 = vector.broadcast %multiple_of3A_1973 : i32 to vector<16xi32>
          %add3A_1977 = arith.addi %iota3A, %add3A_1976 : vector<16xi32>
          %ge3A_1978 = vector.broadcast %convert_element_type3A_99 : i32 to vector<16xi32>
          %ge3A_1979 = arith.cmpi sge, %add3A_1977, %ge3A_1978 : vector<16xi32>
          %lt3A_1980 = vector.broadcast %convert_element_type3A_155 : i32 to vector<16xi32>
          %lt3A_1981 = arith.cmpi slt, %add3A_1977, %lt3A_1980 : vector<16xi32>
          %and3A_1982 = arith.andi %ge3A_1979, %lt3A_1981 : vector<16xi1>
          %select_n3A_1983 = arith.select %and3A_1982, %get3A_1975, %broadcast_in_dim3A_0 : vector<16xi1>, vector<16xf32>
          %gt3A_1984 = arith.cmpf ogt, %select_n3A_1983, %select_n3A_1969 : vector<16xf32>
          %select_n3A_1985 = arith.select %gt3A_1984, %select_n3A_1983, %select_n3A_1969 : vector<16xi1>, vector<16xf32>
          %select_n3A_1986 = arith.select %gt3A_1984, %add3A_1977, %select_n3A_1970 : vector<16xi1>, vector<16xi32>
          %reduce_max3A_1987 = arith.constant true
          %reduce_max3A_1988 = vector.broadcast %reduce_max3A_1987 : i1 to vector<16xi1>
          %reduce_max3A_1989 = tpu.scan <max>, %select_n3A_1985 masked %reduce_max3A_1988 : vector<16xf32>, vector<16xi1> -> vector<16xf32>
          %reduce_max3A_1990 = vector.extract %reduce_max3A_1989[15] : f32 from vector<16xf32>
          %convert_element_type3A_1991 = arith.sitofp %select_n3A_1986 : vector<16xi32> to vector<16xf32>
          %eq3A_1992 = vector.broadcast %reduce_max3A_1990 : f32 to vector<16xf32>
          %eq3A_1993 = arith.cmpf oeq, %select_n3A_1985, %eq3A_1992 : vector<16xf32>
          %jit3A_1994 = arith.constant 0x4B800000 : f32
          %broadcast_in_dim3A_1995 = vector.broadcast %jit3A_1994 : f32 to vector<16xf32>
          %select_n3A_1996 = arith.select %eq3A_1993, %convert_element_type3A_1991, %broadcast_in_dim3A_1995 : vector<16xi1>, vector<16xf32>
          %reduce_min3A_1997 = arith.constant true
          %reduce_min3A_1998 = vector.broadcast %reduce_min3A_1997 : i1 to vector<16xi1>
          %reduce_min3A_1999 = tpu.scan <min>, %select_n3A_1996 masked %reduce_min3A_1998 : vector<16xf32>, vector<16xi1> -> vector<16xf32>
          %reduce_min3A_2000 = vector.extract %reduce_min3A_1999[15] : f32 from vector<16xf32>
          %convert_element_type3A_2001 = arith.fptosi %reduce_min3A_2000 : f32 to i32
          %broadcast_in_dim3A_2002 = vector.broadcast %select_n3A_1727 : i32 to vector<16xi32>
          %broadcast_in_dim3A_2003 = vector.broadcast %reduce_max3A_1990 : f32 to vector<16xf32>
          tpu.vector_store_idx %arg8[%broadcast_in_dim3A_2002], %broadcast_in_dim3A_2003 masked %eq3A_4 : memref<512xf32, #tpu.memory_space<vmem>>[vector<16xi32>], vector<16xf32>, vector<16xi1>
          %broadcast_in_dim3A_2004 = vector.broadcast %convert_element_type3A_2001 : i32 to vector<16xi32>
          tpu.vector_store_idx %arg9[%broadcast_in_dim3A_2002], %broadcast_in_dim3A_2004 masked %eq3A_4 : memref<512xi32, #tpu.memory_space<vmem>>[vector<16xi32>], vector<16xi32>, vector<16xi1>
          %jit3A_2005 = arith.constant 16 : i32
          %div3A_2006 = arith.divsi %select_n3A_1727, %jit3A_2005 : i32
          %sign3A_2007 = arith.constant 0 : i32
          %sign3A_2008 = arith.cmpi sgt, %select_n3A_1727, %sign3A_2007 : i32
          %sign3A_2009 = arith.extui %sign3A_2008 : i1 to i32
          %sign3A_2010 = arith.constant 0 : i32
          %sign3A_2011 = arith.cmpi slt, %select_n3A_1727, %sign3A_2010 : i32
          %sign3A_2012 = arith.extui %sign3A_2011 : i1 to i32
          %sign3A_2013 = arith.subi %sign3A_2009, %sign3A_2012 : i32
          %sign3A_2014 = arith.constant 0 : i32
          %sign3A_2015 = arith.cmpi sgt, %jit3A_2005, %sign3A_2014 : i32
          %sign3A_2016 = arith.extui %sign3A_2015 : i1 to i32
          %sign3A_2017 = arith.constant 0 : i32
          %sign3A_2018 = arith.cmpi slt, %jit3A_2005, %sign3A_2017 : i32
          %sign3A_2019 = arith.extui %sign3A_2018 : i1 to i32
          %sign3A_2020 = arith.subi %sign3A_2016, %sign3A_2019 : i32
          %ne3A_2021 = arith.cmpi ne, %sign3A_2013, %sign3A_2020 : i32
          %rem3A_2022 = arith.remsi %select_n3A_1727, %jit3A_2005 : i32
          %ne3A_2023 = arith.constant 0 : i32
          %ne3A_2024 = arith.cmpi ne, %rem3A_2022, %ne3A_2023 : i32
          %and3A_2025 = arith.andi %ne3A_2021, %ne3A_2024 : i1
          %sub3A_2026 = arith.constant 1 : i32
          %sub3A_2027 = arith.subi %div3A_2006, %sub3A_2026 : i32
          %select_n3A_2028 = arith.select %and3A_2025, %sub3A_2027, %div3A_2006 : i32
          %mul3A_2029 = arith.constant 16 : i32
          %mul3A_2030 = arith.muli %select_n3A_2028, %mul3A_2029 : i32
          %multiple_of3A_2031 = tpu.assume_multiple %mul3A_2030, 16 : i32
          %get3A_2032 = arith.index_cast %multiple_of3A_2031 : i32 to index
          %get3A_2033 = tpu.vector_load %arg8[%get3A_2032] {strides = array<i32>} : memref<512xf32, #tpu.memory_space<vmem>>, vector<16xf32>,
          %get3A_2034 = arith.index_cast %multiple_of3A_2031 : i32 to index
          %get3A_2035 = tpu.vector_load %arg9[%get3A_2034] {strides = array<i32>} : memref<512xi32, #tpu.memory_space<vmem>>, vector<16xi32>,
          %reduce_max3A_2036 = arith.constant true
          %reduce_max3A_2037 = vector.broadcast %reduce_max3A_2036 : i1 to vector<16xi1>
          %reduce_max3A_2038 = tpu.scan <max>, %get3A_2033 masked %reduce_max3A_2037 : vector<16xf32>, vector<16xi1> -> vector<16xf32>
          %reduce_max3A_2039 = vector.extract %reduce_max3A_2038[15] : f32 from vector<16xf32>
          %convert_element_type3A_2040 = arith.sitofp %get3A_2035 : vector<16xi32> to vector<16xf32>
          %eq3A_2041 = vector.broadcast %reduce_max3A_2039 : f32 to vector<16xf32>
          %eq3A_2042 = arith.cmpf oeq, %get3A_2033, %eq3A_2041 : vector<16xf32>
          %jit3A_2043 = arith.constant 0x4B800000 : f32
          %broadcast_in_dim3A_2044 = vector.broadcast %jit3A_2043 : f32 to vector<16xf32>
          %select_n3A_2045 = arith.select %eq3A_2042, %convert_element_type3A_2040, %broadcast_in_dim3A_2044 : vector<16xi1>, vector<16xf32>
          %reduce_min3A_2046 = arith.constant true
          %reduce_min3A_2047 = vector.broadcast %reduce_min3A_2046 : i1 to vector<16xi1>
          %reduce_min3A_2048 = tpu.scan <min>, %select_n3A_2045 masked %reduce_min3A_2047 : vector<16xf32>, vector<16xi1> -> vector<16xf32>
          %reduce_min3A_2049 = vector.extract %reduce_min3A_2048[15] : f32 from vector<16xf32>
          %convert_element_type3A_2050 = arith.fptosi %reduce_min3A_2049 : f32 to i32
          %broadcast_in_dim3A_2051 = vector.broadcast %select_n3A_2028 : i32 to vector<16xi32>
          %broadcast_in_dim3A_2052 = vector.broadcast %reduce_max3A_2039 : f32 to vector<16xf32>
          tpu.vector_store_idx %arg10[%broadcast_in_dim3A_2051], %broadcast_in_dim3A_2052 masked %eq3A_4 : memref<32xf32, #tpu.memory_space<vmem>>[vector<16xi32>], vector<16xf32>, vector<16xi1>
          %broadcast_in_dim3A_2053 = vector.broadcast %convert_element_type3A_2050 : i32 to vector<16xi32>
          tpu.vector_store_idx %arg11[%broadcast_in_dim3A_2051], %broadcast_in_dim3A_2053 masked %eq3A_4 : memref<32xi32, #tpu.memory_space<vmem>>[vector<16xi32>], vector<16xi32>, vector<16xi1>
          scf.yield %select_n3A_1686, %select_n3A_1691, %select_n3A_1694, %select_n3A_1699 : vector<16xi32>, vector<16xi32>, vector<16xf32>, vector<16xf32>
        }
        %scan3A_1592 = arith.constant 30 : i32
        %gt3A_1593 = arith.constant 0xFF800000 : f32
        %gt3A_1594 = vector.broadcast %gt3A_1593 : f32 to vector<16xf32>
        %gt3A_1595 = arith.cmpf ogt, %scan3A_1591#2, %gt3A_1594 : vector<16xf32>
        tpu.vector_store_idx %arg7[%scan3A_1591#0], %scan3A_1591#2 masked %gt3A_1595 : memref<100096xf32, #tpu.memory_space<vmem>>[vector<16xi32>], vector<16xf32>, vector<16xi1>
        %gt3A_1596 = arith.constant 0xFF800000 : f32
        %gt3A_1597 = vector.broadcast %gt3A_1596 : f32 to vector<16xf32>
        %gt3A_1598 = arith.cmpf ogt, %scan3A_1591#3, %gt3A_1597 : vector<16xf32>
        tpu.vector_store_idx %arg7[%scan3A_1591#1], %scan3A_1591#3 masked %gt3A_1598 : memref<100096xf32, #tpu.memory_space<vmem>>[vector<16xi32>], vector<16xf32>, vector<16xi1>
        %jit3A_1599 = arith.constant 0 : i32
        %jit3A_1600 = arith.constant 99999 : i32
        %max3A_1601 = vector.broadcast %jit3A_1599 : i32 to vector<16xi32>
        %max3A_1602 = arith.maxsi %max3A_1601, %scan3A_1591#0 : vector<16xi32>
        %min3A_1603 = vector.broadcast %jit3A_1600 : i32 to vector<16xi32>
        %min3A_1604 = arith.minsi %min3A_1603, %max3A_1602 : vector<16xi32>
        %jit3A_1605 = arith.constant 0 : i32
        %jit3A_1606 = arith.constant 99999 : i32
        %max3A_1607 = vector.broadcast %jit3A_1605 : i32 to vector<16xi32>
        %max3A_1608 = arith.maxsi %max3A_1607, %scan3A_1591#1 : vector<16xi32>
        %min3A_1609 = vector.broadcast %jit3A_1606 : i32 to vector<16xi32>
        %min3A_1610 = arith.minsi %min3A_1609, %max3A_1608 : vector<16xi32>
        %dma_start3A = arith.constant 0 : i32
        %dma_start3A_1611 = arith.constant 0 : i32
        %dma_start3A_1612 = tpu.memref_slice %arg12[%dma_start3A, %dma_start3A_1611] : memref<32x128xf32, #tpu.memory_space<vmem>> -> memref<16x128xf32, #tpu.memory_space<vmem>>
        %dma_start3A_1613 = arith.constant 0 : i32
        %dma_start3A_1614 = arith.constant 0 : i32
        %dma_start3A_1615 = tpu.memref_slice %arg2[%dma_start3A_1613, %dma_start3A_1614] : memref<100000x128xf32, #tpu.memory_space<hbm>> -> memref<100000x128xf32, #tpu.memory_space<hbm>>
        tpu.enqueue_indirect_dma source(%dma_start3A_1615 : memref<100000x128xf32, #tpu.memory_space<hbm>>) target(%dma_start3A_1612 : memref<16x128xf32, #tpu.memory_space<vmem>>) offsets(%min3A_1604 : vector<16xi32>) semaphore(%arg21 : memref<!tpu.dma_semaphore, #tpu.memory_space<semaphore_mem>>)
        %dma_start3A_1616 = arith.constant 16 : i32
        %dma_start3A_1617 = arith.constant 0 : i32
        %dma_start3A_1618 = tpu.memref_slice %arg12[%dma_start3A_1616, %dma_start3A_1617] : memref<32x128xf32, #tpu.memory_space<vmem>> -> memref<16x128xf32, #tpu.memory_space<vmem>>
        %dma_start3A_1619 = arith.constant 0 : i32
        %dma_start3A_1620 = arith.constant 0 : i32
        %dma_start3A_1621 = tpu.memref_slice %arg2[%dma_start3A_1619, %dma_start3A_1620] : memref<100000x128xf32, #tpu.memory_space<hbm>> -> memref<100000x128xf32, #tpu.memory_space<hbm>>
        tpu.enqueue_indirect_dma source(%dma_start3A_1621 : memref<100000x128xf32, #tpu.memory_space<hbm>>) target(%dma_start3A_1618 : memref<16x128xf32, #tpu.memory_space<vmem>>) offsets(%min3A_1610 : vector<16xi32>) semaphore(%arg21 : memref<!tpu.dma_semaphore, #tpu.memory_space<semaphore_mem>>)
        %dma_wait3A = arith.constant 0 : i32
        %dma_wait3A_1622 = arith.constant 0 : i32
        %dma_wait3A_1623 = tpu.memref_slice %arg12[%dma_wait3A, %dma_wait3A_1622] : memref<32x128xf32, #tpu.memory_space<vmem>> -> memref<16x128xf32, #tpu.memory_space<vmem>>
        %dma_wait3A_1624 = arith.constant 0 : i32
        %dma_wait3A_1625 = arith.constant 0 : i32
        %dma_wait3A_1626 = tpu.memref_slice %arg2[%dma_wait3A_1624, %dma_wait3A_1625] : memref<100000x128xf32, #tpu.memory_space<hbm>> -> memref<100000x128xf32, #tpu.memory_space<hbm>>
        tpu.wait_indirect_dma semaphore(%arg21 : memref<!tpu.dma_semaphore, #tpu.memory_space<semaphore_mem>>) src(%dma_wait3A_1626 : memref<100000x128xf32, #tpu.memory_space<hbm>>) dst(%dma_wait3A_1623 : memref<16x128xf32, #tpu.memory_space<vmem>>)
        %dma_wait3A_1627 = arith.constant 16 : i32
        %dma_wait3A_1628 = arith.constant 0 : i32
        %dma_wait3A_1629 = tpu.memref_slice %arg12[%dma_wait3A_1627, %dma_wait3A_1628] : memref<32x128xf32, #tpu.memory_space<vmem>> -> memref<16x128xf32, #tpu.memory_space<vmem>>
        %dma_wait3A_1630 = arith.constant 0 : i32
        %dma_wait3A_1631 = arith.constant 0 : i32
        %dma_wait3A_1632 = tpu.memref_slice %arg2[%dma_wait3A_1630, %dma_wait3A_1631] : memref<100000x128xf32, #tpu.memory_space<hbm>> -> memref<100000x128xf32, #tpu.memory_space<hbm>>
        tpu.wait_indirect_dma semaphore(%arg21 : memref<!tpu.dma_semaphore, #tpu.memory_space<semaphore_mem>>) src(%dma_wait3A_1632 : memref<100000x128xf32, #tpu.memory_space<hbm>>) dst(%dma_wait3A_1629 : memref<16x128xf32, #tpu.memory_space<vmem>>)
        %broadcast_in_dim3A_1633 = arith.constant 0.000000e+00 : f32
        %broadcast_in_dim3A_1634 = vector.broadcast %broadcast_in_dim3A_1633 : f32 to vector<16xf32>
        %min3A_1635 = arith.constant 30 : i32
        %min3A_1636 = arith.minsi %sub3A_156, %min3A_1635 : i32
        %while3A = arith.constant 30 : i32
        %while3A_1637 = arith.constant 0 : i32
        %while3A_1638 = arith.subi %while3A, %min3A_1636 : i32
        %while3A_1639 = arith.addi %min3A_1636, %while3A_1638 : i32
        %while3A_1640 = arith.constant 1 : i32
        %while3A_1641 = arith.divsi %while3A_1638, %while3A_1640 : i32
        %while3A_1642 = arith.muli %while3A_1641, %while3A_1640 : i32
        %while3A_1643 = arith.addi %min3A_1636, %while3A_1642 : i32
        %while3A_1644 = arith.constant 1 : i32
        %while3A_1645 = scf.for %while3A_1648 = %min3A_1636 to %while3A_1643 step %while3A_1644 iter_args(%while3A_1649 = %while3A_1637) -> (i32)  : i32 {
          %swap3A_1650 = arith.index_cast %while3A_1648 : i32 to index
          %swap3A_1651 = arith.constant 0 : index
          %swap3A_1652 = tpu.vector_load %arg12[%swap3A_1650, %swap3A_1651] {strides = array<i32>} : memref<32x128xf32, #tpu.memory_space<vmem>>, vector<16xf32>,
          tpu.vector_store %arg12[%swap3A_1650, %swap3A_1651], %broadcast_in_dim3A_1634 {strides = array<i32>} : memref<32x128xf32, #tpu.memory_space<vmem>>, vector<16xf32>,
          %swap3A_1653 = arith.index_cast %while3A_1648 : i32 to index
          %swap3A_1654 = arith.constant 16 : index
          %swap3A_1655 = tpu.vector_load %arg12[%swap3A_1653, %swap3A_1654] {strides = array<i32>} : memref<32x128xf32, #tpu.memory_space<vmem>>, vector<16xf32>,
          tpu.vector_store %arg12[%swap3A_1653, %swap3A_1654], %broadcast_in_dim3A_1634 {strides = array<i32>} : memref<32x128xf32, #tpu.memory_space<vmem>>, vector<16xf32>,
          %swap3A_1656 = arith.index_cast %while3A_1648 : i32 to index
          %swap3A_1657 = arith.constant 32 : index
          %swap3A_1658 = tpu.vector_load %arg12[%swap3A_1656, %swap3A_1657] {strides = array<i32>} : memref<32x128xf32, #tpu.memory_space<vmem>>, vector<16xf32>,
          tpu.vector_store %arg12[%swap3A_1656, %swap3A_1657], %broadcast_in_dim3A_1634 {strides = array<i32>} : memref<32x128xf32, #tpu.memory_space<vmem>>, vector<16xf32>,
          %swap3A_1659 = arith.index_cast %while3A_1648 : i32 to index
          %swap3A_1660 = arith.constant 48 : index
          %swap3A_1661 = tpu.vector_load %arg12[%swap3A_1659, %swap3A_1660] {strides = array<i32>} : memref<32x128xf32, #tpu.memory_space<vmem>>, vector<16xf32>,
          tpu.vector_store %arg12[%swap3A_1659, %swap3A_1660], %broadcast_in_dim3A_1634 {strides = array<i32>} : memref<32x128xf32, #tpu.memory_space<vmem>>, vector<16xf32>,
          %swap3A_1662 = arith.index_cast %while3A_1648 : i32 to index
          %swap3A_1663 = arith.constant 64 : index
          %swap3A_1664 = tpu.vector_load %arg12[%swap3A_1662, %swap3A_1663] {strides = array<i32>} : memref<32x128xf32, #tpu.memory_space<vmem>>, vector<16xf32>,
          tpu.vector_store %arg12[%swap3A_1662, %swap3A_1663], %broadcast_in_dim3A_1634 {strides = array<i32>} : memref<32x128xf32, #tpu.memory_space<vmem>>, vector<16xf32>,
          %swap3A_1665 = arith.index_cast %while3A_1648 : i32 to index
          %swap3A_1666 = arith.constant 80 : index
          %swap3A_1667 = tpu.vector_load %arg12[%swap3A_1665, %swap3A_1666] {strides = array<i32>} : memref<32x128xf32, #tpu.memory_space<vmem>>, vector<16xf32>,
          tpu.vector_store %arg12[%swap3A_1665, %swap3A_1666], %broadcast_in_dim3A_1634 {strides = array<i32>} : memref<32x128xf32, #tpu.memory_space<vmem>>, vector<16xf32>,
          %swap3A_1668 = arith.index_cast %while3A_1648 : i32 to index
          %swap3A_1669 = arith.constant 96 : index
          %swap3A_1670 = tpu.vector_load %arg12[%swap3A_1668, %swap3A_1669] {strides = array<i32>} : memref<32x128xf32, #tpu.memory_space<vmem>>, vector<16xf32>,
          tpu.vector_store %arg12[%swap3A_1668, %swap3A_1669], %broadcast_in_dim3A_1634 {strides = array<i32>} : memref<32x128xf32, #tpu.memory_space<vmem>>, vector<16xf32>,
          %swap3A_1671 = arith.index_cast %while3A_1648 : i32 to index
          %swap3A_1672 = arith.constant 112 : index
          %swap3A_1673 = tpu.vector_load %arg12[%swap3A_1671, %swap3A_1672] {strides = array<i32>} : memref<32x128xf32, #tpu.memory_space<vmem>>, vector<16xf32>,
          tpu.vector_store %arg12[%swap3A_1671, %swap3A_1672], %broadcast_in_dim3A_1634 {strides = array<i32>} : memref<32x128xf32, #tpu.memory_space<vmem>>, vector<16xf32>,
          %while3A_1674 = arith.constant 0 : i32
          scf.yield %while3A_1674 : i32
        }
        %while3A_1646 = arith.constant 1 : i32
        %while3A_1647 = scf.for %while3A_1648 = %while3A_1643 to %while3A_1639 step %while3A_1646 iter_args(%while3A_1649 = %while3A_1645) -> (i32)  : i32 {
          %swap3A_1650 = arith.index_cast %while3A_1648 : i32 to index
          %swap3A_1651 = arith.constant 0 : index
          %swap3A_1652 = tpu.vector_load %arg12[%swap3A_1650, %swap3A_1651] {strides = array<i32>} : memref<32x128xf32, #tpu.memory_space<vmem>>, vector<16xf32>,
          tpu.vector_store %arg12[%swap3A_1650, %swap3A_1651], %broadcast_in_dim3A_1634 {strides = array<i32>} : memref<32x128xf32, #tpu.memory_space<vmem>>, vector<16xf32>,
          %swap3A_1653 = arith.index_cast %while3A_1648 : i32 to index
          %swap3A_1654 = arith.constant 16 : index
          %swap3A_1655 = tpu.vector_load %arg12[%swap3A_1653, %swap3A_1654] {strides = array<i32>} : memref<32x128xf32, #tpu.memory_space<vmem>>, vector<16xf32>,
          tpu.vector_store %arg12[%swap3A_1653, %swap3A_1654], %broadcast_in_dim3A_1634 {strides = array<i32>} : memref<32x128xf32, #tpu.memory_space<vmem>>, vector<16xf32>,
          %swap3A_1656 = arith.index_cast %while3A_1648 : i32 to index
          %swap3A_1657 = arith.constant 32 : index
          %swap3A_1658 = tpu.vector_load %arg12[%swap3A_1656, %swap3A_1657] {strides = array<i32>} : memref<32x128xf32, #tpu.memory_space<vmem>>, vector<16xf32>,
          tpu.vector_store %arg12[%swap3A_1656, %swap3A_1657], %broadcast_in_dim3A_1634 {strides = array<i32>} : memref<32x128xf32, #tpu.memory_space<vmem>>, vector<16xf32>,
          %swap3A_1659 = arith.index_cast %while3A_1648 : i32 to index
          %swap3A_1660 = arith.constant 48 : index
          %swap3A_1661 = tpu.vector_load %arg12[%swap3A_1659, %swap3A_1660] {strides = array<i32>} : memref<32x128xf32, #tpu.memory_space<vmem>>, vector<16xf32>,
          tpu.vector_store %arg12[%swap3A_1659, %swap3A_1660], %broadcast_in_dim3A_1634 {strides = array<i32>} : memref<32x128xf32, #tpu.memory_space<vmem>>, vector<16xf32>,
          %swap3A_1662 = arith.index_cast %while3A_1648 : i32 to index
          %swap3A_1663 = arith.constant 64 : index
          %swap3A_1664 = tpu.vector_load %arg12[%swap3A_1662, %swap3A_1663] {strides = array<i32>} : memref<32x128xf32, #tpu.memory_space<vmem>>, vector<16xf32>,
          tpu.vector_store %arg12[%swap3A_1662, %swap3A_1663], %broadcast_in_dim3A_1634 {strides = array<i32>} : memref<32x128xf32, #tpu.memory_space<vmem>>, vector<16xf32>,
          %swap3A_1665 = arith.index_cast %while3A_1648 : i32 to index
          %swap3A_1666 = arith.constant 80 : index
          %swap3A_1667 = tpu.vector_load %arg12[%swap3A_1665, %swap3A_1666] {strides = array<i32>} : memref<32x128xf32, #tpu.memory_space<vmem>>, vector<16xf32>,
          tpu.vector_store %arg12[%swap3A_1665, %swap3A_1666], %broadcast_in_dim3A_1634 {strides = array<i32>} : memref<32x128xf32, #tpu.memory_space<vmem>>, vector<16xf32>,
          %swap3A_1668 = arith.index_cast %while3A_1648 : i32 to index
          %swap3A_1669 = arith.constant 96 : index
          %swap3A_1670 = tpu.vector_load %arg12[%swap3A_1668, %swap3A_1669] {strides = array<i32>} : memref<32x128xf32, #tpu.memory_space<vmem>>, vector<16xf32>,
          tpu.vector_store %arg12[%swap3A_1668, %swap3A_1669], %broadcast_in_dim3A_1634 {strides = array<i32>} : memref<32x128xf32, #tpu.memory_space<vmem>>, vector<16xf32>,
          %swap3A_1671 = arith.index_cast %while3A_1648 : i32 to index
          %swap3A_1672 = arith.constant 112 : index
          %swap3A_1673 = tpu.vector_load %arg12[%swap3A_1671, %swap3A_1672] {strides = array<i32>} : memref<32x128xf32, #tpu.memory_space<vmem>>, vector<16xf32>,
          tpu.vector_store %arg12[%swap3A_1671, %swap3A_1672], %broadcast_in_dim3A_1634 {strides = array<i32>} : memref<32x128xf32, #tpu.memory_space<vmem>>, vector<16xf32>,
          %while3A_1674 = arith.constant 0 : i32
          scf.yield %while3A_1674 : i32
        }
        "tpu.region"() ({
          %run_scoped3A = tpu.sem_alloc : memref<!tpu.dma_semaphore, #tpu.memory_space<semaphore_mem>>
          %dma_start3A_1648 = arith.constant 0 : i32
          %dma_start3A_1649 = arith.constant 0 : i32
          %dma_start3A_1650 = tpu.memref_slice %arg12[%dma_start3A_1648, %dma_start3A_1649] : memref<32x128xf32, #tpu.memory_space<vmem>> -> memref<30x128xf32, #tpu.memory_space<vmem>>
          %dma_start3A_1651 = arith.constant 0 : i32
          %dma_start3A_1652 = arith.constant 0 : i32
          %dma_start3A_1653 = tpu.memref_slice %arg6[%add3A_51, %dma_start3A_1651, %dma_start3A_1652] : memref<100x30x128xf32, #tpu.memory_space<hbm>> -> memref<1x30x128xf32, #tpu.memory_space<hbm>>
          %dma_start3A_1654 = tpu.memref_squeeze %dma_start3A_1653 : memref<1x30x128xf32, #tpu.memory_space<hbm>> -> memref<30x128xf32, #tpu.memory_space<hbm>>
          %dma_start3A_1655 = arith.constant 0 : i32
          %dma_start3A_1656 = arith.constant 0 : i32
          %dma_start3A_1657 = tpu.memref_slice %arg6[%add3A_51, %dma_start3A_1655, %dma_start3A_1656] : memref<100x30x128xf32, #tpu.memory_space<hbm>> -> memref<1x30x128xf32, #tpu.memory_space<hbm>>
          %dma_start3A_1658 = tpu.memref_squeeze %dma_start3A_1657 : memref<1x30x128xf32, #tpu.memory_space<hbm>> -> memref<30x128xf32, #tpu.memory_space<hbm>>
          %dma_start3A_1659 = arith.constant 0 : i32
          %dma_start3A_1660 = arith.constant 0 : i32
          %dma_start3A_1661 = tpu.memref_slice %arg12[%dma_start3A_1659, %dma_start3A_1660] : memref<32x128xf32, #tpu.memory_space<vmem>> -> memref<30x128xf32, #tpu.memory_space<vmem>>
          tpu.enqueue_dma source(%dma_start3A_1661 : memref<30x128xf32, #tpu.memory_space<vmem>>) target(%dma_start3A_1658 : memref<30x128xf32, #tpu.memory_space<hbm>>) target_semaphore(%run_scoped3A : memref<!tpu.dma_semaphore, #tpu.memory_space<semaphore_mem>>)
          %dma_wait3A_1662 = arith.constant 0 : i32
          %dma_wait3A_1663 = arith.constant 0 : i32
          %dma_wait3A_1664 = tpu.memref_slice %arg12[%dma_wait3A_1662, %dma_wait3A_1663] : memref<32x128xf32, #tpu.memory_space<vmem>> -> memref<30x128xf32, #tpu.memory_space<vmem>>
          %dma_wait3A_1665 = arith.constant 0 : i32
          %dma_wait3A_1666 = arith.constant 0 : i32
          %dma_wait3A_1667 = tpu.memref_slice %arg6[%add3A_51, %dma_wait3A_1665, %dma_wait3A_1666] : memref<100x30x128xf32, #tpu.memory_space<hbm>> -> memref<1x30x128xf32, #tpu.memory_space<hbm>>
          %dma_wait3A_1668 = tpu.memref_squeeze %dma_wait3A_1667 : memref<1x30x128xf32, #tpu.memory_space<hbm>> -> memref<30x128xf32, #tpu.memory_space<hbm>>
          %dma_wait3A_1669 = arith.constant 0 : i32
          %dma_wait3A_1670 = arith.constant 0 : i32
          %dma_wait3A_1671 = tpu.memref_slice %arg6[%add3A_51, %dma_wait3A_1669, %dma_wait3A_1670] : memref<100x30x128xf32, #tpu.memory_space<hbm>> -> memref<1x30x128xf32, #tpu.memory_space<hbm>>
          %dma_wait3A_1672 = tpu.memref_squeeze %dma_wait3A_1671 : memref<1x30x128xf32, #tpu.memory_space<hbm>> -> memref<30x128xf32, #tpu.memory_space<hbm>>
          %dma_wait3A_1673 = arith.constant 0 : i32
          %dma_wait3A_1674 = arith.constant 0 : i32
          %dma_wait3A_1675 = tpu.memref_slice %arg12[%dma_wait3A_1673, %dma_wait3A_1674] : memref<32x128xf32, #tpu.memory_space<vmem>> -> memref<30x128xf32, #tpu.memory_space<vmem>>
          tpu.wait_dma2 semaphore(%run_scoped3A : memref<!tpu.dma_semaphore, #tpu.memory_space<semaphore_mem>>) src(%dma_wait3A_1675 : memref<30x128xf32, #tpu.memory_space<vmem>>) dst(%dma_wait3A_1672 : memref<30x128xf32, #tpu.memory_space<hbm>>)
          tpu.yield
        }) : () -> ()
      } else {
      }
      %scan3A_54 = arith.constant 0 : i32
      scf.yield %scan3A_54 : i32
    }
    %scan3A_46 = arith.constant 4 : i32
    return
  }
}

module attributes {stable_mosaic.version = 14 : i64} {
  func.func @body(%arg0: i32, %arg1: memref<4000x128xf32, #tpu.memory_space<vmem>>, %arg2: memref<12500x8xf32, #tpu.memory_space<vmem>>) attributes {dimension_semantics = [#tpu.dimension_semantics<arbitrary>], iteration_bounds = array<i64: 25>, scalar_prefetch = 0 : i64, scratch_operands = 0 : i64, tpu.core_type = #tpu.core_type<tc>, window_params = [{transform_indices = @transform_0, window_bounds = array<i64: 4000, 128>}, {pipeline_mode = #tpu.pipeline_mode<synchronous>, transform_indices = @transform_1, window_bounds = array<i64: 12500, 8>}]} {
    %get3A = arith.constant 0 : index
    %get3A_0 = arith.constant 127 : index
    %get3A_1 = vector.load %arg1[%get3A, %get3A_0] : memref<4000x128xf32, #tpu.memory_space<vmem>>, vector<4000x1xf32>
    %get3A_2 = vector.shape_cast %get3A_1 : vector<4000x1xf32> to vector<4000xf32>
    %reshape3A = vector.shape_cast %get3A_2 : vector<4000xf32> to vector<500x8xf32>
    %mul3A = arith.constant 500 : i32
    %mul3A_3 = arith.muli %arg0, %mul3A : i32
    %swap3A = arith.index_cast %mul3A_3 : i32 to index
    %swap3A_4 = arith.constant 0 : index
    %swap3A_5 = vector.load %arg2[%swap3A, %swap3A_4] : memref<12500x8xf32, #tpu.memory_space<vmem>>, vector<500x8xf32>
    tpu.vector_store %arg2[%swap3A, %swap3A_4], %reshape3A {strides = array<i32>} : memref<12500x8xf32, #tpu.memory_space<vmem>>, vector<500x8xf32>,
    return
  }
  func.func @transform_0(%arg0: i32) -> (i32, i32) {
    %c0_i32 = arith.constant 0 : i32
    %c0_i32_0 = arith.constant 0 : i32
    return %arg0, %c0_i32 : i32, i32
  }
  func.func @transform_1(%arg0: i32) -> (i32, i32) {
    %c0_i32 = arith.constant 0 : i32
    %c0_i32_0 = arith.constant 0 : i32
    %c0_i32_1 = arith.constant 0 : i32
    return %c0_i32, %c0_i32_0 : i32, i32
  }
}

</mosaic_0001>

<sc_bundles>
// kernel: kernel.4.cloned.1.call-start
scs
__scs_entry_jumppad:
0x0: {  	(pc) =	sbr.rel $0x88, $3  }
0x1: {  	(tag) =	ssettag $0x0;
	lr =	simm.s32 $0x1  }
0x2: {  	[smem:$0x3F9F] =	sst lr;
	_ =	strace $0xD0000000  }
0x3: {  	_ = 	snop  }
0x4: {  	_ = 	snop  }
0x5: {  	_ = 	snop  }
0x6: {  	_ = 	snop  }
0x7: {  	_ = 	snop  }
__scs_overlays_trampoline_lowered:
0x8: {  	[smem:$0x3FAE] =	sst s0  }
0x9: {  	[smem:$0x3FAF] =	sst s1  }
0xa: {  	[smem:$0x3FB0] =	sst s2  }
0xb: {  	[smem:$0x3FB1] =	sst s3  }
0xc: {  	[smem:$0x3FB2] =	sst s4  }
0xd: {  	[smem:$0x3FB3] =	sst s5  }
0xe: {  	[smem:$0x3FB4] =	sst s6  }
0xf: {  	[smem:$0x3FB5] =	sst s7  }
0x10: {  	[smem:$0x3FB6] =	sst s8  }
0x11: {  	[smem:$0x3FB7] =	sst s9;
	s0 =	simm.s32 @!p0 $0x0  }
0x12: {  	s1 =	sld [smem:$0x3F9D];
	s0 =	simm.s32 @p0 $0x1  }
0x13: {  	[smem:$0x3FB8] =	sst s0;
	s0 =	simm.s32 @!p1 $0x0  }
0x14: {  	s2 =	sld [smem:$0x3F9C];
	s0 =	simm.s32 @p1 $0x1  }
0x15: {  	[smem:$0x3FB9] =	sst s0;
	s0 =	simm.s32 @!p2 $0x0  }
0x16: {  	s3 =	sld [smem:$0x3FDB];
	s0 =	simm.s32 @p2 $0x1  }
0x17: {  	s4 =	simm.s32 $0x1BF5;
	[smem:$0x3FBB] =	sst s0  }
0x18: {  	s0 =	sld [smem:$0x3F9E];
	_ =	swait.ge [sflag:s4], $0x0  }
0x19: {  	s7 =	sld [smem:$0x3F9F]  }
0x1a: {  	s8 =	sadd.s32 $0xFFFFE003, lr  }
0x1b: {  	s9 =	sadd.s32 $0xFFFFFEF7, lr;
	s5 =	simm.s32 $0xFFFFFFFF;
	p2 =	slt.u32 s8, $0xFFFFF086  }
0x1c: {  	p1 =	slt.u32 s9, $0xF7A;
	s5 =	simm.s32 @!p2 $0x0  }
0x1d: {  	s5 =	simm.s32 @p1 $0x1;
	p0 =	seq.s32 s7, s2  }
0x1e: {  	s7 =	smul.u32 @!p0 $0xF7A, s2;
	p2 =	seq.s32 @!p0 s5, $0x0  }
0x1f: {  	s9 =	smul.u32 $0xF7A, s1;
	s8 =	simm.s32 @!p0 $0x1BF5;
	p2 =	por !p2, p0  }
0x20: {  	[sflag:s8] =	ssyncset.s32 @!p0 $0xFFFFF086;
	s6 =	sadd.s32 @!p0 s3, s7;
	s7 =	simm.s32 @!p0 $0x108  }
0x21: {  	s3 =	sadd.s32 s3, s9;
	s6 =	sadd.s32 @!p0 $0x88, s6;
	s7 =	simm.s32 @p2 $0x1082  }
0x22: {  	[simem:s7], [sflag:s8] =	dma.local @!p0 [hbm:s6], $0xF7A  }
0x23: {  	s9 =	sor.u32 $0xD0000000, s2;
	s6 =	simm.s32 $0x108;
	_ =	swait.ge @!p0 [sflag:s8], $0x0  }
0x24: {  	s3 =	sadd.s32 $0x88, s3;
	s6 =	simm.s32 @!p1 $0x1082;
	[sflag:s4] =	ssyncset.s32 $0xFFFFF086  }
0x25: {  	[simem:s6], [sflag:s4] =	dma.local [hbm:s3], $0xF7A  }
0x26: {  	[smem:$0x3F9F] =	sst s1;
	(tag) =	ssettag s2;
	_ =	strace s9  }
0x27: {  	s1 =	sld [smem:$0x3FAF]  }
0x28: {  	s2 =	sld [smem:$0x3FB0]  }
0x29: {  	s4 =	sld [smem:$0x3FB2]  }
0x2a: {  	p0 =	seq.s32 s5, $0x0;
	s5 =	sld [smem:$0x3FB3]  }
0x2b: {  	s6 =	sld [smem:$0x3FB4]  }
0x2c: {  	s7 =	sld [smem:$0x3FB5]  }
0x2d: {  	s3 =	simm.s32 $0x108;
	s8 =	sld [smem:$0x3FB6]  }
0x2e: {  	s3 =	simm.s32 @!p0 $0x1082;
	s9 =	sld [smem:$0x3FB7]  }
0x2f: {  	lr =	sadd.s32 s0, s3;
	s0 =	sld [smem:$0x3FAE]  }
0x30: {  	s3 =	sld [smem:$0x3FB1]  }
0x31: {  	[smem:$0x3FBA] =	sst s10  }
0x32: {  	s10 =	sld [smem:$0x3FB8];
	_ =	sdelay $0x3  }
0x33: {  	p0 =	seq.s32 s10, $0x1;
	s10 =	sld [smem:$0x3FBA];
	_ =	sdelay $0x3  }
0x34: {  	[smem:$0x3FBA] =	sst s10  }
0x35: {  	s10 =	sld [smem:$0x3FB9];
	_ =	sdelay $0x3  }
0x36: {  	p1 =	seq.s32 s10, $0x1;
	s10 =	sld [smem:$0x3FBA];
	_ =	sdelay $0x3  }
0x37: {  	[smem:$0x3FBA] =	sst s10  }
0x38: {  	s10 =	sld [smem:$0x3FBB]  }
0x39: {  	_ = 	snop;
	(pc) =	sbr.ind lr, $3  }
0x3a: {  	_ = 	snop  }
0x3b: {  	_ = 	snop  }
0x3c: {  	p2 =	seq.s32 s10, $0x1;
	s10 =	sld [smem:$0x3FBA]  }
0x3d: {  	_ =	shalt  }
0x3e: {  	_ =	shalt  }
0x3f: {  	_ =	shalt  }
0x40: {  	_ =	shalt  }
0x41: {  	_ =	shalt  }
0x42: {  	_ =	shalt  }
0x43: {  	_ =	shalt  }
0x44: {  	_ =	shalt  }
0x45: {  	_ =	shalt  }
0x46: {  	_ =	shalt  }
0x47: {  	_ =	shalt  }
0x48: {  	_ =	shalt  }
0x49: {  	_ =	shalt  }
0x4a: {  	_ =	shalt  }
0x4b: {  	_ =	shalt  }
0x4c: {  	_ =	shalt  }
0x4d: {  	_ =	shalt  }
0x4e: {  	_ =	shalt  }
0x4f: {  	_ =	shalt  }
0x50: {  	_ =	shalt  }
0x51: {  	_ =	shalt  }
0x52: {  	_ =	shalt  }
0x53: {  	_ =	shalt  }
0x54: {  	_ =	shalt  }
0x55: {  	_ =	shalt  }
0x56: {  	_ =	shalt  }
0x57: {  	_ =	shalt  }
0x58: {  	_ =	shalt  }
0x59: {  	_ =	shalt  }
0x5a: {  	_ =	shalt  }
0x5b: {  	_ =	shalt  }
0x5c: {  	_ =	shalt  }
0x5d: {  	_ =	shalt  }
0x5e: {  	_ =	shalt  }
0x5f: {  	_ =	shalt  }
0x60: {  	_ =	shalt  }
0x61: {  	_ =	shalt  }
0x62: {  	_ =	shalt  }
0x63: {  	_ =	shalt  }
0x64: {  	_ =	shalt  }
0x65: {  	_ =	shalt  }
0x66: {  	_ =	shalt  }
0x67: {  	_ =	shalt  }
0x68: {  	_ =	shalt  }
0x69: {  	_ =	shalt  }
0x6a: {  	_ =	shalt  }
0x6b: {  	_ =	shalt  }
0x6c: {  	_ =	shalt  }
0x6d: {  	_ =	shalt  }
0x6e: {  	_ =	shalt  }
0x6f: {  	_ =	shalt  }
0x70: {  	_ =	shalt  }
0x71: {  	_ =	shalt  }
0x72: {  	_ =	shalt  }
0x73: {  	_ =	shalt  }
0x74: {  	_ =	shalt  }
0x75: {  	_ =	shalt  }
0x76: {  	_ =	shalt  }
0x77: {  	_ =	shalt  }
0x78: {  	_ =	shalt  }
0x79: {  	_ =	shalt  }
0x7a: {  	_ =	shalt  }
0x7b: {  	_ =	shalt  }
0x7c: {  	_ =	shalt  }
0x7d: {  	_ =	shalt  }
0x7e: {  	_ =	shalt  }
0x7f: {  	_ =	shalt  }
0x80: {  	_ =	shalt  }
0x81: {  	_ =	shalt  }
0x82: {  	_ =	shalt  }
0x83: {  	_ =	shalt  }
0x84: {  	_ =	shalt  }
0x85: {  	_ =	shalt  }
0x86: {  	_ =	shalt  }
0x87: {  	_ =	shalt  }
.Lfunc_end0:
.L_simem_size_0:
called_computation_lowered:
.L_overlay_start_0:
0x88: {  	s2 =	sld [smem:$0x3FD9]  }
0x89: {  	s3 =	sld [smem:$0x3FFE];
	_ =	sdelay $0x1  }
0x8a: {  	s1 =	srdreg.scid  }
0x8b: {  	s0 =	sand.u32 $0x1, s1  }
0x8c: {  	s17 =	sshll.u32 s0, $0xA;
	s2 =	sadd.s32 s3, s2  }
0x8d: {  	s2 =	sadd.s32 s2, s17  }
0x8e: {  	[smem:$0x3FC6] =	sst s2  }
0x8f: {  	_ = 	snop  }
0x90: {  	s2 =	sld [smem:$0x3FC9]  }
0x91: {  	s18 =	sld [smem:$0x3FD0];
	(tm) =	ssettm $0x1  }
0x92: {  	s4 =	sld [smem:$0x3FFB];
	_ =	sdelay $0x3  }
0x93: {  	_ =	strace s4  }
0x94: {  	s4 =	sld [smem:$0x3FFC];
	_ =	sdelay $0x3  }
0x95: {  	_ =	strace s4  }
0x96: {  	s4 =	sld [smem:$0x3FFD];
	_ =	sdelay $0x3  }
0x97: {  	_ =	strace s4  }
0x98: {  	_ =	strace $0x8FFFFFFF  }
0x99: {  	s19 =	sld [smem:$0x3FDB];
	_ =	sdelay $0x1  }
0x9a: {  	s5 =	simm.s32 $_scs_section_size  }
0x9b: {  	s6 =	simm.s32 $_size__tile_overlayer_lowered;
	s7 =	simm.s32 $_tile_overlayer_lowered  }
0x9c: {  	s22 =	simm.s32 $0x1BFF;
	s21 =	sshll.u32 s7, $0x1;
	s4 =	sadd.s32 s5, s19  }
0x9d: {  	s8 =	simm.s32 $0x0;
	s20 =	sshll.u32 s6, $0x1;
	s6 =	sadd.s32 s21, s4  }
0x9e: {  	[timem:s8], [sflag:s22] =	dma.local [hbm:s6], s20  }
0x9f: {  	_ =	swait.ge [sflag:s22], s20  }
0xa0: {  	s5 =	ssub.s32 $0x0, s20;
	[sflag:s22] =	ssyncset.done $0x0  }
0xa1: {  	[sflag:s22] =	ssyncadd.s32 s5;
	_ =	sdelay $0x1  }
0xa2: {  	s23 =	simm.s32 $0x1B8B  }
0xa3: {  	_ =	swait.ge [sflag:s23], $0x1  }
0xa4: {  	[sflag:s23] =	ssyncset.done $0x0  }
0xa5: {  	s25 =	simm.s32 $0x1B8E;
	s24 =	sld [smem:$0x3FFE];
	[sflag:s23] =	ssyncadd.s32 $0xFFFFFFFF  }
0xa6: {  	s26 =	simm.s32 $execute0_lowered;
	[smem:$0x3FD2] =	sst s25  }
0xa7: {  	s6 =	sshll.u32 s26, $0x1;
	_ =	strace $0x80000046;
	[dreg:$0x1] =	wrdreg $0xFFFFFFFF  }
0xa8: {  	s28 =	simm.s32 $_size_execute0_lowered;
	s4 =	sadd.s32 s4, s6;
	[dreg:$0x0] =	wrdreg $0x0  }
0xa9: {  	s6 =	sshll.u32 s28, $0x1;
	[dreg:$0x2] =	wrdreg s4  }
0xaa: {  	[dreg:$0x3] =	wrdreg s6  }
0xab: {  	[dreg:$0x4] =	wrdreg $0xC0  }
0xac: {  	_ =	task [dreg:s8], $0x5FFFF  }
0xad: {  	[dreg:$0x1] =	wrdreg $0xFFFFFFFF  }
0xae: {  	[dreg:$0x0] =	wrdreg $0x60  }
0xaf: {  	[dreg:$0x2] =	wrdreg s2  }
0xb0: {  	[dreg:$0x3] =	wrdreg s18  }
0xb1: {  	[dreg:$0x4] =	wrdreg s24  }
0xb2: {  	[dreg:$0x5] =	wrdreg $0x1A2200  }
0xb3: {  	[dreg:$0x6] =	wrdreg $0x1A2000  }
0xb4: {  	[dreg:$0x7] =	wrdreg $0x9  }
0xb5: {  	_ =	task.clear_ibuf [dreg:s8], $0x8FFFF;
	_ =	strace $0x90000046  }
0xb6: {  	s29 =	simm.s32 $0x9;
	_ =	strace $0x80000048  }
0xb7: {  	_ =	swait.ge [sflag:s29], $0x1  }
0xb8: {  	[sflag:s29] =	ssyncadd.s32 $0xFFFFFFFF  }
0xb9: {  	_ =	strace $0x90000048  }
0xba: {  	_ =	sfence  }
0xbb: {  	s30 =	sld [smem:$0x0];
	_ =	sdelay $0x2  }
0xbc: {  	s31 =	sshll.u32 s1, $0xD;
	s1 =	sshrl.u32 s1, $0x2  }
0xbd: {  	s3 =	sand.u32 $0x4000, s31;
	s1 =	sadd.s32 s1, s30  }
0xbe: {  	s0 =	sor.u32 s3, s0;
	s1 =	sshll.u32 s1, $0x11  }
0xbf: {  	s0 =	sor.u32 s1, s0  }
0xc0: {  	s0 =	sadd.s32 $0x8F2B, s0  }
0xc1: {  	[sflag:s0] =	ssyncadd.remote.s32 $0x1  }
0xc2: {  	_ =	sfence.sel $0xFFFF  }
0xc3: {  	[dreg:$0x0] =	wrdreg $0xFFFFFFFF;
	(pc) =	sbr.abs _section_cstart, $3  }
0xc4: {  	[dreg:$0x1] =	wrdreg $0xFFFFFFFF  }
0xc5: {  	_ =	task.clear_ibuf [dreg:s8], $0x2FFFF;
	_ =	strace $0x9FFFFFFF  }
0xc6: {  	(tm) =	ssettm $0x7FFFFFFF  }
0xc7: {  	_ =	shalt  }
tec
execute0_lowered:
.L_overlay_start_1:
0x0: {  	(tag) =	ssettag $0x1  }
0x1: {  	s1 =	rddreg [dreg:$0x0]  }
0x2: {  	s0 =	rddreg [dreg:$0x2]  }
0x3: {  	s4 =	rddreg [dreg:$0x3]  }
0x4: {  	s7 =	rddreg [dreg:$0x4];
	s5 =	simm.s32 $0x0;
	s2 =	srdreg.scid  }
0x5: {  	s8 =	stileid.u32;
	s9 =	simm.s32 $0x19D00;
	s26 =	simm.s32 $0x18B00  }
0x6: {  	s31 =	simm.s32 $0x18B80;
	s28 =	simm.s32 $0x18C00;
	s29 =	simm.s32 $0x19400  }
0x7: {  	s30 =	simm.s32 $0x0;
	[smem:$0x7FF] =	sst s5;
	s6 =	sand.u32 $0x1, s2  }
0x8: {  	s17 =	sadd.s32 $0x800, s0;
	s3 =	sadd.s32 $0xA00, s0;
	s10 =	sadd.s32 $0xC00, s0  }
0x9: {  	s21 =	sshll.u32 s8, $0x5;
	_ =	strace $0x80000047;
	[dreg:$0x8] =	wrdreg s17  }
0xa: {  	s11 =	sshll.u32 s8, $0x1;
	s8 =	simm.s32 $0x19D80;
	[dreg:$0x9] =	wrdreg s3  }
0xb: {  	s18 =	ssub.s32 $0x2, s6;
	s22 =	sadd.s32 s21, s4;
	[dreg:$0x6] =	wrdreg s26  }
0xc: {  	s23 =	sor.u32 $0x10, s21;
	s24 =	sadd.s32 s21, s7;
	[dreg:$0x7] =	wrdreg s31  }
.Ltmp0:
0xd: {  	s17 =	simm.s32 $0x2;
	[dreg:$0xa] =	wrdreg s22;
	(pc) =	sbr.rel .LBB2_1-.Ltmp0, $4  }
0xe: {  	v0 =	vlaneseq.u32;
	vm0 =	vmxor vm0, vm0;
	s19 =	sshrl.u32 s18, $0x1;
	[dreg:$0xb] =	wrdreg s24;
	s4 =	sadd.s32 s23, s4  }
0xf: {  	v2 =	vmul.u32 $0x100, v0;
	v1 =	vmov s21;
	s25 =	sadd.s32 s23, s7;
	v3 =	vmov s23;
	s20 =	ssub.s32 s18, s19;
	[dreg:$0xc] =	wrdreg s4  }
0x10: {  	v4 =	vimm.f32 $0.0e+00;
	s26 =	simm.s32 $0x18900;
	v1 =	vshll.u32 v1, $0x8;
	[dreg:$0xd] =	wrdreg s25;
	v3 =	vshll.u32 v3, $0x8;
	s0 =	smax.u32 s20, $0x1  }
0x11: {  	s24 =	simm.s32 $0x1;
	v1 =	vor.u32 v2, v1;
	s25 =	simm.s32 $0x18700;
	v2 =	vor.u32 v2, v3;
	v3 =	vimm.f32 $-Inf;
	[dreg:$0xe] =	wrdreg s0  }
.LBB2_15:
0x12: {  	s30 =	sadd.s32 $0x1, s30;
	s0 =	rddreg [dreg:$0xe]  }
0x13: {  	p0 =	sne.s32 s30, s0  }
.Ltmp1:
0x14: {  	_ = 	snop;
	(pc) =	sbr.rel @!p0 .LBB2_16-.Ltmp1, $2  }
0x15: {  	_ =	sdelay $0x2  }
0x16: {  	s8 =	simm.s32 $0x19D80;
	s9 =	simm.s32 $0x19D00  }
.LBB2_1:
0x17: {  	s0 =	rddreg [dreg:$0x1]  }
0x18: {  	[tilespmem:s5], [sflag:$0x2] =	stream.linear.gather [hbm4b:s0+s5], $0x186A0, $0x38;
	[tilespmem:$0x1A240] =	vst v63  }
0x19: {  	s2 =	simm.s32 $0x19C00;
	s23 =	simm.s32 $0x19C80;
	_ =	swait.ge [sflag:s17], $0x186A0  }
0x1a: {  	s31 =	simm.s32 $0xF;
	s3 =	simm.s32 $0xE;
	[sflag:s17] =	ssyncset.done $0x0  }
0x1b: {  	s4 =	simm.s32 $0x1;
	s21 =	rddreg [dreg:$0x8];
	[sflag:s17] =	ssyncadd.s32 $0xFFFE7960  }
0x1c: {  	[tilespmem:s2], [sflag:$0x2] =	stream.linear.gather [hbm4b:s21+s5], $0x80, $0x38;
	[tilespmem:$0x1A240] =	vst v63  }
0x1d: {  	v7 =	vimm.s32 $0x0;
	s7 =	simm.s32 $0xC;
	s12 =	simm.s32 $0xD;
	s2 =	simm.s32 $0x0  }
0x1e: {  	s13 =	simm.s32 $0xB;
	s14 =	simm.s32 $0x9;
	v5 =	vor.u32 s31, v1;
	v6 =	vor.u32 s3, v1;
	_ =	swait.ge [sflag:s17], $0x80;
	v10 =	vor.u32 s2, v1  }
0x1f: {  	s15 =	simm.s32 $0xA;
	s16 =	simm.s32 $0x3;
	v11 =	vor.u32 s4, v1;
	v9 =	vor.u32 s7, v1;
	[sflag:s17] =	ssyncset.done $0x0;
	vm2 =	vlt.s32 v10, $0x1869F  }
0x20: {  	s3 =	simm.s32 $0x2;
	v8 =	vor.u32 s12, v1;
	v15 =	vor.u32 s13, v1;
	s22 =	rddreg [dreg:$0x9];
	[sflag:s17] =	ssyncadd.s32 $0xFFFFFF80;
	v12 =	vnsel vm2, $0x1869F, v10  }
0x21: {  	v16 =	vor.u32 s14, v1;
	v17 =	vor.u32 s15, v1;
	vm2 =	vlt.s32 v11, $0x1869F;
	[tilespmem:s23], [sflag:$0x2] =	stream.linear.gather [hbm4b:s22+s5], $0x80, $0x38;
	[tilespmem:$0x1A240] =	vst v63  }
0x22: {  	s18 =	simm.s32 $0x8;
	s19 =	simm.s32 $0x6;
	v19 =	vor.u32 s16, v1;
	v14 =	vor.u32 s3, v1;
	v13 =	vnsel vm2, $0x1869F, v11;
	_ =	swait.ge [sflag:s17], $0x80  }
0x23: {  	s20 =	simm.s32 $0x7;
	v20 =	vor.u32 s18, v1;
	v21 =	vor.u32 s19, v1;
	vm2 =	vlt.s32 v14, $0x1869F;
	[sflag:s17] =	ssyncset.done $0x0  }
0x24: {  	v22 =	vor.u32 s20, v1;
	vm1 =	vlt.s32 v5, $0x1869F;
	v18 =	vnsel vm2, $0x1869F, v14;
	[sflag:s17] =	ssyncadd.s32 $0xFFFFFF80  }
0x25: {  	vm3 =	vlt.s32 v8, $0x1869F;
	vm5 =	vlt.s32 v15, $0x1869F;
	s21 =	simm.s32 $0x4;
	vm2 =	vlt.s32 v19, $0x1869F;
	v12 =	vld.idx.msk [tilespmem:v12+s5+$0x0], $0xffff  }
0x26: {  	vm7 =	vlt.s32 v16, $0x1869F;
	v24 =	vor.u32 s21, v1;
	v23 =	vnsel vm2, $0x1869F, v19  }
0x27: {  	vm6 =	vlt.s32 v17, $0x1869F;
	vm10 =	vlt.s32 v22, $0x1869F;
	vm4 =	vlt.s32 v24, $0x1869F;
	s22 =	simm.s32 $0x5;
	v13 =	vld.idx.msk [tilespmem:v13+s5+$0x0], $0xffff  }
0x28: {  	vm12 =	vlt.u32 v11, $0x186A0;
	v26 =	vnsel vm4, $0x1869F, v24;
	v25 =	vor.u32 s22, v1  }
0x29: {  	vm14 =	vlt.u32 v14, $0x186A0;
	vm9 =	vlt.u32 v10, $0x186A0;
	vm8 =	vlt.s32 v25, $0x1869F;
	v18 =	vld.idx.msk [tilespmem:v18+s5+$0x0], $0xffff  }
0x2a: {  	v54 =	vnsel vm10, $0x1869F, v22;
	v27 =	vnsel vm8, $0x1869F, v25;
	v12 =	vnsel vm9, $0xFF800000, v12  }
0x2b: {  	v56 =	vnsel vm7, $0x1869F, v16;
	v23 =	vld.idx.msk [tilespmem:v23+s5+$0x0], $0xffff;
	vm9 =	vlt.s32 v21, $0x1869F;
	vm11 =	vgt.f32 v12, v3  }
0x2c: {  	v28 =	vnsel vm9, $0x1869F, v21;
	v13 =	vnsel vm12, $0xFF800000, v13;
	v12 =	vsel vm11, v12, v3  }
0x2d: {  	v57 =	vnsel vm6, $0x1869F, v17;
	v7 =	vsel vm11, v10, v7;
	v10 =	vld.idx.msk [tilespmem:v26+s5+$0x0], $0xffff;
	vm13 =	vgt.f32 v13, v12  }
0x2e: {  	vm8 =	vlt.s32 v20, $0x1869F;
	v12 =	vsel vm13, v13, v12;
	v13 =	vnsel vm14, $0xFF800000, v18  }
0x2f: {  	vm12 =	vlt.u32 v19, $0x186A0;
	v7 =	vsel vm13, v11, v7;
	v11 =	vld.idx.msk [tilespmem:v27+s5+$0x0], $0xffff;
	vm15 =	vgt.f32 v13, v12  }
0x30: {  	v55 =	vnsel vm8, $0x1869F, v20;
	v12 =	vsel vm15, v13, v12;
	v13 =	vnsel vm12, $0xFF800000, v23  }
0x31: {  	vm14 =	vlt.u32 v24, $0x186A0;
	v7 =	vsel vm15, v14, v7;
	v14 =	vld.idx.msk [tilespmem:v28+s5+$0x0], $0xffff;
	vm13 =	vgt.f32 v13, v12  }
0x32: {  	v58 =	vnsel vm5, $0x1869F, v15;
	v10 =	vnsel vm14, $0xFF800000, v10;
	v12 =	vsel vm13, v13, v12  }
0x33: {  	v60 =	vnsel vm3, $0x1869F, v8;
	vm12 =	vlt.u32 v25, $0x186A0;
	v13 =	vld.idx.msk [tilespmem:v54+s5+$0x0], $0xffff;
	vm15 =	vgt.f32 v10, v12  }
0x34: {  	vm4 =	vlt.s32 v9, $0x1869F;
	v11 =	vnsel vm12, $0xFF800000, v11;
	v10 =	vsel vm15, v10, v12  }
0x35: {  	vm14 =	vlt.u32 v21, $0x186A0;
	v7 =	vsel vm13, v19, v7;
	v12 =	vld.idx.msk [tilespmem:v55+s5+$0x0], $0xffff;
	vm13 =	vgt.f32 v11, v10  }
0x36: {  	v59 =	vnsel vm4, $0x1869F, v9;
	v10 =	vsel vm13, v11, v10;
	v11 =	vnsel vm14, $0xFF800000, v14  }
0x37: {  	v7 =	vsel vm15, v24, v7;
	vm15 =	vlt.u32 v22, $0x186A0;
	v14 =	vld.idx.msk [tilespmem:v56+s5+$0x0], $0xffff;
	vm5 =	vgt.f32 v11, v10  }
0x38: {  	v7 =	vsel vm13, v25, v7;
	v10 =	vsel vm5, v11, v10;
	v11 =	vnsel vm15, $0xFF800000, v13  }
0x39: {  	v7 =	vsel vm5, v21, v7;
	v13 =	vld.idx.msk [tilespmem:v57+s5+$0x0], $0xffff;
	vm5 =	vlt.u32 v20, $0x186A0;
	vm4 =	vgt.f32 v11, v10  }
0x3a: {  	vm2 =	vlt.s32 v6, $0x1869F;
	v10 =	vsel vm4, v11, v10;
	v11 =	vnsel vm5, $0xFF800000, v12  }
0x3b: {  	v7 =	vsel vm4, v22, v7;
	v12 =	vld.idx.msk [tilespmem:v58+s5+$0x0], $0xffff;
	vm4 =	vlt.u32 v16, $0x186A0;
	vm3 =	vgt.f32 v11, v10  }
0x3c: {  	v61 =	vnsel vm2, $0x1869F, v6;
	v10 =	vsel vm3, v11, v10;
	v11 =	vnsel vm4, $0xFF800000, v14  }
0x3d: {  	v7 =	vsel vm3, v20, v7;
	v14 =	vld.idx.msk [tilespmem:v59+s5+$0x0], $0xffff;
	vm3 =	vlt.u32 v17, $0x186A0;
	vm2 =	vgt.f32 v11, v10  }
0x3e: {  	v62 =	vnsel vm1, $0x1869F, v5;
	v10 =	vsel vm2, v11, v10;
	v11 =	vnsel vm3, $0xFF800000, v13  }
0x3f: {  	v7 =	vsel vm2, v16, v7;
	v13 =	vld.idx.msk [tilespmem:v60+s5+$0x0], $0xffff;
	vm2 =	vlt.u32 v15, $0x186A0;
	vm1 =	vgt.f32 v11, v10  }
0x40: {  	v12 =	vnsel vm2, $0xFF800000, v12;
	v10 =	vsel vm1, v11, v10  }
0x41: {  	vm2 =	vlt.u32 v9, $0x186A0;
	v11 =	vsel vm1, v17, v7;
	vm1 =	vgt.f32 v12, v10  }
0x42: {  	v10 =	vsel vm1, v12, v10;
	v12 =	vnsel vm2, $0xFF800000, v14  }
0x43: {  	vm3 =	vlt.u32 v8, $0x186A0;
	v11 =	vsel vm1, v15, v11;
	vm1 =	vgt.f32 v12, v10  }
0x44: {  	v63 =	vld.idx.msk [tilespmem:v61+s5+$0x0], $0xffff;
	v10 =	vsel vm1, v12, v10;
	v9 =	vsel vm1, v9, v11;
	v11 =	vnsel vm3, $0xFF800000, v13  }
0x45: {  	vm3 =	vgt.f32 v11, v10  }
0x46: {  	v12 =	vsel vm3, v11, v10;
	v11 =	vld.idx.msk [tilespmem:v62+s5+$0x0], $0xffff  }
0x47: {  	s0 =	simm.s32 $0x1F  }
0x48: {  	vm4 =	vlt.u32 v6, $0x186A0;
	v7 =	vor.u32 s0, v1;
	vm2 =	vlt.u32 v5, $0x186A0  }
0x49: {  	s31 =	simm.s32 $0x1E;
	s23 =	simm.s32 $0x10;
	vm1 =	vlt.s32 v7, $0x1869F;
	v13 =	vnsel vm4, $0xFF800000, v63;
	v10 =	vsel vm3, v8, v9  }
0x4a: {  	s2 =	simm.s32 $0x2F;
	v8 =	vor.u32 s23, v1;
	v9 =	vor.u32 s31, v1;
	vm3 =	vgt.f32 v13, v12  }
.LBB2_2:
0x4b: {  	p0 =	sne.s32 s2, $0xFF;
	s3 =	sadd.s32 $0xFFFFFFF2, s0;
	v12 =	vsel vm3, v13, v12;
	v10 =	vsel vm3, v6, v10;
	v11 =	vnsel vm2, $0xFF800000, v11;
	v6 =	vmovc v9  }
0x4c: {  	vm2 =	vlt.s32 v8, $0x1869F;
	v13 =	vor.u32 s3, v1;
	vm3 =	vgt.f32 v11, v12  }
0x4d: {  	s4 =	sadd.s32 $0xFFFFFFFE, s0;
	v14 =	vnsel vm2, $0x1869F, v8;
	s3 =	sadd.s32 $0xFFFFFFFD, s0;
	v15 =	vsel vm3, v11, v12;
	v16 =	vsel vm3, v5, v10;
	v5 =	vmovc v7  }
0x4e: {  	s7 =	sadd.s32 $0xFFFFFFF3, s0;
	s18 =	sadd.s32 $0xFFFFFFFC, s0;
	v9 =	vor.u32 s4, v1;
	vm2 =	vlt.s32 v13, $0x1869F;
	v10 =	vor.u32 s3, v1  }
0x4f: {  	v18 =	vor.u32 s7, v1;
	s4 =	sadd.s32 $0xFFFFFFFB, s0;
	s3 =	sadd.s32 $0xFFFFFFFA, s0;
	v11 =	vor.u32 s18, v1;
	v17 =	vnsel vm2, $0x1869F, v13  }
0x50: {  	s7 =	sadd.s32 $0xFFFFFFF4, s0;
	s18 =	sadd.s32 $0xFFFFFFF9, s0;
	v7 =	vor.u32 s4, v1;
	vm2 =	vlt.s32 v18, $0x1869F;
	v12 =	vor.u32 s3, v1  }
0x51: {  	v20 =	vor.u32 s7, v1;
	s4 =	sadd.s32 $0xFFFFFFF8, s0;
	s3 =	sadd.s32 $0xFFFFFFF7, s0;
	v21 =	vor.u32 s18, v1;
	v19 =	vnsel vm2, $0x1869F, v18  }
0x52: {  	s7 =	sadd.s32 $0xFFFFFFF5, s0;
	s18 =	sadd.s32 $0xFFFFFFF6, s0;
	v23 =	vor.u32 s4, v1;
	s0 =	smov.u32 s2;
	vm2 =	vlt.s32 v20, $0x1869F;
	v22 =	vor.u32 s3, v1;
	v14 =	vld.idx.msk [tilespmem:v14+s5+$0x0], $0xffff  }
0x53: {  	v25 =	vor.u32 s7, v1;
	v26 =	vor.u32 s18, v1;
	v24 =	vnsel vm2, $0x1869F, v20  }
0x54: {  	vm3 =	vlt.s32 v9, $0x1869F;
	vm4 =	vlt.s32 v25, $0x1869F;
	vm2 =	vlt.s32 v6, $0x1869F;
	v17 =	vld.idx.msk [tilespmem:v17+s5+$0x0], $0xffff  }
0x55: {  	vm5 =	vlt.s32 v11, $0x1869F;
	v27 =	vnsel vm4, $0x1869F, v25;
	vm4 =	vlt.s32 v10, $0x1869F  }
0x56: {  	vm6 =	vlt.s32 v7, $0x1869F;
	vm7 =	vlt.s32 v12, $0x1869F;
	vm8 =	vlt.s32 v26, $0x1869F;
	v19 =	vld.idx.msk [tilespmem:v19+s5+$0x0], $0xffff  }
0x57: {  	vm9 =	vlt.u32 v8, $0x186A0;
	v28 =	vnsel vm8, $0x1869F, v26;
	vm8 =	vlt.s32 v21, $0x1869F  }
0x58: {  	vm10 =	vlt.s32 v23, $0x1869F;
	v14 =	vnsel vm9, $0xFF800000, v14;
	vm9 =	vlt.s32 v22, $0x1869F;
	v24 =	vld.idx.msk [tilespmem:v24+s5+$0x0], $0xffff  }
0x59: {  	vm12 =	vlt.u32 v13, $0x186A0;
	vm11 =	vgt.f32 v14, v15;
	v29 =	vnsel vm9, $0x1869F, v22  }
0x5a: {  	v14 =	vsel vm11, v14, v15;
	v8 =	vsel vm11, v8, v16;
	v15 =	vnsel vm12, $0xFF800000, v17;
	v16 =	vld.idx.msk [tilespmem:v27+s5+$0x0], $0xffff  }
0x5b: {  	vm11 =	vlt.u32 v18, $0x186A0;
	v17 =	vnsel vm10, $0x1869F, v23;
	vm9 =	vgt.f32 v15, v14  }
0x5c: {  	v14 =	vsel vm9, v15, v14;
	v8 =	vsel vm9, v13, v8;
	v13 =	vnsel vm11, $0xFF800000, v19;
	v15 =	vld.idx.msk [tilespmem:v28+s5+$0x0], $0xffff  }
0x5d: {  	vm10 =	vlt.u32 v20, $0x186A0;
	v19 =	vnsel vm8, $0x1869F, v21;
	vm9 =	vgt.f32 v13, v14  }
0x5e: {  	v13 =	vsel vm9, v13, v14;
	v8 =	vsel vm9, v18, v8;
	v14 =	vnsel vm10, $0xFF800000, v24;
	v18 =	vld.idx.msk [tilespmem:v29+s5+$0x0], $0xffff  }
0x5f: {  	vm9 =	vlt.u32 v25, $0x186A0;
	v24 =	vnsel vm7, $0x1869F, v12;
	vm8 =	vgt.f32 v14, v13  }
0x60: {  	v13 =	vsel vm8, v14, v13;
	v8 =	vsel vm8, v20, v8;
	v14 =	vnsel vm9, $0xFF800000, v16;
	v16 =	vld.idx.msk [tilespmem:v17+s5+$0x0], $0xffff  }
0x61: {  	vm8 =	vlt.u32 v26, $0x186A0;
	vm7 =	vgt.f32 v14, v13;
	v17 =	vnsel vm6, $0x1869F, v7  }
0x62: {  	v13 =	vsel vm7, v14, v13;
	v8 =	vsel vm7, v25, v8;
	v14 =	vnsel vm8, $0xFF800000, v15;
	v15 =	vld.idx.msk [tilespmem:v19+s5+$0x0], $0xffff  }
0x63: {  	vm7 =	vlt.u32 v22, $0x186A0;
	vm6 =	vgt.f32 v14, v13;
	v19 =	vnsel vm5, $0x1869F, v11  }
0x64: {  	v13 =	vsel vm6, v14, v13;
	v8 =	vsel vm6, v26, v8;
	v14 =	vnsel vm7, $0xFF800000, v18;
	v18 =	vld.idx.msk [tilespmem:v24+s5+$0x0], $0xffff  }
0x65: {  	v20 =	vnsel vm4, $0x1869F, v10;
	vm6 =	vlt.u32 v23, $0x186A0;
	vm5 =	vgt.f32 v14, v13  }
0x66: {  	v13 =	vsel vm5, v14, v13;
	v8 =	vsel vm5, v22, v8;
	v14 =	vnsel vm6, $0xFF800000, v16;
	v16 =	vld.idx.msk [tilespmem:v17+s5+$0x0], $0xffff  }
0x67: {  	vm5 =	vlt.u32 v21, $0x186A0;
	vm4 =	vgt.f32 v14, v13;
	v17 =	vnsel vm3, $0x1869F, v9  }
0x68: {  	v13 =	vsel vm4, v14, v13;
	v8 =	vsel vm4, v23, v8;
	v14 =	vnsel vm5, $0xFF800000, v15;
	v15 =	vld.idx.msk [tilespmem:v19+s5+$0x0], $0xffff  }
0x69: {  	vm4 =	vlt.u32 v12, $0x186A0;
	vm3 =	vgt.f32 v14, v13;
	v19 =	vnsel vm2, $0x1869F, v6  }
0x6a: {  	v13 =	vsel vm3, v14, v13;
	v8 =	vsel vm3, v21, v8;
	v14 =	vnsel vm4, $0xFF800000, v18;
	v18 =	vld.idx.msk [tilespmem:v20+s5+$0x0], $0xffff  }
0x6b: {  	vm3 =	vlt.u32 v7, $0x186A0;
	vm2 =	vgt.f32 v14, v13;
	v20 =	vnsel vm1, $0x1869F, v5  }
0x6c: {  	v13 =	vsel vm2, v14, v13;
	v8 =	vsel vm2, v12, v8;
	v12 =	vnsel vm3, $0xFF800000, v16;
	v14 =	vld.idx.msk [tilespmem:v17+s5+$0x0], $0xffff  }
0x6d: {  	vm2 =	vlt.u32 v11, $0x186A0;
	vm1 =	vgt.f32 v12, v13  }
0x6e: {  	v12 =	vsel vm1, v12, v13;
	v8 =	vsel vm1, v7, v8;
	v13 =	vnsel vm2, $0xFF800000, v15;
	v15 =	vld.idx.msk [tilespmem:v19+s5+$0x0], $0xffff  }
0x6f: {  	v7 =	vor.u32 s2, v1;
	vm2 =	vlt.u32 v10, $0x186A0;
	vm1 =	vgt.f32 v13, v12  }
0x70: {  	v12 =	vsel vm1, v13, v12;
	v8 =	vsel vm1, v11, v8;
	v13 =	vnsel vm2, $0xFF800000, v18;
	v11 =	vld.idx.msk [tilespmem:v20+s5+$0x0], $0xffff  }
.Ltmp2:
0x71: {  	vm3 =	vlt.u32 v9, $0x186A0;
	vm2 =	vlt.u32 v5, $0x186A0;
	vm1 =	vgt.f32 v13, v12;
	(pc) =	sbr.rel @p0 .LBB2_2-.Ltmp2, $4  }
0x72: {  	v12 =	vsel vm1, v13, v12;
	v8 =	vsel vm1, v10, v8;
	v10 =	vnsel vm3, $0xFF800000, v14  }
0x73: {  	vm4 =	vlt.u32 v6, $0x186A0;
	vm1 =	vlt.s32 v7, $0x1869F;
	vm3 =	vgt.f32 v10, v12  }
0x74: {  	s4 =	sadd.s32 $0xFFFFFFFF, s2;
	s3 =	sadd.s32 $0xFFFFFFF1, s2;
	v12 =	vsel vm3, v10, v12;
	v10 =	vsel vm3, v9, v8;
	v13 =	vnsel vm4, $0xFF800000, v15  }
0x75: {  	s2 =	sadd.s32 $0x10, s2;
	v8 =	vor.u32 s3, v1;
	v9 =	vor.u32 s4, v1;
	vm3 =	vgt.f32 v13, v12  }
0x76: {  	s2 =	sadd.s32 $0xFFFFFFF2, s0;
	v12 =	vsel vm3, v13, v12;
	vm4 =	vlt.s32 v8, $0x1869F  }
0x77: {  	v11 =	vnsel vm2, $0xFF800000, v11;
	v13 =	vor.u32 s2, v1;
	v14 =	vnsel vm4, $0x1869F, v8  }
0x78: {  	v6 =	vsel vm3, v6, v10;
	s23 =	sadd.s32 $0xFFFFFFF3, s0;
	vm2 =	vgt.f32 v11, v12;
	vm3 =	vlt.s32 v13, $0x1869F  }
0x79: {  	v10 =	vsel vm2, v11, v12;
	v12 =	vor.u32 s23, v1;
	v11 =	vnsel vm3, $0x1869F, v13  }
0x7a: {  	s7 =	sadd.s32 $0xFFFFFFF4, s0;
	s4 =	sadd.s32 $0xFFFFFFFC, s0;
	vm5 =	vlt.u32 v8, $0x186A0;
	v15 =	vsel vm2, v5, v6;
	vm2 =	vlt.s32 v12, $0x1869F  }
0x7b: {  	s12 =	sadd.s32 $0xFFFFFFFA, s0;
	s13 =	sadd.s32 $0xFFFFFFFB, s0;
	v17 =	vor.u32 s7, v1;
	v18 =	vor.u32 s4, v1;
	v16 =	vnsel vm2, $0x1869F, v12  }
0x7c: {  	s14 =	sadd.s32 $0xFFFFFFF5, s0;
	s15 =	sadd.s32 $0xFFFFFFF9, s0;
	v19 =	vor.u32 s12, v1;
	v20 =	vor.u32 s13, v1;
	vm2 =	vlt.s32 v17, $0x1869F;
	v14 =	vld.idx.msk [tilespmem:v14+s5+$0x0], $0xffff  }
0x7d: {  	s16 =	sadd.s32 $0xFFFFFFF7, s0;
	s18 =	sadd.s32 $0xFFFFFFF8, s0;
	v22 =	vor.u32 s14, v1;
	v23 =	vor.u32 s15, v1;
	v21 =	vnsel vm2, $0x1869F, v17  }
0x7e: {  	s3 =	sadd.s32 $0xFFFFFFFD, s0;
	s19 =	sadd.s32 $0xFFFFFFF6, s0;
	v24 =	vor.u32 s16, v1;
	v25 =	vor.u32 s18, v1;
	vm2 =	vlt.s32 v22, $0x1869F;
	v11 =	vld.idx.msk [tilespmem:v11+s5+$0x0], $0xffff  }
0x7f: {  	s31 =	sadd.s32 $0xFFFFFFFE, s0;
	v26 =	vor.u32 s19, v1;
	v5 =	vor.u32 s3, v1;
	v27 =	vnsel vm2, $0x1869F, v22  }
0x80: {  	v6 =	vor.u32 s31, v1;
	vm4 =	vlt.s32 v26, $0x1869F;
	vm6 =	vlt.u32 v13, $0x186A0;
	v16 =	vld.idx.msk [tilespmem:v16+s5+$0x0], $0xffff  }
0x81: {  	vm11 =	vlt.s32 v25, $0x1869F;
	v28 =	vnsel vm4, $0x1869F, v26;
	v14 =	vnsel vm5, $0xFF800000, v14  }
0x82: {  	vm12 =	vlt.s32 v23, $0x1869F;
	v21 =	vld.idx.msk [tilespmem:v21+s5+$0x0], $0xffff;
	vm5 =	vlt.s32 v24, $0x1869F;
	vm4 =	vgt.f32 v14, v10  }
0x83: {  	v29 =	vnsel vm5, $0x1869F, v24;
	v10 =	vsel vm4, v14, v10;
	v11 =	vnsel vm6, $0xFF800000, v11  }
0x84: {  	vm8 =	vlt.u32 v17, $0x186A0;
	vm7 =	vlt.u32 v12, $0x186A0;
	v14 =	vld.idx.msk [tilespmem:v27+s5+$0x0], $0xffff;
	vm5 =	vgt.f32 v11, v10  }
0x85: {  	v32 =	vnsel vm11, $0x1869F, v25;
	v10 =	vsel vm5, v11, v10;
	v11 =	vnsel vm7, $0xFF800000, v16  }
0x86: {  	vm13 =	vlt.s32 v19, $0x1869F;
	vm9 =	vlt.u32 v22, $0x186A0;
	v33 =	vld.idx.msk [tilespmem:v28+s5+$0x0], $0xffff;
	vm6 =	vgt.f32 v11, v10  }
0x87: {  	v34 =	vnsel vm12, $0x1869F, v23;
	v10 =	vsel vm6, v11, v10;
	v11 =	vnsel vm8, $0xFF800000, v21  }
0x88: {  	vm14 =	vlt.s32 v20, $0x1869F;
	vm10 =	vlt.u32 v26, $0x186A0;
	v35 =	vld.idx.msk [tilespmem:v29+s5+$0x0], $0xffff;
	vm7 =	vgt.f32 v11, v10  }
0x89: {  	v36 =	vnsel vm13, $0x1869F, v19;
	v10 =	vsel vm7, v11, v10;
	v11 =	vnsel vm9, $0xFF800000, v14  }
0x8a: {  	vm15 =	vlt.s32 v18, $0x1869F;
	vm3 =	vlt.s32 v6, $0x1869F;
	v14 =	vld.idx.msk [tilespmem:v32+s5+$0x0], $0xffff;
	vm8 =	vgt.f32 v11, v10  }
0x8b: {  	v37 =	vnsel vm14, $0x1869F, v20;
	v10 =	vsel vm8, v11, v10;
	v11 =	vnsel vm10, $0xFF800000, v33  }
0x8c: {  	vm11 =	vlt.u32 v24, $0x186A0;
	v39 =	vnsel vm15, $0x1869F, v18;
	v38 =	vld.idx.msk [tilespmem:v34+s5+$0x0], $0xffff;
	vm9 =	vgt.f32 v11, v10  }
0x8d: {  	vm12 =	vlt.u32 v25, $0x186A0;
	v10 =	vsel vm9, v11, v10;
	v11 =	vnsel vm11, $0xFF800000, v35  }
0x8e: {  	vm2 =	vlt.s32 v9, $0x1869F;
	v40 =	vld.idx.msk [tilespmem:v36+s5+$0x0], $0xffff;
	vm11 =	vlt.s32 v5, $0x1869F;
	vm10 =	vgt.f32 v11, v10  }
0x8f: {  	v41 =	vnsel vm11, $0x1869F, v5;
	v10 =	vsel vm10, v11, v10;
	v11 =	vnsel vm12, $0xFF800000, v14  }
0x90: {  	v8 =	vsel vm4, v8, v15;
	v14 =	vld.idx.msk [tilespmem:v37+s5+$0x0], $0xffff;
	vm12 =	vlt.u32 v23, $0x186A0;
	vm4 =	vgt.f32 v11, v10  }
0x91: {  	v15 =	vnsel vm3, $0x1869F, v6;
	v10 =	vsel vm4, v11, v10;
	v11 =	vnsel vm12, $0xFF800000, v38  }
0x92: {  	v8 =	vsel vm5, v13, v8;
	v13 =	vld.idx.msk [tilespmem:v39+s5+$0x0], $0xffff;
	vm5 =	vlt.u32 v19, $0x186A0;
	vm3 =	vgt.f32 v11, v10  }
0x93: {  	v42 =	vnsel vm2, $0x1869F, v9;
	v10 =	vsel vm3, v11, v10;
	v11 =	vnsel vm5, $0xFF800000, v40  }
0x94: {  	v8 =	vsel vm6, v12, v8;
	v12 =	vld.idx.msk [tilespmem:v41+s5+$0x0], $0xffff;
	vm5 =	vlt.u32 v20, $0x186A0;
	vm2 =	vgt.f32 v11, v10  }
0x95: {  	v43 =	vnsel vm1, $0x1869F, v7;
	v10 =	vsel vm2, v11, v10;
	v11 =	vnsel vm5, $0xFF800000, v14  }
0x96: {  	v8 =	vsel vm7, v17, v8;
	v14 =	vld.idx.msk [tilespmem:v15+s5+$0x0], $0xffff;
	vm5 =	vlt.u32 v18, $0x186A0;
	vm1 =	vgt.f32 v11, v10  }
0x97: {  	v8 =	vsel vm8, v22, v8;
	v10 =	vsel vm1, v11, v10;
	v11 =	vnsel vm5, $0xFF800000, v13  }
0x98: {  	vm13 =	vlt.u32 v5, $0x186A0;
	v8 =	vsel vm9, v26, v8;
	v13 =	vld.idx.msk [tilespmem:v42+s5+$0x0], $0xffff;
	vm5 =	vgt.f32 v11, v10  }
0x99: {  	v8 =	vsel vm10, v24, v8;
	v10 =	vsel vm5, v11, v10;
	v11 =	vnsel vm13, $0xFF800000, v12  }
0x9a: {  	vm14 =	vlt.u32 v6, $0x186A0;
	v8 =	vsel vm4, v25, v8;
	v12 =	vld.idx.msk [tilespmem:v43+s5+$0x0], $0xffff;
	vm4 =	vgt.f32 v11, v10  }
0x9b: {  	v8 =	vsel vm3, v23, v8;
	v10 =	vsel vm4, v11, v10;
	v11 =	vnsel vm14, $0xFF800000, v14  }
0x9c: {  	vm3 =	vlt.u32 v9, $0x186A0;
	v8 =	vsel vm2, v19, v8;
	vm2 =	vgt.f32 v11, v10  }
0x9d: {  	v8 =	vsel vm1, v20, v8;
	v10 =	vsel vm2, v11, v10;
	v11 =	vnsel vm3, $0xFF800000, v13  }
0x9e: {  	vm1 =	vlt.u32 v7, $0x186A0;
	v8 =	vsel vm5, v18, v8;
	vm3 =	vgt.f32 v11, v10  }
0x9f: {  	v5 =	vsel vm4, v5, v8;
	v8 =	vsel vm3, v11, v10;
	v10 =	vnsel vm1, $0xFF800000, v12  }
0xa0: {  	v5 =	vsel vm2, v6, v5;
	vm1 =	vgt.f32 v10, v8  }
0xa1: {  	v5 =	vsel vm3, v9, v5;
	v6 =	vsel vm1, v10, v8  }
0xa2: {  	s20 =	rddreg [dreg:$0xa];
	s13 =	simm.s32 $0xB;
	s14 =	simm.s32 $0x9;
	v5 =	vsel vm1, v7, v5;
	[tilespmem:$0x19D80] =	vst v6  }
0xa3: {  	s15 =	simm.s32 $0xA;
	s16 =	simm.s32 $0x3;
	s23 =	simm.s32 $0x0;
	[tilespmem:$0x19D00] =	vst v5  }
0xa4: {  	v44 =	vor.u32 s13, v2;
	v45 =	vor.u32 s14, v2;
	[spmem:s20] =	stream.linear.scatter [tilespmem:s8], [sflag:$0x2], $0x10, $0x38;
	[tilespmem:$0x1A240] =	vst v63  }
0xa5: {  	s18 =	simm.s32 $0x8;
	s19 =	simm.s32 $0x6;
	v46 =	vor.u32 s15, v2;
	v48 =	vor.u32 s16, v2;
	v11 =	vor.u32 s23, v2;
	_ =	swait.ge [sflag:s17], $0x10  }
0xa6: {  	s3 =	simm.s32 $0x1;
	v49 =	vor.u32 s18, v2;
	v50 =	vor.u32 s19, v2;
	vm2 =	vlt.s32 v11, $0x1869F;
	[sflag:s17] =	ssyncset.done $0x0  }
0xa7: {  	s12 =	simm.s32 $0x2;
	vm7 =	vlt.s32 v45, $0x1869F;
	v12 =	vor.u32 s3, v2;
	v13 =	vnsel vm2, $0x1869F, v11;
	s21 =	rddreg [dreg:$0xb];
	[sflag:s17] =	ssyncadd.s32 $0xFFFFFFF0  }
0xa8: {  	vm6 =	vlt.s32 v46, $0x1869F;
	v59 =	vnsel vm7, $0x1869F, v45;
	vm2 =	vlt.s32 v12, $0x1869F;
	[spmem:s21] =	stream.linear.scatter [tilespmem:s9], [sflag:$0x2], $0x10, $0x38;
	[tilespmem:$0x1A240] =	vst v63  }
0xa9: {  	vm8 =	vlt.s32 v49, $0x1869F;
	v15 =	vor.u32 s12, v2;
	v14 =	vnsel vm2, $0x1869F, v12;
	_ =	swait.ge [sflag:s17], $0x10  }
0xaa: {  	v58 =	vnsel vm8, $0x1869F, v49;
	vm9 =	vlt.s32 v50, $0x1869F;
	vm2 =	vlt.s32 v15, $0x1869F;
	[sflag:s17] =	ssyncset.done $0x0  }
0xab: {  	v57 =	vnsel vm9, $0x1869F, v50;
	vm5 =	vlt.s32 v44, $0x1869F;
	v47 =	vnsel vm2, $0x1869F, v15;
	[sflag:s17] =	ssyncadd.s32 $0xFFFFFFF0  }
0xac: {  	s4 =	simm.s32 $0xC;
	v60 =	vnsel vm5, $0x1869F, v44;
	vm14 =	vlt.u32 v15, $0x186A0;
	vm2 =	vlt.s32 v48, $0x1869F;
	s21 =	simm.s32 $0x4;
	v13 =	vld.idx.msk [tilespmem:v13+s5+$0x0], $0xffff  }
0xad: {  	s22 =	simm.s32 $0xF;
	v9 =	vor.u32 s4, v2;
	v52 =	vnsel vm2, $0x1869F, v48;
	v53 =	vor.u32 s21, v2  }
0xae: {  	vm12 =	vlt.u32 v11, $0x186A0;
	v5 =	vor.u32 s22, v2;
	s22 =	simm.s32 $0x5;
	vm4 =	vlt.s32 v53, $0x1869F;
	v14 =	vld.idx.msk [tilespmem:v14+s5+$0x0], $0xffff  }
0xaf: {  	s7 =	simm.s32 $0xD;
	v7 =	vimm.f32 $-Inf;
	v54 =	vor.u32 s22, v2;
	v55 =	vnsel vm4, $0x1869F, v53  }
0xb0: {  	s31 =	simm.s32 $0xE;
	v10 =	vimm.s32 $0x0;
	v8 =	vor.u32 s7, v2;
	vm15 =	vlt.s32 v54, $0x1869F;
	v19 =	vld.idx.msk [tilespmem:v47+s5+$0x0], $0xffff  }
0xb1: {  	v6 =	vor.u32 s31, v2;
	v56 =	vnsel vm15, $0x1869F, v54;
	v13 =	vnsel vm12, $0xFF800000, v13  }
0xb2: {  	vm3 =	vlt.s32 v8, $0x1869F;
	s20 =	simm.s32 $0x7;
	v24 =	vld.idx.msk [tilespmem:v52+s5+$0x0], $0xffff;
	vm12 =	vlt.u32 v12, $0x186A0;
	vm11 =	vgt.f32 v13, v7  }
0xb3: {  	v51 =	vor.u32 s20, v2;
	v7 =	vsel vm11, v13, v7;
	v13 =	vnsel vm12, $0xFF800000, v14  }
0xb4: {  	vm10 =	vlt.s32 v51, $0x1869F;
	v10 =	vsel vm11, v11, v10;
	v11 =	vld.idx.msk [tilespmem:v55+s5+$0x0], $0xffff;
	vm13 =	vgt.f32 v13, v7  }
0xb5: {  	v14 =	vnsel vm10, $0x1869F, v51;
	v7 =	vsel vm13, v13, v7;
	v13 =	vnsel vm14, $0xFF800000, v19  }
0xb6: {  	vm12 =	vlt.u32 v48, $0x186A0;
	v10 =	vsel vm13, v12, v10;
	v12 =	vld.idx.msk [tilespmem:v56+s5+$0x0], $0xffff;
	vm15 =	vgt.f32 v13, v7  }
0xb7: {  	vm1 =	vlt.s32 v5, $0x1869F;
	v7 =	vsel vm15, v13, v7;
	v13 =	vnsel vm12, $0xFF800000, v24  }
0xb8: {  	vm14 =	vlt.u32 v53, $0x186A0;
	v10 =	vsel vm15, v15, v10;
	v15 =	vld.idx.msk [tilespmem:v57+s5+$0x0], $0xffff;
	vm13 =	vgt.f32 v13, v7  }
0xb9: {  	vm2 =	vlt.s32 v6, $0x1869F;
	v11 =	vnsel vm14, $0xFF800000, v11;
	v7 =	vsel vm13, v13, v7  }
0xba: {  	vm4 =	vlt.s32 v9, $0x1869F;
	vm12 =	vlt.u32 v54, $0x186A0;
	v13 =	vld.idx.msk [tilespmem:v14+s5+$0x0], $0xffff;
	vm15 =	vgt.f32 v11, v7  }
0xbb: {  	v14 =	vnsel vm6, $0x1869F, v46;
	v7 =	vsel vm15, v11, v7;
	v11 =	vnsel vm12, $0xFF800000, v12  }
0xbc: {  	vm14 =	vlt.u32 v50, $0x186A0;
	v10 =	vsel vm13, v48, v10;
	v12 =	vld.idx.msk [tilespmem:v58+s5+$0x0], $0xffff;
	vm13 =	vgt.f32 v11, v7  }
0xbd: {  	v61 =	vnsel vm4, $0x1869F, v9;
	v7 =	vsel vm13, v11, v7;
	v11 =	vnsel vm14, $0xFF800000, v15  }
0xbe: {  	v10 =	vsel vm15, v53, v10;
	vm15 =	vlt.u32 v51, $0x186A0;
	v15 =	vld.idx.msk [tilespmem:v59+s5+$0x0], $0xffff;
	vm5 =	vgt.f32 v11, v7  }
0xbf: {  	v10 =	vsel vm13, v54, v10;
	v7 =	vsel vm5, v11, v7;
	v11 =	vnsel vm15, $0xFF800000, v13  }
0xc0: {  	v10 =	vsel vm5, v50, v10;
	v13 =	vld.idx.msk [tilespmem:v14+s5+$0x0], $0xffff;
	vm5 =	vlt.u32 v49, $0x186A0;
	vm4 =	vgt.f32 v11, v7  }
0xc1: {  	v14 =	vnsel vm3, $0x1869F, v8;
	v7 =	vsel vm4, v11, v7;
	v11 =	vnsel vm5, $0xFF800000, v12  }
0xc2: {  	v10 =	vsel vm4, v51, v10;
	v12 =	vld.idx.msk [tilespmem:v60+s5+$0x0], $0xffff;
	vm4 =	vlt.u32 v45, $0x186A0;
	vm3 =	vgt.f32 v11, v7  }
0xc3: {  	v62 =	vnsel vm2, $0x1869F, v6;
	v7 =	vsel vm3, v11, v7;
	v11 =	vnsel vm4, $0xFF800000, v15  }
0xc4: {  	v10 =	vsel vm3, v49, v10;
	v15 =	vld.idx.msk [tilespmem:v61+s5+$0x0], $0xffff;
	vm3 =	vlt.u32 v46, $0x186A0;
	vm2 =	vgt.f32 v11, v7  }
0xc5: {  	v63 =	vnsel vm1, $0x1869F, v5;
	v7 =	vsel vm2, v11, v7;
	v11 =	vnsel vm3, $0xFF800000, v13  }
0xc6: {  	v10 =	vsel vm2, v45, v10;
	v13 =	vld.idx.msk [tilespmem:v14+s5+$0x0], $0xffff;
	vm2 =	vlt.u32 v44, $0x186A0;
	vm1 =	vgt.f32 v11, v7  }
0xc7: {  	v12 =	vnsel vm2, $0xFF800000, v12;
	v11 =	vsel vm1, v11, v7  }
0xc8: {  	vm2 =	vlt.u32 v9, $0x186A0;
	v10 =	vsel vm1, v46, v10;
	vm1 =	vgt.f32 v12, v11  }
0xc9: {  	v11 =	vsel vm1, v12, v11;
	v12 =	vnsel vm2, $0xFF800000, v15  }
0xca: {  	vm3 =	vlt.u32 v8, $0x186A0;
	v10 =	vsel vm1, v44, v10;
	vm1 =	vgt.f32 v12, v11  }
0xcb: {  	v14 =	vld.idx.msk [tilespmem:v62+s5+$0x0], $0xffff;
	v11 =	vsel vm1, v12, v11;
	v9 =	vsel vm1, v9, v10;
	v10 =	vnsel vm3, $0xFF800000, v13  }
0xcc: {  	vm3 =	vgt.f32 v10, v11  }
0xcd: {  	v12 =	vsel vm3, v10, v11;
	v11 =	vld.idx.msk [tilespmem:v63+s5+$0x0], $0xffff  }
0xce: {  	s0 =	simm.s32 $0x1F  }
0xcf: {  	vm4 =	vlt.u32 v6, $0x186A0;
	v7 =	vor.u32 s0, v2;
	vm2 =	vlt.u32 v5, $0x186A0  }
0xd0: {  	s23 =	simm.s32 $0x10;
	s31 =	simm.s32 $0x1E;
	vm1 =	vlt.s32 v7, $0x1869F;
	v13 =	vnsel vm4, $0xFF800000, v14;
	v10 =	vsel vm3, v8, v9  }
0xd1: {  	s2 =	simm.s32 $0x2F;
	v8 =	vor.u32 s23, v2;
	v9 =	vor.u32 s31, v2;
	vm3 =	vgt.f32 v13, v12  }
.LBB2_4:
0xd2: {  	p0 =	sne.s32 s2, $0xFF;
	s3 =	sadd.s32 $0xFFFFFFF2, s0;
	v12 =	vsel vm3, v13, v12;
	v10 =	vsel vm3, v6, v10;
	v11 =	vnsel vm2, $0xFF800000, v11;
	v6 =	vmovc v9  }
0xd3: {  	vm2 =	vlt.s32 v8, $0x1869F;
	v13 =	vor.u32 s3, v2;
	vm3 =	vgt.f32 v11, v12  }
0xd4: {  	s4 =	sadd.s32 $0xFFFFFFFE, s0;
	v14 =	vnsel vm2, $0x1869F, v8;
	s3 =	sadd.s32 $0xFFFFFFFD, s0;
	v15 =	vsel vm3, v11, v12;
	v16 =	vsel vm3, v5, v10;
	v5 =	vmovc v7  }
0xd5: {  	s7 =	sadd.s32 $0xFFFFFFF3, s0;
	s18 =	sadd.s32 $0xFFFFFFFC, s0;
	v9 =	vor.u32 s4, v2;
	vm2 =	vlt.s32 v13, $0x1869F;
	v10 =	vor.u32 s3, v2  }
0xd6: {  	v18 =	vor.u32 s7, v2;
	s4 =	sadd.s32 $0xFFFFFFFB, s0;
	s3 =	sadd.s32 $0xFFFFFFFA, s0;
	v11 =	vor.u32 s18, v2;
	v17 =	vnsel vm2, $0x1869F, v13  }
0xd7: {  	s7 =	sadd.s32 $0xFFFFFFF4, s0;
	s18 =	sadd.s32 $0xFFFFFFF9, s0;
	v7 =	vor.u32 s4, v2;
	vm2 =	vlt.s32 v18, $0x1869F;
	v12 =	vor.u32 s3, v2  }
0xd8: {  	v20 =	vor.u32 s7, v2;
	s4 =	sadd.s32 $0xFFFFFFF8, s0;
	s3 =	sadd.s32 $0xFFFFFFF7, s0;
	v21 =	vor.u32 s18, v2;
	v19 =	vnsel vm2, $0x1869F, v18  }
0xd9: {  	s7 =	sadd.s32 $0xFFFFFFF5, s0;
	s18 =	sadd.s32 $0xFFFFFFF6, s0;
	v23 =	vor.u32 s4, v2;
	s0 =	smov.u32 s2;
	vm2 =	vlt.s32 v20, $0x1869F;
	v22 =	vor.u32 s3, v2;
	v14 =	vld.idx.msk [tilespmem:v14+s5+$0x0], $0xffff  }
0xda: {  	v25 =	vor.u32 s7, v2;
	v26 =	vor.u32 s18, v2;
	v24 =	vnsel vm2, $0x1869F, v20  }
0xdb: {  	vm3 =	vlt.s32 v9, $0x1869F;
	vm4 =	vlt.s32 v25, $0x1869F;
	vm2 =	vlt.s32 v6, $0x1869F;
	v17 =	vld.idx.msk [tilespmem:v17+s5+$0x0], $0xffff  }
0xdc: {  	vm5 =	vlt.s32 v11, $0x1869F;
	v27 =	vnsel vm4, $0x1869F, v25;
	vm4 =	vlt.s32 v10, $0x1869F  }
0xdd: {  	vm6 =	vlt.s32 v7, $0x1869F;
	vm7 =	vlt.s32 v12, $0x1869F;
	vm8 =	vlt.s32 v26, $0x1869F;
	v19 =	vld.idx.msk [tilespmem:v19+s5+$0x0], $0xffff  }
0xde: {  	vm9 =	vlt.u32 v8, $0x186A0;
	v28 =	vnsel vm8, $0x1869F, v26;
	vm8 =	vlt.s32 v21, $0x1869F  }
0xdf: {  	vm10 =	vlt.s32 v23, $0x1869F;
	v14 =	vnsel vm9, $0xFF800000, v14;
	vm9 =	vlt.s32 v22, $0x1869F;
	v24 =	vld.idx.msk [tilespmem:v24+s5+$0x0], $0xffff  }
0xe0: {  	vm12 =	vlt.u32 v13, $0x186A0;
	vm11 =	vgt.f32 v14, v15;
	v29 =	vnsel vm9, $0x1869F, v22  }
0xe1: {  	v14 =	vsel vm11, v14, v15;
	v8 =	vsel vm11, v8, v16;
	v15 =	vnsel vm12, $0xFF800000, v17;
	v16 =	vld.idx.msk [tilespmem:v27+s5+$0x0], $0xffff  }
0xe2: {  	vm11 =	vlt.u32 v18, $0x186A0;
	v17 =	vnsel vm10, $0x1869F, v23;
	vm9 =	vgt.f32 v15, v14  }
0xe3: {  	v14 =	vsel vm9, v15, v14;
	v8 =	vsel vm9, v13, v8;
	v13 =	vnsel vm11, $0xFF800000, v19;
	v15 =	vld.idx.msk [tilespmem:v28+s5+$0x0], $0xffff  }
0xe4: {  	vm10 =	vlt.u32 v20, $0x186A0;
	v19 =	vnsel vm8, $0x1869F, v21;
	vm9 =	vgt.f32 v13, v14  }
0xe5: {  	v13 =	vsel vm9, v13, v14;
	v8 =	vsel vm9, v18, v8;
	v14 =	vnsel vm10, $0xFF800000, v24;
	v18 =	vld.idx.msk [tilespmem:v29+s5+$0x0], $0xffff  }
0xe6: {  	vm9 =	vlt.u32 v25, $0x186A0;
	v24 =	vnsel vm7, $0x1869F, v12;
	vm8 =	vgt.f32 v14, v13  }
0xe7: {  	v13 =	vsel vm8, v14, v13;
	v8 =	vsel vm8, v20, v8;
	v14 =	vnsel vm9, $0xFF800000, v16;
	v16 =	vld.idx.msk [tilespmem:v17+s5+$0x0], $0xffff  }
0xe8: {  	vm8 =	vlt.u32 v26, $0x186A0;
	vm7 =	vgt.f32 v14, v13;
	v17 =	vnsel vm6, $0x1869F, v7  }
0xe9: {  	v13 =	vsel vm7, v14, v13;
	v8 =	vsel vm7, v25, v8;
	v14 =	vnsel vm8, $0xFF800000, v15;
	v15 =	vld.idx.msk [tilespmem:v19+s5+$0x0], $0xffff  }
0xea: {  	vm7 =	vlt.u32 v22, $0x186A0;
	vm6 =	vgt.f32 v14, v13;
	v19 =	vnsel vm5, $0x1869F, v11  }
0xeb: {  	v13 =	vsel vm6, v14, v13;
	v8 =	vsel vm6, v26, v8;
	v14 =	vnsel vm7, $0xFF800000, v18;
	v18 =	vld.idx.msk [tilespmem:v24+s5+$0x0], $0xffff  }
0xec: {  	v20 =	vnsel vm4, $0x1869F, v10;
	vm6 =	vlt.u32 v23, $0x186A0;
	vm5 =	vgt.f32 v14, v13  }
0xed: {  	v13 =	vsel vm5, v14, v13;
	v8 =	vsel vm5, v22, v8;
	v14 =	vnsel vm6, $0xFF800000, v16;
	v16 =	vld.idx.msk [tilespmem:v17+s5+$0x0], $0xffff  }
0xee: {  	vm5 =	vlt.u32 v21, $0x186A0;
	vm4 =	vgt.f32 v14, v13;
	v17 =	vnsel vm3, $0x1869F, v9  }
0xef: {  	v13 =	vsel vm4, v14, v13;
	v8 =	vsel vm4, v23, v8;
	v14 =	vnsel vm5, $0xFF800000, v15;
	v15 =	vld.idx.msk [tilespmem:v19+s5+$0x0], $0xffff  }
0xf0: {  	vm4 =	vlt.u32 v12, $0x186A0;
	vm3 =	vgt.f32 v14, v13;
	v19 =	vnsel vm2, $0x1869F, v6  }
0xf1: {  	v13 =	vsel vm3, v14, v13;
	v8 =	vsel vm3, v21, v8;
	v14 =	vnsel vm4, $0xFF800000, v18;
	v18 =	vld.idx.msk [tilespmem:v20+s5+$0x0], $0xffff  }
0xf2: {  	vm3 =	vlt.u32 v7, $0x186A0;
	vm2 =	vgt.f32 v14, v13;
	v20 =	vnsel vm1, $0x1869F, v5  }
0xf3: {  	v13 =	vsel vm2, v14, v13;
	v8 =	vsel vm2, v12, v8;
	v12 =	vnsel vm3, $0xFF800000, v16;
	v14 =	vld.idx.msk [tilespmem:v17+s5+$0x0], $0xffff  }
0xf4: {  	vm2 =	vlt.u32 v11, $0x186A0;
	vm1 =	vgt.f32 v12, v13  }
0xf5: {  	v12 =	vsel vm1, v12, v13;
	v8 =	vsel vm1, v7, v8;
	v13 =	vnsel vm2, $0xFF800000, v15;
	v15 =	vld.idx.msk [tilespmem:v19+s5+$0x0], $0xffff  }
0xf6: {  	v7 =	vor.u32 s2, v2;
	vm2 =	vlt.u32 v10, $0x186A0;
	vm1 =	vgt.f32 v13, v12  }
0xf7: {  	v12 =	vsel vm1, v13, v12;
	v8 =	vsel vm1, v11, v8;
	v13 =	vnsel vm2, $0xFF800000, v18;
	v11 =	vld.idx.msk [tilespmem:v20+s5+$0x0], $0xffff  }
.Ltmp3:
0xf8: {  	vm3 =	vlt.u32 v9, $0x186A0;
	vm2 =	vlt.u32 v5, $0x186A0;
	vm1 =	vgt.f32 v13, v12;
	(pc) =	sbr.rel @p0 .LBB2_4-.Ltmp3, $4  }
0xf9: {  	v12 =	vsel vm1, v13, v12;
	v8 =	vsel vm1, v10, v8;
	v10 =	vnsel vm3, $0xFF800000, v14  }
0xfa: {  	vm4 =	vlt.u32 v6, $0x186A0;
	vm1 =	vlt.s32 v7, $0x1869F;
	vm3 =	vgt.f32 v10, v12  }
0xfb: {  	s4 =	sadd.s32 $0xFFFFFFFF, s2;
	s3 =	sadd.s32 $0xFFFFFFF1, s2;
	v12 =	vsel vm3, v10, v12;
	v10 =	vsel vm3, v9, v8;
	v13 =	vnsel vm4, $0xFF800000, v15  }
0xfc: {  	s2 =	sadd.s32 $0x10, s2;
	v8 =	vor.u32 s3, v2;
	v9 =	vor.u32 s4, v2;
	vm3 =	vgt.f32 v13, v12  }
0xfd: {  	s2 =	sadd.s32 $0xFFFFFFF2, s0;
	v12 =	vsel vm3, v13, v12;
	vm4 =	vlt.s32 v8, $0x1869F  }
0xfe: {  	v11 =	vnsel vm2, $0xFF800000, v11;
	v55 =	vor.u32 s2, v2;
	v14 =	vnsel vm4, $0x1869F, v8  }
0xff: {  	v6 =	vsel vm3, v6, v10;
	s20 =	sadd.s32 $0xFFFFFFF3, s0;
	vm5 =	vlt.u32 v8, $0x186A0;
	vm3 =	vlt.s32 v55, $0x1869F  }
0x100: {  	vm2 =	vgt.f32 v11, v12;
	v58 =	vor.u32 s20, v2;
	v57 =	vnsel vm3, $0x1869F, v55  }
0x101: {  	s22 =	sadd.s32 $0xFFFFFFF4, s0;
	v56 =	vsel vm2, v11, v12;
	v15 =	vsel vm2, v5, v6;
	vm2 =	vlt.s32 v58, $0x1869F  }
0x102: {  	s4 =	sadd.s32 $0xFFFFFFFC, s0;
	s23 =	sadd.s32 $0xFFFFFFFA, s0;
	v53 =	vnsel vm1, $0x1869F, v7;
	v17 =	vor.u32 s22, v2;
	v16 =	vnsel vm2, $0x1869F, v58  }
0x103: {  	s7 =	sadd.s32 $0xFFFFFFFB, s0;
	s12 =	sadd.s32 $0xFFFFFFF5, s0;
	v18 =	vor.u32 s4, v2;
	v19 =	vor.u32 s23, v2;
	vm2 =	vlt.s32 v17, $0x1869F;
	v14 =	vld.idx.msk [tilespmem:v14+s5+$0x0], $0xffff  }
0x104: {  	s13 =	sadd.s32 $0xFFFFFFF9, s0;
	s14 =	sadd.s32 $0xFFFFFFF7, s0;
	v20 =	vor.u32 s7, v2;
	v22 =	vor.u32 s12, v2;
	v21 =	vnsel vm2, $0x1869F, v17  }
0x105: {  	s15 =	sadd.s32 $0xFFFFFFF8, s0;
	s16 =	sadd.s32 $0xFFFFFFF6, s0;
	v23 =	vor.u32 s13, v2;
	v24 =	vor.u32 s14, v2;
	vm2 =	vlt.s32 v22, $0x1869F;
	v11 =	vld.idx.msk [tilespmem:v57+s5+$0x0], $0xffff  }
0x106: {  	s3 =	sadd.s32 $0xFFFFFFFD, s0;
	s21 =	sadd.s32 $0xFFFFFFFE, s0;
	v25 =	vor.u32 s15, v2;
	v26 =	vor.u32 s16, v2;
	v27 =	vnsel vm2, $0x1869F, v22  }
0x107: {  	v5 =	vor.u32 s3, v2;
	v6 =	vor.u32 s21, v2;
	vm11 =	vlt.s32 v26, $0x1869F;
	v16 =	vld.idx.msk [tilespmem:v16+s5+$0x0], $0xffff  }
0x108: {  	vm12 =	vlt.s32 v24, $0x1869F;
	v28 =	vnsel vm11, $0x1869F, v26;
	v14 =	vnsel vm5, $0xFF800000, v14  }
0x109: {  	vm6 =	vlt.u32 v55, $0x186A0;
	vm13 =	vlt.s32 v25, $0x1869F;
	v21 =	vld.idx.msk [tilespmem:v21+s5+$0x0], $0xffff;
	vm4 =	vgt.f32 v14, v56  }
0x10a: {  	v29 =	vnsel vm12, $0x1869F, v24;
	v10 =	vsel vm4, v14, v56;
	v11 =	vnsel vm6, $0xFF800000, v11  }
0x10b: {  	vm7 =	vlt.u32 v58, $0x186A0;
	vm14 =	vlt.s32 v23, $0x1869F;
	v59 =	vld.idx.msk [tilespmem:v27+s5+$0x0], $0xffff;
	vm5 =	vgt.f32 v11, v10  }
0x10c: {  	v60 =	vnsel vm13, $0x1869F, v25;
	v61 =	vnsel vm7, $0xFF800000, v16;
	v10 =	vsel vm5, v11, v10  }
0x10d: {  	vm8 =	vlt.u32 v17, $0x186A0;
	vm15 =	vlt.s32 v19, $0x1869F;
	v62 =	vld.idx.msk [tilespmem:v28+s5+$0x0], $0xffff;
	vm6 =	vgt.f32 v61, v10  }
0x10e: {  	v63 =	vnsel vm14, $0x1869F, v23;
	v32 =	vnsel vm8, $0xFF800000, v21;
	v10 =	vsel vm6, v61, v10  }
0x10f: {  	vm9 =	vlt.u32 v22, $0x186A0;
	vm10 =	vlt.u32 v26, $0x186A0;
	v33 =	vld.idx.msk [tilespmem:v29+s5+$0x0], $0xffff;
	vm7 =	vgt.f32 v32, v10  }
0x110: {  	v34 =	vnsel vm15, $0x1869F, v19;
	v35 =	vnsel vm9, $0xFF800000, v59;
	v10 =	vsel vm7, v32, v10  }
0x111: {  	vm3 =	vlt.s32 v6, $0x1869F;
	vm12 =	vlt.s32 v20, $0x1869F;
	v36 =	vld.idx.msk [tilespmem:v60+s5+$0x0], $0xffff;
	vm8 =	vgt.f32 v35, v10  }
0x112: {  	v37 =	vnsel vm12, $0x1869F, v20;
	v38 =	vnsel vm10, $0xFF800000, v62;
	v10 =	vsel vm8, v35, v10  }
0x113: {  	vm13 =	vlt.s32 v18, $0x1869F;
	vm11 =	vlt.u32 v24, $0x186A0;
	v39 =	vld.idx.msk [tilespmem:v63+s5+$0x0], $0xffff;
	vm9 =	vgt.f32 v38, v10  }
0x114: {  	v40 =	vnsel vm13, $0x1869F, v18;
	v41 =	vnsel vm11, $0xFF800000, v33;
	v10 =	vsel vm9, v38, v10  }
0x115: {  	vm12 =	vlt.u32 v25, $0x186A0;
	v42 =	vld.idx.msk [tilespmem:v34+s5+$0x0], $0xffff;
	vm11 =	vlt.s32 v5, $0x1869F;
	vm10 =	vgt.f32 v41, v10  }
0x116: {  	v44 =	vnsel vm12, $0xFF800000, v36;
	v43 =	vnsel vm11, $0x1869F, v5;
	v10 =	vsel vm10, v41, v10  }
0x117: {  	vm14 =	vlt.u32 v23, $0x186A0;
	v46 =	vld.idx.msk [tilespmem:v37+s5+$0x0], $0xffff;
	v45 =	vsel vm4, v8, v15;
	vm4 =	vgt.f32 v44, v10  }
0x118: {  	v47 =	vnsel vm3, $0x1869F, v6;
	v48 =	vnsel vm14, $0xFF800000, v39;
	v10 =	vsel vm4, v44, v10  }
0x119: {  	vm15 =	vlt.u32 v19, $0x186A0;
	vm2 =	vlt.s32 v9, $0x1869F;
	v49 =	vld.idx.msk [tilespmem:v40+s5+$0x0], $0xffff;
	vm3 =	vgt.f32 v48, v10  }
0x11a: {  	v50 =	vnsel vm2, $0x1869F, v9;
	v51 =	vnsel vm15, $0xFF800000, v42;
	v10 =	vsel vm3, v48, v10  }
0x11b: {  	vm11 =	vlt.u32 v20, $0x186A0;
	v8 =	vsel vm5, v55, v45;
	v52 =	vld.idx.msk [tilespmem:v43+s5+$0x0], $0xffff;
	vm2 =	vgt.f32 v51, v10  }
0x11c: {  	v54 =	vnsel vm11, $0xFF800000, v46;
	v8 =	vsel vm6, v58, v8;
	v10 =	vsel vm2, v51, v10  }
0x11d: {  	vm12 =	vlt.u32 v18, $0x186A0;
	v55 =	vld.idx.msk [tilespmem:v47+s5+$0x0], $0xffff;
	v8 =	vsel vm7, v17, v8;
	vm1 =	vgt.f32 v54, v10  }
0x11e: {  	v56 =	vnsel vm12, $0xFF800000, v49;
	v8 =	vsel vm8, v22, v8;
	v10 =	vsel vm1, v54, v10  }
0x11f: {  	vm13 =	vlt.u32 v5, $0x186A0;
	v57 =	vld.idx.msk [tilespmem:v50+s5+$0x0], $0xffff;
	v8 =	vsel vm9, v26, v8;
	vm5 =	vgt.f32 v56, v10  }
0x120: {  	v58 =	vnsel vm13, $0xFF800000, v52;
	v8 =	vsel vm10, v24, v8;
	v10 =	vsel vm5, v56, v10  }
0x121: {  	vm15 =	vlt.u32 v6, $0x186A0;
	v59 =	vld.idx.msk [tilespmem:v53+s5+$0x0], $0xffff;
	v8 =	vsel vm4, v25, v8;
	vm14 =	vgt.f32 v58, v10  }
0x122: {  	v60 =	vnsel vm15, $0xFF800000, v55;
	v8 =	vsel vm3, v23, v8;
	v10 =	vsel vm14, v58, v10  }
0x123: {  	vm3 =	vlt.u32 v9, $0x186A0;
	v8 =	vsel vm2, v19, v8;
	vm2 =	vgt.f32 v60, v10  }
0x124: {  	v61 =	vnsel vm3, $0xFF800000, v57;
	v8 =	vsel vm1, v20, v8;
	v10 =	vsel vm2, v60, v10  }
0x125: {  	vm1 =	vlt.u32 v7, $0x186A0;
	v8 =	vsel vm5, v18, v8;
	vm3 =	vgt.f32 v61, v10  }
0x126: {  	v63 =	vnsel vm1, $0xFF800000, v59;
	v5 =	vsel vm14, v5, v8;
	v62 =	vsel vm3, v61, v10  }
0x127: {  	v5 =	vsel vm2, v6, v5;
	vm1 =	vgt.f32 v63, v62  }
0x128: {  	v5 =	vsel vm3, v9, v5;
	v6 =	vsel vm1, v63, v62  }
0x129: {  	v5 =	vsel vm1, v7, v5;
	[tilespmem:$0x19D80] =	vst v6  }
0x12a: {  	s18 =	rddreg [dreg:$0xc];
	[tilespmem:$0x19D00] =	vst v5  }
0x12b: {  	[spmem:s18] =	stream.linear.scatter [tilespmem:s8], [sflag:$0x2], $0x10, $0x38;
	[tilespmem:$0x1A240] =	vst v63  }
0x12c: {  	_ =	swait.ge [sflag:s17], $0x10  }
0x12d: {  	[sflag:s17] =	ssyncset.done $0x0  }
0x12e: {  	s19 =	rddreg [dreg:$0xd];
	[sflag:s17] =	ssyncadd.s32 $0xFFFFFFF0  }
0x12f: {  	[spmem:s19] =	stream.linear.scatter [tilespmem:s9], [sflag:$0x2], $0x10, $0x38;
	[tilespmem:$0x1A240] =	vst v63  }
0x130: {  	_ =	swait.ge [sflag:s17], $0x10  }
0x131: {  	[sflag:s17] =	ssyncset.done $0x0  }
0x132: {  	[sflag:s17] =	ssyncadd.s32 $0xFFFFFFF0  }
0x133: {  	[bflag:$0x0] =	sbarrier.arrive $0xFFFF  }
0x134: {  	s21 =	simm.s32 $0x1A000;
	s20 =	rddreg [dreg:$0x3]  }
0x135: {  	[tilespmem:s21], [sflag:$0x2] =	stream.linear.gather [spmem:s20], $0x200, $0x38;
	[tilespmem:$0x1A240] =	vst v63  }
0x136: {  	_ =	swait.ge [sflag:s17], $0x200  }
0x137: {  	[sflag:s17] =	ssyncset.done $0x0  }
0x138: {  	[sflag:s17] =	ssyncadd.s32 $0xFFFFFE00  }
.Ltmp4:
0x139: {  	s23 =	simm.s32 $0x19E00;
	s22 =	rddreg [dreg:$0x4];
	(pc) =	sbr.rel .LBB2_6-.Ltmp4, $4  }
0x13a: {  	[tilespmem:s23], [sflag:$0x2] =	stream.linear.gather [spmem:s22], $0x200, $0x38;
	[tilespmem:$0x1A240] =	vst v63  }
0x13b: {  	_ =	swait.ge [sflag:s17], $0x200  }
0x13c: {  	[sflag:s17] =	ssyncset.done $0x0  }
0x13d: {  	s31 =	simm.s32 $0x0;
	[sflag:s17] =	ssyncadd.s32 $0xFFFFFE00  }
.LBB2_12:
0x13e: {  	[tilespmem:s3+$0xFFFFFFD0] =	vst v4  }
.LBB2_13:
0x13f: {  	s0 =	sshll.u32 s0, $0x9  }
0x140: {  	s0 =	sadd.s32 s10, s0  }
0x141: {  	[hbm4b:s0+s5] =	stream.linear.scatter [tilespmem:s28], [sflag:$0x2], $0xF00, $0x38;
	[tilespmem:$0x1A240] =	vst v63  }
0x142: {  	_ =	swait.ge [sflag:s17], $0xF00  }
0x143: {  	[sflag:s17] =	ssyncset.done $0x0  }
0x144: {  	[sflag:s17] =	ssyncadd.s32 $0xFFFFF100  }
.LBB2_14:
0x145: {  	s31 =	sadd.s32 $0x1, s31  }
0x146: {  	p0 =	sne.s32 s31, $0x4  }
.Ltmp5:
0x147: {  	_ = 	snop;
	(pc) =	sbr.rel @!p0 .LBB2_15-.Ltmp5, $1  }
0x148: {  	_ =	sdelay $0x3  }
.LBB2_6:
0x149: {  	s0 =	sshll.u32 s31, $0x5  }
0x14a: {  	s0 =	sor.u32 s11, s0  }
0x14b: {  	p0 =	sgt.u32 s0, $0x63  }
.Ltmp6:
0x14c: {  	_ = 	snop;
	(pc) =	sbr.rel @p0 .LBB2_14-.Ltmp6, $1  }
0x14d: {  	_ =	sdelay $0x3  }
0x14e: {  	s2 =	sand.u32 $0x70, s0  }
0x14f: {  	v5 =	vld [tilespmem:s2+$0x19C00];
	_ =	sdelay $0x2  }
0x150: {  	s0 =	sor.u32 s6, s0;
	v6 =	vld [tilespmem:s2+$0x19C80]  }
0x151: {  	s19 =	sand.u32 $0xF, s0  }
0x152: {  	v7 =	vmov s19;
	v5 =	vcvt.s32.f32 v5  }
0x153: {  	vm1 =	veq.s32 v7, v0  }
0x154: {  	v5 =	vnsel vm1, $0x0, v5  }
0x155: {  	(xrf0) =	vmax.scan.msk.f32 $0xffff, v5;
	v5 =	vcvt.s32.f32 v6;
	_ =	sdelay $0x1  }
0x156: {  	v5 =	vnsel vm1, $0x0, v5  }
0x157: {  	(xrf0) =	vmax.scan.msk.f32 $0xffff, v5;
	_ =	sdelay $0x3  }
0x158: {  	v5, _, _ =	vpop (xrf0)  }
0x159: {  	(v2sf) =	vpush v5, $0xF  }
0x15a: {  	v5, _, _ =	vpop (xrf0)  }
0x15b: {  	(v2sf) =	vpush v5, $0xF;
	_ =	sdelay $0xc  }
0x15c: {  	s20 =	spop (v2sf)  }
0x15d: {  	s7 =	scvt.f32.s32 s20  }
0x15e: {  	s18 =	simm.s32 $0x1;
	s21 =	spop (v2sf)  }
0x15f: {  	s3 =	sshra.s32 s7, $0x1F;
	s4 =	sand.u32 $0xFF, s7;
	s2 =	scvt.f32.s32 s21  }
0x160: {  	p0 =	slt.s32 s7, $0x1;
	s3 =	sshrl.u32 s3, $0x18;
	p1 =	sne.s32 s4, $0x0  }
0x161: {  	s3 =	sadd.s32 s3, s7;
	p0 =	por !p0, !p1;
	s22 =	sadd.s32 $0xFFFFFFFF, s2  }
0x162: {  	s3 =	sshra.s32 s3, $0x8;
	p0 =	por !p0, !p0;
	s19 =	sand.u32 $0xFF, s22  }
0x163: {  	s20 =	sshra.s32 s22, $0x1F;
	p6 =	slt.s32 s22, $0x1;
	p2 =	sne.s32 s19, $0x0  }
0x164: {  	s18 =	simm.s32 @!p0 $0x0;
	s23 =	sshrl.u32 s20, $0x18;
	p2 =	por !p6, !p2  }
0x165: {  	s20 =	simm.s32 $0x1;
	s4 =	sadd.s32 s23, s22;
	p0 =	por !p2, !p2  }
0x166: {  	s19 =	ssub.s32 s3, s18;
	s8 =	sshra.s32 s4, $0x8;
	s20 =	simm.s32 @!p0 $0x0  }
0x167: {  	v7 =	vld [tilespmem:$0x1A000];
	s18 =	sadd.s32 $0xFFFFFFFF, s19;
	p0 =	sgt.s32 s2, s7;
	s3 =	ssub.s32 s8, s20  }
0x168: {  	v8 =	vld [tilespmem:$0x19E00];
	s18 =	smov.u32 @p0 s3  }
0x169: {  	v9 =	vld [tilespmem:$0x1A010];
	v5 =	vmov s19;
	v6 =	vmov s18  }
0x16a: {  	v10 =	vld [tilespmem:$0x19E10];
	vm1 =	vlt.s32 v5, v0;
	vm2 =	vgt.s32 v6, v0  }
0x16b: {  	v11 =	vor.u32 $0x10, v0;
	v12 =	vld [tilespmem:$0x1A020];
	vm1 =	vmand vm1, vm2  }
0x16c: {  	v13 =	vld [tilespmem:$0x1A030];
	vm2 =	vgt.s32 v6, v11;
	v7 =	vnsel vm1, $0xFF800000, v7;
	vm1 =	vlt.s32 v5, v11  }
0x16d: {  	v11 =	vld [tilespmem:$0x19E20];
	[tilespmem:$0x18700] =	vst v7;
	vm1 =	vmand vm1, vm2;
	v7 =	vor.u32 $0x20, v0  }
0x16e: {  	[tilespmem:$0x18900] =	vst v8;
	v8 =	vnsel vm1, $0xFF800000, v9;
	vm1 =	vlt.s32 v5, v7;
	vm2 =	vgt.s32 v6, v7;
	v7 =	vld [tilespmem:$0x19E30]  }
0x16f: {  	v9 =	vld [tilespmem:$0x1A040];
	[tilespmem:$0x18710] =	vst v8;
	vm1 =	vmand vm1, vm2;
	v8 =	vor.u32 $0x30, v0  }
0x170: {  	v61 =	vld [tilespmem:$0x1A050];
	[tilespmem:$0x18910] =	vst v10;
	v10 =	vnsel vm1, $0xFF800000, v12;
	vm1 =	vlt.s32 v5, v8;
	vm2 =	vgt.s32 v6, v8  }
0x171: {  	v8 =	vld [tilespmem:$0x19E40];
	[tilespmem:$0x18720] =	vst v10;
	vm1 =	vmand vm1, vm2;
	v10 =	vor.u32 $0x40, v0  }
0x172: {  	v62 =	vld [tilespmem:$0x1A060];
	[tilespmem:$0x18920] =	vst v11;
	v11 =	vnsel vm1, $0xFF800000, v13;
	vm1 =	vlt.s32 v5, v10;
	vm2 =	vgt.s32 v6, v10  }
0x173: {  	v10 =	vld [tilespmem:$0x19E50];
	[tilespmem:$0x18730] =	vst v11;
	vm1 =	vmand vm1, vm2;
	v11 =	vor.u32 $0x50, v0  }
0x174: {  	[tilespmem:$0x18930] =	vst v7;
	v7 =	vnsel vm1, $0xFF800000, v9;
	vm1 =	vlt.s32 v5, v11;
	vm2 =	vgt.s32 v6, v11;
	v9 =	vld [tilespmem:$0x19E60]  }
0x175: {  	v11 =	vld [tilespmem:$0x1A070];
	[tilespmem:$0x18740] =	vst v7;
	vm1 =	vmand vm1, vm2;
	v7 =	vor.u32 $0x60, v0  }
0x176: {  	v63 =	vld [tilespmem:$0x1A080];
	[tilespmem:$0x18940] =	vst v8;
	v8 =	vnsel vm1, $0xFF800000, v61;
	vm1 =	vlt.s32 v5, v7;
	vm2 =	vgt.s32 v6, v7  }
0x177: {  	v7 =	vld [tilespmem:$0x19E70];
	[tilespmem:$0x18750] =	vst v8;
	vm1 =	vmand vm1, vm2;
	v8 =	vor.u32 $0x70, v0  }
0x178: {  	v16 =	vld [tilespmem:$0x1A090];
	[tilespmem:$0x18950] =	vst v10;
	v10 =	vnsel vm1, $0xFF800000, v62;
	vm1 =	vlt.s32 v5, v8;
	vm2 =	vgt.s32 v6, v8  }
0x179: {  	v8 =	vld [tilespmem:$0x19E80];
	[tilespmem:$0x18760] =	vst v10;
	vm1 =	vmand vm1, vm2;
	v10 =	vor.u32 $0x80, v0  }
0x17a: {  	[tilespmem:$0x18960] =	vst v9;
	v9 =	vnsel vm1, $0xFF800000, v11;
	vm1 =	vlt.s32 v5, v10;
	vm2 =	vgt.s32 v6, v10;
	v10 =	vld [tilespmem:$0x19E90]  }
0x17b: {  	v11 =	vld [tilespmem:$0x1A0A0];
	[tilespmem:$0x18770] =	vst v9;
	vm1 =	vmand vm1, vm2;
	v9 =	vor.u32 $0x90, v0  }
0x17c: {  	v17 =	vld [tilespmem:$0x1A0B0];
	[tilespmem:$0x18970] =	vst v7;
	v7 =	vnsel vm1, $0xFF800000, v63;
	vm1 =	vlt.s32 v5, v9;
	vm2 =	vgt.s32 v6, v9  }
0x17d: {  	v9 =	vld [tilespmem:$0x19EA0];
	[tilespmem:$0x18780] =	vst v7;
	vm1 =	vmand vm1, vm2;
	v7 =	vor.u32 $0xA0, v0  }
0x17e: {  	v18 =	vld [tilespmem:$0x1A0C0];
	[tilespmem:$0x18980] =	vst v8;
	v8 =	vnsel vm1, $0xFF800000, v16;
	vm1 =	vlt.s32 v5, v7;
	vm2 =	vgt.s32 v6, v7  }
0x17f: {  	v7 =	vld [tilespmem:$0x19EB0];
	[tilespmem:$0x18790] =	vst v8;
	vm1 =	vmand vm1, vm2;
	v8 =	vor.u32 $0xB0, v0  }
0x180: {  	[tilespmem:$0x18990] =	vst v10;
	v10 =	vnsel vm1, $0xFF800000, v11;
	vm1 =	vlt.s32 v5, v8;
	vm2 =	vgt.s32 v6, v8;
	v8 =	vld [tilespmem:$0x19EC0]  }
0x181: {  	v11 =	vld [tilespmem:$0x1A0D0];
	[tilespmem:$0x187A0] =	vst v10;
	vm1 =	vmand vm1, vm2;
	v10 =	vor.u32 $0xC0, v0  }
0x182: {  	v19 =	vld [tilespmem:$0x1A0E0];
	[tilespmem:$0x189A0] =	vst v9;
	v9 =	vnsel vm1, $0xFF800000, v17;
	vm1 =	vlt.s32 v5, v10;
	vm2 =	vgt.s32 v6, v10  }
0x183: {  	v10 =	vld [tilespmem:$0x19ED0];
	[tilespmem:$0x187B0] =	vst v9;
	vm1 =	vmand vm1, vm2;
	v9 =	vor.u32 $0xD0, v0  }
0x184: {  	v20 =	vld [tilespmem:$0x1A0F0];
	[tilespmem:$0x189B0] =	vst v7;
	v7 =	vnsel vm1, $0xFF800000, v18;
	vm1 =	vlt.s32 v5, v9;
	vm2 =	vgt.s32 v6, v9  }
0x185: {  	v9 =	vld [tilespmem:$0x19EE0];
	[tilespmem:$0x187C0] =	vst v7;
	vm1 =	vmand vm1, vm2;
	v7 =	vor.u32 $0xE0, v0  }
0x186: {  	[tilespmem:$0x189C0] =	vst v8;
	v8 =	vnsel vm1, $0xFF800000, v11;
	vm1 =	vlt.s32 v5, v7;
	vm2 =	vgt.s32 v6, v7;
	v7 =	vld [tilespmem:$0x19EF0]  }
0x187: {  	v11 =	vld [tilespmem:$0x1A100];
	[tilespmem:$0x187D0] =	vst v8;
	vm1 =	vmand vm1, vm2;
	v8 =	vor.u32 $0xF0, v0  }
0x188: {  	v21 =	vld [tilespmem:$0x1A110];
	[tilespmem:$0x189D0] =	vst v10;
	v10 =	vnsel vm1, $0xFF800000, v19;
	vm1 =	vlt.s32 v5, v8;
	vm2 =	vgt.s32 v6, v8  }
0x189: {  	v8 =	vld [tilespmem:$0x19F00];
	[tilespmem:$0x187E0] =	vst v10;
	vm1 =	vmand vm1, vm2;
	v10 =	vor.u32 $0x100, v0  }
0x18a: {  	v22 =	vld [tilespmem:$0x1A120];
	[tilespmem:$0x189E0] =	vst v9;
	v9 =	vnsel vm1, $0xFF800000, v20;
	vm1 =	vlt.s32 v5, v10;
	vm2 =	vgt.s32 v6, v10  }
0x18b: {  	v10 =	vld [tilespmem:$0x19F10];
	[tilespmem:$0x187F0] =	vst v9;
	vm1 =	vmand vm1, vm2;
	v9 =	vor.u32 $0x110, v0  }
0x18c: {  	[tilespmem:$0x189F0] =	vst v7;
	v7 =	vnsel vm1, $0xFF800000, v11;
	vm1 =	vlt.s32 v5, v9;
	vm2 =	vgt.s32 v6, v9;
	v9 =	vld [tilespmem:$0x19F20]  }
0x18d: {  	v11 =	vld [tilespmem:$0x1A130];
	[tilespmem:$0x18800] =	vst v7;
	vm1 =	vmand vm1, vm2;
	v7 =	vor.u32 $0x120, v0  }
0x18e: {  	v23 =	vld [tilespmem:$0x1A140];
	[tilespmem:$0x18A00] =	vst v8;
	v8 =	vnsel vm1, $0xFF800000, v21;
	vm1 =	vlt.s32 v5, v7;
	vm2 =	vgt.s32 v6, v7  }
0x18f: {  	v7 =	vld [tilespmem:$0x19F30];
	[tilespmem:$0x18810] =	vst v8;
	vm1 =	vmand vm1, vm2;
	v8 =	vor.u32 $0x130, v0  }
0x190: {  	v24 =	vld [tilespmem:$0x1A150];
	[tilespmem:$0x18A10] =	vst v10;
	v10 =	vnsel vm1, $0xFF800000, v22;
	vm1 =	vlt.s32 v5, v8;
	vm2 =	vgt.s32 v6, v8  }
0x191: {  	v8 =	vld [tilespmem:$0x19F40];
	[tilespmem:$0x18820] =	vst v10;
	vm1 =	vmand vm1, vm2;
	v10 =	vor.u32 $0x140, v0  }
0x192: {  	[tilespmem:$0x18A20] =	vst v9;
	v9 =	vnsel vm1, $0xFF800000, v11;
	vm1 =	vlt.s32 v5, v10;
	vm2 =	vgt.s32 v6, v10;
	v10 =	vld [tilespmem:$0x19F50]  }
0x193: {  	v11 =	vld [tilespmem:$0x1A160];
	[tilespmem:$0x18830] =	vst v9;
	vm1 =	vmand vm1, vm2;
	v9 =	vor.u32 $0x150, v0  }
0x194: {  	v25 =	vld [tilespmem:$0x1A170];
	[tilespmem:$0x18A30] =	vst v7;
	v7 =	vnsel vm1, $0xFF800000, v23;
	vm1 =	vlt.s32 v5, v9;
	vm2 =	vgt.s32 v6, v9  }
0x195: {  	v9 =	vld [tilespmem:$0x19F60];
	[tilespmem:$0x18840] =	vst v7;
	vm1 =	vmand vm1, vm2;
	v7 =	vor.u32 $0x160, v0  }
0x196: {  	v26 =	vld [tilespmem:$0x1A180];
	[tilespmem:$0x18A40] =	vst v8;
	v8 =	vnsel vm1, $0xFF800000, v24;
	vm1 =	vlt.s32 v5, v7;
	vm2 =	vgt.s32 v6, v7  }
0x197: {  	v7 =	vld [tilespmem:$0x19F70];
	[tilespmem:$0x18850] =	vst v8;
	vm1 =	vmand vm1, vm2;
	v8 =	vor.u32 $0x170, v0  }
0x198: {  	[tilespmem:$0x18A50] =	vst v10;
	v10 =	vnsel vm1, $0xFF800000, v11;
	vm1 =	vlt.s32 v5, v8;
	vm2 =	vgt.s32 v6, v8;
	v8 =	vld [tilespmem:$0x19F80]  }
0x199: {  	v11 =	vld [tilespmem:$0x1A190];
	[tilespmem:$0x18860] =	vst v10;
	vm1 =	vmand vm1, vm2;
	v10 =	vor.u32 $0x180, v0  }
0x19a: {  	v27 =	vld [tilespmem:$0x1A1A0];
	[tilespmem:$0x18A60] =	vst v9;
	v9 =	vnsel vm1, $0xFF800000, v25;
	vm1 =	vlt.s32 v5, v10;
	vm2 =	vgt.s32 v6, v10  }
0x19b: {  	v10 =	vld [tilespmem:$0x19F90];
	[tilespmem:$0x18870] =	vst v9;
	vm1 =	vmand vm1, vm2;
	v9 =	vor.u32 $0x190, v0  }
0x19c: {  	v28 =	vld [tilespmem:$0x1A1B0];
	[tilespmem:$0x18A70] =	vst v7;
	v7 =	vnsel vm1, $0xFF800000, v26;
	vm1 =	vlt.s32 v5, v9;
	vm2 =	vgt.s32 v6, v9  }
0x19d: {  	v9 =	vld [tilespmem:$0x19FA0];
	[tilespmem:$0x18880] =	vst v7;
	vm1 =	vmand vm1, vm2;
	v7 =	vor.u32 $0x1A0, v0  }
0x19e: {  	[tilespmem:$0x18A80] =	vst v8;
	v8 =	vnsel vm1, $0xFF800000, v11;
	vm1 =	vlt.s32 v5, v7;
	vm2 =	vgt.s32 v6, v7;
	v7 =	vld [tilespmem:$0x19FB0]  }
0x19f: {  	v11 =	vld [tilespmem:$0x1A1C0];
	[tilespmem:$0x18890] =	vst v8;
	vm1 =	vmand vm1, vm2;
	v8 =	vor.u32 $0x1B0, v0  }
0x1a0: {  	v29 =	vld [tilespmem:$0x1A1D0];
	[tilespmem:$0x18A90] =	vst v10;
	v10 =	vnsel vm1, $0xFF800000, v27;
	vm1 =	vlt.s32 v5, v8;
	vm2 =	vgt.s32 v6, v8  }
0x1a1: {  	v8 =	vld [tilespmem:$0x19FC0];
	[tilespmem:$0x188A0] =	vst v10;
	vm1 =	vmand vm1, vm2;
	v10 =	vor.u32 $0x1C0, v0  }
0x1a2: {  	v30 =	vld [tilespmem:$0x1A1E0];
	[tilespmem:$0x18AA0] =	vst v9;
	v9 =	vnsel vm1, $0xFF800000, v28;
	vm1 =	vlt.s32 v5, v10;
	vm2 =	vgt.s32 v6, v10  }
0x1a3: {  	v10 =	vld [tilespmem:$0x19FD0];
	[tilespmem:$0x188B0] =	vst v9;
	vm1 =	vmand vm1, vm2;
	v9 =	vor.u32 $0x1D0, v0  }
0x1a4: {  	[tilespmem:$0x18AB0] =	vst v7;
	v7 =	vnsel vm1, $0xFF800000, v11;
	vm1 =	vlt.s32 v5, v9;
	vm2 =	vgt.s32 v6, v9;
	v9 =	vld [tilespmem:$0x19FE0]  }
0x1a5: {  	v11 =	vld [tilespmem:$0x1A1F0];
	[tilespmem:$0x188C0] =	vst v7;
	vm1 =	vmand vm1, vm2;
	v7 =	vor.u32 $0x1E0, v0  }
0x1a6: {  	[tilespmem:$0x18AC0] =	vst v8;
	v8 =	vnsel vm1, $0xFF800000, v29;
	vm1 =	vlt.s32 v5, v7;
	vm2 =	vgt.s32 v6, v7  }
0x1a7: {  	v7 =	vor.u32 $0x1F0, v0;
	[tilespmem:$0x188D0] =	vst v8;
	vm1 =	vmand vm1, vm2;
	v8 =	vld [tilespmem:$0x19FF0]  }
0x1a8: {  	[tilespmem:$0x18AD0] =	vst v10;
	vm2 =	vgt.s32 v6, v7;
	v10 =	vnsel vm1, $0xFF800000, v30;
	vm1 =	vlt.s32 v5, v7  }
0x1a9: {  	p0 =	sgt.s32 s19, $0x0;
	[tilespmem:$0x188E0] =	vst v10;
	vm1 =	vmand vm1, vm2  }
0x1aa: {  	s19 =	simm.s32 @!p0 $0x0;
	[tilespmem:$0x18AE0] =	vst v9;
	v5 =	vnsel vm1, $0xFF800000, v11  }
0x1ab: {  	s19 =	smin.u32 s19, $0x186;
	[tilespmem:$0x188F0] =	vst v5  }
0x1ac: {  	s3 =	sshll.u32 s19, $0x8;
	[tilespmem:$0x18AF0] =	vst v8  }
0x1ad: {  	v5 =	vld [tilespmem:s3+$0x0];
	_ =	sdelay $0x1  }
0x1ae: {  	s16 =	sor.u32 $0x60, s3;
	v6 =	vor.u32 s3, v0  }
0x1af: {  	s9 =	sor.u32 $0x10, s3;
	s20 =	sor.u32 $0x70, s3;
	v34 =	vor.u32 s16, v0;
	vm2 =	vlt.s32 v6, s2;
	vm1 =	vge.s32 v6, s7;
	v7 =	vld [tilespmem:s3+$0x10]  }
0x1b0: {  	s21 =	sor.u32 $0x80, s3;
	v35 =	vor.u32 s20, v0;
	vm1 =	vmand vm1, vm2;
	v8 =	vor.u32 s9, v0  }
0x1b1: {  	v37 =	vor.u32 s21, v0;
	vm3 =	vge.s32 v8, s7;
	v5 =	vnsel vm1, $0xFF800000, v5  }
0x1b2: {  	s22 =	sor.u32 $0x90, s3;
	vm5 =	vlt.s32 v8, s2;
	v9 =	vld [tilespmem:s3+$0x20];
	vm1 =	vlt.f32 v5, $-Inf;
	vm2 =	vgt.f32 v5, $-Inf  }
0x1b3: {  	s12 =	sor.u32 $0x20, s3;
	v38 =	vor.u32 s22, v0;
	vm4 =	vmor vm2, vm1;
	vm1 =	vmand vm3, vm5  }
0x1b4: {  	v10 =	vor.u32 s12, v0;
	v11 =	vld [tilespmem:s3+$0x30];
	v5 =	vnsel vm4, $0xFF800000, v5;
	v7 =	vnsel vm1, $0xFF800000, v7  }
0x1b5: {  	s13 =	sor.u32 $0x30, s3;
	vm2 =	vlt.s32 v10, s2;
	vm1 =	vge.s32 v10, s7;
	vm7 =	vgt.f32 v7, v5  }
0x1b6: {  	vm1 =	vmand vm1, vm2;
	v5 =	vsel vm7, v7, v5;
	v7 =	vor.u32 s13, v0  }
0x1b7: {  	v31 =	vld [tilespmem:s3+$0x40];
	v9 =	vnsel vm1, $0xFF800000, v9;
	vm1 =	vge.s32 v7, s7;
	vm2 =	vlt.s32 v7, s2  }
0x1b8: {  	s14 =	sor.u32 $0x40, s3;
	vm12 =	vge.s32 v34, s7;
	vm6 =	vgt.f32 v9, v5;
	vm1 =	vmand vm1, vm2  }
0x1b9: {  	v32 =	vld [tilespmem:s3+$0x50];
	v5 =	vsel vm6, v9, v5;
	v9 =	vnsel vm1, $0xFF800000, v11;
	v11 =	vor.u32 s14, v0  }
0x1ba: {  	s15 =	sor.u32 $0x50, s3;
	vm3 =	vgt.f32 v9, v5;
	vm1 =	vge.s32 v11, s7;
	vm2 =	vlt.s32 v11, s2  }
0x1bb: {  	v14 =	vld [tilespmem:s3+$0x60];
	v5 =	vsel vm3, v9, v5;
	vm1 =	vmand vm1, vm2;
	v9 =	vor.u32 s15, v0  }
0x1bc: {  	v12 =	vnsel vm1, $0xFF800000, v31;
	vm2 =	vge.s32 v9, s7;
	vm11 =	vlt.s32 v9, s2  }
0x1bd: {  	vm8 =	vlt.s32 v34, s2;
	v15 =	vld [tilespmem:s3+$0x70];
	vm1 =	vgt.f32 v12, v5;
	vm2 =	vmand vm2, vm11  }
0x1be: {  	vm13 =	vge.s32 v35, s7;
	v5 =	vsel vm1, v12, v5;
	v33 =	vnsel vm2, $0xFF800000, v32  }
0x1bf: {  	vm14 =	vlt.s32 v35, s2;
	v16 =	vld [tilespmem:s3+$0x80];
	vm5 =	vmand vm12, vm8;
	vm2 =	vgt.f32 v33, v5  }
0x1c0: {  	vm15 =	vge.s32 v37, s7;
	v14 =	vnsel vm5, $0xFF800000, v14;
	v5 =	vsel vm2, v33, v5  }
0x1c1: {  	v17 =	vld [tilespmem:s3+$0x90];
	v6 =	vnsel vm4, $0x0, v6;
	vm5 =	vmand vm13, vm14;
	vm4 =	vgt.f32 v14, v5  }
0x1c2: {  	vm9 =	vlt.s32 v37, s2;
	v36 =	vnsel vm5, $0xFF800000, v15;
	v5 =	vsel vm4, v14, v5  }
0x1c3: {  	vm8 =	vmand vm15, vm9;
	vm12 =	vge.s32 v38, s7;
	vm5 =	vgt.f32 v36, v5  }
0x1c4: {  	v18 =	vld [tilespmem:s3+$0xA0];
	v16 =	vnsel vm8, $0xFF800000, v16;
	vm13 =	vlt.s32 v38, s2;
	v5 =	vsel vm5, v36, v5  }
0x1c5: {  	s23 =	sor.u32 $0xA0, s3;
	vm8 =	vmand vm12, vm13;
	v6 =	vsel vm7, v8, v6;
	vm7 =	vgt.f32 v16, v5  }
0x1c6: {  	v39 =	vor.u32 s23, v0;
	v40 =	vld [tilespmem:s3+$0xB0];
	v8 =	vnsel vm8, $0xFF800000, v17;
	v5 =	vsel vm7, v16, v5  }
0x1c7: {  	s8 =	sor.u32 $0xB0, s3;
	vm10 =	vlt.s32 v39, s2;
	vm14 =	vge.s32 v39, s7;
	vm8 =	vgt.f32 v8, v5  }
0x1c8: {  	vm9 =	vmand vm14, vm10;
	v5 =	vsel vm8, v8, v5;
	v8 =	vor.u32 s8, v0  }
0x1c9: {  	v19 =	vld [tilespmem:s3+$0xC0];
	v18 =	vnsel vm9, $0xFF800000, v18;
	vm15 =	vge.s32 v8, s7;
	vm12 =	vlt.s32 v8, s2  }
0x1ca: {  	s9 =	sor.u32 $0xC0, s3;
	v6 =	vsel vm6, v10, v6;
	vm6 =	vgt.f32 v18, v5;
	vm9 =	vmand vm15, vm12  }
0x1cb: {  	v41 =	vor.u32 s9, v0;
	v42 =	vld [tilespmem:s3+$0xD0];
	v5 =	vsel vm6, v18, v5;
	v10 =	vnsel vm9, $0xFF800000, v40  }
0x1cc: {  	s12 =	sor.u32 $0xD0, s3;
	vm13 =	vge.s32 v41, s7;
	vm11 =	vlt.s32 v41, s2;
	vm9 =	vgt.f32 v10, v5  }
0x1cd: {  	vm10 =	vmand vm13, vm11;
	v5 =	vsel vm9, v10, v5;
	v10 =	vor.u32 s12, v0  }
0x1ce: {  	v20 =	vld [tilespmem:s3+$0xE0];
	v19 =	vnsel vm10, $0xFF800000, v19;
	vm14 =	vge.s32 v10, s7;
	vm15 =	vlt.s32 v10, s2  }
0x1cf: {  	s13 =	sor.u32 $0xE0, s3;
	v6 =	vsel vm3, v7, v6;
	vm3 =	vgt.f32 v19, v5;
	vm10 =	vmand vm14, vm15  }
0x1d0: {  	v44 =	vld [tilespmem:s3+$0xF0];
	v43 =	vor.u32 s13, v0;
	v5 =	vsel vm3, v19, v5;
	v7 =	vnsel vm10, $0xFF800000, v42  }
0x1d1: {  	s3 =	sor.u32 $0xF0, s3;
	vm11 =	vge.s32 v43, s7;
	vm12 =	vlt.s32 v43, s2;
	vm10 =	vgt.f32 v7, v5  }
0x1d2: {  	vm11 =	vmand vm11, vm12;
	v5 =	vsel vm10, v7, v5;
	v7 =	vor.u32 s3, v0  }
0x1d3: {  	v20 =	vnsel vm11, $0xFF800000, v20;
	vm11 =	vge.s32 v7, s7;
	vm12 =	vlt.s32 v7, s2  }
0x1d4: {  	v6 =	vsel vm1, v11, v6;
	vm1 =	vgt.f32 v20, v5;
	vm11 =	vmand vm11, vm12  }
0x1d5: {  	v6 =	vsel vm2, v9, v6;
	v5 =	vsel vm1, v20, v5;
	v9 =	vnsel vm11, $0xFF800000, v44  }
0x1d6: {  	v6 =	vsel vm4, v34, v6;
	vm2 =	vgt.f32 v9, v5  }
0x1d7: {  	v6 =	vsel vm5, v35, v6;
	v5 =	vsel vm2, v9, v5  }
0x1d8: {  	v6 =	vsel vm7, v37, v6;
	(xrf0) =	vmax.scan.msk.f32 $0xffff, v5  }
0x1d9: {  	v6 =	vsel vm8, v38, v6  }
0x1da: {  	v6 =	vsel vm6, v39, v6  }
0x1db: {  	v6 =	vsel vm9, v8, v6  }
0x1dc: {  	v6 =	vsel vm3, v41, v6  }
0x1dd: {  	v6 =	vsel vm10, v10, v6  }
0x1de: {  	v6 =	vsel vm1, v43, v6;
	v8, _, _ =	vpop (xrf0)  }
0x1df: {  	v6 =	vsel vm2, v7, v6;
	v7 =	vbroadcast v8, $0xF  }
0x1e0: {  	v6 =	vcvt.s32.f32 v6  }
0x1e1: {  	vm1 =	veq.f32 v5, v7  }
0x1e2: {  	v5 =	vnsel vm1, $0x4B800000, v6  }
0x1e3: {  	(xrf0) =	vmin.scan.msk.f32 $0xffff, v5;
	_ =	sdelay $0x5  }
0x1e4: {  	v5, _, _ =	vpop (xrf0)  }
0x1e5: {  	(v2sf) =	vpush v5, $0xF;
	_ =	sdelay $0xa  }
0x1e6: {  	v5 =	vmov s19  }
0x1e7: {  	v5 =	vbroadcast v5, $0x0;
	_ =	sdelay $0x2  }
0x1e8: {  	s14 =	spop (v2sf)  }
0x1e9: {  	p0 =	sgt.s32 s18, $0x0;
	s3 =	scvt.f32.s32 s14  }
0x1ea: {  	s18 =	simm.s32 @!p0 $0x0  }
0x1eb: {  	s18 =	smin.u32 s18, $0x186;
	[tilespmem:v5+s25+$0x0] =	vst.idx.msk $0x1, v7;
	v6 =	vmov s3  }
0x1ec: {  	s3 =	sshll.u32 s18, $0x8;
	[tilespmem:v5+s26+$0x0] =	vst.idx.msk $0x1, v6  }
0x1ed: {  	v5 =	vld [tilespmem:s3+$0x0];
	_ =	sdelay $0x1  }
0x1ee: {  	v6 =	vor.u32 s3, v0;
	s15 =	sor.u32 $0x10, s3  }
0x1ef: {  	s16 =	sor.u32 $0x20, s3;
	s22 =	sor.u32 $0x60, s3;
	vm1 =	vge.s32 v6, s7;
	vm2 =	vlt.s32 v6, s2;
	v7 =	vld [tilespmem:s3+$0x10];
	v8 =	vor.u32 s15, v0  }
0x1f0: {  	s23 =	sor.u32 $0x70, s3;
	v10 =	vor.u32 s16, v0;
	v49 =	vor.u32 s22, v0;
	vm1 =	vmand vm1, vm2  }
0x1f1: {  	v51 =	vor.u32 s23, v0;
	vm3 =	vge.s32 v8, s7;
	v5 =	vnsel vm1, $0xFF800000, v5  }
0x1f2: {  	s8 =	sor.u32 $0x80, s3;
	v9 =	vld [tilespmem:s3+$0x20];
	vm10 =	vlt.s32 v8, s2;
	vm1 =	vlt.f32 v5, $-Inf;
	vm2 =	vgt.f32 v5, $-Inf  }
0x1f3: {  	v54 =	vor.u32 s8, v0;
	vm4 =	vmor vm2, vm1;
	vm1 =	vmand vm3, vm10  }
0x1f4: {  	v11 =	vld [tilespmem:s3+$0x30];
	vm12 =	vge.s32 v49, s7;
	v5 =	vnsel vm4, $0xFF800000, v5;
	v7 =	vnsel vm1, $0xFF800000, v7  }
0x1f5: {  	s19 =	sor.u32 $0x30, s3;
	vm2 =	vlt.s32 v10, s2;
	vm1 =	vge.s32 v10, s7;
	vm7 =	vgt.f32 v7, v5  }
0x1f6: {  	vm1 =	vmand vm1, vm2;
	v5 =	vsel vm7, v7, v5;
	v7 =	vor.u32 s19, v0  }
0x1f7: {  	v45 =	vld [tilespmem:s3+$0x40];
	v9 =	vnsel vm1, $0xFF800000, v9;
	vm1 =	vge.s32 v7, s7;
	vm2 =	vlt.s32 v7, s2  }
0x1f8: {  	s20 =	sor.u32 $0x40, s3;
	vm13 =	vlt.s32 v49, s2;
	vm6 =	vgt.f32 v9, v5;
	vm1 =	vmand vm1, vm2  }
0x1f9: {  	v46 =	vld [tilespmem:s3+$0x50];
	v5 =	vsel vm6, v9, v5;
	v9 =	vnsel vm1, $0xFF800000, v11;
	v11 =	vor.u32 s20, v0  }
0x1fa: {  	s21 =	sor.u32 $0x50, s3;
	vm3 =	vgt.f32 v9, v5;
	vm1 =	vge.s32 v11, s7;
	vm2 =	vlt.s32 v11, s2  }
0x1fb: {  	v47 =	vld [tilespmem:s3+$0x60];
	v5 =	vsel vm3, v9, v5;
	vm1 =	vmand vm1, vm2;
	v9 =	vor.u32 s21, v0  }
0x1fc: {  	v12 =	vnsel vm1, $0xFF800000, v45;
	vm2 =	vge.s32 v9, s7;
	vm11 =	vlt.s32 v9, s2  }
0x1fd: {  	v50 =	vld [tilespmem:s3+$0x70];
	vm14 =	vge.s32 v51, s7;
	vm1 =	vgt.f32 v12, v5;
	vm2 =	vmand vm2, vm11  }
0x1fe: {  	v52 =	vld [tilespmem:s3+$0x80];
	vm15 =	vlt.s32 v51, s2;
	v5 =	vsel vm1, v12, v5;
	v48 =	vnsel vm2, $0xFF800000, v46  }
0x1ff: {  	vm5 =	vmand vm12, vm13;
	vm12 =	vge.s32 v54, s7;
	vm2 =	vgt.f32 v48, v5  }
0x200: {  	vm13 =	vlt.s32 v54, s2;
	v14 =	vnsel vm5, $0xFF800000, v47;
	v5 =	vsel vm2, v48, v5  }
0x201: {  	v55 =	vld [tilespmem:s3+$0x90];
	vm5 =	vmand vm14, vm15;
	v6 =	vnsel vm4, $0x0, v6;
	vm4 =	vgt.f32 v14, v5  }
0x202: {  	s9 =	sor.u32 $0x90, s3;
	vm8 =	vmand vm12, vm13;
	v53 =	vnsel vm5, $0xFF800000, v50;
	v5 =	vsel vm4, v14, v5  }
0x203: {  	v56 =	vor.u32 s9, v0;
	v16 =	vnsel vm8, $0xFF800000, v52;
	vm5 =	vgt.f32 v53, v5  }
0x204: {  	v57 =	vld [tilespmem:s3+$0xA0];
	vm14 =	vge.s32 v56, s7;
	vm15 =	vlt.s32 v56, s2;
	v5 =	vsel vm5, v53, v5  }
0x205: {  	s12 =	sor.u32 $0xA0, s3;
	vm8 =	vmand vm14, vm15;
	v6 =	vsel vm7, v8, v6;
	vm7 =	vgt.f32 v16, v5  }
0x206: {  	v58 =	vor.u32 s12, v0;
	v59 =	vld [tilespmem:s3+$0xB0];
	v8 =	vnsel vm8, $0xFF800000, v55;
	v5 =	vsel vm7, v16, v5  }
0x207: {  	s13 =	sor.u32 $0xB0, s3;
	vm12 =	vge.s32 v58, s7;
	vm13 =	vlt.s32 v58, s2;
	vm8 =	vgt.f32 v8, v5  }
0x208: {  	vm9 =	vmand vm12, vm13;
	v5 =	vsel vm8, v8, v5;
	v8 =	vor.u32 s13, v0  }
0x209: {  	v60 =	vld [tilespmem:s3+$0xC0];
	v18 =	vnsel vm9, $0xFF800000, v57;
	vm14 =	vge.s32 v8, s7;
	vm15 =	vlt.s32 v8, s2  }
0x20a: {  	s14 =	sor.u32 $0xC0, s3;
	v6 =	vsel vm6, v10, v6;
	vm6 =	vgt.f32 v18, v5;
	vm9 =	vmand vm14, vm15  }
0x20b: {  	v61 =	vor.u32 s14, v0;
	v62 =	vld [tilespmem:s3+$0xD0];
	v5 =	vsel vm6, v18, v5;
	v10 =	vnsel vm9, $0xFF800000, v59  }
0x20c: {  	s15 =	sor.u32 $0xD0, s3;
	vm12 =	vge.s32 v61, s7;
	vm13 =	vlt.s32 v61, s2;
	vm9 =	vgt.f32 v10, v5  }
0x20d: {  	vm10 =	vmand vm12, vm13;
	v5 =	vsel vm9, v10, v5;
	v10 =	vor.u32 s15, v0  }
0x20e: {  	v63 =	vld [tilespmem:s3+$0xE0];
	v19 =	vnsel vm10, $0xFF800000, v60;
	vm14 =	vge.s32 v10, s7;
	vm15 =	vlt.s32 v10, s2  }
0x20f: {  	s16 =	sor.u32 $0xE0, s3;
	v6 =	vsel vm3, v7, v6;
	vm3 =	vgt.f32 v19, v5;
	vm10 =	vmand vm14, vm15  }
0x210: {  	v25 =	vld [tilespmem:s3+$0xF0];
	v24 =	vor.u32 s16, v0;
	v5 =	vsel vm3, v19, v5;
	v7 =	vnsel vm10, $0xFF800000, v62  }
0x211: {  	s3 =	sor.u32 $0xF0, s3;
	vm12 =	vlt.s32 v24, s2;
	vm11 =	vge.s32 v24, s7;
	vm10 =	vgt.f32 v7, v5  }
0x212: {  	vm11 =	vmand vm11, vm12;
	v5 =	vsel vm10, v7, v5;
	v7 =	vor.u32 s3, v0  }
0x213: {  	v20 =	vnsel vm11, $0xFF800000, v63;
	vm11 =	vge.s32 v7, s7;
	vm12 =	vlt.s32 v7, s2  }
0x214: {  	v6 =	vsel vm1, v11, v6;
	vm1 =	vgt.f32 v20, v5;
	vm11 =	vmand vm11, vm12  }
0x215: {  	v6 =	vsel vm2, v9, v6;
	v5 =	vsel vm1, v20, v5;
	v9 =	vnsel vm11, $0xFF800000, v25  }
0x216: {  	v6 =	vsel vm4, v49, v6;
	vm2 =	vgt.f32 v9, v5  }
0x217: {  	v6 =	vsel vm5, v51, v6;
	v5 =	vsel vm2, v9, v5  }
0x218: {  	v6 =	vsel vm7, v54, v6;
	(xrf0) =	vmax.scan.msk.f32 $0xffff, v5  }
0x219: {  	v6 =	vsel vm8, v56, v6  }
0x21a: {  	v6 =	vsel vm6, v58, v6  }
0x21b: {  	v6 =	vsel vm9, v8, v6  }
0x21c: {  	v6 =	vsel vm3, v61, v6  }
0x21d: {  	v6 =	vsel vm10, v10, v6  }
0x21e: {  	v6 =	vsel vm1, v24, v6;
	v8, _, _ =	vpop (xrf0)  }
0x21f: {  	v6 =	vsel vm2, v7, v6;
	v7 =	vbroadcast v8, $0xF  }
0x220: {  	v6 =	vcvt.s32.f32 v6  }
0x221: {  	vm1 =	veq.f32 v5, v7  }
0x222: {  	v5 =	vnsel vm1, $0x4B800000, v6  }
0x223: {  	(xrf0) =	vmin.scan.msk.f32 $0xffff, v5;
	_ =	sdelay $0x5  }
0x224: {  	v5, _, _ =	vpop (xrf0)  }
0x225: {  	(v2sf) =	vpush v5, $0xF;
	_ =	sdelay $0xa  }
0x226: {  	v5 =	vmov s18  }
0x227: {  	v6 =	vbroadcast v5, $0x0;
	_ =	sdelay $0x1  }
0x228: {  	v5 =	vmul.u32 $0x10, v0  }
0x229: {  	s18 =	spop (v2sf)  }
0x22a: {  	s3 =	scvt.f32.s32 s18;
	_ =	sdelay $0x1  }
0x22b: {  	v8 =	vor.u32 $0x1, v5;
	[tilespmem:v6+s25+$0x0] =	vst.idx.msk $0x1, v7;
	v7 =	vmov s3  }
0x22c: {  	[tilespmem:v6+s26+$0x0] =	vst.idx.msk $0x1, v7  }
0x22d: {  	v7 =	vor.u32 $0x2, v5;
	v6 =	vld.idx.msk [tilespmem:v5+s25+$0x0], $0xffff;
	_ =	sdelay $0x1  }
0x22e: {  	v9 =	vor.u32 $0x3, v5  }
0x22f: {  	v10 =	vld.idx.msk [tilespmem:v8+s25+$0x0], $0xffff  }
0x230: {  	v26 =	vor.u32 $0x4, v5;
	v11 =	vld.idx.msk [tilespmem:v5+s26+$0x0], $0xffff  }
0x231: {  	v28 =	vor.u32 $0x5, v5;
	v27 =	vld.idx.msk [tilespmem:v7+s25+$0x0], $0xffff;
	vm1 =	vlt.f32 v6, $-Inf;
	vm2 =	vgt.f32 v6, $-Inf  }
0x232: {  	v8 =	vld.idx.msk [tilespmem:v8+s26+$0x0], $0xffff;
	vm1 =	vmor vm2, vm1  }
0x233: {  	v30 =	vor.u32 $0x6, v5;
	v29 =	vld.idx.msk [tilespmem:v9+s25+$0x0], $0xffff;
	v6 =	vnsel vm1, $0xFF800000, v6  }
0x234: {  	v9 =	vld.idx.msk [tilespmem:v9+s26+$0x0], $0xffff;
	vm2 =	vgt.f32 v10, v6  }
0x235: {  	v6 =	vsel vm2, v10, v6;
	v10 =	vld.idx.msk [tilespmem:v26+s25+$0x0], $0xffff  }
0x236: {  	v31 =	vor.u32 $0x7, v5;
	v32 =	vld.idx.msk [tilespmem:v28+s25+$0x0], $0xffff;
	vm3 =	vgt.f32 v27, v6  }
0x237: {  	v33 =	vor.u32 $0x8, v5;
	v12 =	vld.idx.msk [tilespmem:v26+s26+$0x0], $0xffff;
	v6 =	vsel vm3, v27, v6  }
0x238: {  	v34 =	vld.idx.msk [tilespmem:v30+s25+$0x0], $0xffff;
	vm4 =	vgt.f32 v29, v6  }
0x239: {  	v35 =	vor.u32 $0x9, v5;
	v14 =	vld.idx.msk [tilespmem:v28+s26+$0x0], $0xffff;
	v6 =	vsel vm4, v29, v6  }
0x23a: {  	v16 =	vld.idx.msk [tilespmem:v30+s26+$0x0], $0xffff;
	vm5 =	vgt.f32 v10, v6  }
0x23b: {  	v6 =	vsel vm5, v10, v6;
	v10 =	vld.idx.msk [tilespmem:v31+s25+$0x0], $0xffff  }
0x23c: {  	v36 =	vor.u32 $0xA, v5;
	v37 =	vld.idx.msk [tilespmem:v33+s25+$0x0], $0xffff;
	vm12 =	vgt.f32 v32, v6  }
0x23d: {  	v17 =	vld.idx.msk [tilespmem:v31+s26+$0x0], $0xffff;
	v6 =	vsel vm12, v32, v6  }
0x23e: {  	v21 =	vor.u32 $0xB, v5;
	v38 =	vld.idx.msk [tilespmem:v35+s25+$0x0], $0xffff;
	vm13 =	vgt.f32 v34, v6  }
0x23f: {  	v22 =	vor.u32 $0xC, v5;
	v18 =	vld.idx.msk [tilespmem:v33+s26+$0x0], $0xffff;
	v6 =	vsel vm13, v34, v6  }
0x240: {  	v7 =	vld.idx.msk [tilespmem:v7+s26+$0x0], $0xffff;
	vm14 =	vgt.f32 v10, v6  }
0x241: {  	v40 =	vor.u32 $0xE, v5;
	v6 =	vsel vm14, v10, v6;
	v10 =	vld.idx.msk [tilespmem:v36+s25+$0x0], $0xffff  }
0x242: {  	v23 =	vor.u32 $0xD, v5;
	v19 =	vld.idx.msk [tilespmem:v35+s26+$0x0], $0xffff;
	vm15 =	vgt.f32 v37, v6  }
0x243: {  	v39 =	vld.idx.msk [tilespmem:v21+s25+$0x0], $0xffff;
	v11 =	vnsel vm1, $0x0, v11;
	v6 =	vsel vm15, v37, v6  }
0x244: {  	v42 =	vld.idx.msk [tilespmem:v22+s26+$0x0], $0xffff;
	v8 =	vsel vm2, v8, v11;
	vm1 =	vgt.f32 v38, v6  }
0x245: {  	v7 =	vsel vm3, v7, v8;
	v8 =	vld.idx.msk [tilespmem:v22+s25+$0x0], $0xffff;
	v6 =	vsel vm1, v38, v6  }
0x246: {  	v41 =	vor.u32 $0xF, v5;
	v43 =	vld.idx.msk [tilespmem:v40+s25+$0x0], $0xffff;
	v7 =	vsel vm4, v9, v7;
	vm2 =	vgt.f32 v10, v6  }
0x247: {  	v7 =	vsel vm5, v12, v7;
	v6 =	vsel vm2, v10, v6;
	v10 =	vld.idx.msk [tilespmem:v23+s25+$0x0], $0xffff  }
0x248: {  	v11 =	vld.idx.msk [tilespmem:v36+s26+$0x0], $0xffff;
	v7 =	vsel vm12, v14, v7;
	vm3 =	vgt.f32 v39, v6  }
0x249: {  	v9 =	vld.idx.msk [tilespmem:v21+s26+$0x0], $0xffff;
	v7 =	vsel vm13, v16, v7;
	v6 =	vsel vm3, v39, v6  }
0x24a: {  	v44 =	vld.idx.msk [tilespmem:v23+s26+$0x0], $0xffff;
	v7 =	vsel vm14, v17, v7;
	vm8 =	vgt.f32 v8, v6  }
0x24b: {  	v7 =	vsel vm15, v18, v7;
	v6 =	vsel vm8, v8, v6;
	v8 =	vld.idx.msk [tilespmem:v41+s25+$0x0], $0xffff  }
0x24c: {  	v45 =	vld.idx.msk [tilespmem:v40+s26+$0x0], $0xffff;
	v7 =	vsel vm1, v19, v7;
	vm1 =	vgt.f32 v10, v6  }
0x24d: {  	v7 =	vsel vm2, v11, v7;
	v6 =	vsel vm1, v10, v6;
	v10 =	vld.idx.msk [tilespmem:v41+s26+$0x0], $0xffff  }
0x24e: {  	v7 =	vsel vm3, v9, v7;
	vm2 =	vgt.f32 v43, v6  }
0x24f: {  	v9 =	vor.u32 $0x100, v5;
	v7 =	vsel vm8, v42, v7;
	v6 =	vsel vm2, v43, v6  }
0x250: {  	v7 =	vsel vm1, v44, v7;
	vm1 =	vgt.f32 v8, v6  }
0x251: {  	v7 =	vsel vm2, v45, v7;
	v6 =	vsel vm1, v8, v6  }
0x252: {  	v7 =	vsel vm1, v10, v7;
	[tilespmem:$0x18B00] =	vst v6;
	v6 =	vor.u32 $0x101, v5  }
0x253: {  	[tilespmem:$0x18B80] =	vst v7  }
0x254: {  	v8 =	vor.u32 $0x102, v5;
	v7 =	vld.idx.msk [tilespmem:v9+s25+$0x0], $0xffff;
	_ =	sdelay $0x1  }
0x255: {  	v10 =	vor.u32 $0x103, v5  }
0x256: {  	v11 =	vld.idx.msk [tilespmem:v6+s25+$0x0], $0xffff  }
0x257: {  	v46 =	vor.u32 $0x104, v5  }
0x258: {  	v47 =	vld.idx.msk [tilespmem:v8+s25+$0x0], $0xffff;
	vm1 =	vlt.f32 v7, $-Inf;
	vm2 =	vgt.f32 v7, $-Inf  }
0x259: {  	v48 =	vor.u32 $0x105, v5;
	vm1 =	vmor vm2, vm1  }
0x25a: {  	v49 =	vld.idx.msk [tilespmem:v10+s25+$0x0], $0xffff;
	v7 =	vnsel vm1, $0xFF800000, v7  }
0x25b: {  	v50 =	vor.u32 $0x106, v5;
	vm2 =	vgt.f32 v11, v7  }
0x25c: {  	v7 =	vsel vm2, v11, v7;
	v11 =	vld.idx.msk [tilespmem:v46+s25+$0x0], $0xffff  }
0x25d: {  	v51 =	vor.u32 $0x107, v5;
	vm3 =	vgt.f32 v47, v7  }
0x25e: {  	v53 =	vor.u32 $0x108, v5;
	v52 =	vld.idx.msk [tilespmem:v48+s25+$0x0], $0xffff;
	v7 =	vsel vm3, v47, v7  }
0x25f: {  	v27 =	vld [tilespmem:$0x18B00];
	vm4 =	vgt.f32 v49, v7  }
0x260: {  	v55 =	vor.u32 $0x109, v5;
	v54 =	vld.idx.msk [tilespmem:v50+s25+$0x0], $0xffff;
	v7 =	vsel vm4, v49, v7  }
0x261: {  	v9 =	vld.idx.msk [tilespmem:v9+s26+$0x0], $0xffff;
	vm5 =	vgt.f32 v11, v7  }
0x262: {  	v7 =	vsel vm5, v11, v7;
	v11 =	vld.idx.msk [tilespmem:v51+s25+$0x0], $0xffff  }
0x263: {  	v56 =	vor.u32 $0x10A, v5;
	v57 =	vld.idx.msk [tilespmem:v53+s25+$0x0], $0xffff;
	vm6 =	vgt.f32 v52, v7  }
0x264: {  	v58 =	vor.u32 $0x10B, v5;
	v12 =	vld.idx.msk [tilespmem:v46+s26+$0x0], $0xffff;
	v7 =	vsel vm6, v52, v7  }
0x265: {  	v59 =	vld.idx.msk [tilespmem:v55+s25+$0x0], $0xffff;
	vm7 =	vgt.f32 v54, v7  }
0x266: {  	v60 =	vor.u32 $0x10C, v5;
	v14 =	vld.idx.msk [tilespmem:v48+s26+$0x0], $0xffff;
	v7 =	vsel vm7, v54, v7  }
0x267: {  	v24 =	vor.u32 $0x10E, v5;
	v16 =	vld.idx.msk [tilespmem:v50+s26+$0x0], $0xffff;
	vm8 =	vgt.f32 v11, v7  }
0x268: {  	v7 =	vsel vm8, v11, v7;
	v11 =	vld.idx.msk [tilespmem:v56+s25+$0x0], $0xffff  }
0x269: {  	v61 =	vor.u32 $0x10D, v5;
	v62 =	vld.idx.msk [tilespmem:v58+s25+$0x0], $0xffff;
	vm9 =	vgt.f32 v57, v7  }
0x26a: {  	v17 =	vld.idx.msk [tilespmem:v51+s26+$0x0], $0xffff;
	v7 =	vsel vm9, v57, v7  }
0x26b: {  	v63 =	vld.idx.msk [tilespmem:v60+s25+$0x0], $0xffff;
	vm10 =	vgt.f32 v59, v7  }
0x26c: {  	v25 =	vld.idx.msk [tilespmem:v24+s25+$0x0], $0xffff;
	v7 =	vsel vm10, v59, v7  }
0x26d: {  	v5 =	vor.u32 $0x10F, v5;
	v6 =	vld.idx.msk [tilespmem:v6+s26+$0x0], $0xffff;
	vm11 =	vgt.f32 v11, v7  }
0x26e: {  	v7 =	vsel vm11, v11, v7;
	v11 =	vld.idx.msk [tilespmem:v61+s25+$0x0], $0xffff  }
0x26f: {  	v8 =	vld.idx.msk [tilespmem:v8+s26+$0x0], $0xffff;
	vm12 =	vgt.f32 v62, v7  }
0x270: {  	v10 =	vld.idx.msk [tilespmem:v10+s26+$0x0], $0xffff;
	v7 =	vsel vm12, v62, v7  }
0x271: {  	v18 =	vld.idx.msk [tilespmem:v53+s26+$0x0], $0xffff;
	vm13 =	vgt.f32 v63, v7  }
0x272: {  	v26 =	vld.idx.msk [tilespmem:v5+s25+$0x0], $0xffff;
	v9 =	vnsel vm1, $0x0, v9;
	v7 =	vsel vm13, v63, v7  }
0x273: {  	v19 =	vld.idx.msk [tilespmem:v55+s26+$0x0], $0xffff;
	v6 =	vsel vm2, v6, v9;
	vm1 =	vgt.f32 v11, v7  }
0x274: {  	v20 =	vld.idx.msk [tilespmem:v56+s26+$0x0], $0xffff;
	v6 =	vsel vm3, v8, v6;
	v7 =	vsel vm1, v11, v7  }
0x275: {  	v5 =	vld.idx.msk [tilespmem:v5+s26+$0x0], $0xffff;
	v6 =	vsel vm4, v10, v6;
	vm2 =	vgt.f32 v25, v7  }
0x276: {  	v9 =	vld.idx.msk [tilespmem:v58+s26+$0x0], $0xffff;
	v6 =	vsel vm5, v12, v6;
	v7 =	vsel vm2, v25, v7  }
0x277: {  	v8 =	vld.idx.msk [tilespmem:v60+s26+$0x0], $0xffff;
	v6 =	vsel vm6, v14, v6;
	vm3 =	vgt.f32 v26, v7  }
0x278: {  	v10 =	vld.idx.msk [tilespmem:v61+s26+$0x0], $0xffff;
	v6 =	vsel vm7, v16, v6;
	v7 =	vsel vm3, v26, v7  }
0x279: {  	v6 =	vsel vm8, v17, v6;
	v11 =	vld.idx.msk [tilespmem:v24+s26+$0x0], $0xffff;
	[tilespmem:$0x18B10] =	vst v7  }
0x27a: {  	v6 =	vsel vm9, v18, v6;
	v7 =	vld [tilespmem:$0x18B10]  }
0x27b: {  	v6 =	vsel vm10, v19, v6  }
0x27c: {  	vm10 =	vlt.f32 v27, $-Inf;
	v6 =	vsel vm11, v20, v6;
	vm11 =	vgt.f32 v27, $-Inf  }
0x27d: {  	vm4 =	vmor vm11, vm10;
	v6 =	vsel vm12, v9, v6  }
0x27e: {  	v6 =	vsel vm13, v8, v6;
	v8 =	vnsel vm4, $0xFF800000, v27  }
0x27f: {  	v6 =	vsel vm1, v10, v6;
	vm1 =	vgt.f32 v7, v8  }
0x280: {  	v6 =	vsel vm2, v11, v6;
	v7 =	vsel vm1, v7, v8  }
0x281: {  	v5 =	vsel vm3, v5, v6;
	(xrf0) =	vmax.scan.msk.f32 $0xffff, v7  }
0x282: {  	[tilespmem:$0x18B90] =	vst v5;
	v5 =	vld [tilespmem:$0x18B80]  }
0x283: {  	v6 =	vld [tilespmem:$0x18B90];
	_ =	sdelay $0x3  }
0x284: {  	v5 =	vnsel vm4, $0x0, v5;
	v8, _, _ =	vpop (xrf0)  }
0x285: {  	v5 =	vsel vm1, v6, v5;
	v10 =	vbroadcast v8, $0xF  }
0x286: {  	v5 =	vcvt.s32.f32 v5  }
0x287: {  	vm1 =	veq.f32 v7, v10  }
0x288: {  	v5 =	vnsel vm1, $0x4B800000, v5  }
0x289: {  	(xrf0) =	vmin.scan.msk.f32 $0xffff, v5;
	_ =	sdelay $0x5  }
0x28a: {  	(v2sf) =	vpush v8, $0xF;
	v5, _, _ =	vpop (xrf0)  }
0x28b: {  	(v2sf) =	vpush v5, $0xF;
	_ =	sdelay $0xd  }
0x28c: {  	s19 =	spop (v2sf)  }
0x28d: {  	p0 =	sgt.f32 s19, $-Inf;
	s20 =	spop (v2sf)  }
0x28e: {  	vm2 =	vmmov vm0;
	s19 =	scvt.f32.s32 s20  }
0x28f: {  	vm1 =	vmmov $0x1;
	vm2 =	vmneg @p0 vm2  }
0x290: {  	vm2 =	vmand vm2, vm1;
	s3 =	sand.u32 $0xFF, s19  }
0x291: {  	v5 =	vmov s19;
	s21 =	sshra.s32 s19, $0x1F;
	p3 =	slt.s32 s19, $0x1;
	p4 =	sne.s32 s3, $0x0  }
0x292: {  	s22 =	sshrl.u32 s21, $0x18;
	p0 =	por !p3, !p4  }
0x293: {  	s4 =	simm.s32 $0x1;
	s3 =	sadd.s32 s22, s19;
	p0 =	por !p0, !p0  }
0x294: {  	s3 =	sshra.s32 s3, $0x8;
	s4 =	simm.s32 @!p0 $0x0  }
0x295: {  	s18 =	ssub.s32 s3, s4  }
0x296: {  	[tilespmem:v5+s5+$0x0] =	vst.idx.msk vm2, v3;
	s3 =	sshll.u32 s18, $0x8  }
0x297: {  	v11 =	vld [tilespmem:s3+$0x0]  }
0x298: {  	v31 =	vld [tilespmem:s3+$0x10]  }
0x299: {  	v33 =	vld [tilespmem:s3+$0x20]  }
0x29a: {  	v38 =	vld [tilespmem:s3+$0x30]  }
0x29b: {  	v39 =	vld [tilespmem:s3+$0x40]  }
0x29c: {  	v40 =	vld [tilespmem:s3+$0x50]  }
0x29d: {  	v26 =	vld [tilespmem:s3+$0x60]  }
0x29e: {  	v6 =	vmov s2;
	v5 =	vmov s7;
	v28 =	vor.u32 s3, v0;
	s23 =	sor.u32 $0x10, s3;
	v43 =	vld [tilespmem:s3+$0x70]  }
0x29f: {  	s8 =	sor.u32 $0x50, s3;
	s9 =	sor.u32 $0x20, s3;
	s12 =	sor.u32 $0x90, s3;
	v46 =	vld [tilespmem:s3+$0x80];
	vm2 =	vge.s32 v28, v5;
	vm3 =	vlt.s32 v28, v6;
	v29 =	vor.u32 s23, v0  }
0x2a0: {  	s13 =	sor.u32 $0xC0, s3;
	s15 =	sor.u32 $0xB0, s3;
	s16 =	sor.u32 $0x40, s3;
	v47 =	vld [tilespmem:s3+$0x90];
	v9 =	vor.u32 s8, v0;
	v30 =	vor.u32 s9, v0;
	v7 =	vor.u32 s12, v0  }
0x2a1: {  	s21 =	sor.u32 $0xA0, s3;
	s22 =	sor.u32 $0x30, s3;
	v48 =	vld [tilespmem:s3+$0xA0];
	v8 =	vor.u32 s13, v0;
	v34 =	vor.u32 s15, v0;
	v35 =	vor.u32 s16, v0  }
0x2a2: {  	v49 =	vld [tilespmem:s3+$0xB0];
	v36 =	vor.u32 s21, v0;
	v37 =	vor.u32 s22, v0;
	vm2 =	vmand vm2, vm3  }
0x2a3: {  	v51 =	vld [tilespmem:s3+$0xC0];
	vm3 =	vge.s32 v29, v5;
	vm13 =	vlt.s32 v29, v6;
	vm14 =	vge.s32 v30, v5  }
0x2a4: {  	v52 =	vld [tilespmem:s3+$0xD0];
	s23 =	sor.u32 $0x60, s3;
	s8 =	sor.u32 $0x80, s3;
	vm15 =	vlt.s32 v30, v6;
	vm8 =	vge.s32 v9, v5;
	vm11 =	vge.s32 v37, v5  }
0x2a5: {  	v54 =	vld [tilespmem:s3+$0xE0];
	s9 =	sor.u32 $0x70, s3;
	s12 =	sor.u32 $0xE0, s3;
	vm12 =	vge.s32 v35, v5;
	v41 =	vor.u32 s23, v0;
	v25 =	vor.u32 s8, v0  }
0x2a6: {  	s14 =	sor.u32 $0xD0, s3;
	v57 =	vld [tilespmem:s3+$0xF0];
	s3 =	sor.u32 $0xF0, s3;
	v45 =	vor.u32 s9, v0;
	v56 =	vor.u32 s12, v0;
	v32 =	vnsel vm2, $0xFF800000, v11  }
0x2a7: {  	v58 =	vor.u32 s3, v0;
	vm9 =	vlt.f32 v32, $-Inf;
	vm10 =	vgt.f32 v32, $-Inf  }
0x2a8: {  	vm3 =	vmand vm3, vm13;
	vm13 =	vlt.s32 v35, v6;
	vm5 =	vmor vm10, vm9  }
0x2a9: {  	vm2 =	vmand vm14, vm15;
	v15 =	vnsel vm3, $0xFF800000, v31;
	v16 =	vnsel vm5, $0xFF800000, v32  }
0x2aa: {  	v11 =	vor.u32 s14, v0;
	vm3 =	vmand vm12, vm13;
	vm6 =	vgt.f32 v15, v16  }
0x2ab: {  	v17 =	vnsel vm2, $0xFF800000, v33;
	vm2 =	vlt.s32 v37, v6;
	v15 =	vsel vm6, v15, v16  }
0x2ac: {  	vm14 =	vlt.s32 v9, v6;
	vm2 =	vmand vm11, vm2;
	vm7 =	vgt.f32 v17, v15  }
0x2ad: {  	vm15 =	vlt.s32 v41, v6;
	v22 =	vnsel vm2, $0xFF800000, v38;
	v15 =	vsel vm7, v17, v15  }
0x2ae: {  	vm13 =	vge.s32 v45, v5;
	v12 =	vnsel vm5, $0x0, v28;
	vm5 =	vgt.f32 v22, v15  }
0x2af: {  	v42 =	vnsel vm3, $0xFF800000, v39;
	vm2 =	vge.s32 v41, v5;
	v15 =	vsel vm5, v22, v15  }
0x2b0: {  	vm3 =	vmand vm8, vm14;
	vm12 =	vmand vm2, vm15;
	vm2 =	vgt.f32 v42, v15  }
0x2b1: {  	vm8 =	vge.s32 v25, v5;
	v44 =	vnsel vm3, $0xFF800000, v40;
	v15 =	vsel vm2, v42, v15  }
0x2b2: {  	vm14 =	vlt.s32 v45, v6;
	vm9 =	vge.s32 v36, v5;
	vm3 =	vgt.f32 v44, v15  }
0x2b3: {  	vm11 =	vlt.s32 v7, v6;
	v26 =	vnsel vm12, $0xFF800000, v26;
	v15 =	vsel vm3, v44, v15  }
0x2b4: {  	vm10 =	vmand vm13, vm14;
	vm13 =	vlt.s32 v8, v6;
	vm4 =	vgt.f32 v26, v15  }
0x2b5: {  	vm12 =	vlt.s32 v25, v6;
	v22 =	vnsel vm10, $0xFF800000, v43;
	v15 =	vsel vm4, v26, v15  }
0x2b6: {  	v12 =	vsel vm6, v29, v12;
	vm8 =	vmand vm8, vm12;
	vm6 =	vgt.f32 v22, v15  }
0x2b7: {  	vm15 =	vge.s32 v7, v5;
	v17 =	vnsel vm8, $0xFF800000, v46;
	v15 =	vsel vm6, v22, v15  }
0x2b8: {  	v12 =	vsel vm7, v30, v12;
	vm8 =	vmand vm15, vm11;
	vm7 =	vgt.f32 v17, v15  }
0x2b9: {  	vm12 =	vlt.s32 v36, v6;
	v50 =	vnsel vm8, $0xFF800000, v47;
	v15 =	vsel vm7, v17, v15  }
0x2ba: {  	vm9 =	vmand vm9, vm12;
	vm11 =	vlt.s32 v34, v6;
	vm8 =	vgt.f32 v50, v15  }
0x2bb: {  	v13 =	vnsel vm9, $0xFF800000, v48;
	vm10 =	vge.s32 v34, v5;
	v15 =	vsel vm8, v50, v15  }
0x2bc: {  	vm12 =	vge.s32 v8, v5;
	vm10 =	vmand vm10, vm11;
	vm9 =	vgt.f32 v13, v15  }
0x2bd: {  	vm12 =	vmand vm12, vm13;
	v14 =	vnsel vm10, $0xFF800000, v49;
	v13 =	vsel vm9, v13, v15  }
0x2be: {  	vm13 =	vlt.s32 v56, v6;
	v53 =	vnsel vm12, $0xFF800000, v51;
	vm10 =	vgt.f32 v14, v13  }
0x2bf: {  	vm12 =	vlt.s32 v11, v6;
	vm11 =	vge.s32 v11, v5;
	v13 =	vsel vm10, v14, v13  }
0x2c0: {  	v12 =	vsel vm5, v37, v12;
	vm14 =	vmand vm11, vm12;
	vm11 =	vgt.f32 v53, v13  }
0x2c1: {  	vm5 =	vge.s32 v56, v5;
	v55 =	vnsel vm14, $0xFF800000, v52;
	v13 =	vsel vm11, v53, v13  }
0x2c2: {  	vm5 =	vmand vm5, vm13;
	vm13 =	vlt.s32 v58, v6;
	vm12 =	vgt.f32 v55, v13  }
0x2c3: {  	v59 =	vnsel vm5, $0xFF800000, v54;
	vm5 =	vge.s32 v58, v5;
	v13 =	vsel vm12, v55, v13  }
0x2c4: {  	v12 =	vsel vm2, v35, v12;
	vm2 =	vmand vm5, vm13;
	vm15 =	vgt.f32 v59, v13  }
0x2c5: {  	v9 =	vsel vm3, v9, v12;
	v60 =	vnsel vm2, $0xFF800000, v57;
	v13 =	vsel vm15, v59, v13  }
0x2c6: {  	v9 =	vsel vm4, v41, v9;
	vm2 =	vgt.f32 v60, v13  }
0x2c7: {  	v9 =	vsel vm6, v45, v9;
	v12 =	vsel vm2, v60, v13  }
0x2c8: {  	v9 =	vsel vm7, v25, v9;
	(xrf0) =	vmax.scan.msk.f32 $0xffff, v12  }
0x2c9: {  	v7 =	vsel vm8, v7, v9  }
0x2ca: {  	v7 =	vsel vm9, v36, v7  }
0x2cb: {  	v7 =	vsel vm10, v34, v7  }
0x2cc: {  	v7 =	vsel vm11, v8, v7  }
0x2cd: {  	v7 =	vsel vm12, v11, v7  }
0x2ce: {  	v7 =	vsel vm15, v56, v7;
	v8, _, _ =	vpop (xrf0)  }
0x2cf: {  	v7 =	vsel vm2, v58, v7;
	v8 =	vbroadcast v8, $0xF  }
0x2d0: {  	v7 =	vcvt.s32.f32 v7  }
0x2d1: {  	vm2 =	veq.f32 v12, v8  }
0x2d2: {  	v7 =	vnsel vm2, $0x4B800000, v7  }
0x2d3: {  	(xrf0) =	vmin.scan.msk.f32 $0xffff, v7;
	_ =	sdelay $0x5  }
0x2d4: {  	v7, _, _ =	vpop (xrf0)  }
0x2d5: {  	(v2sf) =	vpush v7, $0xF;
	_ =	sdelay $0xb  }
0x2d6: {  	s13 =	sand.u32 $0xF, s18  }
0x2d7: {  	p5 =	slt.s32 s18, $0x1;
	p6 =	sne.s32 s13, $0x0;
	v7 =	vmov s18  }
0x2d8: {  	p0 =	por !p5, !p6  }
0x2d9: {  	p0 =	por !p0, !p0;
	s14 =	sshrl.u32 s18, $0x1C;
	s16 =	spop (v2sf)  }
0x2da: {  	s15 =	sadd.s32 s14, s18;
	s18 =	simm.s32 $0x1;
	s4 =	scvt.f32.s32 s16  }
0x2db: {  	s3 =	sshra.s32 s15, $0x4;
	s18 =	simm.s32 @!p0 $0x0  }
0x2dc: {  	s3 =	ssub.s32 s3, s18;
	[tilespmem:v7+s25+$0x0] =	vst.idx.msk $0x1, v8;
	v8 =	vmov s4  }
0x2dd: {  	s20 =	sshll.u32 s3, $0x4;
	[tilespmem:v7+s26+$0x0] =	vst.idx.msk $0x1, v8  }
0x2de: {  	v7 =	vld [tilespmem:s20+$0x18700];
	_ =	sdelay $0x4  }
0x2df: {  	(xrf0) =	vmax.scan.msk.f32 $0xffff, v7;
	_ =	sdelay $0x2  }
0x2e0: {  	v8 =	vld [tilespmem:s20+$0x18900];
	_ =	sdelay $0x2  }
0x2e1: {  	v9, _, _ =	vpop (xrf0)  }
0x2e2: {  	v61 =	vbroadcast v9, $0xF  }
0x2e3: {  	v8 =	vcvt.s32.f32 v8  }
0x2e4: {  	vm2 =	veq.f32 v7, v61  }
0x2e5: {  	v7 =	vnsel vm2, $0x4B800000, v8  }
0x2e6: {  	(xrf0) =	vmin.scan.msk.f32 $0xffff, v7;
	_ =	sdelay $0x1  }
0x2e7: {  	v11 =	vmov s3  }
0x2e8: {  	s21 =	simm.s32 $0x0  }
0x2e9: {  	v62 =	vimm.f32 $-Inf;
	s22 =	simm.s32 $0xFFFFFFF0;
	v7 =	vmov s21  }
0x2ea: {  	v9 =	vimm.s32 $0x0;
	v8 =	vmov s22;
	vm2 =	veq.s32 v7, v0  }
0x2eb: {  	s23 =	rddreg [dreg:$0x6];
	vm3 =	veq.s32 v8, v0;
	v7 =	vsel vm2, v10, v62;
	v8 =	vsel vm2, s19, v9;
	v63, _, _ =	vpop (xrf0)  }
0x2ec: {  	s18 =	simm.s32 $0x1;
	[tilespmem:v11+s23+$0x0] =	vst.idx.msk $0x1, v61;
	v9 =	vsel vm3, s19, v9;
	v10 =	vsel vm3, v10, v62;
	(v2sf) =	vpush v63, $0xF  }
.LBB2_8:
0x2ed: {  	_ =	sdelay $0xd  }
0x2ee: {  	s4 =	spop (v2sf)  }
0x2ef: {  	s4 =	scvt.f32.s32 s4;
	_ =	sdelay $0x1  }
0x2f0: {  	s19 =	rddreg [dreg:$0x7];
	v12 =	vmov s4  }
0x2f1: {  	[tilespmem:v11+s19+$0x0] =	vst.idx.msk $0x1, v12  }
0x2f2: {  	v11 =	vld [tilespmem:$0x18B00];
	_ =	sdelay $0x1  }
0x2f3: {  	v12 =	vld [tilespmem:$0x18B80]  }
0x2f4: {  	v13 =	vld [tilespmem:$0x18B10];
	_ =	sdelay $0x1  }
0x2f5: {  	vm2 =	vlt.f32 v11, $-Inf;
	vm3 =	vgt.f32 v11, $-Inf  }
0x2f6: {  	vm2 =	vmor vm3, vm2  }
0x2f7: {  	v11 =	vnsel vm2, $0xFF800000, v11  }
0x2f8: {  	v12 =	vnsel vm2, $0x0, v12;
	vm2 =	vgt.f32 v13, v11  }
0x2f9: {  	v11 =	vsel vm2, v13, v11  }
0x2fa: {  	(xrf0) =	vmax.scan.msk.f32 $0xffff, v11;
	_ =	sdelay $0x1  }
0x2fb: {  	v14 =	vld [tilespmem:$0x18B90];
	_ =	sdelay $0x3  }
0x2fc: {  	v33, _, _ =	vpop (xrf0)  }
0x2fd: {  	v12 =	vsel vm2, v14, v12;
	v34 =	vbroadcast v33, $0xF  }
0x2fe: {  	v12 =	vcvt.s32.f32 v12  }
0x2ff: {  	vm3 =	veq.f32 v11, v34  }
0x300: {  	v11 =	vnsel vm3, $0x4B800000, v12  }
0x301: {  	(xrf0) =	vmin.scan.msk.f32 $0xffff, v11;
	_ =	sdelay $0x5  }
0x302: {  	(v2sf) =	vpush v33, $0xF;
	v11, _, _ =	vpop (xrf0)  }
0x303: {  	(v2sf) =	vpush v11, $0xF;
	_ =	sdelay $0xd  }
0x304: {  	s9 =	spop (v2sf)  }
0x305: {  	s12 =	spop (v2sf)  }
0x306: {  	s4 =	scvt.f32.s32 s12  }
0x307: {  	s3 =	smov.u32 s18;
	p1 =	sgt.f32 s9, $-Inf  }
0x308: {  	v15 =	vmov s3;
	s3 =	sadd.s32 $0xFFFFFFF0, s3;
	vm3 =	vmmov vm0;
	s14 =	sand.u32 $0xFF, s4  }
0x309: {  	v11 =	vmov s3;
	vm3 =	vmneg @p1 vm3;
	s13 =	sshra.s32 s4, $0x1F;
	p4 =	slt.s32 s4, $0x1;
	p2 =	sne.s32 s14, $0x0  }
0x30a: {  	vm2 =	veq.s32 v15, v0;
	vm4 =	veq.s32 v11, v0;
	vm3 =	vmand vm3, vm1;
	s3 =	sshrl.u32 s13, $0x18;
	p1 =	por !p4, !p2  }
0x30b: {  	v35 =	vmov s4;
	v8 =	vsel vm2, s4, v8;
	v9 =	vsel vm4, s4, v9;
	s3 =	sadd.s32 s3, s4;
	s4 =	simm.s32 $0x1;
	p1 =	por !p1, !p1  }
0x30c: {  	s3 =	sshra.s32 s3, $0x8;
	s4 =	simm.s32 @!p1 $0x0  }
0x30d: {  	s19 =	ssub.s32 s3, s4  }
0x30e: {  	s23 =	sshll.u32 s19, $0x8  }
0x30f: {  	v36 =	vor.u32 s23, v0  }
0x310: {  	v7 =	vsel vm2, v34, v7;
	v10 =	vsel vm4, v34, v10;
	s15 =	sor.u32 $0x10, s23;
	s14 =	sor.u32 $0x50, s23;
	vm2 =	vge.s32 v36, v5  }
0x311: {  	[tilespmem:v35+s5+$0x0] =	vst.idx.msk vm3, v3;
	s16 =	sor.u32 $0x20, s23;
	s9 =	sor.u32 $0x30, s23;
	s12 =	sor.u32 $0x40, s23;
	vm3 =	vlt.s32 v36, v6;
	v16 =	vor.u32 s15, v0;
	v17 =	vor.u32 s14, v0  }
0x312: {  	s21 =	sor.u32 $0x60, s23;
	s20 =	sor.u32 $0x70, s23;
	s13 =	sor.u32 $0x80, s23;
	v19 =	vor.u32 s16, v0;
	v23 =	vor.u32 s12, v0;
	v25 =	vor.u32 s9, v0  }
0x313: {  	s4 =	sor.u32 $0xE0, s23;
	s3 =	sor.u32 $0xF0, s23;
	v28 =	vor.u32 s21, v0;
	v29 =	vor.u32 s13, v0;
	v41 =	vor.u32 s20, v0  }
0x314: {  	s15 =	sor.u32 $0x90, s23;
	v55 =	vor.u32 s4, v0;
	v57 =	vor.u32 s3, v0;
	vm12 =	vmand vm2, vm3  }
0x315: {  	v12 =	vld [tilespmem:s23+$0x0];
	s16 =	sor.u32 $0xC0, s23;
	vm2 =	vge.s32 v16, v5;
	vm3 =	vlt.s32 v16, v6;
	v37 =	vor.u32 s15, v0  }
0x316: {  	v21 =	vld [tilespmem:s23+$0x20];
	s14 =	sor.u32 $0xA0, s23;
	vm5 =	vge.s32 v19, v5;
	vm6 =	vlt.s32 v19, v6;
	v11 =	vor.u32 s16, v0  }
0x317: {  	v24 =	vor.u32 s14, v0;
	vm14 =	vge.s32 v17, v5;
	vm7 =	vge.s32 v25, v5  }
0x318: {  	v18 =	vld [tilespmem:s23+$0x10];
	s16 =	sor.u32 $0xD0, s23;
	vm8 =	vge.s32 v23, v5;
	vm9 =	vlt.s32 v23, v6;
	vm15 =	vlt.s32 v25, v6  }
0x319: {  	v26 =	vld [tilespmem:s23+$0x40];
	s15 =	sor.u32 $0xB0, s23;
	vm11 =	vlt.s32 v17, v6;
	vm5 =	vmand vm5, vm6;
	v38 =	vor.u32 s16, v0  }
0x31a: {  	v22 =	vld [tilespmem:s23+$0x30];
	v39 =	vor.u32 s15, v0;
	vm8 =	vmand vm8, vm9;
	vm2 =	vmand vm2, vm3  }
0x31b: {  	vm3 =	vlt.s32 v28, v6;
	v20 =	vnsel vm12, $0xFF800000, v12;
	v21 =	vnsel vm5, $0xFF800000, v21  }
0x31c: {  	v30 =	vld [tilespmem:s23+$0x60];
	vm5 =	vmand vm7, vm15;
	vm4 =	vlt.f32 v20, $-Inf;
	vm13 =	vgt.f32 v20, $-Inf  }
0x31d: {  	v18 =	vnsel vm2, $0xFF800000, v18;
	vm2 =	vge.s32 v28, v5;
	vm6 =	vmor vm13, vm4  }
0x31e: {  	v26 =	vnsel vm8, $0xFF800000, v26;
	vm15 =	vlt.s32 v29, v6;
	v20 =	vnsel vm6, $0xFF800000, v20  }
0x31f: {  	v27 =	vld [tilespmem:s23+$0x50];
	v22 =	vnsel vm5, $0xFF800000, v22;
	vm3 =	vmand vm2, vm3;
	vm7 =	vgt.f32 v18, v20  }
0x320: {  	vm2 =	vge.s32 v24, v5;
	vm4 =	vmand vm14, vm11;
	v18 =	vsel vm7, v18, v20  }
0x321: {  	v40 =	vld [tilespmem:s23+$0x70];
	v30 =	vnsel vm3, $0xFF800000, v30;
	vm3 =	vlt.s32 v37, v6;
	vm5 =	vgt.f32 v21, v18  }
0x322: {  	vm13 =	vge.s32 v41, v5;
	vm14 =	vlt.s32 v41, v6;
	v18 =	vsel vm5, v21, v18  }
0x323: {  	v42 =	vld [tilespmem:s23+$0x90];
	vm11 =	vge.s32 v37, v5;
	v15 =	vnsel vm6, $0x0, v36;
	vm12 =	vgt.f32 v22, v18  }
0x324: {  	v27 =	vnsel vm4, $0xFF800000, v27;
	vm4 =	vge.s32 v29, v5;
	v18 =	vsel vm12, v22, v18  }
0x325: {  	vm8 =	vmand vm13, vm14;
	vm3 =	vmand vm11, vm3;
	vm10 =	vgt.f32 v26, v18  }
0x326: {  	v31 =	vld [tilespmem:s23+$0x80];
	vm14 =	vlt.s32 v24, v6;
	v43 =	vnsel vm8, $0xFF800000, v40;
	v18 =	vsel vm10, v26, v18  }
0x327: {  	v45 =	vld [tilespmem:s23+$0xA0];
	vm4 =	vmand vm4, vm15;
	v15 =	vsel vm7, v16, v15;
	vm9 =	vgt.f32 v27, v18  }
0x328: {  	v46 =	vnsel vm3, $0xFF800000, v42;
	v15 =	vsel vm5, v19, v15;
	v18 =	vsel vm9, v27, v18  }
0x329: {  	v47 =	vld [tilespmem:s23+$0xB0];
	vm3 =	vge.s32 v39, v5;
	v15 =	vsel vm12, v25, v15;
	vm12 =	vgt.f32 v30, v18  }
0x32a: {  	vm15 =	vlt.s32 v39, v6;
	vm2 =	vmand vm2, vm14;
	v18 =	vsel vm12, v30, v18  }
0x32b: {  	vm14 =	vlt.s32 v55, v6;
	v44 =	vnsel vm4, $0xFF800000, v31;
	vm13 =	vgt.f32 v43, v18  }
0x32c: {  	v48 =	vnsel vm2, $0xFF800000, v45;
	vm2 =	vmand vm3, vm15;
	v16 =	vsel vm13, v43, v18  }
0x32d: {  	v49 =	vld [tilespmem:s23+$0xC0];
	vm3 =	vge.s32 v38, v5;
	v15 =	vsel vm10, v23, v15;
	vm10 =	vgt.f32 v44, v16  }
0x32e: {  	v50 =	vnsel vm2, $0xFF800000, v47;
	v15 =	vsel vm9, v17, v15;
	v16 =	vsel vm10, v44, v16  }
0x32f: {  	vm2 =	vlt.s32 v11, v6;
	v15 =	vsel vm12, v28, v15;
	vm11 =	vgt.f32 v46, v16  }
0x330: {  	v51 =	vld [tilespmem:s23+$0xD0];
	vm5 =	vge.s32 v11, v5;
	v15 =	vsel vm13, v41, v15;
	v16 =	vsel vm11, v46, v16  }
0x331: {  	vm2 =	vmand vm5, vm2;
	v15 =	vsel vm10, v29, v15;
	vm12 =	vgt.f32 v48, v16  }
0x332: {  	v53 =	vld [tilespmem:s23+$0xE0];
	v52 =	vnsel vm2, $0xFF800000, v49;
	v13 =	vsel vm11, v37, v15;
	v16 =	vsel vm12, v48, v16  }
0x333: {  	vm13 =	vlt.s32 v38, v6;
	v13 =	vsel vm12, v24, v13;
	vm2 =	vgt.f32 v50, v16  }
0x334: {  	v16 =	vsel vm2, v50, v16;
	v13 =	vsel vm2, v39, v13;
	vm2 =	vmand vm3, vm13  }
0x335: {  	v56 =	vld [tilespmem:s23+$0xF0];
	vm3 =	vgt.f32 v52, v16;
	v54 =	vnsel vm2, $0xFF800000, v51;
	vm2 =	vge.s32 v55, v5  }
0x336: {  	v16 =	vsel vm3, v52, v16;
	v11 =	vsel vm3, v11, v13;
	vm2 =	vmand vm2, vm14  }
0x337: {  	vm3 =	vgt.f32 v54, v16;
	v58 =	vnsel vm2, $0xFF800000, v53;
	vm2 =	vge.s32 v57, v5  }
0x338: {  	v14 =	vsel vm3, v54, v16;
	v11 =	vsel vm3, v38, v11;
	vm3 =	vlt.s32 v57, v6  }
0x339: {  	vm15 =	vgt.f32 v58, v14;
	vm2 =	vmand vm2, vm3  }
0x33a: {  	v12 =	vsel vm15, v58, v14;
	v59 =	vnsel vm2, $0xFF800000, v56  }
0x33b: {  	vm2 =	vgt.f32 v59, v12  }
0x33c: {  	v12 =	vsel vm2, v59, v12  }
0x33d: {  	(xrf0) =	vmax.scan.msk.f32 $0xffff, v12;
	_ =	sdelay $0x5  }
0x33e: {  	v11 =	vsel vm15, v55, v11;
	v61, _, _ =	vpop (xrf0)  }
0x33f: {  	v11 =	vsel vm2, v57, v11;
	v14 =	vbroadcast v61, $0xF  }
0x340: {  	v11 =	vcvt.s32.f32 v11  }
0x341: {  	vm2 =	veq.f32 v12, v14  }
0x342: {  	v11 =	vnsel vm2, $0x4B800000, v11  }
0x343: {  	(xrf0) =	vmin.scan.msk.f32 $0xffff, v11;
	_ =	sdelay $0x5  }
0x344: {  	v11, _, _ =	vpop (xrf0)  }
0x345: {  	(v2sf) =	vpush v11, $0xF;
	_ =	sdelay $0xc  }
0x346: {  	s8 =	sand.u32 $0xF, s19;
	v60 =	vmov s19  }
0x347: {  	s22 =	sshrl.u32 s19, $0x1C;
	p5 =	slt.s32 s19, $0x1;
	p6 =	sne.s32 s8, $0x0  }
0x348: {  	s22 =	sadd.s32 s22, s19;
	p1 =	por !p5, !p6;
	s20 =	spop (v2sf)  }
0x349: {  	s9 =	simm.s32 $0x1;
	p1 =	por !p1, !p1;
	s3 =	scvt.f32.s32 s20  }
0x34a: {  	s15 =	sshra.s32 s22, $0x4;
	s9 =	simm.s32 @!p1 $0x0  }
0x34b: {  	s16 =	ssub.s32 s15, s9;
	[tilespmem:v60+s25+$0x0] =	vst.idx.msk $0x1, v14;
	v11 =	vmov s3  }
0x34c: {  	s21 =	sshll.u32 s16, $0x4;
	[tilespmem:v60+s26+$0x0] =	vst.idx.msk $0x1, v11  }
0x34d: {  	v62 =	vld [tilespmem:s21+$0x18700];
	_ =	sdelay $0x4  }
0x34e: {  	(xrf0) =	vmax.scan.msk.f32 $0xffff, v62;
	_ =	sdelay $0x2  }
0x34f: {  	v13 =	vld [tilespmem:s21+$0x18900];
	_ =	sdelay $0x2  }
0x350: {  	v63, _, _ =	vpop (xrf0)  }
0x351: {  	v14 =	vbroadcast v63, $0xF  }
0x352: {  	v13 =	vcvt.s32.f32 v13  }
0x353: {  	vm2 =	veq.f32 v62, v14  }
0x354: {  	v12 =	vnsel vm2, $0x4B800000, v13  }
0x355: {  	(xrf0) =	vmin.scan.msk.f32 $0xffff, v12;
	_ =	sdelay $0x1  }
0x356: {  	p0 =	sne.s32 s18, $0x1D;
	v11 =	vmov s16  }
.Ltmp7:
0x357: {  	_ = 	snop;
	(pc) =	sbr.rel @p0 .LBB2_8-.Ltmp7, $3  }
0x358: {  	_ =	sdelay $0x1  }
0x359: {  	s23 =	rddreg [dreg:$0x6];
	v12, _, _ =	vpop (xrf0)  }
0x35a: {  	s18 =	sadd.s32 $0x1, s18;
	[tilespmem:v11+s23+$0x0] =	vst.idx.msk $0x1, v14;
	(v2sf) =	vpush v12, $0xF  }
0x35b: {  	_ =	sdelay $0xb  }
0x35c: {  	vm1 =	vlt.f32 v7, $-Inf;
	vm2 =	vgt.f32 v7, $-Inf  }
0x35d: {  	vm3 =	vgt.f32 v10, $-Inf;
	vm1 =	vmor vm2, vm1;
	vm2 =	vlt.f32 v10, $-Inf  }
0x35e: {  	vm2 =	vmor vm3, vm2;
	vm3 =	vgt.s32 v8, $0x0;
	s3 =	spop (v2sf)  }
0x35f: {  	v5 =	vnsel vm3, $0x0, v8;
	s3 =	scvt.f32.s32 s3  }
0x360: {  	vm3 =	vgt.s32 v9, $0x0;
	v5 =	vmin.u32 v5, $0x1869F  }
0x361: {  	s4 =	rddreg [dreg:$0x7];
	v6 =	vnsel vm3, $0x0, v9;
	v12 =	vmov s3  }
0x362: {  	v6 =	vmin.u32 v6, $0x1869F;
	[tilespmem:v11+s4+$0x0] =	vst.idx.msk $0x1, v12  }
0x363: {  	[tilespmem:v8+s5+$0x0] =	vst.idx.msk vm1, v7  }
0x364: {  	vm1 =	vmmov $0xffff;
	[tilespmem:v9+s5+$0x0] =	vst.idx.msk vm2, v10  }
0x365: {  	[tilespmem:s28], [sflag:$0x1] =	stream.indirect_vreg.gather [hbm4b:s1+s5], $0x80, v5, vm1, $0xb8;
	[tilespmem:$0x1A240] =	vst v63  }
0x366: {  	s23 =	ssub.s32 s2, s7  }
0x367: {  	[tilespmem:s29], [sflag:$0x1] =	stream.indirect_vreg.gather [hbm4b:s1+s5], $0x80, v6, vm1, $0xb8;
	[tilespmem:$0x1A240] =	vst v63  }
0x368: {  	p0 =	sgt.s32 s23, $0x1D;
	_ =	swait.ge [sflag:s24], $0x800  }
.Ltmp8:
0x369: {  	[sflag:s24] =	ssyncset.done $0x0;
	(pc) =	sbr.rel @p0 .LBB2_13-.Ltmp8, $4  }
0x36a: {  	[sflag:s24] =	ssyncadd.s32 $0xFFFFF800  }
0x36b: {  	_ =	swait.ge [sflag:s24], $0x800  }
0x36c: {  	[sflag:s24] =	ssyncset.done $0x0  }
0x36d: {  	[sflag:s24] =	ssyncadd.s32 $0xFFFFF800  }
0x36e: {  	s3 =	sshll.u32 s2, $0x9;
	s4 =	sshll.u32 s7, $0x9  }
0x36f: {  	s3 =	ssub.s32 s3, s4  }
0x370: {  	s3 =	sshra.s32 s3, $0x2  }
0x371: {  	s23 =	ssub.s32 s7, s2;
	s3 =	sadd.s32 $0x18C40, s3  }
0x372: {  	s2 =	sadd.s32 $0x1E, s23;
	[tilespmem:s3+$0xFFFFFFC0] =	vst v4  }
0x373: {  	p0 =	sne.s32 s2, $0x1;
	[tilespmem:s3+$0x30] =	vst v4  }
.Ltmp9:
0x374: {  	[tilespmem:s3+$0x20] =	vst v4;
	(pc) =	sbr.rel @!p0 .LBB2_12-.Ltmp9, $4  }
0x375: {  	[tilespmem:s3+$0x10] =	vst v4  }
0x376: {  	[tilespmem:s3+$0x0] =	vst v4  }
0x377: {  	[tilespmem:s3+$0xFFFFFFF0] =	vst v4  }
0x378: {  	s2 =	sadd.s32 $0xFFFFFFFF, s2;
	[tilespmem:s3+$0xFFFFFFE0] =	vst v4  }
.LBB2_11:
0x379: {  	p0 =	sne.s32 s2, $0x1;
	s2 =	sadd.s32 $0xFFFFFFFF, s2;
	[tilespmem:s3+$0xFFFFFFD0] =	vst v4;
	s3 =	sadd.s32 $0x80, s3  }
0x37a: {  	[tilespmem:s3+$0xFFFFFFC0] =	vst v4  }
0x37b: {  	[tilespmem:s3+$0x30] =	vst v4  }
.Ltmp10:
0x37c: {  	[tilespmem:s3+$0x20] =	vst v4;
	(pc) =	sbr.rel @p0 .LBB2_11-.Ltmp10, $4  }
0x37d: {  	[tilespmem:s3+$0x10] =	vst v4  }
0x37e: {  	[tilespmem:s3+$0x0] =	vst v4  }
0x37f: {  	[tilespmem:s3+$0xFFFFFFF0] =	vst v4  }
0x380: {  	[tilespmem:s3+$0xFFFFFFE0] =	vst v4  }
.Ltmp11:
0x381: {  	_ = 	snop;
	(pc) =	sbr.rel .LBB2_12-.Ltmp11, $1  }
0x382: {  	_ =	sdelay $0x3  }
.LBB2_16:
0x383: {  	_ =	sfence.sel $0x180000  }
0x384: {  	[bflag:$0x0] =	sbarrier.arrive $0xFFFF  }
0x385: {  	_ =	strace $0x90000047  }
0x386: {  	s0 =	stileid.u32;
	[bflag:$0x2] =	sbarrier.arrive $0xFFFF  }
0x387: {  	p0 =	sne.s32 s0, $0x0;
	s0 =	rddreg [dreg:$0x5]  }
0x388: {  	s0 =	sadd.s32 @!p0 $0x100000, s0  }
0x389: {  	[sflag:s0] =	ssyncadd.tile.s32 @!p0 $0x1;
	_ =	shalt  }
.Lfunc_end2:
_tile_overlayer_lowered:
.L_overlay_start_2:
0x38a: {  	(tag) =	ssettag $0x2  }
0x38b: {  	s0 =	rddreg [dreg:$0x0];
	s2 =	stileid.u32  }
0x38c: {  	s1 =	rddreg [dreg:$0x1];
	p0 =	sne.s32 s2, $0x0  }
0x38d: {  	s3 =	rddreg [dreg:$0x2];
	[bflag:$0x3] =	sbarrier.arrive $0xFFFF;
	s2 =	simm.s32 @!p0 $0x1C02  }
0x38e: {  	[timem:s3], [sflag:s2] =	dma.local @!p0 [hbm:s0], s1  }
0x38f: {  	s0 =	simm.s32 @!p0 $0x2  }
0x390: {  	_ =	swait.ge @!p0 [sflag:s0], s1  }
0x391: {  	s1 =	ssub.s32 @!p0 $0x0, s1;
	[sflag:s0] =	ssyncset.done @!p0 $0x0  }
0x392: {  	[sflag:s0] =	ssyncadd.s32 @!p0 s1  }
0x393: {  	[bflag:$0x3] =	sbarrier.arrive $0xFFFF  }
0x394: {  	_ =	shalt  }

</sc_bundles>
